<compile_context>
chip_gen: v7x
topology: tpu7x:2x2x1
jax: 0.10.2.dev20260603
libtpu: 0.0.44.dev20260713+nightly
codegen_flags: <defaults>
</compile_context>

<pallas_src>
import functools

import jax
import jax.numpy as jnp
from jax import lax
from jax.experimental import pallas as pl
from jax.experimental.pallas import tpu as pltpu
from jax.experimental.pallas import tpu_sc as plsc

_N = 10000
_E = 320000
_D = 128
_G = 16

_NP = 10240
_EP = 327680
_NC = 2
_NS = 16
_L = 16
_EPT = _EP // (_NC * _NS)
_CH = 128
_NG = _EPT // _CH
_RPT = _NP // _NS

_BN = 512
_NB = _NP // _BN


def _make_sc_agg(d_row, with_deg, ng0=_NG, ng1=_NG):
  assert ng0 % 4 == 0 and ng1 % 4 == 0 and 16 * (ng0 + ng1) * _CH == _EP
  out_type = [jax.ShapeDtypeStruct((_NC, _NP, d_row), jnp.float32)]
  scratch = [pltpu.VMEM_SHARED((_NP, d_row), jnp.float32)]
  if with_deg:
    out_type.append(jax.ShapeDtypeStruct((_NC, _NS, _NP), jnp.float32))
    scratch.append(pltpu.VMEM((_NP,), jnp.float32))
  scratch += [
      [pltpu.VMEM((_CH,), jnp.int32) for _ in range(4)],
      [pltpu.VMEM((_CH,), jnp.int32) for _ in range(4)],
      [pltpu.VMEM((_CH, d_row), jnp.float32) for _ in range(2)],
      [pltpu.SemaphoreType.DMA for _ in range(4)],
      [pltpu.SemaphoreType.DMA for _ in range(2)],
      [pltpu.SemaphoreType.DMA for _ in range(2)],
  ]

  def body(table_hbm, src_hbm, dst_hbm, *rest):
    if with_deg:
      (parts_out, deg_out, acc, deg_loc, sidx, didx, rows, sem_ix, sem_g,
       sem_s) = rest
    else:
      parts_out, acc, sidx, didx, rows, sem_ix, sem_g, sem_s = rest
      deg_out = deg_loc = None
    c = lax.axis_index("c")
    s = lax.axis_index("s")
    z16 = jnp.zeros((_L,), jnp.float32)
    npr = d_row // _L

    def zfill(i, carry):
      rows[0][i // npr, pl.ds((i % npr) * _L, _L)] = z16
      return carry

    lax.fori_loop(0, _CH * npr, zfill, 0)
    if with_deg:

      def dzfill(i, carry):
        deg_loc[pl.ds(i * _L, _L)] = z16
        return carry

      lax.fori_loop(0, _NP // _L, dzfill, 0)

    base = s * _RPT
    for j in range(_RPT // 128):
      pltpu.sync_copy(rows[0], acc.at[pl.ds(base + j * 128, 128), :])
    plsc.subcore_barrier()


    def issue_idx(ebase, g, slot):
      off = ebase + g * _CH
      pltpu.async_copy(src_hbm.at[pl.ds(off, _CH)], sidx[slot], sem_ix[slot])
      pltpu.async_copy(dst_hbm.at[pl.ds(off, _CH)], didx[slot], sem_ix[slot])

    def wait_idx(slot):
      pltpu.make_async_copy(src_hbm.at[pl.ds(0, _CH)], sidx[slot],
                            sem_ix[slot]).wait()
      pltpu.make_async_copy(dst_hbm.at[pl.ds(0, _CH)], didx[slot],
                            sem_ix[slot]).wait()

    def issue_gather(slot4, slot2):
      pltpu.async_copy(table_hbm.at[sidx[slot4]], rows[slot2], sem_g[slot2])

    def wait_gather(slot4, slot2):
      pltpu.make_async_copy(table_hbm.at[sidx[slot4]], rows[slot2],
                            sem_g[slot2]).wait()

    def issue_scatter(slot4, slot2):
      pltpu.async_copy(rows[slot2], acc.at[didx[slot4]], sem_s[slot2],
                       add=True)

    def wait_scatter(slot4, slot2):
      pltpu.make_async_copy(rows[slot2], acc.at[didx[slot4]],
                            sem_s[slot2]).wait()

    def run_edges(ebase, ng):
      issue_idx(ebase, 0, 0)
      issue_idx(ebase, 1, 1)
      issue_idx(ebase, 2, 2)
      wait_idx(0)
      issue_gather(0, 0)

      def pipe(i, carry):
        for b in range(4):
          b2 = b % 2
          nb2 = (b + 1) % 2
          nb4 = (b + 1) % 4
          if b == 0:
            @pl.when(i >= 1)
            def _():
              wait_scatter(3, nb2)
          else:
            wait_scatter(b - 1, nb2)
          if b < 3:
            wait_idx(nb4)
            issue_gather(nb4, nb2)
            lim = (ng - b) // 4
            @pl.when(i < lim)
            def _():
              issue_idx(ebase, 4 * i + b + 3, (b + 3) % 4)
          else:
            @pl.when(i < ng // 4 - 1)
            def _():
              wait_idx(0)
              issue_gather(0, nb2)
              issue_idx(ebase, 4 * i + 6, 2)
          wait_gather(b, b2)
          if with_deg:
            for k in range(_CH // _L):
              idx16 = didx[b][pl.ds(k * _L, _L)]
              cnt, lastm = plsc.scan_count(idx16)
              plsc.addupdate_scatter(deg_loc, [idx16],
                                     cnt.astype(jnp.float32), mask=lastm)
          issue_scatter(b, b2)
        return carry

      lax.fori_loop(0, ng // 4, pipe, 0)
      wait_scatter(3, 1)

    if ng0 == ng1:
      run_edges((c * _NS + s) * (ng0 * _CH), ng0)
    else:
      @pl.when(c == 0)
      def _():
        run_edges(s * (ng0 * _CH), ng0)

      @pl.when(c == 1)
      def _():
        run_edges(_NS * ng0 * _CH + s * (ng1 * _CH), ng1)
    if with_deg:
      pltpu.sync_copy(deg_loc, deg_out.at[c, s])
    plsc.subcore_barrier()

    for j in range(_RPT // 128):
      r0 = base + j * 128
      pltpu.sync_copy(acc.at[pl.ds(r0, 128), :],
                      parts_out.at[c, pl.ds(r0, 128), :])

  mesh = plsc.VectorSubcoreMesh(core_axis_name="c", subcore_axis_name="s",
                                num_cores=_NC, num_subcores=_NS)
  return pl.kernel(body, out_type=out_type, mesh=mesh,
                   scratch_types=scratch,
                   compiler_params=pltpu.CompilerParams(
                       needs_layout_passes=False))


_NG0 = 148
_NG1 = 12

_sc_agg_deg = _make_sc_agg(_D, True, _NG0, _NG1)
_sc_agg = _make_sc_agg(_D, False, _NG0, _NG1)


def _sc_pol_body(plv_hbm, src_hbm, dst_hbm, out, plv_loc, agg_loc,
                 sidx_all, didx_all, sem):
  c = lax.axis_index("c")
  s = lax.axis_index("s")
  z16 = jnp.zeros((_L,), jnp.float32)

  def zf(i, carry):
    agg_loc[pl.ds(i * _L, _L)] = z16
    return carry

  lax.fori_loop(0, _NP // _L, zf, 0)
  ebase = (c * _NS + s) * _EPT
  pltpu.async_copy(src_hbm.at[pl.ds(ebase, _EPT)], sidx_all, sem)
  pltpu.async_copy(dst_hbm.at[pl.ds(ebase, _EPT)], didx_all, sem)
  pltpu.async_copy(plv_hbm, plv_loc, sem)
  pltpu.make_async_copy(src_hbm.at[pl.ds(0, _EPT)], sidx_all, sem).wait()
  pltpu.make_async_copy(dst_hbm.at[pl.ds(0, _EPT)], didx_all, sem).wait()
  pltpu.make_async_copy(plv_hbm, plv_loc, sem).wait()
  iota = lax.broadcasted_iota(jnp.int32, (_L,), 0)
  masks = [iota == k for k in range(_L)]

  def step(i, carry):
    s16 = sidx_all[pl.ds(i * _L, _L)]
    d16 = didx_all[pl.ds(i * _L, _L)]
    vals = plsc.load_gather(plv_loc, [s16])
    for k in range(_L):
      plsc.addupdate_scatter(agg_loc, [d16], vals, mask=masks[k])
    return carry

  lax.fori_loop(0, _EPT // _L, step, 0)
  pltpu.sync_copy(agg_loc, out.at[c, s])


_sc_pol_local = pl.kernel(
    _sc_pol_body,
    out_type=[jax.ShapeDtypeStruct((_NC, _NS, _NP), jnp.float32)],
    mesh=plsc.VectorSubcoreMesh(core_axis_name="c", subcore_axis_name="s",
                                num_cores=_NC, num_subcores=_NS),
    scratch_types=[
        pltpu.VMEM((_NP,), jnp.float32),
        pltpu.VMEM((_NP,), jnp.float32),
        pltpu.VMEM((_EPT,), jnp.int32),
        pltpu.VMEM((_EPT,), jnp.int32),
        pltpu.SemaphoreType.DMA,
    ],
    compiler_params=pltpu.CompilerParams(needs_layout_passes=False),
)


def _tc1_body(parts, deg, x, w1l, w1r, b1, h1o, recipo):
  p = parts[...]
  d = jnp.sum(deg[...], axis=0)
  r_row = 1.0 / jnp.maximum(d, 1.0)
  ii = lax.broadcasted_iota(jnp.int32, (_BN, _BN), 0)
  jj = lax.broadcasted_iota(jnp.int32, (_BN, _BN), 1)
  diag_r = jnp.where(ii == jj, jnp.broadcast_to(r_row, (_BN, _BN)), 0.0)
  mean = jnp.dot(diag_r, p[0] + p[1], preferred_element_type=jnp.float32)
  r_col = jnp.sum(diag_r, axis=1, keepdims=True)
  h = (jnp.dot(mean, w1l[...], preferred_element_type=jnp.float32)
       + jnp.dot(x[...], w1r[...], preferred_element_type=jnp.float32)
       + b1[...])
  h1o[...] = jnp.maximum(h, 0.0)
  recipo[...] = jnp.broadcast_to(r_col, (_BN, _L))


def _tc1(parts, deg, x, w1l, w1r, b1):
  return pl.pallas_call(
      _tc1_body,
      grid=(_NB,),
      in_specs=[
          pl.BlockSpec((_NC, _BN, _D), lambda i: (0, i, 0)),
          pl.BlockSpec((_NC * _NS, 1, _BN), lambda i: (0, 0, i)),
          pl.BlockSpec((_BN, _D), lambda i: (i, 0)),
          pl.BlockSpec((_D, _D), lambda i: (0, 0)),
          pl.BlockSpec((_D, _D), lambda i: (0, 0)),
          pl.BlockSpec((1, _D), lambda i: (0, 0)),
      ],
      out_specs=[
          pl.BlockSpec((_BN, _D), lambda i: (i, 0)),
          pl.BlockSpec((_BN, _L), lambda i: (i, 0)),
      ],
      out_shape=[
          jax.ShapeDtypeStruct((_NP, _D), jnp.float32),
          jax.ShapeDtypeStruct((_NP, _L), jnp.float32),
      ],
  )(parts, deg, x, w1l, w1r, b1)


def _tc2_body(parts, recip, h1, w2l, w2r, b2, wpl, wpr, gidx,
              plo, pro, gpo):
  i = pl.program_id(0)
  p = parts[...]
  mean = (p[0] + p[1]) * recip[:, 0:1]
  h2 = (jnp.dot(mean, w2l[...], preferred_element_type=jnp.float32)
        + jnp.dot(h1[...], w2r[...], preferred_element_type=jnp.float32)
        + b2[...])
  plv = jnp.dot(h2, wpl[...], preferred_element_type=jnp.float32)
  prv = jnp.dot(h2, wpr[...], preferred_element_type=jnp.float32)
  di = lax.broadcasted_iota(jnp.int32, (_BN, _BN), 0)
  dj = lax.broadcasted_iota(jnp.int32, (_BN, _BN), 1)
  diag_p = jnp.where(di == dj, jnp.broadcast_to(plv, (_BN, _BN)), 0.0)
  plo[...] = jnp.sum(diag_p, axis=0, keepdims=True)[None]
  pro[...] = jnp.broadcast_to(prv, (_BN, _L))
  oh = (gidx[...] == lax.broadcasted_iota(jnp.int32, (_BN, _G), 1))
  part_g = lax.dot_general(oh.astype(jnp.float32), h2,
                           (((0,), (0,)), ((), ())),
                           preferred_element_type=jnp.float32)

  @pl.when(i == 0)
  def _():
    gpo[...] = part_g

  @pl.when(i != 0)
  def _():
    gpo[...] += part_g


def _tc2(parts, recip, h1, w2l, w2r, b2, wpl, wpr, gidx):
  return pl.pallas_call(
      _tc2_body,
      grid=(_NB,),
      in_specs=[
          pl.BlockSpec((_NC, _BN, _D), lambda i: (0, i, 0)),
          pl.BlockSpec((_BN, _L), lambda i: (i, 0)),
          pl.BlockSpec((_BN, _D), lambda i: (i, 0)),
          pl.BlockSpec((_D, _D), lambda i: (0, 0)),
          pl.BlockSpec((_D, _D), lambda i: (0, 0)),
          pl.BlockSpec((1, _D), lambda i: (0, 0)),
          pl.BlockSpec((_D, 1), lambda i: (0, 0)),
          pl.BlockSpec((_D, 1), lambda i: (0, 0)),
          pl.BlockSpec((_BN, 1), lambda i: (i, 0)),
      ],
      out_specs=[
          pl.BlockSpec((1, 1, _BN), lambda i: (i, 0, 0)),
          pl.BlockSpec((_BN, _L), lambda i: (i, 0)),
          pl.BlockSpec((_G, _D), lambda i: (0, 0)),
      ],
      out_shape=[
          jax.ShapeDtypeStruct((_NB, 1, _BN), jnp.float32),
          jax.ShapeDtypeStruct((_NP, _L), jnp.float32),
          jax.ShapeDtypeStruct((_G, _D), jnp.float32),
      ],
  )(parts, recip, h1, w2l, w2r, b2, wpl, wpr, gidx)


def _tc3_body(pp4, recip, pr, bp, gp, wv, bv, polo, valo):
  i = pl.program_id(0)
  ap_row = jnp.sum(pp4[...], axis=(0, 1))
  ii = lax.broadcasted_iota(jnp.int32, (_BN, _BN), 0)
  jj = lax.broadcasted_iota(jnp.int32, (_BN, _BN), 1)
  diag_a = jnp.where(ii == jj, jnp.broadcast_to(ap_row, (_BN, _BN)), 0.0)
  ap_col = jnp.sum(diag_a, axis=1, keepdims=True)
  polo[...] = ap_col * recip[:, 0:1] + pr[:, 0:1] + bp[0, 0]

  @pl.when(i == 0)
  def _():
    v = (jnp.dot(gp[...], wv[...], preferred_element_type=jnp.float32)
         + bv[0, 0])
    valo[...] = jax.nn.sigmoid(v)


def _tc3(pp4, recip, pr, bp, gp, wv, bv):
  return pl.pallas_call(
      _tc3_body,
      grid=(_NB,),
      in_specs=[
          pl.BlockSpec((_NC, _NS, 1, _BN), lambda i: (0, 0, 0, i)),
          pl.BlockSpec((_BN, _L), lambda i: (i, 0)),
          pl.BlockSpec((_BN, _L), lambda i: (i, 0)),
          pl.BlockSpec((1, 1), lambda i: (0, 0)),
          pl.BlockSpec((_G, _D), lambda i: (0, 0)),
          pl.BlockSpec((_D, 1), lambda i: (0, 0)),
          pl.BlockSpec((1, 1), lambda i: (0, 0)),
      ],
      out_specs=[
          pl.BlockSpec((_BN, 1), lambda i: (i, 0)),
          pl.BlockSpec((_G, 1), lambda i: (0, 0)),
      ],
      out_shape=[
          jax.ShapeDtypeStruct((_NP, 1), jnp.float32),
          jax.ShapeDtypeStruct((_G, 1), jnp.float32),
      ],
  )(pp4, recip, pr, bp, gp, wv, bv)


def kernel(x, edge_index, graph_indices, W1l, W1r, b1, W2l, W2r, b2,
           Wpl, Wpr, bp, Wv, bv):
  src = edge_index[0]
  dst = edge_index[1]
  xp = jnp.pad(x, ((0, _NP - _N), (0, 0)))
  srcp = jnp.pad(src, (0, _EP - _E), constant_values=_NP - 1)
  dstp = jnp.pad(dst, (0, _EP - _E), constant_values=_NP - 1)
  gidx = jnp.pad(graph_indices, (0, _NP - _N),
                 constant_values=_G).reshape(_NP, 1)
  b1r = b1.reshape(1, _D)
  b2r = b2.reshape(1, _D)
  bpr = bp.reshape(1, 1)
  bvr = bv.reshape(1, 1)

  parts1, deg = _sc_agg_deg(xp, srcp, dstp)
  degr = deg.reshape(_NC * _NS, 1, _NP)
  h1, recip = _tc1(parts1, degr, xp, W1l, W1r, b1r)
  (parts2,) = _sc_agg(h1, srcp, dstp)
  pl_lane, pr2d, gp = _tc2(parts2, recip, h1, W2l, W2r, b2r, Wpl, Wpr, gidx)
  (pparts3,) = _sc_pol_local(pl_lane.reshape(_NP), srcp, dstp)
  pp4 = pparts3.reshape(_NC, _NS, 1, _NP)
  policy, value = _tc3(pp4, recip, pr2d, bpr, gp, Wv, bvr)
  return (policy[:_N], value)

# --- scband reference (transcript-rebuilt; emitter-appended) ---
"""Pipeline reference for scband-policy-value-gnn-16673063043605 (READ-ONLY COPY).

The authoritative reference and input builder live on the scoring server;
editing this copy changes nothing except your own understanding.
"""

import jax, jax.numpy as jnp
import numpy as np

N = 10000
E = 320000
D = 128
G = 16


def setup_inputs(seed: int = 0) -> dict:
    key = jax.random.key(seed)
    ks = jax.random.split(key, 16)
    x = jax.random.normal(ks[0], (N, D), dtype=jnp.float32)
    edge_index = jax.random.randint(ks[1], (2, E), 0, N, dtype=jnp.int32)
    graph_indices = jnp.sort(jax.random.randint(ks[2], (N,), 0, G, dtype=jnp.int32))
    s = 1.0 / np.sqrt(D)
    W1l = jax.random.normal(ks[3], (D, D), dtype=jnp.float32) * s
    W1r = jax.random.normal(ks[4], (D, D), dtype=jnp.float32) * s
    b1 = jnp.zeros((D,), dtype=jnp.float32)
    W2l = jax.random.normal(ks[5], (D, D), dtype=jnp.float32) * s
    W2r = jax.random.normal(ks[6], (D, D), dtype=jnp.float32) * s
    b2 = jnp.zeros((D,), dtype=jnp.float32)
    Wpl = jax.random.normal(ks[7], (D, 1), dtype=jnp.float32) * s
    Wpr = jax.random.normal(ks[8], (D, 1), dtype=jnp.float32) * s
    bp = jnp.zeros((1,), dtype=jnp.float32)
    Wv = jax.random.normal(ks[9], (D, 1), dtype=jnp.float32) * s
    bv = jnp.zeros((1,), dtype=jnp.float32)
    return {"x": x, "edge_index": edge_index, "graph_indices": graph_indices,
            "W1l": W1l, "W1r": W1r, "b1": b1,
            "W2l": W2l, "W2r": W2r, "b2": b2,
            "Wpl": Wpl, "Wpr": Wpr, "bp": bp,
            "Wv": Wv, "bv": bv}


def _sage_conv(h, src, dst, Wl, Wr, b):
    # PyG SAGEConv with mean aggregation:
    # out = lin_l(mean_{j in N(i)} x_j) + lin_r(x_i)
    msg = h[src]  # gather over edges
    agg = jax.ops.segment_sum(msg, dst, num_segments=N)
    deg = jax.ops.segment_sum(jnp.ones((src.shape[0],), h.dtype), dst, num_segments=N)
    mean = agg / jnp.maximum(deg, 1.0)[:, None]
    return mean @ Wl + b + h @ Wr


def reference(x, edge_index, graph_indices, W1l, W1r, b1, W2l, W2r, b2, Wpl, Wpr, bp, Wv, bv):
    src = edge_index[0]
    dst = edge_index[1]
    # GraphSAGE (BasicGNN) with 2 layers, ReLU between layers, no act after last
    h = _sage_conv(x, src, dst, W1l, W1r, b1)
    h = jax.nn.relu(h)
    h = _sage_conv(h, src, dst, W2l, W2r, b2)
    # policy head: SAGEConv(hidden -> 1)
    policy = _sage_conv(h, src, dst, Wpl, Wpr, bp)
    # value head: graph-level sum pooling -> Linear -> Sigmoid
    graph_parts = jax.ops.segment_sum(h, graph_indices, num_segments=G)
    value = jax.nn.sigmoid(graph_parts @ Wv + bv)
    return (policy, value)

if __name__ == "__main__":
    import jax
    _d = setup_inputs()
    print(jax.jit(kernel)(*tuple(_d.values())))

</pallas_src>

<mosaic_0001>
#map = affine_map<(d0, d1) -> (0)>
#map1 = affine_map<(d0, d1) -> (0, 0, 0)>
module attributes {stable_mosaic.version = 14 : i64} {
  func.func @_sc_pol_body(%arg0: i32, %arg1: i32, %arg2: memref<10240xf32, #tpu.memory_space<hbm>>, %arg3: memref<327680xi32, #tpu.memory_space<hbm>>, %arg4: memref<327680xi32, #tpu.memory_space<hbm>>, %arg5: memref<2x16x10240xf32, #tpu.memory_space<hbm>>, %arg6: memref<10240xf32, #tpu.memory_space<vmem>>, %arg7: memref<10240xf32, #tpu.memory_space<vmem>>, %arg8: memref<10240xi32, #tpu.memory_space<vmem>>, %arg9: memref<10240xi32, #tpu.memory_space<vmem>>, %arg10: memref<!tpu.dma_semaphore, #tpu.memory_space<semaphore_mem>>) attributes {dimension_semantics = [#tpu.dimension_semantics<core_parallel>, #tpu.dimension_semantics<subcore_parallel>], iteration_bounds = array<i64: 2, 16>, scalar_prefetch = 0 : i64, scratch_operands = 5 : i64, tpu.core_type = #tpu.core_type<sc_vector_subcore>, window_params = [{transform_indices = #map}, {transform_indices = #map}, {transform_indices = #map}, {transform_indices = #map1}]} {
    %broadcast_in_dim3A = arith.constant 0.000000e+00 : f32
    %broadcast_in_dim3A_0 = vector.broadcast %broadcast_in_dim3A : f32 to vector<16xf32>
    %scan3A = arith.constant 0 : i32
    %scan3A_1 = arith.constant 0 : i32
    %scan3A_2 = arith.constant 640 : i32
    %scan3A_3 = arith.addi %scan3A_1, %scan3A_2 : i32
    %scan3A_4 = arith.constant 1 : i32
    scf.for %scan3A_72 = %scan3A_1 to %scan3A_3 step %scan3A_4  : i32 {
      %mul3A_73 = arith.constant 16 : i32
      %mul3A_74 = arith.muli %scan3A_72, %mul3A_73 : i32
      %swap3A = arith.index_cast %mul3A_74 : i32 to index
      %swap3A_75 = tpu.vector_load %arg7[%swap3A] {strides = array<i32>} : memref<10240xf32, #tpu.memory_space<vmem>>, vector<16xf32>,
      tpu.vector_store %arg7[%swap3A], %broadcast_in_dim3A_0 {strides = array<i32>} : memref<10240xf32, #tpu.memory_space<vmem>>, vector<16xf32>,
    }
    %scan3A_5 = arith.constant 640 : i32
    %mul3A = arith.constant 16 : i32
    %mul3A_6 = arith.muli %arg0, %mul3A : i32
    %add3A = arith.addi %mul3A_6, %arg1 : i32
    %mul3A_7 = arith.constant 10240 : i32
    %mul3A_8 = arith.muli %add3A, %mul3A_7 : i32
    %dma_start3A = tpu.memref_slice %arg3[%mul3A_8] : memref<327680xi32, #tpu.memory_space<hbm>> -> memref<10240xi32, #tpu.memory_space<hbm>>
    %dma_start3A_9 = tpu.memref_slice %arg3[%mul3A_8] : memref<327680xi32, #tpu.memory_space<hbm>> -> memref<10240xi32, #tpu.memory_space<hbm>>
    tpu.enqueue_dma source(%dma_start3A_9 : memref<10240xi32, #tpu.memory_space<hbm>>) target(%arg8 : memref<10240xi32, #tpu.memory_space<vmem>>) target_semaphore(%arg10 : memref<!tpu.dma_semaphore, #tpu.memory_space<semaphore_mem>>)
    %dma_start3A_10 = tpu.memref_slice %arg4[%mul3A_8] : memref<327680xi32, #tpu.memory_space<hbm>> -> memref<10240xi32, #tpu.memory_space<hbm>>
    %dma_start3A_11 = tpu.memref_slice %arg4[%mul3A_8] : memref<327680xi32, #tpu.memory_space<hbm>> -> memref<10240xi32, #tpu.memory_space<hbm>>
    tpu.enqueue_dma source(%dma_start3A_11 : memref<10240xi32, #tpu.memory_space<hbm>>) target(%arg9 : memref<10240xi32, #tpu.memory_space<vmem>>) target_semaphore(%arg10 : memref<!tpu.dma_semaphore, #tpu.memory_space<semaphore_mem>>)
    tpu.enqueue_dma source(%arg2 : memref<10240xf32, #tpu.memory_space<hbm>>) target(%arg6 : memref<10240xf32, #tpu.memory_space<vmem>>) target_semaphore(%arg10 : memref<!tpu.dma_semaphore, #tpu.memory_space<semaphore_mem>>)
    %dma_wait3A = arith.constant 0 : i32
    %dma_wait3A_12 = tpu.memref_slice %arg3[%dma_wait3A] : memref<327680xi32, #tpu.memory_space<hbm>> -> memref<10240xi32, #tpu.memory_space<hbm>>
    %dma_wait3A_13 = arith.constant 0 : i32
    %dma_wait3A_14 = tpu.memref_slice %arg3[%dma_wait3A_13] : memref<327680xi32, #tpu.memory_space<hbm>> -> memref<10240xi32, #tpu.memory_space<hbm>>
    tpu.wait_dma2 semaphore(%arg10 : memref<!tpu.dma_semaphore, #tpu.memory_space<semaphore_mem>>) src(%dma_wait3A_14 : memref<10240xi32, #tpu.memory_space<hbm>>) dst(%arg8 : memref<10240xi32, #tpu.memory_space<vmem>>)
    %dma_wait3A_15 = arith.constant 0 : i32
    %dma_wait3A_16 = tpu.memref_slice %arg4[%dma_wait3A_15] : memref<327680xi32, #tpu.memory_space<hbm>> -> memref<10240xi32, #tpu.memory_space<hbm>>
    %dma_wait3A_17 = arith.constant 0 : i32
    %dma_wait3A_18 = tpu.memref_slice %arg4[%dma_wait3A_17] : memref<327680xi32, #tpu.memory_space<hbm>> -> memref<10240xi32, #tpu.memory_space<hbm>>
    tpu.wait_dma2 semaphore(%arg10 : memref<!tpu.dma_semaphore, #tpu.memory_space<semaphore_mem>>) src(%dma_wait3A_18 : memref<10240xi32, #tpu.memory_space<hbm>>) dst(%arg9 : memref<10240xi32, #tpu.memory_space<vmem>>)
    tpu.wait_dma2 semaphore(%arg10 : memref<!tpu.dma_semaphore, #tpu.memory_space<semaphore_mem>>) src(%arg2 : memref<10240xf32, #tpu.memory_space<hbm>>) dst(%arg6 : memref<10240xf32, #tpu.memory_space<vmem>>)
    %iota3A = tpu.iota {dimensions = array<i32: 0>} : vector<16xi32>
    %eq3A = arith.constant 0 : i32
    %eq3A_19 = vector.broadcast %eq3A : i32 to vector<16xi32>
    %eq3A_20 = arith.cmpi eq, %iota3A, %eq3A_19 : vector<16xi32>
    %eq3A_21 = arith.constant 1 : i32
    %eq3A_22 = vector.broadcast %eq3A_21 : i32 to vector<16xi32>
    %eq3A_23 = arith.cmpi eq, %iota3A, %eq3A_22 : vector<16xi32>
    %eq3A_24 = arith.constant 2 : i32
    %eq3A_25 = vector.broadcast %eq3A_24 : i32 to vector<16xi32>
    %eq3A_26 = arith.cmpi eq, %iota3A, %eq3A_25 : vector<16xi32>
    %eq3A_27 = arith.constant 3 : i32
    %eq3A_28 = vector.broadcast %eq3A_27 : i32 to vector<16xi32>
    %eq3A_29 = arith.cmpi eq, %iota3A, %eq3A_28 : vector<16xi32>
    %eq3A_30 = arith.constant 4 : i32
    %eq3A_31 = vector.broadcast %eq3A_30 : i32 to vector<16xi32>
    %eq3A_32 = arith.cmpi eq, %iota3A, %eq3A_31 : vector<16xi32>
    %eq3A_33 = arith.constant 5 : i32
    %eq3A_34 = vector.broadcast %eq3A_33 : i32 to vector<16xi32>
    %eq3A_35 = arith.cmpi eq, %iota3A, %eq3A_34 : vector<16xi32>
    %eq3A_36 = arith.constant 6 : i32
    %eq3A_37 = vector.broadcast %eq3A_36 : i32 to vector<16xi32>
    %eq3A_38 = arith.cmpi eq, %iota3A, %eq3A_37 : vector<16xi32>
    %eq3A_39 = arith.constant 7 : i32
    %eq3A_40 = vector.broadcast %eq3A_39 : i32 to vector<16xi32>
    %eq3A_41 = arith.cmpi eq, %iota3A, %eq3A_40 : vector<16xi32>
    %eq3A_42 = arith.constant 8 : i32
    %eq3A_43 = vector.broadcast %eq3A_42 : i32 to vector<16xi32>
    %eq3A_44 = arith.cmpi eq, %iota3A, %eq3A_43 : vector<16xi32>
    %eq3A_45 = arith.constant 9 : i32
    %eq3A_46 = vector.broadcast %eq3A_45 : i32 to vector<16xi32>
    %eq3A_47 = arith.cmpi eq, %iota3A, %eq3A_46 : vector<16xi32>
    %eq3A_48 = arith.constant 10 : i32
    %eq3A_49 = vector.broadcast %eq3A_48 : i32 to vector<16xi32>
    %eq3A_50 = arith.cmpi eq, %iota3A, %eq3A_49 : vector<16xi32>
    %eq3A_51 = arith.constant 11 : i32
    %eq3A_52 = vector.broadcast %eq3A_51 : i32 to vector<16xi32>
    %eq3A_53 = arith.cmpi eq, %iota3A, %eq3A_52 : vector<16xi32>
    %eq3A_54 = arith.constant 12 : i32
    %eq3A_55 = vector.broadcast %eq3A_54 : i32 to vector<16xi32>
    %eq3A_56 = arith.cmpi eq, %iota3A, %eq3A_55 : vector<16xi32>
    %eq3A_57 = arith.constant 13 : i32
    %eq3A_58 = vector.broadcast %eq3A_57 : i32 to vector<16xi32>
    %eq3A_59 = arith.cmpi eq, %iota3A, %eq3A_58 : vector<16xi32>
    %eq3A_60 = arith.constant 14 : i32
    %eq3A_61 = vector.broadcast %eq3A_60 : i32 to vector<16xi32>
    %eq3A_62 = arith.cmpi eq, %iota3A, %eq3A_61 : vector<16xi32>
    %eq3A_63 = arith.constant 15 : i32
    %eq3A_64 = vector.broadcast %eq3A_63 : i32 to vector<16xi32>
    %eq3A_65 = arith.cmpi eq, %iota3A, %eq3A_64 : vector<16xi32>
    %scan3A_66 = arith.constant 0 : i32
    %scan3A_67 = arith.constant 0 : i32
    %scan3A_68 = arith.constant 640 : i32
    %scan3A_69 = arith.addi %scan3A_67, %scan3A_68 : i32
    %scan3A_70 = arith.constant 1 : i32
    scf.for %scan3A_72 = %scan3A_67 to %scan3A_69 step %scan3A_70  : i32 {
      %mul3A_73 = arith.constant 16 : i32
      %mul3A_74 = arith.muli %scan3A_72, %mul3A_73 : i32
      %get3A = arith.index_cast %mul3A_74 : i32 to index
      %get3A_75 = tpu.vector_load %arg8[%get3A] {strides = array<i32>} : memref<10240xi32, #tpu.memory_space<vmem>>, vector<16xi32>,
      %mul3A_76 = arith.constant 16 : i32
      %mul3A_77 = arith.muli %scan3A_72, %mul3A_76 : i32
      %get3A_78 = arith.index_cast %mul3A_77 : i32 to index
      %get3A_79 = tpu.vector_load %arg9[%get3A_78] {strides = array<i32>} : memref<10240xi32, #tpu.memory_space<vmem>>, vector<16xi32>,
      %gather3A = tpu.vector_load_idx %arg6[%get3A_75] : memref<10240xf32, #tpu.memory_space<vmem>>[vector<16xi32>], vector<16xf32>,
      tpu.vector_store_idx %arg7[%get3A_79], %gather3A masked %eq3A_20 {add = true} : memref<10240xf32, #tpu.memory_space<vmem>>[vector<16xi32>], vector<16xf32>, vector<16xi1>
      tpu.vector_store_idx %arg7[%get3A_79], %gather3A masked %eq3A_23 {add = true} : memref<10240xf32, #tpu.memory_space<vmem>>[vector<16xi32>], vector<16xf32>, vector<16xi1>
      tpu.vector_store_idx %arg7[%get3A_79], %gather3A masked %eq3A_26 {add = true} : memref<10240xf32, #tpu.memory_space<vmem>>[vector<16xi32>], vector<16xf32>, vector<16xi1>
      tpu.vector_store_idx %arg7[%get3A_79], %gather3A masked %eq3A_29 {add = true} : memref<10240xf32, #tpu.memory_space<vmem>>[vector<16xi32>], vector<16xf32>, vector<16xi1>
      tpu.vector_store_idx %arg7[%get3A_79], %gather3A masked %eq3A_32 {add = true} : memref<10240xf32, #tpu.memory_space<vmem>>[vector<16xi32>], vector<16xf32>, vector<16xi1>
      tpu.vector_store_idx %arg7[%get3A_79], %gather3A masked %eq3A_35 {add = true} : memref<10240xf32, #tpu.memory_space<vmem>>[vector<16xi32>], vector<16xf32>, vector<16xi1>
      tpu.vector_store_idx %arg7[%get3A_79], %gather3A masked %eq3A_38 {add = true} : memref<10240xf32, #tpu.memory_space<vmem>>[vector<16xi32>], vector<16xf32>, vector<16xi1>
      tpu.vector_store_idx %arg7[%get3A_79], %gather3A masked %eq3A_41 {add = true} : memref<10240xf32, #tpu.memory_space<vmem>>[vector<16xi32>], vector<16xf32>, vector<16xi1>
      tpu.vector_store_idx %arg7[%get3A_79], %gather3A masked %eq3A_44 {add = true} : memref<10240xf32, #tpu.memory_space<vmem>>[vector<16xi32>], vector<16xf32>, vector<16xi1>
      tpu.vector_store_idx %arg7[%get3A_79], %gather3A masked %eq3A_47 {add = true} : memref<10240xf32, #tpu.memory_space<vmem>>[vector<16xi32>], vector<16xf32>, vector<16xi1>
      tpu.vector_store_idx %arg7[%get3A_79], %gather3A masked %eq3A_50 {add = true} : memref<10240xf32, #tpu.memory_space<vmem>>[vector<16xi32>], vector<16xf32>, vector<16xi1>
      tpu.vector_store_idx %arg7[%get3A_79], %gather3A masked %eq3A_53 {add = true} : memref<10240xf32, #tpu.memory_space<vmem>>[vector<16xi32>], vector<16xf32>, vector<16xi1>
      tpu.vector_store_idx %arg7[%get3A_79], %gather3A masked %eq3A_56 {add = true} : memref<10240xf32, #tpu.memory_space<vmem>>[vector<16xi32>], vector<16xf32>, vector<16xi1>
      tpu.vector_store_idx %arg7[%get3A_79], %gather3A masked %eq3A_59 {add = true} : memref<10240xf32, #tpu.memory_space<vmem>>[vector<16xi32>], vector<16xf32>, vector<16xi1>
      tpu.vector_store_idx %arg7[%get3A_79], %gather3A masked %eq3A_62 {add = true} : memref<10240xf32, #tpu.memory_space<vmem>>[vector<16xi32>], vector<16xf32>, vector<16xi1>
      tpu.vector_store_idx %arg7[%get3A_79], %gather3A masked %eq3A_65 {add = true} : memref<10240xf32, #tpu.memory_space<vmem>>[vector<16xi32>], vector<16xf32>, vector<16xi1>
    }
    %scan3A_71 = arith.constant 640 : i32
    "tpu.region"() ({
      %run_scoped3A = tpu.sem_alloc : memref<!tpu.dma_semaphore, #tpu.memory_space<semaphore_mem>>
      %dma_start3A_72 = arith.constant 0 : i32
      %dma_start3A_73 = tpu.memref_slice %arg5[%arg0, %arg1, %dma_start3A_72] : memref<2x16x10240xf32, #tpu.memory_space<hbm>> -> memref<1x1x10240xf32, #tpu.memory_space<hbm>>
      %dma_start3A_74 = tpu.memref_squeeze %dma_start3A_73 : memref<1x1x10240xf32, #tpu.memory_space<hbm>> -> memref<10240xf32, #tpu.memory_space<hbm>>
      %dma_start3A_75 = arith.constant 0 : i32
      %dma_start3A_76 = tpu.memref_slice %arg5[%arg0, %arg1, %dma_start3A_75] : memref<2x16x10240xf32, #tpu.memory_space<hbm>> -> memref<1x1x10240xf32, #tpu.memory_space<hbm>>
      %dma_start3A_77 = tpu.memref_squeeze %dma_start3A_76 : memref<1x1x10240xf32, #tpu.memory_space<hbm>> -> memref<10240xf32, #tpu.memory_space<hbm>>
      tpu.enqueue_dma source(%arg7 : memref<10240xf32, #tpu.memory_space<vmem>>) target(%dma_start3A_77 : memref<10240xf32, #tpu.memory_space<hbm>>) target_semaphore(%run_scoped3A : memref<!tpu.dma_semaphore, #tpu.memory_space<semaphore_mem>>)
      %dma_wait3A_78 = arith.constant 0 : i32
      %dma_wait3A_79 = tpu.memref_slice %arg5[%arg0, %arg1, %dma_wait3A_78] : memref<2x16x10240xf32, #tpu.memory_space<hbm>> -> memref<1x1x10240xf32, #tpu.memory_space<hbm>>
      %dma_wait3A_80 = tpu.memref_squeeze %dma_wait3A_79 : memref<1x1x10240xf32, #tpu.memory_space<hbm>> -> memref<10240xf32, #tpu.memory_space<hbm>>
      %dma_wait3A_81 = arith.constant 0 : i32
      %dma_wait3A_82 = tpu.memref_slice %arg5[%arg0, %arg1, %dma_wait3A_81] : memref<2x16x10240xf32, #tpu.memory_space<hbm>> -> memref<1x1x10240xf32, #tpu.memory_space<hbm>>
      %dma_wait3A_83 = tpu.memref_squeeze %dma_wait3A_82 : memref<1x1x10240xf32, #tpu.memory_space<hbm>> -> memref<10240xf32, #tpu.memory_space<hbm>>
      tpu.wait_dma2 semaphore(%run_scoped3A : memref<!tpu.dma_semaphore, #tpu.memory_space<semaphore_mem>>) src(%arg7 : memref<10240xf32, #tpu.memory_space<vmem>>) dst(%dma_wait3A_83 : memref<10240xf32, #tpu.memory_space<hbm>>)
      tpu.yield
    }) : () -> ()
    return
  }
}

#map = affine_map<(d0, d1) -> (0, 0)>
#map1 = affine_map<(d0, d1) -> (0)>
#map2 = affine_map<(d0, d1) -> (0, 0, 0)>
module attributes {stable_mosaic.version = 14 : i64} {
  func.func @body(%arg0: i32, %arg1: i32, %arg2: memref<10240x128xf32, #tpu.memory_space<hbm>>, %arg3: memref<327680xi32, #tpu.memory_space<hbm>>, %arg4: memref<327680xi32, #tpu.memory_space<hbm>>, %arg5: memref<2x10240x128xf32, #tpu.memory_space<hbm>>, %arg6: memref<2x16x10240xf32, #tpu.memory_space<hbm>>, %arg7: memref<10240x128xf32, #tpu.memory_space<vmem_shared>>, %arg8: memref<10240xf32, #tpu.memory_space<vmem>>, %arg9: memref<128xi32, #tpu.memory_space<vmem>>, %arg10: memref<128xi32, #tpu.memory_space<vmem>>, %arg11: memref<128xi32, #tpu.memory_space<vmem>>, %arg12: memref<128xi32, #tpu.memory_space<vmem>>, %arg13: memref<128xi32, #tpu.memory_space<vmem>>, %arg14: memref<128xi32, #tpu.memory_space<vmem>>, %arg15: memref<128xi32, #tpu.memory_space<vmem>>, %arg16: memref<128xi32, #tpu.memory_space<vmem>>, %arg17: memref<128x128xf32, #tpu.memory_space<vmem>>, %arg18: memref<128x128xf32, #tpu.memory_space<vmem>>, %arg19: memref<!tpu.dma_semaphore, #tpu.memory_space<semaphore_mem>>, %arg20: memref<!tpu.dma_semaphore, #tpu.memory_space<semaphore_mem>>, %arg21: memref<!tpu.dma_semaphore, #tpu.memory_space<semaphore_mem>>, %arg22: memref<!tpu.dma_semaphore, #tpu.memory_space<semaphore_mem>>, %arg23: memref<!tpu.dma_semaphore, #tpu.memory_space<semaphore_mem>>, %arg24: memref<!tpu.dma_semaphore, #tpu.memory_space<semaphore_mem>>, %arg25: memref<!tpu.dma_semaphore, #tpu.memory_space<semaphore_mem>>, %arg26: memref<!tpu.dma_semaphore, #tpu.memory_space<semaphore_mem>>) attributes {dimension_semantics = [#tpu.dimension_semantics<core_parallel>, #tpu.dimension_semantics<subcore_parallel>], iteration_bounds = array<i64: 2, 16>, scalar_prefetch = 0 : i64, scratch_operands = 20 : i64, tpu.core_type = #tpu.core_type<sc_vector_subcore>, window_params = [{transform_indices = #map}, {transform_indices = #map1}, {transform_indices = #map1}, {transform_indices = #map2}, {transform_indices = #map2}]} {
    %broadcast_in_dim3A = arith.constant 0.000000e+00 : f32
    %broadcast_in_dim3A_0 = vector.broadcast %broadcast_in_dim3A : f32 to vector<16xf32>
    %scan3A = arith.constant 0 : i32
    %scan3A_1 = arith.constant 0 : i32
    %scan3A_2 = arith.constant 1024 : i32
    %scan3A_3 = arith.addi %scan3A_1, %scan3A_2 : i32
    %scan3A_4 = arith.constant 1 : i32
    scf.for %scan3A_40 = %scan3A_1 to %scan3A_3 step %scan3A_4  : i32 {
      %jit3A = arith.constant 8 : i32
      %div3A = arith.divsi %scan3A_40, %jit3A : i32
      %sign3A = arith.constant 0 : i32
      %sign3A_41 = arith.cmpi sgt, %scan3A_40, %sign3A : i32
      %sign3A_42 = arith.extui %sign3A_41 : i1 to i32
      %sign3A_43 = arith.constant 0 : i32
      %sign3A_44 = arith.cmpi slt, %scan3A_40, %sign3A_43 : i32
      %sign3A_45 = arith.extui %sign3A_44 : i1 to i32
      %sign3A_46 = arith.subi %sign3A_42, %sign3A_45 : i32
      %sign3A_47 = arith.constant 0 : i32
      %sign3A_48 = arith.cmpi sgt, %jit3A, %sign3A_47 : i32
      %sign3A_49 = arith.extui %sign3A_48 : i1 to i32
      %sign3A_50 = arith.constant 0 : i32
      %sign3A_51 = arith.cmpi slt, %jit3A, %sign3A_50 : i32
      %sign3A_52 = arith.extui %sign3A_51 : i1 to i32
      %sign3A_53 = arith.subi %sign3A_49, %sign3A_52 : i32
      %ne3A = arith.cmpi ne, %sign3A_46, %sign3A_53 : i32
      %rem3A = arith.remsi %scan3A_40, %jit3A : i32
      %ne3A_54 = arith.constant 0 : i32
      %ne3A_55 = arith.cmpi ne, %rem3A, %ne3A_54 : i32
      %and3A = arith.andi %ne3A, %ne3A_55 : i1
      %sub3A = arith.constant 1 : i32
      %sub3A_56 = arith.subi %div3A, %sub3A : i32
      %select_n3A = arith.select %and3A, %sub3A_56, %div3A : i32
      %jit3A_57 = arith.constant 8 : i32
      %eq3A_58 = arith.constant 0 : i32
      %eq3A_59 = arith.cmpi eq, %jit3A_57, %eq3A_58 : i32
      %jit3A_60 = arith.constant 1 : i32
      %select_n3A_61 = arith.select %eq3A_59, %jit3A_60, %jit3A_57 : i32
      %rem3A_62 = arith.remsi %scan3A_40, %select_n3A_61 : i32
      %ne3A_63 = arith.constant 0 : i32
      %ne3A_64 = arith.cmpi ne, %rem3A_62, %ne3A_63 : i32
      %lt3A = arith.constant 0 : i32
      %lt3A_65 = arith.cmpi slt, %rem3A_62, %lt3A : i32
      %lt3A_66 = arith.constant 0 : i32
      %lt3A_67 = arith.cmpi slt, %select_n3A_61, %lt3A_66 : i32
      %ne3A_68 = arith.xori %lt3A_65, %lt3A_67 : i1
      %and3A_69 = arith.andi %ne3A_68, %ne3A_64 : i1
      %add3A_70 = arith.addi %rem3A_62, %select_n3A_61 : i32
      %select_n3A_71 = arith.select %and3A_69, %add3A_70, %rem3A_62 : i32
      %mul3A_72 = arith.constant 16 : i32
      %mul3A_73 = arith.muli %select_n3A_71, %mul3A_72 : i32
      %swap3A = arith.index_cast %select_n3A : i32 to index
      %swap3A_74 = arith.index_cast %mul3A_73 : i32 to index
      %swap3A_75 = tpu.vector_load %arg17[%swap3A, %swap3A_74] {strides = array<i32>} : memref<128x128xf32, #tpu.memory_space<vmem>>, vector<16xf32>,
      tpu.vector_store %arg17[%swap3A, %swap3A_74], %broadcast_in_dim3A_0 {strides = array<i32>} : memref<128x128xf32, #tpu.memory_space<vmem>>, vector<16xf32>,
    }
    %scan3A_5 = arith.constant 1024 : i32
    %scan3A_6 = arith.constant 0 : i32
    %scan3A_7 = arith.constant 0 : i32
    %scan3A_8 = arith.constant 640 : i32
    %scan3A_9 = arith.addi %scan3A_7, %scan3A_8 : i32
    %scan3A_10 = arith.constant 1 : i32
    scf.for %scan3A_40 = %scan3A_7 to %scan3A_9 step %scan3A_10  : i32 {
      %mul3A_41 = arith.constant 16 : i32
      %mul3A_42 = arith.muli %scan3A_40, %mul3A_41 : i32
      %swap3A = arith.index_cast %mul3A_42 : i32 to index
      %swap3A_43 = tpu.vector_load %arg8[%swap3A] {strides = array<i32>} : memref<10240xf32, #tpu.memory_space<vmem>>, vector<16xf32>,
      tpu.vector_store %arg8[%swap3A], %broadcast_in_dim3A_0 {strides = array<i32>} : memref<10240xf32, #tpu.memory_space<vmem>>, vector<16xf32>,
    }
    %scan3A_11 = arith.constant 640 : i32
    %mul3A = arith.constant 640 : i32
    %mul3A_12 = arith.muli %arg1, %mul3A : i32
    %add3A = arith.constant 0 : i32
    %add3A_13 = arith.addi %mul3A_12, %add3A : i32
    "tpu.region"() ({
      %run_scoped3A = tpu.sem_alloc : memref<!tpu.dma_semaphore, #tpu.memory_space<semaphore_mem>>
      %dma_start3A = arith.constant 0 : i32
      %dma_start3A_40 = tpu.memref_slice %arg7[%add3A_13, %dma_start3A] : memref<10240x128xf32, #tpu.memory_space<vmem_shared>> -> memref<128x128xf32, #tpu.memory_space<vmem_shared>>
      %dma_start3A_41 = arith.constant 0 : i32
      %dma_start3A_42 = tpu.memref_slice %arg7[%add3A_13, %dma_start3A_41] : memref<10240x128xf32, #tpu.memory_space<vmem_shared>> -> memref<128x128xf32, #tpu.memory_space<vmem_shared>>
      tpu.enqueue_dma source(%arg17 : memref<128x128xf32, #tpu.memory_space<vmem>>) target(%dma_start3A_42 : memref<128x128xf32, #tpu.memory_space<vmem_shared>>) target_semaphore(%run_scoped3A : memref<!tpu.dma_semaphore, #tpu.memory_space<semaphore_mem>>)
      %dma_wait3A = arith.constant 0 : i32
      %dma_wait3A_43 = tpu.memref_slice %arg7[%add3A_13, %dma_wait3A] : memref<10240x128xf32, #tpu.memory_space<vmem_shared>> -> memref<128x128xf32, #tpu.memory_space<vmem_shared>>
      %dma_wait3A_44 = arith.constant 0 : i32
      %dma_wait3A_45 = tpu.memref_slice %arg7[%add3A_13, %dma_wait3A_44] : memref<10240x128xf32, #tpu.memory_space<vmem_shared>> -> memref<128x128xf32, #tpu.memory_space<vmem_shared>>
      tpu.wait_dma2 semaphore(%run_scoped3A : memref<!tpu.dma_semaphore, #tpu.memory_space<semaphore_mem>>) src(%arg17 : memref<128x128xf32, #tpu.memory_space<vmem>>) dst(%dma_wait3A_45 : memref<128x128xf32, #tpu.memory_space<vmem_shared>>)
      tpu.yield
    }) : () -> ()
    %add3A_14 = arith.constant 128 : i32
    %add3A_15 = arith.addi %mul3A_12, %add3A_14 : i32
    "tpu.region"() ({
      %run_scoped3A = tpu.sem_alloc : memref<!tpu.dma_semaphore, #tpu.memory_space<semaphore_mem>>
      %dma_start3A = arith.constant 0 : i32
      %dma_start3A_40 = tpu.memref_slice %arg7[%add3A_15, %dma_start3A] : memref<10240x128xf32, #tpu.memory_space<vmem_shared>> -> memref<128x128xf32, #tpu.memory_space<vmem_shared>>
      %dma_start3A_41 = arith.constant 0 : i32
      %dma_start3A_42 = tpu.memref_slice %arg7[%add3A_15, %dma_start3A_41] : memref<10240x128xf32, #tpu.memory_space<vmem_shared>> -> memref<128x128xf32, #tpu.memory_space<vmem_shared>>
      tpu.enqueue_dma source(%arg17 : memref<128x128xf32, #tpu.memory_space<vmem>>) target(%dma_start3A_42 : memref<128x128xf32, #tpu.memory_space<vmem_shared>>) target_semaphore(%run_scoped3A : memref<!tpu.dma_semaphore, #tpu.memory_space<semaphore_mem>>)
      %dma_wait3A = arith.constant 0 : i32
      %dma_wait3A_43 = tpu.memref_slice %arg7[%add3A_15, %dma_wait3A] : memref<10240x128xf32, #tpu.memory_space<vmem_shared>> -> memref<128x128xf32, #tpu.memory_space<vmem_shared>>
      %dma_wait3A_44 = arith.constant 0 : i32
      %dma_wait3A_45 = tpu.memref_slice %arg7[%add3A_15, %dma_wait3A_44] : memref<10240x128xf32, #tpu.memory_space<vmem_shared>> -> memref<128x128xf32, #tpu.memory_space<vmem_shared>>
      tpu.wait_dma2 semaphore(%run_scoped3A : memref<!tpu.dma_semaphore, #tpu.memory_space<semaphore_mem>>) src(%arg17 : memref<128x128xf32, #tpu.memory_space<vmem>>) dst(%dma_wait3A_45 : memref<128x128xf32, #tpu.memory_space<vmem_shared>>)
      tpu.yield
    }) : () -> ()
    %add3A_16 = arith.constant 256 : i32
    %add3A_17 = arith.addi %mul3A_12, %add3A_16 : i32
    "tpu.region"() ({
      %run_scoped3A = tpu.sem_alloc : memref<!tpu.dma_semaphore, #tpu.memory_space<semaphore_mem>>
      %dma_start3A = arith.constant 0 : i32
      %dma_start3A_40 = tpu.memref_slice %arg7[%add3A_17, %dma_start3A] : memref<10240x128xf32, #tpu.memory_space<vmem_shared>> -> memref<128x128xf32, #tpu.memory_space<vmem_shared>>
      %dma_start3A_41 = arith.constant 0 : i32
      %dma_start3A_42 = tpu.memref_slice %arg7[%add3A_17, %dma_start3A_41] : memref<10240x128xf32, #tpu.memory_space<vmem_shared>> -> memref<128x128xf32, #tpu.memory_space<vmem_shared>>
      tpu.enqueue_dma source(%arg17 : memref<128x128xf32, #tpu.memory_space<vmem>>) target(%dma_start3A_42 : memref<128x128xf32, #tpu.memory_space<vmem_shared>>) target_semaphore(%run_scoped3A : memref<!tpu.dma_semaphore, #tpu.memory_space<semaphore_mem>>)
      %dma_wait3A = arith.constant 0 : i32
      %dma_wait3A_43 = tpu.memref_slice %arg7[%add3A_17, %dma_wait3A] : memref<10240x128xf32, #tpu.memory_space<vmem_shared>> -> memref<128x128xf32, #tpu.memory_space<vmem_shared>>
      %dma_wait3A_44 = arith.constant 0 : i32
      %dma_wait3A_45 = tpu.memref_slice %arg7[%add3A_17, %dma_wait3A_44] : memref<10240x128xf32, #tpu.memory_space<vmem_shared>> -> memref<128x128xf32, #tpu.memory_space<vmem_shared>>
      tpu.wait_dma2 semaphore(%run_scoped3A : memref<!tpu.dma_semaphore, #tpu.memory_space<semaphore_mem>>) src(%arg17 : memref<128x128xf32, #tpu.memory_space<vmem>>) dst(%dma_wait3A_45 : memref<128x128xf32, #tpu.memory_space<vmem_shared>>)
      tpu.yield
    }) : () -> ()
    %add3A_18 = arith.constant 384 : i32
    %add3A_19 = arith.addi %mul3A_12, %add3A_18 : i32
    "tpu.region"() ({
      %run_scoped3A = tpu.sem_alloc : memref<!tpu.dma_semaphore, #tpu.memory_space<semaphore_mem>>
      %dma_start3A = arith.constant 0 : i32
      %dma_start3A_40 = tpu.memref_slice %arg7[%add3A_19, %dma_start3A] : memref<10240x128xf32, #tpu.memory_space<vmem_shared>> -> memref<128x128xf32, #tpu.memory_space<vmem_shared>>
      %dma_start3A_41 = arith.constant 0 : i32
      %dma_start3A_42 = tpu.memref_slice %arg7[%add3A_19, %dma_start3A_41] : memref<10240x128xf32, #tpu.memory_space<vmem_shared>> -> memref<128x128xf32, #tpu.memory_space<vmem_shared>>
      tpu.enqueue_dma source(%arg17 : memref<128x128xf32, #tpu.memory_space<vmem>>) target(%dma_start3A_42 : memref<128x128xf32, #tpu.memory_space<vmem_shared>>) target_semaphore(%run_scoped3A : memref<!tpu.dma_semaphore, #tpu.memory_space<semaphore_mem>>)
      %dma_wait3A = arith.constant 0 : i32
      %dma_wait3A_43 = tpu.memref_slice %arg7[%add3A_19, %dma_wait3A] : memref<10240x128xf32, #tpu.memory_space<vmem_shared>> -> memref<128x128xf32, #tpu.memory_space<vmem_shared>>
      %dma_wait3A_44 = arith.constant 0 : i32
      %dma_wait3A_45 = tpu.memref_slice %arg7[%add3A_19, %dma_wait3A_44] : memref<10240x128xf32, #tpu.memory_space<vmem_shared>> -> memref<128x128xf32, #tpu.memory_space<vmem_shared>>
      tpu.wait_dma2 semaphore(%run_scoped3A : memref<!tpu.dma_semaphore, #tpu.memory_space<semaphore_mem>>) src(%arg17 : memref<128x128xf32, #tpu.memory_space<vmem>>) dst(%dma_wait3A_45 : memref<128x128xf32, #tpu.memory_space<vmem_shared>>)
      tpu.yield
    }) : () -> ()
    %add3A_20 = arith.constant 512 : i32
    %add3A_21 = arith.addi %mul3A_12, %add3A_20 : i32
    "tpu.region"() ({
      %run_scoped3A = tpu.sem_alloc : memref<!tpu.dma_semaphore, #tpu.memory_space<semaphore_mem>>
      %dma_start3A = arith.constant 0 : i32
      %dma_start3A_40 = tpu.memref_slice %arg7[%add3A_21, %dma_start3A] : memref<10240x128xf32, #tpu.memory_space<vmem_shared>> -> memref<128x128xf32, #tpu.memory_space<vmem_shared>>
      %dma_start3A_41 = arith.constant 0 : i32
      %dma_start3A_42 = tpu.memref_slice %arg7[%add3A_21, %dma_start3A_41] : memref<10240x128xf32, #tpu.memory_space<vmem_shared>> -> memref<128x128xf32, #tpu.memory_space<vmem_shared>>
      tpu.enqueue_dma source(%arg17 : memref<128x128xf32, #tpu.memory_space<vmem>>) target(%dma_start3A_42 : memref<128x128xf32, #tpu.memory_space<vmem_shared>>) target_semaphore(%run_scoped3A : memref<!tpu.dma_semaphore, #tpu.memory_space<semaphore_mem>>)
      %dma_wait3A = arith.constant 0 : i32
      %dma_wait3A_43 = tpu.memref_slice %arg7[%add3A_21, %dma_wait3A] : memref<10240x128xf32, #tpu.memory_space<vmem_shared>> -> memref<128x128xf32, #tpu.memory_space<vmem_shared>>
      %dma_wait3A_44 = arith.constant 0 : i32
      %dma_wait3A_45 = tpu.memref_slice %arg7[%add3A_21, %dma_wait3A_44] : memref<10240x128xf32, #tpu.memory_space<vmem_shared>> -> memref<128x128xf32, #tpu.memory_space<vmem_shared>>
      tpu.wait_dma2 semaphore(%run_scoped3A : memref<!tpu.dma_semaphore, #tpu.memory_space<semaphore_mem>>) src(%arg17 : memref<128x128xf32, #tpu.memory_space<vmem>>) dst(%dma_wait3A_45 : memref<128x128xf32, #tpu.memory_space<vmem_shared>>)
      tpu.yield
    }) : () -> ()
    %barrier3A = arith.constant 0 : index
    tpu.barrier barrier_id(%barrier3A)
    %eq3A = arith.constant 0 : i32
    %eq3A_22 = arith.cmpi eq, %arg0, %eq3A : i32
    %convert_element_type3A = arith.extui %eq3A_22 : i1 to i32
    %cond3A = arith.constant 0 : i32
    %cond3A_23 = arith.cmpi ne, %convert_element_type3A, %cond3A : i32
    scf.if %cond3A_23 {
      %mul3A_40 = arith.constant 18944 : i32
      %mul3A_41 = arith.muli %arg1, %mul3A_40 : i32
      %add3A_42 = arith.constant 0 : i32
      %add3A_43 = arith.addi %mul3A_41, %add3A_42 : i32
      %dma_start3A = tpu.memref_slice %arg3[%add3A_43] : memref<327680xi32, #tpu.memory_space<hbm>> -> memref<128xi32, #tpu.memory_space<hbm>>
      %dma_start3A_44 = tpu.memref_slice %arg3[%add3A_43] : memref<327680xi32, #tpu.memory_space<hbm>> -> memref<128xi32, #tpu.memory_space<hbm>>
      tpu.enqueue_dma source(%dma_start3A_44 : memref<128xi32, #tpu.memory_space<hbm>>) target(%arg9 : memref<128xi32, #tpu.memory_space<vmem>>) target_semaphore(%arg19 : memref<!tpu.dma_semaphore, #tpu.memory_space<semaphore_mem>>)
      %dma_start3A_45 = tpu.memref_slice %arg4[%add3A_43] : memref<327680xi32, #tpu.memory_space<hbm>> -> memref<128xi32, #tpu.memory_space<hbm>>
      %dma_start3A_46 = tpu.memref_slice %arg4[%add3A_43] : memref<327680xi32, #tpu.memory_space<hbm>> -> memref<128xi32, #tpu.memory_space<hbm>>
      tpu.enqueue_dma source(%dma_start3A_46 : memref<128xi32, #tpu.memory_space<hbm>>) target(%arg13 : memref<128xi32, #tpu.memory_space<vmem>>) target_semaphore(%arg19 : memref<!tpu.dma_semaphore, #tpu.memory_space<semaphore_mem>>)
      %add3A_47 = arith.constant 128 : i32
      %add3A_48 = arith.addi %mul3A_41, %add3A_47 : i32
      %dma_start3A_49 = tpu.memref_slice %arg3[%add3A_48] : memref<327680xi32, #tpu.memory_space<hbm>> -> memref<128xi32, #tpu.memory_space<hbm>>
      %dma_start3A_50 = tpu.memref_slice %arg3[%add3A_48] : memref<327680xi32, #tpu.memory_space<hbm>> -> memref<128xi32, #tpu.memory_space<hbm>>
      tpu.enqueue_dma source(%dma_start3A_50 : memref<128xi32, #tpu.memory_space<hbm>>) target(%arg10 : memref<128xi32, #tpu.memory_space<vmem>>) target_semaphore(%arg20 : memref<!tpu.dma_semaphore, #tpu.memory_space<semaphore_mem>>)
      %dma_start3A_51 = tpu.memref_slice %arg4[%add3A_48] : memref<327680xi32, #tpu.memory_space<hbm>> -> memref<128xi32, #tpu.memory_space<hbm>>
      %dma_start3A_52 = tpu.memref_slice %arg4[%add3A_48] : memref<327680xi32, #tpu.memory_space<hbm>> -> memref<128xi32, #tpu.memory_space<hbm>>
      tpu.enqueue_dma source(%dma_start3A_52 : memref<128xi32, #tpu.memory_space<hbm>>) target(%arg14 : memref<128xi32, #tpu.memory_space<vmem>>) target_semaphore(%arg20 : memref<!tpu.dma_semaphore, #tpu.memory_space<semaphore_mem>>)
      %add3A_53 = arith.constant 256 : i32
      %add3A_54 = arith.addi %mul3A_41, %add3A_53 : i32
      %dma_start3A_55 = tpu.memref_slice %arg3[%add3A_54] : memref<327680xi32, #tpu.memory_space<hbm>> -> memref<128xi32, #tpu.memory_space<hbm>>
      %dma_start3A_56 = tpu.memref_slice %arg3[%add3A_54] : memref<327680xi32, #tpu.memory_space<hbm>> -> memref<128xi32, #tpu.memory_space<hbm>>
      tpu.enqueue_dma source(%dma_start3A_56 : memref<128xi32, #tpu.memory_space<hbm>>) target(%arg11 : memref<128xi32, #tpu.memory_space<vmem>>) target_semaphore(%arg21 : memref<!tpu.dma_semaphore, #tpu.memory_space<semaphore_mem>>)
      %dma_start3A_57 = tpu.memref_slice %arg4[%add3A_54] : memref<327680xi32, #tpu.memory_space<hbm>> -> memref<128xi32, #tpu.memory_space<hbm>>
      %dma_start3A_58 = tpu.memref_slice %arg4[%add3A_54] : memref<327680xi32, #tpu.memory_space<hbm>> -> memref<128xi32, #tpu.memory_space<hbm>>
      tpu.enqueue_dma source(%dma_start3A_58 : memref<128xi32, #tpu.memory_space<hbm>>) target(%arg15 : memref<128xi32, #tpu.memory_space<vmem>>) target_semaphore(%arg21 : memref<!tpu.dma_semaphore, #tpu.memory_space<semaphore_mem>>)
      %dma_wait3A = arith.constant 0 : i32
      %dma_wait3A_59 = tpu.memref_slice %arg3[%dma_wait3A] : memref<327680xi32, #tpu.memory_space<hbm>> -> memref<128xi32, #tpu.memory_space<hbm>>
      %dma_wait3A_60 = arith.constant 0 : i32
      %dma_wait3A_61 = tpu.memref_slice %arg3[%dma_wait3A_60] : memref<327680xi32, #tpu.memory_space<hbm>> -> memref<128xi32, #tpu.memory_space<hbm>>
      tpu.wait_dma2 semaphore(%arg19 : memref<!tpu.dma_semaphore, #tpu.memory_space<semaphore_mem>>) src(%dma_wait3A_61 : memref<128xi32, #tpu.memory_space<hbm>>) dst(%arg9 : memref<128xi32, #tpu.memory_space<vmem>>)
      %dma_wait3A_62 = arith.constant 0 : i32
      %dma_wait3A_63 = tpu.memref_slice %arg4[%dma_wait3A_62] : memref<327680xi32, #tpu.memory_space<hbm>> -> memref<128xi32, #tpu.memory_space<hbm>>
      %dma_wait3A_64 = arith.constant 0 : i32
      %dma_wait3A_65 = tpu.memref_slice %arg4[%dma_wait3A_64] : memref<327680xi32, #tpu.memory_space<hbm>> -> memref<128xi32, #tpu.memory_space<hbm>>
      tpu.wait_dma2 semaphore(%arg19 : memref<!tpu.dma_semaphore, #tpu.memory_space<semaphore_mem>>) src(%dma_wait3A_65 : memref<128xi32, #tpu.memory_space<hbm>>) dst(%arg13 : memref<128xi32, #tpu.memory_space<vmem>>)
      %dma_start3A_66 = arith.constant 0 : i32
      %dma_start3A_67 = arith.constant 0 : i32
      %dma_start3A_68 = tpu.memref_slice %arg2[%dma_start3A_66, %dma_start3A_67] : memref<10240x128xf32, #tpu.memory_space<hbm>> -> memref<10240x128xf32, #tpu.memory_space<hbm>>
      tpu.enqueue_indirect_dma source(%dma_start3A_68 : memref<10240x128xf32, #tpu.memory_space<hbm>>) target(%arg17 : memref<128x128xf32, #tpu.memory_space<vmem>>) offsets(%arg9 : memref<128xi32, #tpu.memory_space<vmem>>) semaphore(%arg23 : memref<!tpu.dma_semaphore, #tpu.memory_space<semaphore_mem>>)
      %scan3A_69 = arith.constant 0 : i32
      %scan3A_70 = arith.constant 0 : i32
      %scan3A_71 = arith.constant 37 : i32
      %scan3A_72 = arith.addi %scan3A_70, %scan3A_71 : i32
      %scan3A_73 = arith.constant 1 : i32
      scf.for %scan3A_78 = %scan3A_70 to %scan3A_72 step %scan3A_73  : i32 {
        %ge3A = arith.constant 1 : i32
        %ge3A_79 = arith.cmpi sge, %scan3A_78, %ge3A : i32
        %convert_element_type3A_80 = arith.extui %ge3A_79 : i1 to i32
        %cond3A_81 = arith.constant 0 : i32
        %cond3A_82 = arith.cmpi ne, %convert_element_type3A_80, %cond3A_81 : i32
        scf.if %cond3A_82 {
          %dma_wait3A_390 = arith.constant 0 : i32
          %dma_wait3A_391 = arith.constant 0 : i32
          %dma_wait3A_392 = tpu.memref_slice %arg7[%dma_wait3A_390, %dma_wait3A_391] : memref<10240x128xf32, #tpu.memory_space<vmem_shared>> -> memref<10240x128xf32, #tpu.memory_space<vmem_shared>>
          tpu.wait_indirect_dma semaphore(%arg26 : memref<!tpu.dma_semaphore, #tpu.memory_space<semaphore_mem>>) src(%arg18 : memref<128x128xf32, #tpu.memory_space<vmem>>) dst(%dma_wait3A_392 : memref<10240x128xf32, #tpu.memory_space<vmem_shared>>)
        } else {
        }
        %dma_wait3A_83 = arith.constant 0 : i32
        %dma_wait3A_84 = tpu.memref_slice %arg3[%dma_wait3A_83] : memref<327680xi32, #tpu.memory_space<hbm>> -> memref<128xi32, #tpu.memory_space<hbm>>
        %dma_wait3A_85 = arith.constant 0 : i32
        %dma_wait3A_86 = tpu.memref_slice %arg3[%dma_wait3A_85] : memref<327680xi32, #tpu.memory_space<hbm>> -> memref<128xi32, #tpu.memory_space<hbm>>
        tpu.wait_dma2 semaphore(%arg20 : memref<!tpu.dma_semaphore, #tpu.memory_space<semaphore_mem>>) src(%dma_wait3A_86 : memref<128xi32, #tpu.memory_space<hbm>>) dst(%arg10 : memref<128xi32, #tpu.memory_space<vmem>>)
        %dma_wait3A_87 = arith.constant 0 : i32
        %dma_wait3A_88 = tpu.memref_slice %arg4[%dma_wait3A_87] : memref<327680xi32, #tpu.memory_space<hbm>> -> memref<128xi32, #tpu.memory_space<hbm>>
        %dma_wait3A_89 = arith.constant 0 : i32
        %dma_wait3A_90 = tpu.memref_slice %arg4[%dma_wait3A_89] : memref<327680xi32, #tpu.memory_space<hbm>> -> memref<128xi32, #tpu.memory_space<hbm>>
        tpu.wait_dma2 semaphore(%arg20 : memref<!tpu.dma_semaphore, #tpu.memory_space<semaphore_mem>>) src(%dma_wait3A_90 : memref<128xi32, #tpu.memory_space<hbm>>) dst(%arg14 : memref<128xi32, #tpu.memory_space<vmem>>)
        %dma_start3A_91 = arith.constant 0 : i32
        %dma_start3A_92 = arith.constant 0 : i32
        %dma_start3A_93 = tpu.memref_slice %arg2[%dma_start3A_91, %dma_start3A_92] : memref<10240x128xf32, #tpu.memory_space<hbm>> -> memref<10240x128xf32, #tpu.memory_space<hbm>>
        tpu.enqueue_indirect_dma source(%dma_start3A_93 : memref<10240x128xf32, #tpu.memory_space<hbm>>) target(%arg18 : memref<128x128xf32, #tpu.memory_space<vmem>>) offsets(%arg10 : memref<128xi32, #tpu.memory_space<vmem>>) semaphore(%arg24 : memref<!tpu.dma_semaphore, #tpu.memory_space<semaphore_mem>>)
        %lt3A = arith.constant 37 : i32
        %lt3A_94 = arith.cmpi slt, %scan3A_78, %lt3A : i32
        %convert_element_type3A_95 = arith.extui %lt3A_94 : i1 to i32
        %cond3A_96 = arith.constant 0 : i32
        %cond3A_97 = arith.cmpi ne, %convert_element_type3A_95, %cond3A_96 : i32
        scf.if %cond3A_97 {
          %mul3A_390 = arith.constant 4 : i32
          %mul3A_391 = arith.muli %mul3A_390, %scan3A_78 : i32
          %add3A_392 = arith.constant 0 : i32
          %add3A_393 = arith.addi %mul3A_391, %add3A_392 : i32
          %add3A_394 = arith.constant 3 : i32
          %add3A_395 = arith.addi %add3A_393, %add3A_394 : i32
          %mul3A_396 = arith.constant 128 : i32
          %mul3A_397 = arith.muli %add3A_395, %mul3A_396 : i32
          %add3A_398 = arith.addi %mul3A_41, %mul3A_397 : i32
          %dma_start3A_399 = tpu.memref_slice %arg3[%add3A_398] : memref<327680xi32, #tpu.memory_space<hbm>> -> memref<128xi32, #tpu.memory_space<hbm>>
          %dma_start3A_400 = tpu.memref_slice %arg3[%add3A_398] : memref<327680xi32, #tpu.memory_space<hbm>> -> memref<128xi32, #tpu.memory_space<hbm>>
          tpu.enqueue_dma source(%dma_start3A_400 : memref<128xi32, #tpu.memory_space<hbm>>) target(%arg12 : memref<128xi32, #tpu.memory_space<vmem>>) target_semaphore(%arg22 : memref<!tpu.dma_semaphore, #tpu.memory_space<semaphore_mem>>)
          %dma_start3A_401 = tpu.memref_slice %arg4[%add3A_398] : memref<327680xi32, #tpu.memory_space<hbm>> -> memref<128xi32, #tpu.memory_space<hbm>>
          %dma_start3A_402 = tpu.memref_slice %arg4[%add3A_398] : memref<327680xi32, #tpu.memory_space<hbm>> -> memref<128xi32, #tpu.memory_space<hbm>>
          tpu.enqueue_dma source(%dma_start3A_402 : memref<128xi32, #tpu.memory_space<hbm>>) target(%arg16 : memref<128xi32, #tpu.memory_space<vmem>>) target_semaphore(%arg22 : memref<!tpu.dma_semaphore, #tpu.memory_space<semaphore_mem>>)
        } else {
        }
        %dma_wait3A_98 = arith.constant 0 : i32
        %dma_wait3A_99 = arith.constant 0 : i32
        %dma_wait3A_100 = tpu.memref_slice %arg2[%dma_wait3A_98, %dma_wait3A_99] : memref<10240x128xf32, #tpu.memory_space<hbm>> -> memref<10240x128xf32, #tpu.memory_space<hbm>>
        tpu.wait_indirect_dma semaphore(%arg23 : memref<!tpu.dma_semaphore, #tpu.memory_space<semaphore_mem>>) src(%dma_wait3A_100 : memref<10240x128xf32, #tpu.memory_space<hbm>>) dst(%arg17 : memref<128x128xf32, #tpu.memory_space<vmem>>)
        %get3A = arith.constant 0 : index
        %get3A_101 = tpu.vector_load %arg13[%get3A] {strides = array<i32>} : memref<128xi32, #tpu.memory_space<vmem>>, vector<16xi32>,
        %broadcast_in_dim3A_102 = arith.constant true
        %broadcast_in_dim3A_103 = vector.broadcast %broadcast_in_dim3A_102 : i1 to vector<16xi1>
        %unique3A, %unique3A_104 = tpu.scan_count mask(%broadcast_in_dim3A_103 : vector<16xi1>) value(%get3A_101 : vector<16xi32>) : vector<16xi1>, vector<16xi32>
        %convert_element_type3A_105 = arith.sitofp %unique3A_104 : vector<16xi32> to vector<16xf32>
        tpu.vector_store_idx %arg8[%get3A_101], %convert_element_type3A_105 masked %unique3A {add = true} : memref<10240xf32, #tpu.memory_space<vmem>>[vector<16xi32>], vector<16xf32>, vector<16xi1>
        %get3A_106 = arith.constant 16 : index
        %get3A_107 = tpu.vector_load %arg13[%get3A_106] {strides = array<i32>} : memref<128xi32, #tpu.memory_space<vmem>>, vector<16xi32>,
        %broadcast_in_dim3A_108 = arith.constant true
        %broadcast_in_dim3A_109 = vector.broadcast %broadcast_in_dim3A_108 : i1 to vector<16xi1>
        %unique3A_110, %unique3A_111 = tpu.scan_count mask(%broadcast_in_dim3A_109 : vector<16xi1>) value(%get3A_107 : vector<16xi32>) : vector<16xi1>, vector<16xi32>
        %convert_element_type3A_112 = arith.sitofp %unique3A_111 : vector<16xi32> to vector<16xf32>
        tpu.vector_store_idx %arg8[%get3A_107], %convert_element_type3A_112 masked %unique3A_110 {add = true} : memref<10240xf32, #tpu.memory_space<vmem>>[vector<16xi32>], vector<16xf32>, vector<16xi1>
        %get3A_113 = arith.constant 32 : index
        %get3A_114 = tpu.vector_load %arg13[%get3A_113] {strides = array<i32>} : memref<128xi32, #tpu.memory_space<vmem>>, vector<16xi32>,
        %broadcast_in_dim3A_115 = arith.constant true
        %broadcast_in_dim3A_116 = vector.broadcast %broadcast_in_dim3A_115 : i1 to vector<16xi1>
        %unique3A_117, %unique3A_118 = tpu.scan_count mask(%broadcast_in_dim3A_116 : vector<16xi1>) value(%get3A_114 : vector<16xi32>) : vector<16xi1>, vector<16xi32>
        %convert_element_type3A_119 = arith.sitofp %unique3A_118 : vector<16xi32> to vector<16xf32>
        tpu.vector_store_idx %arg8[%get3A_114], %convert_element_type3A_119 masked %unique3A_117 {add = true} : memref<10240xf32, #tpu.memory_space<vmem>>[vector<16xi32>], vector<16xf32>, vector<16xi1>
        %get3A_120 = arith.constant 48 : index
        %get3A_121 = tpu.vector_load %arg13[%get3A_120] {strides = array<i32>} : memref<128xi32, #tpu.memory_space<vmem>>, vector<16xi32>,
        %broadcast_in_dim3A_122 = arith.constant true
        %broadcast_in_dim3A_123 = vector.broadcast %broadcast_in_dim3A_122 : i1 to vector<16xi1>
        %unique3A_124, %unique3A_125 = tpu.scan_count mask(%broadcast_in_dim3A_123 : vector<16xi1>) value(%get3A_121 : vector<16xi32>) : vector<16xi1>, vector<16xi32>
        %convert_element_type3A_126 = arith.sitofp %unique3A_125 : vector<16xi32> to vector<16xf32>
        tpu.vector_store_idx %arg8[%get3A_121], %convert_element_type3A_126 masked %unique3A_124 {add = true} : memref<10240xf32, #tpu.memory_space<vmem>>[vector<16xi32>], vector<16xf32>, vector<16xi1>
        %get3A_127 = arith.constant 64 : index
        %get3A_128 = tpu.vector_load %arg13[%get3A_127] {strides = array<i32>} : memref<128xi32, #tpu.memory_space<vmem>>, vector<16xi32>,
        %broadcast_in_dim3A_129 = arith.constant true
        %broadcast_in_dim3A_130 = vector.broadcast %broadcast_in_dim3A_129 : i1 to vector<16xi1>
        %unique3A_131, %unique3A_132 = tpu.scan_count mask(%broadcast_in_dim3A_130 : vector<16xi1>) value(%get3A_128 : vector<16xi32>) : vector<16xi1>, vector<16xi32>
        %convert_element_type3A_133 = arith.sitofp %unique3A_132 : vector<16xi32> to vector<16xf32>
        tpu.vector_store_idx %arg8[%get3A_128], %convert_element_type3A_133 masked %unique3A_131 {add = true} : memref<10240xf32, #tpu.memory_space<vmem>>[vector<16xi32>], vector<16xf32>, vector<16xi1>
        %get3A_134 = arith.constant 80 : index
        %get3A_135 = tpu.vector_load %arg13[%get3A_134] {strides = array<i32>} : memref<128xi32, #tpu.memory_space<vmem>>, vector<16xi32>,
        %broadcast_in_dim3A_136 = arith.constant true
        %broadcast_in_dim3A_137 = vector.broadcast %broadcast_in_dim3A_136 : i1 to vector<16xi1>
        %unique3A_138, %unique3A_139 = tpu.scan_count mask(%broadcast_in_dim3A_137 : vector<16xi1>) value(%get3A_135 : vector<16xi32>) : vector<16xi1>, vector<16xi32>
        %convert_element_type3A_140 = arith.sitofp %unique3A_139 : vector<16xi32> to vector<16xf32>
        tpu.vector_store_idx %arg8[%get3A_135], %convert_element_type3A_140 masked %unique3A_138 {add = true} : memref<10240xf32, #tpu.memory_space<vmem>>[vector<16xi32>], vector<16xf32>, vector<16xi1>
        %get3A_141 = arith.constant 96 : index
        %get3A_142 = tpu.vector_load %arg13[%get3A_141] {strides = array<i32>} : memref<128xi32, #tpu.memory_space<vmem>>, vector<16xi32>,
        %broadcast_in_dim3A_143 = arith.constant true
        %broadcast_in_dim3A_144 = vector.broadcast %broadcast_in_dim3A_143 : i1 to vector<16xi1>
        %unique3A_145, %unique3A_146 = tpu.scan_count mask(%broadcast_in_dim3A_144 : vector<16xi1>) value(%get3A_142 : vector<16xi32>) : vector<16xi1>, vector<16xi32>
        %convert_element_type3A_147 = arith.sitofp %unique3A_146 : vector<16xi32> to vector<16xf32>
        tpu.vector_store_idx %arg8[%get3A_142], %convert_element_type3A_147 masked %unique3A_145 {add = true} : memref<10240xf32, #tpu.memory_space<vmem>>[vector<16xi32>], vector<16xf32>, vector<16xi1>
        %get3A_148 = arith.constant 112 : index
        %get3A_149 = tpu.vector_load %arg13[%get3A_148] {strides = array<i32>} : memref<128xi32, #tpu.memory_space<vmem>>, vector<16xi32>,
        %broadcast_in_dim3A_150 = arith.constant true
        %broadcast_in_dim3A_151 = vector.broadcast %broadcast_in_dim3A_150 : i1 to vector<16xi1>
        %unique3A_152, %unique3A_153 = tpu.scan_count mask(%broadcast_in_dim3A_151 : vector<16xi1>) value(%get3A_149 : vector<16xi32>) : vector<16xi1>, vector<16xi32>
        %convert_element_type3A_154 = arith.sitofp %unique3A_153 : vector<16xi32> to vector<16xf32>
        tpu.vector_store_idx %arg8[%get3A_149], %convert_element_type3A_154 masked %unique3A_152 {add = true} : memref<10240xf32, #tpu.memory_space<vmem>>[vector<16xi32>], vector<16xf32>, vector<16xi1>
        %dma_start3A_155 = arith.constant 0 : i32
        %dma_start3A_156 = arith.constant 0 : i32
        %dma_start3A_157 = tpu.memref_slice %arg7[%dma_start3A_155, %dma_start3A_156] : memref<10240x128xf32, #tpu.memory_space<vmem_shared>> -> memref<10240x128xf32, #tpu.memory_space<vmem_shared>>
        tpu.enqueue_indirect_dma source(%arg17 : memref<128x128xf32, #tpu.memory_space<vmem>>) target(%dma_start3A_157 : memref<10240x128xf32, #tpu.memory_space<vmem_shared>>) offsets(%arg13 : memref<128xi32, #tpu.memory_space<vmem>>) semaphore(%arg25 : memref<!tpu.dma_semaphore, #tpu.memory_space<semaphore_mem>>) {add = true}
        %dma_wait3A_158 = arith.constant 0 : i32
        %dma_wait3A_159 = arith.constant 0 : i32
        %dma_wait3A_160 = tpu.memref_slice %arg7[%dma_wait3A_158, %dma_wait3A_159] : memref<10240x128xf32, #tpu.memory_space<vmem_shared>> -> memref<10240x128xf32, #tpu.memory_space<vmem_shared>>
        tpu.wait_indirect_dma semaphore(%arg25 : memref<!tpu.dma_semaphore, #tpu.memory_space<semaphore_mem>>) src(%arg17 : memref<128x128xf32, #tpu.memory_space<vmem>>) dst(%dma_wait3A_160 : memref<10240x128xf32, #tpu.memory_space<vmem_shared>>)
        %dma_wait3A_161 = arith.constant 0 : i32
        %dma_wait3A_162 = tpu.memref_slice %arg3[%dma_wait3A_161] : memref<327680xi32, #tpu.memory_space<hbm>> -> memref<128xi32, #tpu.memory_space<hbm>>
        %dma_wait3A_163 = arith.constant 0 : i32
        %dma_wait3A_164 = tpu.memref_slice %arg3[%dma_wait3A_163] : memref<327680xi32, #tpu.memory_space<hbm>> -> memref<128xi32, #tpu.memory_space<hbm>>
        tpu.wait_dma2 semaphore(%arg21 : memref<!tpu.dma_semaphore, #tpu.memory_space<semaphore_mem>>) src(%dma_wait3A_164 : memref<128xi32, #tpu.memory_space<hbm>>) dst(%arg11 : memref<128xi32, #tpu.memory_space<vmem>>)
        %dma_wait3A_165 = arith.constant 0 : i32
        %dma_wait3A_166 = tpu.memref_slice %arg4[%dma_wait3A_165] : memref<327680xi32, #tpu.memory_space<hbm>> -> memref<128xi32, #tpu.memory_space<hbm>>
        %dma_wait3A_167 = arith.constant 0 : i32
        %dma_wait3A_168 = tpu.memref_slice %arg4[%dma_wait3A_167] : memref<327680xi32, #tpu.memory_space<hbm>> -> memref<128xi32, #tpu.memory_space<hbm>>
        tpu.wait_dma2 semaphore(%arg21 : memref<!tpu.dma_semaphore, #tpu.memory_space<semaphore_mem>>) src(%dma_wait3A_168 : memref<128xi32, #tpu.memory_space<hbm>>) dst(%arg15 : memref<128xi32, #tpu.memory_space<vmem>>)
        %dma_start3A_169 = arith.constant 0 : i32
        %dma_start3A_170 = arith.constant 0 : i32
        %dma_start3A_171 = tpu.memref_slice %arg2[%dma_start3A_169, %dma_start3A_170] : memref<10240x128xf32, #tpu.memory_space<hbm>> -> memref<10240x128xf32, #tpu.memory_space<hbm>>
        tpu.enqueue_indirect_dma source(%dma_start3A_171 : memref<10240x128xf32, #tpu.memory_space<hbm>>) target(%arg17 : memref<128x128xf32, #tpu.memory_space<vmem>>) offsets(%arg11 : memref<128xi32, #tpu.memory_space<vmem>>) semaphore(%arg23 : memref<!tpu.dma_semaphore, #tpu.memory_space<semaphore_mem>>)
        %lt3A_172 = arith.constant 36 : i32
        %lt3A_173 = arith.cmpi slt, %scan3A_78, %lt3A_172 : i32
        %convert_element_type3A_174 = arith.extui %lt3A_173 : i1 to i32
        %cond3A_175 = arith.constant 0 : i32
        %cond3A_176 = arith.cmpi ne, %convert_element_type3A_174, %cond3A_175 : i32
        scf.if %cond3A_176 {
          %mul3A_390 = arith.constant 4 : i32
          %mul3A_391 = arith.muli %mul3A_390, %scan3A_78 : i32
          %add3A_392 = arith.constant 1 : i32
          %add3A_393 = arith.addi %mul3A_391, %add3A_392 : i32
          %add3A_394 = arith.constant 3 : i32
          %add3A_395 = arith.addi %add3A_393, %add3A_394 : i32
          %mul3A_396 = arith.constant 128 : i32
          %mul3A_397 = arith.muli %add3A_395, %mul3A_396 : i32
          %add3A_398 = arith.addi %mul3A_41, %mul3A_397 : i32
          %dma_start3A_399 = tpu.memref_slice %arg3[%add3A_398] : memref<327680xi32, #tpu.memory_space<hbm>> -> memref<128xi32, #tpu.memory_space<hbm>>
          %dma_start3A_400 = tpu.memref_slice %arg3[%add3A_398] : memref<327680xi32, #tpu.memory_space<hbm>> -> memref<128xi32, #tpu.memory_space<hbm>>
          tpu.enqueue_dma source(%dma_start3A_400 : memref<128xi32, #tpu.memory_space<hbm>>) target(%arg9 : memref<128xi32, #tpu.memory_space<vmem>>) target_semaphore(%arg19 : memref<!tpu.dma_semaphore, #tpu.memory_space<semaphore_mem>>)
          %dma_start3A_401 = tpu.memref_slice %arg4[%add3A_398] : memref<327680xi32, #tpu.memory_space<hbm>> -> memref<128xi32, #tpu.memory_space<hbm>>
          %dma_start3A_402 = tpu.memref_slice %arg4[%add3A_398] : memref<327680xi32, #tpu.memory_space<hbm>> -> memref<128xi32, #tpu.memory_space<hbm>>
          tpu.enqueue_dma source(%dma_start3A_402 : memref<128xi32, #tpu.memory_space<hbm>>) target(%arg13 : memref<128xi32, #tpu.memory_space<vmem>>) target_semaphore(%arg19 : memref<!tpu.dma_semaphore, #tpu.memory_space<semaphore_mem>>)
        } else {
        }
        %dma_wait3A_177 = arith.constant 0 : i32
        %dma_wait3A_178 = arith.constant 0 : i32
        %dma_wait3A_179 = tpu.memref_slice %arg2[%dma_wait3A_177, %dma_wait3A_178] : memref<10240x128xf32, #tpu.memory_space<hbm>> -> memref<10240x128xf32, #tpu.memory_space<hbm>>
        tpu.wait_indirect_dma semaphore(%arg24 : memref<!tpu.dma_semaphore, #tpu.memory_space<semaphore_mem>>) src(%dma_wait3A_179 : memref<10240x128xf32, #tpu.memory_space<hbm>>) dst(%arg18 : memref<128x128xf32, #tpu.memory_space<vmem>>)
        %get3A_180 = arith.constant 0 : index
        %get3A_181 = tpu.vector_load %arg14[%get3A_180] {strides = array<i32>} : memref<128xi32, #tpu.memory_space<vmem>>, vector<16xi32>,
        %broadcast_in_dim3A_182 = arith.constant true
        %broadcast_in_dim3A_183 = vector.broadcast %broadcast_in_dim3A_182 : i1 to vector<16xi1>
        %unique3A_184, %unique3A_185 = tpu.scan_count mask(%broadcast_in_dim3A_183 : vector<16xi1>) value(%get3A_181 : vector<16xi32>) : vector<16xi1>, vector<16xi32>
        %convert_element_type3A_186 = arith.sitofp %unique3A_185 : vector<16xi32> to vector<16xf32>
        tpu.vector_store_idx %arg8[%get3A_181], %convert_element_type3A_186 masked %unique3A_184 {add = true} : memref<10240xf32, #tpu.memory_space<vmem>>[vector<16xi32>], vector<16xf32>, vector<16xi1>
        %get3A_187 = arith.constant 16 : index
        %get3A_188 = tpu.vector_load %arg14[%get3A_187] {strides = array<i32>} : memref<128xi32, #tpu.memory_space<vmem>>, vector<16xi32>,
        %broadcast_in_dim3A_189 = arith.constant true
        %broadcast_in_dim3A_190 = vector.broadcast %broadcast_in_dim3A_189 : i1 to vector<16xi1>
        %unique3A_191, %unique3A_192 = tpu.scan_count mask(%broadcast_in_dim3A_190 : vector<16xi1>) value(%get3A_188 : vector<16xi32>) : vector<16xi1>, vector<16xi32>
        %convert_element_type3A_193 = arith.sitofp %unique3A_192 : vector<16xi32> to vector<16xf32>
        tpu.vector_store_idx %arg8[%get3A_188], %convert_element_type3A_193 masked %unique3A_191 {add = true} : memref<10240xf32, #tpu.memory_space<vmem>>[vector<16xi32>], vector<16xf32>, vector<16xi1>
        %get3A_194 = arith.constant 32 : index
        %get3A_195 = tpu.vector_load %arg14[%get3A_194] {strides = array<i32>} : memref<128xi32, #tpu.memory_space<vmem>>, vector<16xi32>,
        %broadcast_in_dim3A_196 = arith.constant true
        %broadcast_in_dim3A_197 = vector.broadcast %broadcast_in_dim3A_196 : i1 to vector<16xi1>
        %unique3A_198, %unique3A_199 = tpu.scan_count mask(%broadcast_in_dim3A_197 : vector<16xi1>) value(%get3A_195 : vector<16xi32>) : vector<16xi1>, vector<16xi32>
        %convert_element_type3A_200 = arith.sitofp %unique3A_199 : vector<16xi32> to vector<16xf32>
        tpu.vector_store_idx %arg8[%get3A_195], %convert_element_type3A_200 masked %unique3A_198 {add = true} : memref<10240xf32, #tpu.memory_space<vmem>>[vector<16xi32>], vector<16xf32>, vector<16xi1>
        %get3A_201 = arith.constant 48 : index
        %get3A_202 = tpu.vector_load %arg14[%get3A_201] {strides = array<i32>} : memref<128xi32, #tpu.memory_space<vmem>>, vector<16xi32>,
        %broadcast_in_dim3A_203 = arith.constant true
        %broadcast_in_dim3A_204 = vector.broadcast %broadcast_in_dim3A_203 : i1 to vector<16xi1>
        %unique3A_205, %unique3A_206 = tpu.scan_count mask(%broadcast_in_dim3A_204 : vector<16xi1>) value(%get3A_202 : vector<16xi32>) : vector<16xi1>, vector<16xi32>
        %convert_element_type3A_207 = arith.sitofp %unique3A_206 : vector<16xi32> to vector<16xf32>
        tpu.vector_store_idx %arg8[%get3A_202], %convert_element_type3A_207 masked %unique3A_205 {add = true} : memref<10240xf32, #tpu.memory_space<vmem>>[vector<16xi32>], vector<16xf32>, vector<16xi1>
        %get3A_208 = arith.constant 64 : index
        %get3A_209 = tpu.vector_load %arg14[%get3A_208] {strides = array<i32>} : memref<128xi32, #tpu.memory_space<vmem>>, vector<16xi32>,
        %broadcast_in_dim3A_210 = arith.constant true
        %broadcast_in_dim3A_211 = vector.broadcast %broadcast_in_dim3A_210 : i1 to vector<16xi1>
        %unique3A_212, %unique3A_213 = tpu.scan_count mask(%broadcast_in_dim3A_211 : vector<16xi1>) value(%get3A_209 : vector<16xi32>) : vector<16xi1>, vector<16xi32>
        %convert_element_type3A_214 = arith.sitofp %unique3A_213 : vector<16xi32> to vector<16xf32>
        tpu.vector_store_idx %arg8[%get3A_209], %convert_element_type3A_214 masked %unique3A_212 {add = true} : memref<10240xf32, #tpu.memory_space<vmem>>[vector<16xi32>], vector<16xf32>, vector<16xi1>
        %get3A_215 = arith.constant 80 : index
        %get3A_216 = tpu.vector_load %arg14[%get3A_215] {strides = array<i32>} : memref<128xi32, #tpu.memory_space<vmem>>, vector<16xi32>,
        %broadcast_in_dim3A_217 = arith.constant true
        %broadcast_in_dim3A_218 = vector.broadcast %broadcast_in_dim3A_217 : i1 to vector<16xi1>
        %unique3A_219, %unique3A_220 = tpu.scan_count mask(%broadcast_in_dim3A_218 : vector<16xi1>) value(%get3A_216 : vector<16xi32>) : vector<16xi1>, vector<16xi32>
        %convert_element_type3A_221 = arith.sitofp %unique3A_220 : vector<16xi32> to vector<16xf32>
        tpu.vector_store_idx %arg8[%get3A_216], %convert_element_type3A_221 masked %unique3A_219 {add = true} : memref<10240xf32, #tpu.memory_space<vmem>>[vector<16xi32>], vector<16xf32>, vector<16xi1>
        %get3A_222 = arith.constant 96 : index
        %get3A_223 = tpu.vector_load %arg14[%get3A_222] {strides = array<i32>} : memref<128xi32, #tpu.memory_space<vmem>>, vector<16xi32>,
        %broadcast_in_dim3A_224 = arith.constant true
        %broadcast_in_dim3A_225 = vector.broadcast %broadcast_in_dim3A_224 : i1 to vector<16xi1>
        %unique3A_226, %unique3A_227 = tpu.scan_count mask(%broadcast_in_dim3A_225 : vector<16xi1>) value(%get3A_223 : vector<16xi32>) : vector<16xi1>, vector<16xi32>
        %convert_element_type3A_228 = arith.sitofp %unique3A_227 : vector<16xi32> to vector<16xf32>
        tpu.vector_store_idx %arg8[%get3A_223], %convert_element_type3A_228 masked %unique3A_226 {add = true} : memref<10240xf32, #tpu.memory_space<vmem>>[vector<16xi32>], vector<16xf32>, vector<16xi1>
        %get3A_229 = arith.constant 112 : index
        %get3A_230 = tpu.vector_load %arg14[%get3A_229] {strides = array<i32>} : memref<128xi32, #tpu.memory_space<vmem>>, vector<16xi32>,
        %broadcast_in_dim3A_231 = arith.constant true
        %broadcast_in_dim3A_232 = vector.broadcast %broadcast_in_dim3A_231 : i1 to vector<16xi1>
        %unique3A_233, %unique3A_234 = tpu.scan_count mask(%broadcast_in_dim3A_232 : vector<16xi1>) value(%get3A_230 : vector<16xi32>) : vector<16xi1>, vector<16xi32>
        %convert_element_type3A_235 = arith.sitofp %unique3A_234 : vector<16xi32> to vector<16xf32>
        tpu.vector_store_idx %arg8[%get3A_230], %convert_element_type3A_235 masked %unique3A_233 {add = true} : memref<10240xf32, #tpu.memory_space<vmem>>[vector<16xi32>], vector<16xf32>, vector<16xi1>
        %dma_start3A_236 = arith.constant 0 : i32
        %dma_start3A_237 = arith.constant 0 : i32
        %dma_start3A_238 = tpu.memref_slice %arg7[%dma_start3A_236, %dma_start3A_237] : memref<10240x128xf32, #tpu.memory_space<vmem_shared>> -> memref<10240x128xf32, #tpu.memory_space<vmem_shared>>
        tpu.enqueue_indirect_dma source(%arg18 : memref<128x128xf32, #tpu.memory_space<vmem>>) target(%dma_start3A_238 : memref<10240x128xf32, #tpu.memory_space<vmem_shared>>) offsets(%arg14 : memref<128xi32, #tpu.memory_space<vmem>>) semaphore(%arg26 : memref<!tpu.dma_semaphore, #tpu.memory_space<semaphore_mem>>) {add = true}
        %dma_wait3A_239 = arith.constant 0 : i32
        %dma_wait3A_240 = arith.constant 0 : i32
        %dma_wait3A_241 = tpu.memref_slice %arg7[%dma_wait3A_239, %dma_wait3A_240] : memref<10240x128xf32, #tpu.memory_space<vmem_shared>> -> memref<10240x128xf32, #tpu.memory_space<vmem_shared>>
        tpu.wait_indirect_dma semaphore(%arg26 : memref<!tpu.dma_semaphore, #tpu.memory_space<semaphore_mem>>) src(%arg18 : memref<128x128xf32, #tpu.memory_space<vmem>>) dst(%dma_wait3A_241 : memref<10240x128xf32, #tpu.memory_space<vmem_shared>>)
        %dma_wait3A_242 = arith.constant 0 : i32
        %dma_wait3A_243 = tpu.memref_slice %arg3[%dma_wait3A_242] : memref<327680xi32, #tpu.memory_space<hbm>> -> memref<128xi32, #tpu.memory_space<hbm>>
        %dma_wait3A_244 = arith.constant 0 : i32
        %dma_wait3A_245 = tpu.memref_slice %arg3[%dma_wait3A_244] : memref<327680xi32, #tpu.memory_space<hbm>> -> memref<128xi32, #tpu.memory_space<hbm>>
        tpu.wait_dma2 semaphore(%arg22 : memref<!tpu.dma_semaphore, #tpu.memory_space<semaphore_mem>>) src(%dma_wait3A_245 : memref<128xi32, #tpu.memory_space<hbm>>) dst(%arg12 : memref<128xi32, #tpu.memory_space<vmem>>)
        %dma_wait3A_246 = arith.constant 0 : i32
        %dma_wait3A_247 = tpu.memref_slice %arg4[%dma_wait3A_246] : memref<327680xi32, #tpu.memory_space<hbm>> -> memref<128xi32, #tpu.memory_space<hbm>>
        %dma_wait3A_248 = arith.constant 0 : i32
        %dma_wait3A_249 = tpu.memref_slice %arg4[%dma_wait3A_248] : memref<327680xi32, #tpu.memory_space<hbm>> -> memref<128xi32, #tpu.memory_space<hbm>>
        tpu.wait_dma2 semaphore(%arg22 : memref<!tpu.dma_semaphore, #tpu.memory_space<semaphore_mem>>) src(%dma_wait3A_249 : memref<128xi32, #tpu.memory_space<hbm>>) dst(%arg16 : memref<128xi32, #tpu.memory_space<vmem>>)
        %dma_start3A_250 = arith.constant 0 : i32
        %dma_start3A_251 = arith.constant 0 : i32
        %dma_start3A_252 = tpu.memref_slice %arg2[%dma_start3A_250, %dma_start3A_251] : memref<10240x128xf32, #tpu.memory_space<hbm>> -> memref<10240x128xf32, #tpu.memory_space<hbm>>
        tpu.enqueue_indirect_dma source(%dma_start3A_252 : memref<10240x128xf32, #tpu.memory_space<hbm>>) target(%arg18 : memref<128x128xf32, #tpu.memory_space<vmem>>) offsets(%arg12 : memref<128xi32, #tpu.memory_space<vmem>>) semaphore(%arg24 : memref<!tpu.dma_semaphore, #tpu.memory_space<semaphore_mem>>)
        %lt3A_253 = arith.constant 36 : i32
        %lt3A_254 = arith.cmpi slt, %scan3A_78, %lt3A_253 : i32
        %convert_element_type3A_255 = arith.extui %lt3A_254 : i1 to i32
        %cond3A_256 = arith.constant 0 : i32
        %cond3A_257 = arith.cmpi ne, %convert_element_type3A_255, %cond3A_256 : i32
        scf.if %cond3A_257 {
          %mul3A_390 = arith.constant 4 : i32
          %mul3A_391 = arith.muli %mul3A_390, %scan3A_78 : i32
          %add3A_392 = arith.constant 2 : i32
          %add3A_393 = arith.addi %mul3A_391, %add3A_392 : i32
          %add3A_394 = arith.constant 3 : i32
          %add3A_395 = arith.addi %add3A_393, %add3A_394 : i32
          %mul3A_396 = arith.constant 128 : i32
          %mul3A_397 = arith.muli %add3A_395, %mul3A_396 : i32
          %add3A_398 = arith.addi %mul3A_41, %mul3A_397 : i32
          %dma_start3A_399 = tpu.memref_slice %arg3[%add3A_398] : memref<327680xi32, #tpu.memory_space<hbm>> -> memref<128xi32, #tpu.memory_space<hbm>>
          %dma_start3A_400 = tpu.memref_slice %arg3[%add3A_398] : memref<327680xi32, #tpu.memory_space<hbm>> -> memref<128xi32, #tpu.memory_space<hbm>>
          tpu.enqueue_dma source(%dma_start3A_400 : memref<128xi32, #tpu.memory_space<hbm>>) target(%arg10 : memref<128xi32, #tpu.memory_space<vmem>>) target_semaphore(%arg20 : memref<!tpu.dma_semaphore, #tpu.memory_space<semaphore_mem>>)
          %dma_start3A_401 = tpu.memref_slice %arg4[%add3A_398] : memref<327680xi32, #tpu.memory_space<hbm>> -> memref<128xi32, #tpu.memory_space<hbm>>
          %dma_start3A_402 = tpu.memref_slice %arg4[%add3A_398] : memref<327680xi32, #tpu.memory_space<hbm>> -> memref<128xi32, #tpu.memory_space<hbm>>
          tpu.enqueue_dma source(%dma_start3A_402 : memref<128xi32, #tpu.memory_space<hbm>>) target(%arg14 : memref<128xi32, #tpu.memory_space<vmem>>) target_semaphore(%arg20 : memref<!tpu.dma_semaphore, #tpu.memory_space<semaphore_mem>>)
        } else {
        }
        %dma_wait3A_258 = arith.constant 0 : i32
        %dma_wait3A_259 = arith.constant 0 : i32
        %dma_wait3A_260 = tpu.memref_slice %arg2[%dma_wait3A_258, %dma_wait3A_259] : memref<10240x128xf32, #tpu.memory_space<hbm>> -> memref<10240x128xf32, #tpu.memory_space<hbm>>
        tpu.wait_indirect_dma semaphore(%arg23 : memref<!tpu.dma_semaphore, #tpu.memory_space<semaphore_mem>>) src(%dma_wait3A_260 : memref<10240x128xf32, #tpu.memory_space<hbm>>) dst(%arg17 : memref<128x128xf32, #tpu.memory_space<vmem>>)
        %get3A_261 = arith.constant 0 : index
        %get3A_262 = tpu.vector_load %arg15[%get3A_261] {strides = array<i32>} : memref<128xi32, #tpu.memory_space<vmem>>, vector<16xi32>,
        %broadcast_in_dim3A_263 = arith.constant true
        %broadcast_in_dim3A_264 = vector.broadcast %broadcast_in_dim3A_263 : i1 to vector<16xi1>
        %unique3A_265, %unique3A_266 = tpu.scan_count mask(%broadcast_in_dim3A_264 : vector<16xi1>) value(%get3A_262 : vector<16xi32>) : vector<16xi1>, vector<16xi32>
        %convert_element_type3A_267 = arith.sitofp %unique3A_266 : vector<16xi32> to vector<16xf32>
        tpu.vector_store_idx %arg8[%get3A_262], %convert_element_type3A_267 masked %unique3A_265 {add = true} : memref<10240xf32, #tpu.memory_space<vmem>>[vector<16xi32>], vector<16xf32>, vector<16xi1>
        %get3A_268 = arith.constant 16 : index
        %get3A_269 = tpu.vector_load %arg15[%get3A_268] {strides = array<i32>} : memref<128xi32, #tpu.memory_space<vmem>>, vector<16xi32>,
        %broadcast_in_dim3A_270 = arith.constant true
        %broadcast_in_dim3A_271 = vector.broadcast %broadcast_in_dim3A_270 : i1 to vector<16xi1>
        %unique3A_272, %unique3A_273 = tpu.scan_count mask(%broadcast_in_dim3A_271 : vector<16xi1>) value(%get3A_269 : vector<16xi32>) : vector<16xi1>, vector<16xi32>
        %convert_element_type3A_274 = arith.sitofp %unique3A_273 : vector<16xi32> to vector<16xf32>
        tpu.vector_store_idx %arg8[%get3A_269], %convert_element_type3A_274 masked %unique3A_272 {add = true} : memref<10240xf32, #tpu.memory_space<vmem>>[vector<16xi32>], vector<16xf32>, vector<16xi1>
        %get3A_275 = arith.constant 32 : index
        %get3A_276 = tpu.vector_load %arg15[%get3A_275] {strides = array<i32>} : memref<128xi32, #tpu.memory_space<vmem>>, vector<16xi32>,
        %broadcast_in_dim3A_277 = arith.constant true
        %broadcast_in_dim3A_278 = vector.broadcast %broadcast_in_dim3A_277 : i1 to vector<16xi1>
        %unique3A_279, %unique3A_280 = tpu.scan_count mask(%broadcast_in_dim3A_278 : vector<16xi1>) value(%get3A_276 : vector<16xi32>) : vector<16xi1>, vector<16xi32>
        %convert_element_type3A_281 = arith.sitofp %unique3A_280 : vector<16xi32> to vector<16xf32>
        tpu.vector_store_idx %arg8[%get3A_276], %convert_element_type3A_281 masked %unique3A_279 {add = true} : memref<10240xf32, #tpu.memory_space<vmem>>[vector<16xi32>], vector<16xf32>, vector<16xi1>
        %get3A_282 = arith.constant 48 : index
        %get3A_283 = tpu.vector_load %arg15[%get3A_282] {strides = array<i32>} : memref<128xi32, #tpu.memory_space<vmem>>, vector<16xi32>,
        %broadcast_in_dim3A_284 = arith.constant true
        %broadcast_in_dim3A_285 = vector.broadcast %broadcast_in_dim3A_284 : i1 to vector<16xi1>
        %unique3A_286, %unique3A_287 = tpu.scan_count mask(%broadcast_in_dim3A_285 : vector<16xi1>) value(%get3A_283 : vector<16xi32>) : vector<16xi1>, vector<16xi32>
        %convert_element_type3A_288 = arith.sitofp %unique3A_287 : vector<16xi32> to vector<16xf32>
        tpu.vector_store_idx %arg8[%get3A_283], %convert_element_type3A_288 masked %unique3A_286 {add = true} : memref<10240xf32, #tpu.memory_space<vmem>>[vector<16xi32>], vector<16xf32>, vector<16xi1>
        %get3A_289 = arith.constant 64 : index
        %get3A_290 = tpu.vector_load %arg15[%get3A_289] {strides = array<i32>} : memref<128xi32, #tpu.memory_space<vmem>>, vector<16xi32>,
        %broadcast_in_dim3A_291 = arith.constant true
        %broadcast_in_dim3A_292 = vector.broadcast %broadcast_in_dim3A_291 : i1 to vector<16xi1>
        %unique3A_293, %unique3A_294 = tpu.scan_count mask(%broadcast_in_dim3A_292 : vector<16xi1>) value(%get3A_290 : vector<16xi32>) : vector<16xi1>, vector<16xi32>
        %convert_element_type3A_295 = arith.sitofp %unique3A_294 : vector<16xi32> to vector<16xf32>
        tpu.vector_store_idx %arg8[%get3A_290], %convert_element_type3A_295 masked %unique3A_293 {add = true} : memref<10240xf32, #tpu.memory_space<vmem>>[vector<16xi32>], vector<16xf32>, vector<16xi1>
        %get3A_296 = arith.constant 80 : index
        %get3A_297 = tpu.vector_load %arg15[%get3A_296] {strides = array<i32>} : memref<128xi32, #tpu.memory_space<vmem>>, vector<16xi32>,
        %broadcast_in_dim3A_298 = arith.constant true
        %broadcast_in_dim3A_299 = vector.broadcast %broadcast_in_dim3A_298 : i1 to vector<16xi1>
        %unique3A_300, %unique3A_301 = tpu.scan_count mask(%broadcast_in_dim3A_299 : vector<16xi1>) value(%get3A_297 : vector<16xi32>) : vector<16xi1>, vector<16xi32>
        %convert_element_type3A_302 = arith.sitofp %unique3A_301 : vector<16xi32> to vector<16xf32>
        tpu.vector_store_idx %arg8[%get3A_297], %convert_element_type3A_302 masked %unique3A_300 {add = true} : memref<10240xf32, #tpu.memory_space<vmem>>[vector<16xi32>], vector<16xf32>, vector<16xi1>
        %get3A_303 = arith.constant 96 : index
        %get3A_304 = tpu.vector_load %arg15[%get3A_303] {strides = array<i32>} : memref<128xi32, #tpu.memory_space<vmem>>, vector<16xi32>,
        %broadcast_in_dim3A_305 = arith.constant true
        %broadcast_in_dim3A_306 = vector.broadcast %broadcast_in_dim3A_305 : i1 to vector<16xi1>
        %unique3A_307, %unique3A_308 = tpu.scan_count mask(%broadcast_in_dim3A_306 : vector<16xi1>) value(%get3A_304 : vector<16xi32>) : vector<16xi1>, vector<16xi32>
        %convert_element_type3A_309 = arith.sitofp %unique3A_308 : vector<16xi32> to vector<16xf32>
        tpu.vector_store_idx %arg8[%get3A_304], %convert_element_type3A_309 masked %unique3A_307 {add = true} : memref<10240xf32, #tpu.memory_space<vmem>>[vector<16xi32>], vector<16xf32>, vector<16xi1>
        %get3A_310 = arith.constant 112 : index
        %get3A_311 = tpu.vector_load %arg15[%get3A_310] {strides = array<i32>} : memref<128xi32, #tpu.memory_space<vmem>>, vector<16xi32>,
        %broadcast_in_dim3A_312 = arith.constant true
        %broadcast_in_dim3A_313 = vector.broadcast %broadcast_in_dim3A_312 : i1 to vector<16xi1>
        %unique3A_314, %unique3A_315 = tpu.scan_count mask(%broadcast_in_dim3A_313 : vector<16xi1>) value(%get3A_311 : vector<16xi32>) : vector<16xi1>, vector<16xi32>
        %convert_element_type3A_316 = arith.sitofp %unique3A_315 : vector<16xi32> to vector<16xf32>
        tpu.vector_store_idx %arg8[%get3A_311], %convert_element_type3A_316 masked %unique3A_314 {add = true} : memref<10240xf32, #tpu.memory_space<vmem>>[vector<16xi32>], vector<16xf32>, vector<16xi1>
        %dma_start3A_317 = arith.constant 0 : i32
        %dma_start3A_318 = arith.constant 0 : i32
        %dma_start3A_319 = tpu.memref_slice %arg7[%dma_start3A_317, %dma_start3A_318] : memref<10240x128xf32, #tpu.memory_space<vmem_shared>> -> memref<10240x128xf32, #tpu.memory_space<vmem_shared>>
        tpu.enqueue_indirect_dma source(%arg17 : memref<128x128xf32, #tpu.memory_space<vmem>>) target(%dma_start3A_319 : memref<10240x128xf32, #tpu.memory_space<vmem_shared>>) offsets(%arg15 : memref<128xi32, #tpu.memory_space<vmem>>) semaphore(%arg25 : memref<!tpu.dma_semaphore, #tpu.memory_space<semaphore_mem>>) {add = true}
        %dma_wait3A_320 = arith.constant 0 : i32
        %dma_wait3A_321 = arith.constant 0 : i32
        %dma_wait3A_322 = tpu.memref_slice %arg7[%dma_wait3A_320, %dma_wait3A_321] : memref<10240x128xf32, #tpu.memory_space<vmem_shared>> -> memref<10240x128xf32, #tpu.memory_space<vmem_shared>>
        tpu.wait_indirect_dma semaphore(%arg25 : memref<!tpu.dma_semaphore, #tpu.memory_space<semaphore_mem>>) src(%arg17 : memref<128x128xf32, #tpu.memory_space<vmem>>) dst(%dma_wait3A_322 : memref<10240x128xf32, #tpu.memory_space<vmem_shared>>)
        %lt3A_323 = arith.constant 36 : i32
        %lt3A_324 = arith.cmpi slt, %scan3A_78, %lt3A_323 : i32
        %convert_element_type3A_325 = arith.extui %lt3A_324 : i1 to i32
        %cond3A_326 = arith.constant 0 : i32
        %cond3A_327 = arith.cmpi ne, %convert_element_type3A_325, %cond3A_326 : i32
        scf.if %cond3A_327 {
          %dma_wait3A_390 = arith.constant 0 : i32
          %dma_wait3A_391 = tpu.memref_slice %arg3[%dma_wait3A_390] : memref<327680xi32, #tpu.memory_space<hbm>> -> memref<128xi32, #tpu.memory_space<hbm>>
          %dma_wait3A_392 = arith.constant 0 : i32
          %dma_wait3A_393 = tpu.memref_slice %arg3[%dma_wait3A_392] : memref<327680xi32, #tpu.memory_space<hbm>> -> memref<128xi32, #tpu.memory_space<hbm>>
          tpu.wait_dma2 semaphore(%arg19 : memref<!tpu.dma_semaphore, #tpu.memory_space<semaphore_mem>>) src(%dma_wait3A_393 : memref<128xi32, #tpu.memory_space<hbm>>) dst(%arg9 : memref<128xi32, #tpu.memory_space<vmem>>)
          %dma_wait3A_394 = arith.constant 0 : i32
          %dma_wait3A_395 = tpu.memref_slice %arg4[%dma_wait3A_394] : memref<327680xi32, #tpu.memory_space<hbm>> -> memref<128xi32, #tpu.memory_space<hbm>>
          %dma_wait3A_396 = arith.constant 0 : i32
          %dma_wait3A_397 = tpu.memref_slice %arg4[%dma_wait3A_396] : memref<327680xi32, #tpu.memory_space<hbm>> -> memref<128xi32, #tpu.memory_space<hbm>>
          tpu.wait_dma2 semaphore(%arg19 : memref<!tpu.dma_semaphore, #tpu.memory_space<semaphore_mem>>) src(%dma_wait3A_397 : memref<128xi32, #tpu.memory_space<hbm>>) dst(%arg13 : memref<128xi32, #tpu.memory_space<vmem>>)
          %dma_start3A_398 = arith.constant 0 : i32
          %dma_start3A_399 = arith.constant 0 : i32
          %dma_start3A_400 = tpu.memref_slice %arg2[%dma_start3A_398, %dma_start3A_399] : memref<10240x128xf32, #tpu.memory_space<hbm>> -> memref<10240x128xf32, #tpu.memory_space<hbm>>
          tpu.enqueue_indirect_dma source(%dma_start3A_400 : memref<10240x128xf32, #tpu.memory_space<hbm>>) target(%arg17 : memref<128x128xf32, #tpu.memory_space<vmem>>) offsets(%arg9 : memref<128xi32, #tpu.memory_space<vmem>>) semaphore(%arg23 : memref<!tpu.dma_semaphore, #tpu.memory_space<semaphore_mem>>)
          %mul3A_401 = arith.constant 4 : i32
          %mul3A_402 = arith.muli %mul3A_401, %scan3A_78 : i32
          %add3A_403 = arith.constant 6 : i32
          %add3A_404 = arith.addi %mul3A_402, %add3A_403 : i32
          %mul3A_405 = arith.constant 128 : i32
          %mul3A_406 = arith.muli %add3A_404, %mul3A_405 : i32
          %add3A_407 = arith.addi %mul3A_41, %mul3A_406 : i32
          %dma_start3A_408 = tpu.memref_slice %arg3[%add3A_407] : memref<327680xi32, #tpu.memory_space<hbm>> -> memref<128xi32, #tpu.memory_space<hbm>>
          %dma_start3A_409 = tpu.memref_slice %arg3[%add3A_407] : memref<327680xi32, #tpu.memory_space<hbm>> -> memref<128xi32, #tpu.memory_space<hbm>>
          tpu.enqueue_dma source(%dma_start3A_409 : memref<128xi32, #tpu.memory_space<hbm>>) target(%arg11 : memref<128xi32, #tpu.memory_space<vmem>>) target_semaphore(%arg21 : memref<!tpu.dma_semaphore, #tpu.memory_space<semaphore_mem>>)
          %dma_start3A_410 = tpu.memref_slice %arg4[%add3A_407] : memref<327680xi32, #tpu.memory_space<hbm>> -> memref<128xi32, #tpu.memory_space<hbm>>
          %dma_start3A_411 = tpu.memref_slice %arg4[%add3A_407] : memref<327680xi32, #tpu.memory_space<hbm>> -> memref<128xi32, #tpu.memory_space<hbm>>
          tpu.enqueue_dma source(%dma_start3A_411 : memref<128xi32, #tpu.memory_space<hbm>>) target(%arg15 : memref<128xi32, #tpu.memory_space<vmem>>) target_semaphore(%arg21 : memref<!tpu.dma_semaphore, #tpu.memory_space<semaphore_mem>>)
        } else {
        }
        %dma_wait3A_328 = arith.constant 0 : i32
        %dma_wait3A_329 = arith.constant 0 : i32
        %dma_wait3A_330 = tpu.memref_slice %arg2[%dma_wait3A_328, %dma_wait3A_329] : memref<10240x128xf32, #tpu.memory_space<hbm>> -> memref<10240x128xf32, #tpu.memory_space<hbm>>
        tpu.wait_indirect_dma semaphore(%arg24 : memref<!tpu.dma_semaphore, #tpu.memory_space<semaphore_mem>>) src(%dma_wait3A_330 : memref<10240x128xf32, #tpu.memory_space<hbm>>) dst(%arg18 : memref<128x128xf32, #tpu.memory_space<vmem>>)
        %get3A_331 = arith.constant 0 : index
        %get3A_332 = tpu.vector_load %arg16[%get3A_331] {strides = array<i32>} : memref<128xi32, #tpu.memory_space<vmem>>, vector<16xi32>,
        %broadcast_in_dim3A_333 = arith.constant true
        %broadcast_in_dim3A_334 = vector.broadcast %broadcast_in_dim3A_333 : i1 to vector<16xi1>
        %unique3A_335, %unique3A_336 = tpu.scan_count mask(%broadcast_in_dim3A_334 : vector<16xi1>) value(%get3A_332 : vector<16xi32>) : vector<16xi1>, vector<16xi32>
        %convert_element_type3A_337 = arith.sitofp %unique3A_336 : vector<16xi32> to vector<16xf32>
        tpu.vector_store_idx %arg8[%get3A_332], %convert_element_type3A_337 masked %unique3A_335 {add = true} : memref<10240xf32, #tpu.memory_space<vmem>>[vector<16xi32>], vector<16xf32>, vector<16xi1>
        %get3A_338 = arith.constant 16 : index
        %get3A_339 = tpu.vector_load %arg16[%get3A_338] {strides = array<i32>} : memref<128xi32, #tpu.memory_space<vmem>>, vector<16xi32>,
        %broadcast_in_dim3A_340 = arith.constant true
        %broadcast_in_dim3A_341 = vector.broadcast %broadcast_in_dim3A_340 : i1 to vector<16xi1>
        %unique3A_342, %unique3A_343 = tpu.scan_count mask(%broadcast_in_dim3A_341 : vector<16xi1>) value(%get3A_339 : vector<16xi32>) : vector<16xi1>, vector<16xi32>
        %convert_element_type3A_344 = arith.sitofp %unique3A_343 : vector<16xi32> to vector<16xf32>
        tpu.vector_store_idx %arg8[%get3A_339], %convert_element_type3A_344 masked %unique3A_342 {add = true} : memref<10240xf32, #tpu.memory_space<vmem>>[vector<16xi32>], vector<16xf32>, vector<16xi1>
        %get3A_345 = arith.constant 32 : index
        %get3A_346 = tpu.vector_load %arg16[%get3A_345] {strides = array<i32>} : memref<128xi32, #tpu.memory_space<vmem>>, vector<16xi32>,
        %broadcast_in_dim3A_347 = arith.constant true
        %broadcast_in_dim3A_348 = vector.broadcast %broadcast_in_dim3A_347 : i1 to vector<16xi1>
        %unique3A_349, %unique3A_350 = tpu.scan_count mask(%broadcast_in_dim3A_348 : vector<16xi1>) value(%get3A_346 : vector<16xi32>) : vector<16xi1>, vector<16xi32>
        %convert_element_type3A_351 = arith.sitofp %unique3A_350 : vector<16xi32> to vector<16xf32>
        tpu.vector_store_idx %arg8[%get3A_346], %convert_element_type3A_351 masked %unique3A_349 {add = true} : memref<10240xf32, #tpu.memory_space<vmem>>[vector<16xi32>], vector<16xf32>, vector<16xi1>
        %get3A_352 = arith.constant 48 : index
        %get3A_353 = tpu.vector_load %arg16[%get3A_352] {strides = array<i32>} : memref<128xi32, #tpu.memory_space<vmem>>, vector<16xi32>,
        %broadcast_in_dim3A_354 = arith.constant true
        %broadcast_in_dim3A_355 = vector.broadcast %broadcast_in_dim3A_354 : i1 to vector<16xi1>
        %unique3A_356, %unique3A_357 = tpu.scan_count mask(%broadcast_in_dim3A_355 : vector<16xi1>) value(%get3A_353 : vector<16xi32>) : vector<16xi1>, vector<16xi32>
        %convert_element_type3A_358 = arith.sitofp %unique3A_357 : vector<16xi32> to vector<16xf32>
        tpu.vector_store_idx %arg8[%get3A_353], %convert_element_type3A_358 masked %unique3A_356 {add = true} : memref<10240xf32, #tpu.memory_space<vmem>>[vector<16xi32>], vector<16xf32>, vector<16xi1>
        %get3A_359 = arith.constant 64 : index
        %get3A_360 = tpu.vector_load %arg16[%get3A_359] {strides = array<i32>} : memref<128xi32, #tpu.memory_space<vmem>>, vector<16xi32>,
        %broadcast_in_dim3A_361 = arith.constant true
        %broadcast_in_dim3A_362 = vector.broadcast %broadcast_in_dim3A_361 : i1 to vector<16xi1>
        %unique3A_363, %unique3A_364 = tpu.scan_count mask(%broadcast_in_dim3A_362 : vector<16xi1>) value(%get3A_360 : vector<16xi32>) : vector<16xi1>, vector<16xi32>
        %convert_element_type3A_365 = arith.sitofp %unique3A_364 : vector<16xi32> to vector<16xf32>
        tpu.vector_store_idx %arg8[%get3A_360], %convert_element_type3A_365 masked %unique3A_363 {add = true} : memref<10240xf32, #tpu.memory_space<vmem>>[vector<16xi32>], vector<16xf32>, vector<16xi1>
        %get3A_366 = arith.constant 80 : index
        %get3A_367 = tpu.vector_load %arg16[%get3A_366] {strides = array<i32>} : memref<128xi32, #tpu.memory_space<vmem>>, vector<16xi32>,
        %broadcast_in_dim3A_368 = arith.constant true
        %broadcast_in_dim3A_369 = vector.broadcast %broadcast_in_dim3A_368 : i1 to vector<16xi1>
        %unique3A_370, %unique3A_371 = tpu.scan_count mask(%broadcast_in_dim3A_369 : vector<16xi1>) value(%get3A_367 : vector<16xi32>) : vector<16xi1>, vector<16xi32>
        %convert_element_type3A_372 = arith.sitofp %unique3A_371 : vector<16xi32> to vector<16xf32>
        tpu.vector_store_idx %arg8[%get3A_367], %convert_element_type3A_372 masked %unique3A_370 {add = true} : memref<10240xf32, #tpu.memory_space<vmem>>[vector<16xi32>], vector<16xf32>, vector<16xi1>
        %get3A_373 = arith.constant 96 : index
        %get3A_374 = tpu.vector_load %arg16[%get3A_373] {strides = array<i32>} : memref<128xi32, #tpu.memory_space<vmem>>, vector<16xi32>,
        %broadcast_in_dim3A_375 = arith.constant true
        %broadcast_in_dim3A_376 = vector.broadcast %broadcast_in_dim3A_375 : i1 to vector<16xi1>
        %unique3A_377, %unique3A_378 = tpu.scan_count mask(%broadcast_in_dim3A_376 : vector<16xi1>) value(%get3A_374 : vector<16xi32>) : vector<16xi1>, vector<16xi32>
        %convert_element_type3A_379 = arith.sitofp %unique3A_378 : vector<16xi32> to vector<16xf32>
        tpu.vector_store_idx %arg8[%get3A_374], %convert_element_type3A_379 masked %unique3A_377 {add = true} : memref<10240xf32, #tpu.memory_space<vmem>>[vector<16xi32>], vector<16xf32>, vector<16xi1>
        %get3A_380 = arith.constant 112 : index
        %get3A_381 = tpu.vector_load %arg16[%get3A_380] {strides = array<i32>} : memref<128xi32, #tpu.memory_space<vmem>>, vector<16xi32>,
        %broadcast_in_dim3A_382 = arith.constant true
        %broadcast_in_dim3A_383 = vector.broadcast %broadcast_in_dim3A_382 : i1 to vector<16xi1>
        %unique3A_384, %unique3A_385 = tpu.scan_count mask(%broadcast_in_dim3A_383 : vector<16xi1>) value(%get3A_381 : vector<16xi32>) : vector<16xi1>, vector<16xi32>
        %convert_element_type3A_386 = arith.sitofp %unique3A_385 : vector<16xi32> to vector<16xf32>
        tpu.vector_store_idx %arg8[%get3A_381], %convert_element_type3A_386 masked %unique3A_384 {add = true} : memref<10240xf32, #tpu.memory_space<vmem>>[vector<16xi32>], vector<16xf32>, vector<16xi1>
        %dma_start3A_387 = arith.constant 0 : i32
        %dma_start3A_388 = arith.constant 0 : i32
        %dma_start3A_389 = tpu.memref_slice %arg7[%dma_start3A_387, %dma_start3A_388] : memref<10240x128xf32, #tpu.memory_space<vmem_shared>> -> memref<10240x128xf32, #tpu.memory_space<vmem_shared>>
        tpu.enqueue_indirect_dma source(%arg18 : memref<128x128xf32, #tpu.memory_space<vmem>>) target(%dma_start3A_389 : memref<10240x128xf32, #tpu.memory_space<vmem_shared>>) offsets(%arg16 : memref<128xi32, #tpu.memory_space<vmem>>) semaphore(%arg26 : memref<!tpu.dma_semaphore, #tpu.memory_space<semaphore_mem>>) {add = true}
      }
      %scan3A_74 = arith.constant 37 : i32
      %dma_wait3A_75 = arith.constant 0 : i32
      %dma_wait3A_76 = arith.constant 0 : i32
      %dma_wait3A_77 = tpu.memref_slice %arg7[%dma_wait3A_75, %dma_wait3A_76] : memref<10240x128xf32, #tpu.memory_space<vmem_shared>> -> memref<10240x128xf32, #tpu.memory_space<vmem_shared>>
      tpu.wait_indirect_dma semaphore(%arg26 : memref<!tpu.dma_semaphore, #tpu.memory_space<semaphore_mem>>) src(%arg18 : memref<128x128xf32, #tpu.memory_space<vmem>>) dst(%dma_wait3A_77 : memref<10240x128xf32, #tpu.memory_space<vmem_shared>>)
    } else {
    }
    %eq3A_24 = arith.constant 1 : i32
    %eq3A_25 = arith.cmpi eq, %arg0, %eq3A_24 : i32
    %convert_element_type3A_26 = arith.extui %eq3A_25 : i1 to i32
    %cond3A_27 = arith.constant 0 : i32
    %cond3A_28 = arith.cmpi ne, %convert_element_type3A_26, %cond3A_27 : i32
    scf.if %cond3A_28 {
      %mul3A_40 = arith.constant 1536 : i32
      %mul3A_41 = arith.muli %arg1, %mul3A_40 : i32
      %add3A_42 = arith.constant 303104 : i32
      %add3A_43 = arith.addi %add3A_42, %mul3A_41 : i32
      %add3A_44 = arith.constant 0 : i32
      %add3A_45 = arith.addi %add3A_43, %add3A_44 : i32
      %dma_start3A = tpu.memref_slice %arg3[%add3A_45] : memref<327680xi32, #tpu.memory_space<hbm>> -> memref<128xi32, #tpu.memory_space<hbm>>
      %dma_start3A_46 = tpu.memref_slice %arg3[%add3A_45] : memref<327680xi32, #tpu.memory_space<hbm>> -> memref<128xi32, #tpu.memory_space<hbm>>
      tpu.enqueue_dma source(%dma_start3A_46 : memref<128xi32, #tpu.memory_space<hbm>>) target(%arg9 : memref<128xi32, #tpu.memory_space<vmem>>) target_semaphore(%arg19 : memref<!tpu.dma_semaphore, #tpu.memory_space<semaphore_mem>>)
      %dma_start3A_47 = tpu.memref_slice %arg4[%add3A_45] : memref<327680xi32, #tpu.memory_space<hbm>> -> memref<128xi32, #tpu.memory_space<hbm>>
      %dma_start3A_48 = tpu.memref_slice %arg4[%add3A_45] : memref<327680xi32, #tpu.memory_space<hbm>> -> memref<128xi32, #tpu.memory_space<hbm>>
      tpu.enqueue_dma source(%dma_start3A_48 : memref<128xi32, #tpu.memory_space<hbm>>) target(%arg13 : memref<128xi32, #tpu.memory_space<vmem>>) target_semaphore(%arg19 : memref<!tpu.dma_semaphore, #tpu.memory_space<semaphore_mem>>)
      %add3A_49 = arith.constant 128 : i32
      %add3A_50 = arith.addi %add3A_43, %add3A_49 : i32
      %dma_start3A_51 = tpu.memref_slice %arg3[%add3A_50] : memref<327680xi32, #tpu.memory_space<hbm>> -> memref<128xi32, #tpu.memory_space<hbm>>
      %dma_start3A_52 = tpu.memref_slice %arg3[%add3A_50] : memref<327680xi32, #tpu.memory_space<hbm>> -> memref<128xi32, #tpu.memory_space<hbm>>
      tpu.enqueue_dma source(%dma_start3A_52 : memref<128xi32, #tpu.memory_space<hbm>>) target(%arg10 : memref<128xi32, #tpu.memory_space<vmem>>) target_semaphore(%arg20 : memref<!tpu.dma_semaphore, #tpu.memory_space<semaphore_mem>>)
      %dma_start3A_53 = tpu.memref_slice %arg4[%add3A_50] : memref<327680xi32, #tpu.memory_space<hbm>> -> memref<128xi32, #tpu.memory_space<hbm>>
      %dma_start3A_54 = tpu.memref_slice %arg4[%add3A_50] : memref<327680xi32, #tpu.memory_space<hbm>> -> memref<128xi32, #tpu.memory_space<hbm>>
      tpu.enqueue_dma source(%dma_start3A_54 : memref<128xi32, #tpu.memory_space<hbm>>) target(%arg14 : memref<128xi32, #tpu.memory_space<vmem>>) target_semaphore(%arg20 : memref<!tpu.dma_semaphore, #tpu.memory_space<semaphore_mem>>)
      %add3A_55 = arith.constant 256 : i32
      %add3A_56 = arith.addi %add3A_43, %add3A_55 : i32
      %dma_start3A_57 = tpu.memref_slice %arg3[%add3A_56] : memref<327680xi32, #tpu.memory_space<hbm>> -> memref<128xi32, #tpu.memory_space<hbm>>
      %dma_start3A_58 = tpu.memref_slice %arg3[%add3A_56] : memref<327680xi32, #tpu.memory_space<hbm>> -> memref<128xi32, #tpu.memory_space<hbm>>
      tpu.enqueue_dma source(%dma_start3A_58 : memref<128xi32, #tpu.memory_space<hbm>>) target(%arg11 : memref<128xi32, #tpu.memory_space<vmem>>) target_semaphore(%arg21 : memref<!tpu.dma_semaphore, #tpu.memory_space<semaphore_mem>>)
      %dma_start3A_59 = tpu.memref_slice %arg4[%add3A_56] : memref<327680xi32, #tpu.memory_space<hbm>> -> memref<128xi32, #tpu.memory_space<hbm>>
      %dma_start3A_60 = tpu.memref_slice %arg4[%add3A_56] : memref<327680xi32, #tpu.memory_space<hbm>> -> memref<128xi32, #tpu.memory_space<hbm>>
      tpu.enqueue_dma source(%dma_start3A_60 : memref<128xi32, #tpu.memory_space<hbm>>) target(%arg15 : memref<128xi32, #tpu.memory_space<vmem>>) target_semaphore(%arg21 : memref<!tpu.dma_semaphore, #tpu.memory_space<semaphore_mem>>)
      %dma_wait3A = arith.constant 0 : i32
      %dma_wait3A_61 = tpu.memref_slice %arg3[%dma_wait3A] : memref<327680xi32, #tpu.memory_space<hbm>> -> memref<128xi32, #tpu.memory_space<hbm>>
      %dma_wait3A_62 = arith.constant 0 : i32
      %dma_wait3A_63 = tpu.memref_slice %arg3[%dma_wait3A_62] : memref<327680xi32, #tpu.memory_space<hbm>> -> memref<128xi32, #tpu.memory_space<hbm>>
      tpu.wait_dma2 semaphore(%arg19 : memref<!tpu.dma_semaphore, #tpu.memory_space<semaphore_mem>>) src(%dma_wait3A_63 : memref<128xi32, #tpu.memory_space<hbm>>) dst(%arg9 : memref<128xi32, #tpu.memory_space<vmem>>)
      %dma_wait3A_64 = arith.constant 0 : i32
      %dma_wait3A_65 = tpu.memref_slice %arg4[%dma_wait3A_64] : memref<327680xi32, #tpu.memory_space<hbm>> -> memref<128xi32, #tpu.memory_space<hbm>>
      %dma_wait3A_66 = arith.constant 0 : i32
      %dma_wait3A_67 = tpu.memref_slice %arg4[%dma_wait3A_66] : memref<327680xi32, #tpu.memory_space<hbm>> -> memref<128xi32, #tpu.memory_space<hbm>>
      tpu.wait_dma2 semaphore(%arg19 : memref<!tpu.dma_semaphore, #tpu.memory_space<semaphore_mem>>) src(%dma_wait3A_67 : memref<128xi32, #tpu.memory_space<hbm>>) dst(%arg13 : memref<128xi32, #tpu.memory_space<vmem>>)
      %dma_start3A_68 = arith.constant 0 : i32
      %dma_start3A_69 = arith.constant 0 : i32
      %dma_start3A_70 = tpu.memref_slice %arg2[%dma_start3A_68, %dma_start3A_69] : memref<10240x128xf32, #tpu.memory_space<hbm>> -> memref<10240x128xf32, #tpu.memory_space<hbm>>
      tpu.enqueue_indirect_dma source(%dma_start3A_70 : memref<10240x128xf32, #tpu.memory_space<hbm>>) target(%arg17 : memref<128x128xf32, #tpu.memory_space<vmem>>) offsets(%arg9 : memref<128xi32, #tpu.memory_space<vmem>>) semaphore(%arg23 : memref<!tpu.dma_semaphore, #tpu.memory_space<semaphore_mem>>)
      %scan3A_71 = arith.constant 0 : i32
      %scan3A_72 = arith.constant 0 : i32
      %scan3A_73 = arith.constant 3 : i32
      %scan3A_74 = arith.addi %scan3A_72, %scan3A_73 : i32
      %scan3A_75 = arith.constant 1 : i32
      scf.for %scan3A_80 = %scan3A_72 to %scan3A_74 step %scan3A_75  : i32 {
        %ge3A = arith.constant 1 : i32
        %ge3A_81 = arith.cmpi sge, %scan3A_80, %ge3A : i32
        %convert_element_type3A_82 = arith.extui %ge3A_81 : i1 to i32
        %cond3A_83 = arith.constant 0 : i32
        %cond3A_84 = arith.cmpi ne, %convert_element_type3A_82, %cond3A_83 : i32
        scf.if %cond3A_84 {
          %dma_wait3A_392 = arith.constant 0 : i32
          %dma_wait3A_393 = arith.constant 0 : i32
          %dma_wait3A_394 = tpu.memref_slice %arg7[%dma_wait3A_392, %dma_wait3A_393] : memref<10240x128xf32, #tpu.memory_space<vmem_shared>> -> memref<10240x128xf32, #tpu.memory_space<vmem_shared>>
          tpu.wait_indirect_dma semaphore(%arg26 : memref<!tpu.dma_semaphore, #tpu.memory_space<semaphore_mem>>) src(%arg18 : memref<128x128xf32, #tpu.memory_space<vmem>>) dst(%dma_wait3A_394 : memref<10240x128xf32, #tpu.memory_space<vmem_shared>>)
        } else {
        }
        %dma_wait3A_85 = arith.constant 0 : i32
        %dma_wait3A_86 = tpu.memref_slice %arg3[%dma_wait3A_85] : memref<327680xi32, #tpu.memory_space<hbm>> -> memref<128xi32, #tpu.memory_space<hbm>>
        %dma_wait3A_87 = arith.constant 0 : i32
        %dma_wait3A_88 = tpu.memref_slice %arg3[%dma_wait3A_87] : memref<327680xi32, #tpu.memory_space<hbm>> -> memref<128xi32, #tpu.memory_space<hbm>>
        tpu.wait_dma2 semaphore(%arg20 : memref<!tpu.dma_semaphore, #tpu.memory_space<semaphore_mem>>) src(%dma_wait3A_88 : memref<128xi32, #tpu.memory_space<hbm>>) dst(%arg10 : memref<128xi32, #tpu.memory_space<vmem>>)
        %dma_wait3A_89 = arith.constant 0 : i32
        %dma_wait3A_90 = tpu.memref_slice %arg4[%dma_wait3A_89] : memref<327680xi32, #tpu.memory_space<hbm>> -> memref<128xi32, #tpu.memory_space<hbm>>
        %dma_wait3A_91 = arith.constant 0 : i32
        %dma_wait3A_92 = tpu.memref_slice %arg4[%dma_wait3A_91] : memref<327680xi32, #tpu.memory_space<hbm>> -> memref<128xi32, #tpu.memory_space<hbm>>
        tpu.wait_dma2 semaphore(%arg20 : memref<!tpu.dma_semaphore, #tpu.memory_space<semaphore_mem>>) src(%dma_wait3A_92 : memref<128xi32, #tpu.memory_space<hbm>>) dst(%arg14 : memref<128xi32, #tpu.memory_space<vmem>>)
        %dma_start3A_93 = arith.constant 0 : i32
        %dma_start3A_94 = arith.constant 0 : i32
        %dma_start3A_95 = tpu.memref_slice %arg2[%dma_start3A_93, %dma_start3A_94] : memref<10240x128xf32, #tpu.memory_space<hbm>> -> memref<10240x128xf32, #tpu.memory_space<hbm>>
        tpu.enqueue_indirect_dma source(%dma_start3A_95 : memref<10240x128xf32, #tpu.memory_space<hbm>>) target(%arg18 : memref<128x128xf32, #tpu.memory_space<vmem>>) offsets(%arg10 : memref<128xi32, #tpu.memory_space<vmem>>) semaphore(%arg24 : memref<!tpu.dma_semaphore, #tpu.memory_space<semaphore_mem>>)
        %lt3A = arith.constant 3 : i32
        %lt3A_96 = arith.cmpi slt, %scan3A_80, %lt3A : i32
        %convert_element_type3A_97 = arith.extui %lt3A_96 : i1 to i32
        %cond3A_98 = arith.constant 0 : i32
        %cond3A_99 = arith.cmpi ne, %convert_element_type3A_97, %cond3A_98 : i32
        scf.if %cond3A_99 {
          %mul3A_392 = arith.constant 4 : i32
          %mul3A_393 = arith.muli %mul3A_392, %scan3A_80 : i32
          %add3A_394 = arith.constant 0 : i32
          %add3A_395 = arith.addi %mul3A_393, %add3A_394 : i32
          %add3A_396 = arith.constant 3 : i32
          %add3A_397 = arith.addi %add3A_395, %add3A_396 : i32
          %mul3A_398 = arith.constant 128 : i32
          %mul3A_399 = arith.muli %add3A_397, %mul3A_398 : i32
          %add3A_400 = arith.addi %add3A_43, %mul3A_399 : i32
          %dma_start3A_401 = tpu.memref_slice %arg3[%add3A_400] : memref<327680xi32, #tpu.memory_space<hbm>> -> memref<128xi32, #tpu.memory_space<hbm>>
          %dma_start3A_402 = tpu.memref_slice %arg3[%add3A_400] : memref<327680xi32, #tpu.memory_space<hbm>> -> memref<128xi32, #tpu.memory_space<hbm>>
          tpu.enqueue_dma source(%dma_start3A_402 : memref<128xi32, #tpu.memory_space<hbm>>) target(%arg12 : memref<128xi32, #tpu.memory_space<vmem>>) target_semaphore(%arg22 : memref<!tpu.dma_semaphore, #tpu.memory_space<semaphore_mem>>)
          %dma_start3A_403 = tpu.memref_slice %arg4[%add3A_400] : memref<327680xi32, #tpu.memory_space<hbm>> -> memref<128xi32, #tpu.memory_space<hbm>>
          %dma_start3A_404 = tpu.memref_slice %arg4[%add3A_400] : memref<327680xi32, #tpu.memory_space<hbm>> -> memref<128xi32, #tpu.memory_space<hbm>>
          tpu.enqueue_dma source(%dma_start3A_404 : memref<128xi32, #tpu.memory_space<hbm>>) target(%arg16 : memref<128xi32, #tpu.memory_space<vmem>>) target_semaphore(%arg22 : memref<!tpu.dma_semaphore, #tpu.memory_space<semaphore_mem>>)
        } else {
        }
        %dma_wait3A_100 = arith.constant 0 : i32
        %dma_wait3A_101 = arith.constant 0 : i32
        %dma_wait3A_102 = tpu.memref_slice %arg2[%dma_wait3A_100, %dma_wait3A_101] : memref<10240x128xf32, #tpu.memory_space<hbm>> -> memref<10240x128xf32, #tpu.memory_space<hbm>>
        tpu.wait_indirect_dma semaphore(%arg23 : memref<!tpu.dma_semaphore, #tpu.memory_space<semaphore_mem>>) src(%dma_wait3A_102 : memref<10240x128xf32, #tpu.memory_space<hbm>>) dst(%arg17 : memref<128x128xf32, #tpu.memory_space<vmem>>)
        %get3A = arith.constant 0 : index
        %get3A_103 = tpu.vector_load %arg13[%get3A] {strides = array<i32>} : memref<128xi32, #tpu.memory_space<vmem>>, vector<16xi32>,
        %broadcast_in_dim3A_104 = arith.constant true
        %broadcast_in_dim3A_105 = vector.broadcast %broadcast_in_dim3A_104 : i1 to vector<16xi1>
        %unique3A, %unique3A_106 = tpu.scan_count mask(%broadcast_in_dim3A_105 : vector<16xi1>) value(%get3A_103 : vector<16xi32>) : vector<16xi1>, vector<16xi32>
        %convert_element_type3A_107 = arith.sitofp %unique3A_106 : vector<16xi32> to vector<16xf32>
        tpu.vector_store_idx %arg8[%get3A_103], %convert_element_type3A_107 masked %unique3A {add = true} : memref<10240xf32, #tpu.memory_space<vmem>>[vector<16xi32>], vector<16xf32>, vector<16xi1>
        %get3A_108 = arith.constant 16 : index
        %get3A_109 = tpu.vector_load %arg13[%get3A_108] {strides = array<i32>} : memref<128xi32, #tpu.memory_space<vmem>>, vector<16xi32>,
        %broadcast_in_dim3A_110 = arith.constant true
        %broadcast_in_dim3A_111 = vector.broadcast %broadcast_in_dim3A_110 : i1 to vector<16xi1>
        %unique3A_112, %unique3A_113 = tpu.scan_count mask(%broadcast_in_dim3A_111 : vector<16xi1>) value(%get3A_109 : vector<16xi32>) : vector<16xi1>, vector<16xi32>
        %convert_element_type3A_114 = arith.sitofp %unique3A_113 : vector<16xi32> to vector<16xf32>
        tpu.vector_store_idx %arg8[%get3A_109], %convert_element_type3A_114 masked %unique3A_112 {add = true} : memref<10240xf32, #tpu.memory_space<vmem>>[vector<16xi32>], vector<16xf32>, vector<16xi1>
        %get3A_115 = arith.constant 32 : index
        %get3A_116 = tpu.vector_load %arg13[%get3A_115] {strides = array<i32>} : memref<128xi32, #tpu.memory_space<vmem>>, vector<16xi32>,
        %broadcast_in_dim3A_117 = arith.constant true
        %broadcast_in_dim3A_118 = vector.broadcast %broadcast_in_dim3A_117 : i1 to vector<16xi1>
        %unique3A_119, %unique3A_120 = tpu.scan_count mask(%broadcast_in_dim3A_118 : vector<16xi1>) value(%get3A_116 : vector<16xi32>) : vector<16xi1>, vector<16xi32>
        %convert_element_type3A_121 = arith.sitofp %unique3A_120 : vector<16xi32> to vector<16xf32>
        tpu.vector_store_idx %arg8[%get3A_116], %convert_element_type3A_121 masked %unique3A_119 {add = true} : memref<10240xf32, #tpu.memory_space<vmem>>[vector<16xi32>], vector<16xf32>, vector<16xi1>
        %get3A_122 = arith.constant 48 : index
        %get3A_123 = tpu.vector_load %arg13[%get3A_122] {strides = array<i32>} : memref<128xi32, #tpu.memory_space<vmem>>, vector<16xi32>,
        %broadcast_in_dim3A_124 = arith.constant true
        %broadcast_in_dim3A_125 = vector.broadcast %broadcast_in_dim3A_124 : i1 to vector<16xi1>
        %unique3A_126, %unique3A_127 = tpu.scan_count mask(%broadcast_in_dim3A_125 : vector<16xi1>) value(%get3A_123 : vector<16xi32>) : vector<16xi1>, vector<16xi32>
        %convert_element_type3A_128 = arith.sitofp %unique3A_127 : vector<16xi32> to vector<16xf32>
        tpu.vector_store_idx %arg8[%get3A_123], %convert_element_type3A_128 masked %unique3A_126 {add = true} : memref<10240xf32, #tpu.memory_space<vmem>>[vector<16xi32>], vector<16xf32>, vector<16xi1>
        %get3A_129 = arith.constant 64 : index
        %get3A_130 = tpu.vector_load %arg13[%get3A_129] {strides = array<i32>} : memref<128xi32, #tpu.memory_space<vmem>>, vector<16xi32>,
        %broadcast_in_dim3A_131 = arith.constant true
        %broadcast_in_dim3A_132 = vector.broadcast %broadcast_in_dim3A_131 : i1 to vector<16xi1>
        %unique3A_133, %unique3A_134 = tpu.scan_count mask(%broadcast_in_dim3A_132 : vector<16xi1>) value(%get3A_130 : vector<16xi32>) : vector<16xi1>, vector<16xi32>
        %convert_element_type3A_135 = arith.sitofp %unique3A_134 : vector<16xi32> to vector<16xf32>
        tpu.vector_store_idx %arg8[%get3A_130], %convert_element_type3A_135 masked %unique3A_133 {add = true} : memref<10240xf32, #tpu.memory_space<vmem>>[vector<16xi32>], vector<16xf32>, vector<16xi1>
        %get3A_136 = arith.constant 80 : index
        %get3A_137 = tpu.vector_load %arg13[%get3A_136] {strides = array<i32>} : memref<128xi32, #tpu.memory_space<vmem>>, vector<16xi32>,
        %broadcast_in_dim3A_138 = arith.constant true
        %broadcast_in_dim3A_139 = vector.broadcast %broadcast_in_dim3A_138 : i1 to vector<16xi1>
        %unique3A_140, %unique3A_141 = tpu.scan_count mask(%broadcast_in_dim3A_139 : vector<16xi1>) value(%get3A_137 : vector<16xi32>) : vector<16xi1>, vector<16xi32>
        %convert_element_type3A_142 = arith.sitofp %unique3A_141 : vector<16xi32> to vector<16xf32>
        tpu.vector_store_idx %arg8[%get3A_137], %convert_element_type3A_142 masked %unique3A_140 {add = true} : memref<10240xf32, #tpu.memory_space<vmem>>[vector<16xi32>], vector<16xf32>, vector<16xi1>
        %get3A_143 = arith.constant 96 : index
        %get3A_144 = tpu.vector_load %arg13[%get3A_143] {strides = array<i32>} : memref<128xi32, #tpu.memory_space<vmem>>, vector<16xi32>,
        %broadcast_in_dim3A_145 = arith.constant true
        %broadcast_in_dim3A_146 = vector.broadcast %broadcast_in_dim3A_145 : i1 to vector<16xi1>
        %unique3A_147, %unique3A_148 = tpu.scan_count mask(%broadcast_in_dim3A_146 : vector<16xi1>) value(%get3A_144 : vector<16xi32>) : vector<16xi1>, vector<16xi32>
        %convert_element_type3A_149 = arith.sitofp %unique3A_148 : vector<16xi32> to vector<16xf32>
        tpu.vector_store_idx %arg8[%get3A_144], %convert_element_type3A_149 masked %unique3A_147 {add = true} : memref<10240xf32, #tpu.memory_space<vmem>>[vector<16xi32>], vector<16xf32>, vector<16xi1>
        %get3A_150 = arith.constant 112 : index
        %get3A_151 = tpu.vector_load %arg13[%get3A_150] {strides = array<i32>} : memref<128xi32, #tpu.memory_space<vmem>>, vector<16xi32>,
        %broadcast_in_dim3A_152 = arith.constant true
        %broadcast_in_dim3A_153 = vector.broadcast %broadcast_in_dim3A_152 : i1 to vector<16xi1>
        %unique3A_154, %unique3A_155 = tpu.scan_count mask(%broadcast_in_dim3A_153 : vector<16xi1>) value(%get3A_151 : vector<16xi32>) : vector<16xi1>, vector<16xi32>
        %convert_element_type3A_156 = arith.sitofp %unique3A_155 : vector<16xi32> to vector<16xf32>
        tpu.vector_store_idx %arg8[%get3A_151], %convert_element_type3A_156 masked %unique3A_154 {add = true} : memref<10240xf32, #tpu.memory_space<vmem>>[vector<16xi32>], vector<16xf32>, vector<16xi1>
        %dma_start3A_157 = arith.constant 0 : i32
        %dma_start3A_158 = arith.constant 0 : i32
        %dma_start3A_159 = tpu.memref_slice %arg7[%dma_start3A_157, %dma_start3A_158] : memref<10240x128xf32, #tpu.memory_space<vmem_shared>> -> memref<10240x128xf32, #tpu.memory_space<vmem_shared>>
        tpu.enqueue_indirect_dma source(%arg17 : memref<128x128xf32, #tpu.memory_space<vmem>>) target(%dma_start3A_159 : memref<10240x128xf32, #tpu.memory_space<vmem_shared>>) offsets(%arg13 : memref<128xi32, #tpu.memory_space<vmem>>) semaphore(%arg25 : memref<!tpu.dma_semaphore, #tpu.memory_space<semaphore_mem>>) {add = true}
        %dma_wait3A_160 = arith.constant 0 : i32
        %dma_wait3A_161 = arith.constant 0 : i32
        %dma_wait3A_162 = tpu.memref_slice %arg7[%dma_wait3A_160, %dma_wait3A_161] : memref<10240x128xf32, #tpu.memory_space<vmem_shared>> -> memref<10240x128xf32, #tpu.memory_space<vmem_shared>>
        tpu.wait_indirect_dma semaphore(%arg25 : memref<!tpu.dma_semaphore, #tpu.memory_space<semaphore_mem>>) src(%arg17 : memref<128x128xf32, #tpu.memory_space<vmem>>) dst(%dma_wait3A_162 : memref<10240x128xf32, #tpu.memory_space<vmem_shared>>)
        %dma_wait3A_163 = arith.constant 0 : i32
        %dma_wait3A_164 = tpu.memref_slice %arg3[%dma_wait3A_163] : memref<327680xi32, #tpu.memory_space<hbm>> -> memref<128xi32, #tpu.memory_space<hbm>>
        %dma_wait3A_165 = arith.constant 0 : i32
        %dma_wait3A_166 = tpu.memref_slice %arg3[%dma_wait3A_165] : memref<327680xi32, #tpu.memory_space<hbm>> -> memref<128xi32, #tpu.memory_space<hbm>>
        tpu.wait_dma2 semaphore(%arg21 : memref<!tpu.dma_semaphore, #tpu.memory_space<semaphore_mem>>) src(%dma_wait3A_166 : memref<128xi32, #tpu.memory_space<hbm>>) dst(%arg11 : memref<128xi32, #tpu.memory_space<vmem>>)
        %dma_wait3A_167 = arith.constant 0 : i32
        %dma_wait3A_168 = tpu.memref_slice %arg4[%dma_wait3A_167] : memref<327680xi32, #tpu.memory_space<hbm>> -> memref<128xi32, #tpu.memory_space<hbm>>
        %dma_wait3A_169 = arith.constant 0 : i32
        %dma_wait3A_170 = tpu.memref_slice %arg4[%dma_wait3A_169] : memref<327680xi32, #tpu.memory_space<hbm>> -> memref<128xi32, #tpu.memory_space<hbm>>
        tpu.wait_dma2 semaphore(%arg21 : memref<!tpu.dma_semaphore, #tpu.memory_space<semaphore_mem>>) src(%dma_wait3A_170 : memref<128xi32, #tpu.memory_space<hbm>>) dst(%arg15 : memref<128xi32, #tpu.memory_space<vmem>>)
        %dma_start3A_171 = arith.constant 0 : i32
        %dma_start3A_172 = arith.constant 0 : i32
        %dma_start3A_173 = tpu.memref_slice %arg2[%dma_start3A_171, %dma_start3A_172] : memref<10240x128xf32, #tpu.memory_space<hbm>> -> memref<10240x128xf32, #tpu.memory_space<hbm>>
        tpu.enqueue_indirect_dma source(%dma_start3A_173 : memref<10240x128xf32, #tpu.memory_space<hbm>>) target(%arg17 : memref<128x128xf32, #tpu.memory_space<vmem>>) offsets(%arg11 : memref<128xi32, #tpu.memory_space<vmem>>) semaphore(%arg23 : memref<!tpu.dma_semaphore, #tpu.memory_space<semaphore_mem>>)
        %lt3A_174 = arith.constant 2 : i32
        %lt3A_175 = arith.cmpi slt, %scan3A_80, %lt3A_174 : i32
        %convert_element_type3A_176 = arith.extui %lt3A_175 : i1 to i32
        %cond3A_177 = arith.constant 0 : i32
        %cond3A_178 = arith.cmpi ne, %convert_element_type3A_176, %cond3A_177 : i32
        scf.if %cond3A_178 {
          %mul3A_392 = arith.constant 4 : i32
          %mul3A_393 = arith.muli %mul3A_392, %scan3A_80 : i32
          %add3A_394 = arith.constant 1 : i32
          %add3A_395 = arith.addi %mul3A_393, %add3A_394 : i32
          %add3A_396 = arith.constant 3 : i32
          %add3A_397 = arith.addi %add3A_395, %add3A_396 : i32
          %mul3A_398 = arith.constant 128 : i32
          %mul3A_399 = arith.muli %add3A_397, %mul3A_398 : i32
          %add3A_400 = arith.addi %add3A_43, %mul3A_399 : i32
          %dma_start3A_401 = tpu.memref_slice %arg3[%add3A_400] : memref<327680xi32, #tpu.memory_space<hbm>> -> memref<128xi32, #tpu.memory_space<hbm>>
          %dma_start3A_402 = tpu.memref_slice %arg3[%add3A_400] : memref<327680xi32, #tpu.memory_space<hbm>> -> memref<128xi32, #tpu.memory_space<hbm>>
          tpu.enqueue_dma source(%dma_start3A_402 : memref<128xi32, #tpu.memory_space<hbm>>) target(%arg9 : memref<128xi32, #tpu.memory_space<vmem>>) target_semaphore(%arg19 : memref<!tpu.dma_semaphore, #tpu.memory_space<semaphore_mem>>)
          %dma_start3A_403 = tpu.memref_slice %arg4[%add3A_400] : memref<327680xi32, #tpu.memory_space<hbm>> -> memref<128xi32, #tpu.memory_space<hbm>>
          %dma_start3A_404 = tpu.memref_slice %arg4[%add3A_400] : memref<327680xi32, #tpu.memory_space<hbm>> -> memref<128xi32, #tpu.memory_space<hbm>>
          tpu.enqueue_dma source(%dma_start3A_404 : memref<128xi32, #tpu.memory_space<hbm>>) target(%arg13 : memref<128xi32, #tpu.memory_space<vmem>>) target_semaphore(%arg19 : memref<!tpu.dma_semaphore, #tpu.memory_space<semaphore_mem>>)
        } else {
        }
        %dma_wait3A_179 = arith.constant 0 : i32
        %dma_wait3A_180 = arith.constant 0 : i32
        %dma_wait3A_181 = tpu.memref_slice %arg2[%dma_wait3A_179, %dma_wait3A_180] : memref<10240x128xf32, #tpu.memory_space<hbm>> -> memref<10240x128xf32, #tpu.memory_space<hbm>>
        tpu.wait_indirect_dma semaphore(%arg24 : memref<!tpu.dma_semaphore, #tpu.memory_space<semaphore_mem>>) src(%dma_wait3A_181 : memref<10240x128xf32, #tpu.memory_space<hbm>>) dst(%arg18 : memref<128x128xf32, #tpu.memory_space<vmem>>)
        %get3A_182 = arith.constant 0 : index
        %get3A_183 = tpu.vector_load %arg14[%get3A_182] {strides = array<i32>} : memref<128xi32, #tpu.memory_space<vmem>>, vector<16xi32>,
        %broadcast_in_dim3A_184 = arith.constant true
        %broadcast_in_dim3A_185 = vector.broadcast %broadcast_in_dim3A_184 : i1 to vector<16xi1>
        %unique3A_186, %unique3A_187 = tpu.scan_count mask(%broadcast_in_dim3A_185 : vector<16xi1>) value(%get3A_183 : vector<16xi32>) : vector<16xi1>, vector<16xi32>
        %convert_element_type3A_188 = arith.sitofp %unique3A_187 : vector<16xi32> to vector<16xf32>
        tpu.vector_store_idx %arg8[%get3A_183], %convert_element_type3A_188 masked %unique3A_186 {add = true} : memref<10240xf32, #tpu.memory_space<vmem>>[vector<16xi32>], vector<16xf32>, vector<16xi1>
        %get3A_189 = arith.constant 16 : index
        %get3A_190 = tpu.vector_load %arg14[%get3A_189] {strides = array<i32>} : memref<128xi32, #tpu.memory_space<vmem>>, vector<16xi32>,
        %broadcast_in_dim3A_191 = arith.constant true
        %broadcast_in_dim3A_192 = vector.broadcast %broadcast_in_dim3A_191 : i1 to vector<16xi1>
        %unique3A_193, %unique3A_194 = tpu.scan_count mask(%broadcast_in_dim3A_192 : vector<16xi1>) value(%get3A_190 : vector<16xi32>) : vector<16xi1>, vector<16xi32>
        %convert_element_type3A_195 = arith.sitofp %unique3A_194 : vector<16xi32> to vector<16xf32>
        tpu.vector_store_idx %arg8[%get3A_190], %convert_element_type3A_195 masked %unique3A_193 {add = true} : memref<10240xf32, #tpu.memory_space<vmem>>[vector<16xi32>], vector<16xf32>, vector<16xi1>
        %get3A_196 = arith.constant 32 : index
        %get3A_197 = tpu.vector_load %arg14[%get3A_196] {strides = array<i32>} : memref<128xi32, #tpu.memory_space<vmem>>, vector<16xi32>,
        %broadcast_in_dim3A_198 = arith.constant true
        %broadcast_in_dim3A_199 = vector.broadcast %broadcast_in_dim3A_198 : i1 to vector<16xi1>
        %unique3A_200, %unique3A_201 = tpu.scan_count mask(%broadcast_in_dim3A_199 : vector<16xi1>) value(%get3A_197 : vector<16xi32>) : vector<16xi1>, vector<16xi32>
        %convert_element_type3A_202 = arith.sitofp %unique3A_201 : vector<16xi32> to vector<16xf32>
        tpu.vector_store_idx %arg8[%get3A_197], %convert_element_type3A_202 masked %unique3A_200 {add = true} : memref<10240xf32, #tpu.memory_space<vmem>>[vector<16xi32>], vector<16xf32>, vector<16xi1>
        %get3A_203 = arith.constant 48 : index
        %get3A_204 = tpu.vector_load %arg14[%get3A_203] {strides = array<i32>} : memref<128xi32, #tpu.memory_space<vmem>>, vector<16xi32>,
        %broadcast_in_dim3A_205 = arith.constant true
        %broadcast_in_dim3A_206 = vector.broadcast %broadcast_in_dim3A_205 : i1 to vector<16xi1>
        %unique3A_207, %unique3A_208 = tpu.scan_count mask(%broadcast_in_dim3A_206 : vector<16xi1>) value(%get3A_204 : vector<16xi32>) : vector<16xi1>, vector<16xi32>
        %convert_element_type3A_209 = arith.sitofp %unique3A_208 : vector<16xi32> to vector<16xf32>
        tpu.vector_store_idx %arg8[%get3A_204], %convert_element_type3A_209 masked %unique3A_207 {add = true} : memref<10240xf32, #tpu.memory_space<vmem>>[vector<16xi32>], vector<16xf32>, vector<16xi1>
        %get3A_210 = arith.constant 64 : index
        %get3A_211 = tpu.vector_load %arg14[%get3A_210] {strides = array<i32>} : memref<128xi32, #tpu.memory_space<vmem>>, vector<16xi32>,
        %broadcast_in_dim3A_212 = arith.constant true
        %broadcast_in_dim3A_213 = vector.broadcast %broadcast_in_dim3A_212 : i1 to vector<16xi1>
        %unique3A_214, %unique3A_215 = tpu.scan_count mask(%broadcast_in_dim3A_213 : vector<16xi1>) value(%get3A_211 : vector<16xi32>) : vector<16xi1>, vector<16xi32>
        %convert_element_type3A_216 = arith.sitofp %unique3A_215 : vector<16xi32> to vector<16xf32>
        tpu.vector_store_idx %arg8[%get3A_211], %convert_element_type3A_216 masked %unique3A_214 {add = true} : memref<10240xf32, #tpu.memory_space<vmem>>[vector<16xi32>], vector<16xf32>, vector<16xi1>
        %get3A_217 = arith.constant 80 : index
        %get3A_218 = tpu.vector_load %arg14[%get3A_217] {strides = array<i32>} : memref<128xi32, #tpu.memory_space<vmem>>, vector<16xi32>,
        %broadcast_in_dim3A_219 = arith.constant true
        %broadcast_in_dim3A_220 = vector.broadcast %broadcast_in_dim3A_219 : i1 to vector<16xi1>
        %unique3A_221, %unique3A_222 = tpu.scan_count mask(%broadcast_in_dim3A_220 : vector<16xi1>) value(%get3A_218 : vector<16xi32>) : vector<16xi1>, vector<16xi32>
        %convert_element_type3A_223 = arith.sitofp %unique3A_222 : vector<16xi32> to vector<16xf32>
        tpu.vector_store_idx %arg8[%get3A_218], %convert_element_type3A_223 masked %unique3A_221 {add = true} : memref<10240xf32, #tpu.memory_space<vmem>>[vector<16xi32>], vector<16xf32>, vector<16xi1>
        %get3A_224 = arith.constant 96 : index
        %get3A_225 = tpu.vector_load %arg14[%get3A_224] {strides = array<i32>} : memref<128xi32, #tpu.memory_space<vmem>>, vector<16xi32>,
        %broadcast_in_dim3A_226 = arith.constant true
        %broadcast_in_dim3A_227 = vector.broadcast %broadcast_in_dim3A_226 : i1 to vector<16xi1>
        %unique3A_228, %unique3A_229 = tpu.scan_count mask(%broadcast_in_dim3A_227 : vector<16xi1>) value(%get3A_225 : vector<16xi32>) : vector<16xi1>, vector<16xi32>
        %convert_element_type3A_230 = arith.sitofp %unique3A_229 : vector<16xi32> to vector<16xf32>
        tpu.vector_store_idx %arg8[%get3A_225], %convert_element_type3A_230 masked %unique3A_228 {add = true} : memref<10240xf32, #tpu.memory_space<vmem>>[vector<16xi32>], vector<16xf32>, vector<16xi1>
        %get3A_231 = arith.constant 112 : index
        %get3A_232 = tpu.vector_load %arg14[%get3A_231] {strides = array<i32>} : memref<128xi32, #tpu.memory_space<vmem>>, vector<16xi32>,
        %broadcast_in_dim3A_233 = arith.constant true
        %broadcast_in_dim3A_234 = vector.broadcast %broadcast_in_dim3A_233 : i1 to vector<16xi1>
        %unique3A_235, %unique3A_236 = tpu.scan_count mask(%broadcast_in_dim3A_234 : vector<16xi1>) value(%get3A_232 : vector<16xi32>) : vector<16xi1>, vector<16xi32>
        %convert_element_type3A_237 = arith.sitofp %unique3A_236 : vector<16xi32> to vector<16xf32>
        tpu.vector_store_idx %arg8[%get3A_232], %convert_element_type3A_237 masked %unique3A_235 {add = true} : memref<10240xf32, #tpu.memory_space<vmem>>[vector<16xi32>], vector<16xf32>, vector<16xi1>
        %dma_start3A_238 = arith.constant 0 : i32
        %dma_start3A_239 = arith.constant 0 : i32
        %dma_start3A_240 = tpu.memref_slice %arg7[%dma_start3A_238, %dma_start3A_239] : memref<10240x128xf32, #tpu.memory_space<vmem_shared>> -> memref<10240x128xf32, #tpu.memory_space<vmem_shared>>
        tpu.enqueue_indirect_dma source(%arg18 : memref<128x128xf32, #tpu.memory_space<vmem>>) target(%dma_start3A_240 : memref<10240x128xf32, #tpu.memory_space<vmem_shared>>) offsets(%arg14 : memref<128xi32, #tpu.memory_space<vmem>>) semaphore(%arg26 : memref<!tpu.dma_semaphore, #tpu.memory_space<semaphore_mem>>) {add = true}
        %dma_wait3A_241 = arith.constant 0 : i32
        %dma_wait3A_242 = arith.constant 0 : i32
        %dma_wait3A_243 = tpu.memref_slice %arg7[%dma_wait3A_241, %dma_wait3A_242] : memref<10240x128xf32, #tpu.memory_space<vmem_shared>> -> memref<10240x128xf32, #tpu.memory_space<vmem_shared>>
        tpu.wait_indirect_dma semaphore(%arg26 : memref<!tpu.dma_semaphore, #tpu.memory_space<semaphore_mem>>) src(%arg18 : memref<128x128xf32, #tpu.memory_space<vmem>>) dst(%dma_wait3A_243 : memref<10240x128xf32, #tpu.memory_space<vmem_shared>>)
        %dma_wait3A_244 = arith.constant 0 : i32
        %dma_wait3A_245 = tpu.memref_slice %arg3[%dma_wait3A_244] : memref<327680xi32, #tpu.memory_space<hbm>> -> memref<128xi32, #tpu.memory_space<hbm>>
        %dma_wait3A_246 = arith.constant 0 : i32
        %dma_wait3A_247 = tpu.memref_slice %arg3[%dma_wait3A_246] : memref<327680xi32, #tpu.memory_space<hbm>> -> memref<128xi32, #tpu.memory_space<hbm>>
        tpu.wait_dma2 semaphore(%arg22 : memref<!tpu.dma_semaphore, #tpu.memory_space<semaphore_mem>>) src(%dma_wait3A_247 : memref<128xi32, #tpu.memory_space<hbm>>) dst(%arg12 : memref<128xi32, #tpu.memory_space<vmem>>)
        %dma_wait3A_248 = arith.constant 0 : i32
        %dma_wait3A_249 = tpu.memref_slice %arg4[%dma_wait3A_248] : memref<327680xi32, #tpu.memory_space<hbm>> -> memref<128xi32, #tpu.memory_space<hbm>>
        %dma_wait3A_250 = arith.constant 0 : i32
        %dma_wait3A_251 = tpu.memref_slice %arg4[%dma_wait3A_250] : memref<327680xi32, #tpu.memory_space<hbm>> -> memref<128xi32, #tpu.memory_space<hbm>>
        tpu.wait_dma2 semaphore(%arg22 : memref<!tpu.dma_semaphore, #tpu.memory_space<semaphore_mem>>) src(%dma_wait3A_251 : memref<128xi32, #tpu.memory_space<hbm>>) dst(%arg16 : memref<128xi32, #tpu.memory_space<vmem>>)
        %dma_start3A_252 = arith.constant 0 : i32
        %dma_start3A_253 = arith.constant 0 : i32
        %dma_start3A_254 = tpu.memref_slice %arg2[%dma_start3A_252, %dma_start3A_253] : memref<10240x128xf32, #tpu.memory_space<hbm>> -> memref<10240x128xf32, #tpu.memory_space<hbm>>
        tpu.enqueue_indirect_dma source(%dma_start3A_254 : memref<10240x128xf32, #tpu.memory_space<hbm>>) target(%arg18 : memref<128x128xf32, #tpu.memory_space<vmem>>) offsets(%arg12 : memref<128xi32, #tpu.memory_space<vmem>>) semaphore(%arg24 : memref<!tpu.dma_semaphore, #tpu.memory_space<semaphore_mem>>)
        %lt3A_255 = arith.constant 2 : i32
        %lt3A_256 = arith.cmpi slt, %scan3A_80, %lt3A_255 : i32
        %convert_element_type3A_257 = arith.extui %lt3A_256 : i1 to i32
        %cond3A_258 = arith.constant 0 : i32
        %cond3A_259 = arith.cmpi ne, %convert_element_type3A_257, %cond3A_258 : i32
        scf.if %cond3A_259 {
          %mul3A_392 = arith.constant 4 : i32
          %mul3A_393 = arith.muli %mul3A_392, %scan3A_80 : i32
          %add3A_394 = arith.constant 2 : i32
          %add3A_395 = arith.addi %mul3A_393, %add3A_394 : i32
          %add3A_396 = arith.constant 3 : i32
          %add3A_397 = arith.addi %add3A_395, %add3A_396 : i32
          %mul3A_398 = arith.constant 128 : i32
          %mul3A_399 = arith.muli %add3A_397, %mul3A_398 : i32
          %add3A_400 = arith.addi %add3A_43, %mul3A_399 : i32
          %dma_start3A_401 = tpu.memref_slice %arg3[%add3A_400] : memref<327680xi32, #tpu.memory_space<hbm>> -> memref<128xi32, #tpu.memory_space<hbm>>
          %dma_start3A_402 = tpu.memref_slice %arg3[%add3A_400] : memref<327680xi32, #tpu.memory_space<hbm>> -> memref<128xi32, #tpu.memory_space<hbm>>
          tpu.enqueue_dma source(%dma_start3A_402 : memref<128xi32, #tpu.memory_space<hbm>>) target(%arg10 : memref<128xi32, #tpu.memory_space<vmem>>) target_semaphore(%arg20 : memref<!tpu.dma_semaphore, #tpu.memory_space<semaphore_mem>>)
          %dma_start3A_403 = tpu.memref_slice %arg4[%add3A_400] : memref<327680xi32, #tpu.memory_space<hbm>> -> memref<128xi32, #tpu.memory_space<hbm>>
          %dma_start3A_404 = tpu.memref_slice %arg4[%add3A_400] : memref<327680xi32, #tpu.memory_space<hbm>> -> memref<128xi32, #tpu.memory_space<hbm>>
          tpu.enqueue_dma source(%dma_start3A_404 : memref<128xi32, #tpu.memory_space<hbm>>) target(%arg14 : memref<128xi32, #tpu.memory_space<vmem>>) target_semaphore(%arg20 : memref<!tpu.dma_semaphore, #tpu.memory_space<semaphore_mem>>)
        } else {
        }
        %dma_wait3A_260 = arith.constant 0 : i32
        %dma_wait3A_261 = arith.constant 0 : i32
        %dma_wait3A_262 = tpu.memref_slice %arg2[%dma_wait3A_260, %dma_wait3A_261] : memref<10240x128xf32, #tpu.memory_space<hbm>> -> memref<10240x128xf32, #tpu.memory_space<hbm>>
        tpu.wait_indirect_dma semaphore(%arg23 : memref<!tpu.dma_semaphore, #tpu.memory_space<semaphore_mem>>) src(%dma_wait3A_262 : memref<10240x128xf32, #tpu.memory_space<hbm>>) dst(%arg17 : memref<128x128xf32, #tpu.memory_space<vmem>>)
        %get3A_263 = arith.constant 0 : index
        %get3A_264 = tpu.vector_load %arg15[%get3A_263] {strides = array<i32>} : memref<128xi32, #tpu.memory_space<vmem>>, vector<16xi32>,
        %broadcast_in_dim3A_265 = arith.constant true
        %broadcast_in_dim3A_266 = vector.broadcast %broadcast_in_dim3A_265 : i1 to vector<16xi1>
        %unique3A_267, %unique3A_268 = tpu.scan_count mask(%broadcast_in_dim3A_266 : vector<16xi1>) value(%get3A_264 : vector<16xi32>) : vector<16xi1>, vector<16xi32>
        %convert_element_type3A_269 = arith.sitofp %unique3A_268 : vector<16xi32> to vector<16xf32>
        tpu.vector_store_idx %arg8[%get3A_264], %convert_element_type3A_269 masked %unique3A_267 {add = true} : memref<10240xf32, #tpu.memory_space<vmem>>[vector<16xi32>], vector<16xf32>, vector<16xi1>
        %get3A_270 = arith.constant 16 : index
        %get3A_271 = tpu.vector_load %arg15[%get3A_270] {strides = array<i32>} : memref<128xi32, #tpu.memory_space<vmem>>, vector<16xi32>,
        %broadcast_in_dim3A_272 = arith.constant true
        %broadcast_in_dim3A_273 = vector.broadcast %broadcast_in_dim3A_272 : i1 to vector<16xi1>
        %unique3A_274, %unique3A_275 = tpu.scan_count mask(%broadcast_in_dim3A_273 : vector<16xi1>) value(%get3A_271 : vector<16xi32>) : vector<16xi1>, vector<16xi32>
        %convert_element_type3A_276 = arith.sitofp %unique3A_275 : vector<16xi32> to vector<16xf32>
        tpu.vector_store_idx %arg8[%get3A_271], %convert_element_type3A_276 masked %unique3A_274 {add = true} : memref<10240xf32, #tpu.memory_space<vmem>>[vector<16xi32>], vector<16xf32>, vector<16xi1>
        %get3A_277 = arith.constant 32 : index
        %get3A_278 = tpu.vector_load %arg15[%get3A_277] {strides = array<i32>} : memref<128xi32, #tpu.memory_space<vmem>>, vector<16xi32>,
        %broadcast_in_dim3A_279 = arith.constant true
        %broadcast_in_dim3A_280 = vector.broadcast %broadcast_in_dim3A_279 : i1 to vector<16xi1>
        %unique3A_281, %unique3A_282 = tpu.scan_count mask(%broadcast_in_dim3A_280 : vector<16xi1>) value(%get3A_278 : vector<16xi32>) : vector<16xi1>, vector<16xi32>
        %convert_element_type3A_283 = arith.sitofp %unique3A_282 : vector<16xi32> to vector<16xf32>
        tpu.vector_store_idx %arg8[%get3A_278], %convert_element_type3A_283 masked %unique3A_281 {add = true} : memref<10240xf32, #tpu.memory_space<vmem>>[vector<16xi32>], vector<16xf32>, vector<16xi1>
        %get3A_284 = arith.constant 48 : index
        %get3A_285 = tpu.vector_load %arg15[%get3A_284] {strides = array<i32>} : memref<128xi32, #tpu.memory_space<vmem>>, vector<16xi32>,
        %broadcast_in_dim3A_286 = arith.constant true
        %broadcast_in_dim3A_287 = vector.broadcast %broadcast_in_dim3A_286 : i1 to vector<16xi1>
        %unique3A_288, %unique3A_289 = tpu.scan_count mask(%broadcast_in_dim3A_287 : vector<16xi1>) value(%get3A_285 : vector<16xi32>) : vector<16xi1>, vector<16xi32>
        %convert_element_type3A_290 = arith.sitofp %unique3A_289 : vector<16xi32> to vector<16xf32>
        tpu.vector_store_idx %arg8[%get3A_285], %convert_element_type3A_290 masked %unique3A_288 {add = true} : memref<10240xf32, #tpu.memory_space<vmem>>[vector<16xi32>], vector<16xf32>, vector<16xi1>
        %get3A_291 = arith.constant 64 : index
        %get3A_292 = tpu.vector_load %arg15[%get3A_291] {strides = array<i32>} : memref<128xi32, #tpu.memory_space<vmem>>, vector<16xi32>,
        %broadcast_in_dim3A_293 = arith.constant true
        %broadcast_in_dim3A_294 = vector.broadcast %broadcast_in_dim3A_293 : i1 to vector<16xi1>
        %unique3A_295, %unique3A_296 = tpu.scan_count mask(%broadcast_in_dim3A_294 : vector<16xi1>) value(%get3A_292 : vector<16xi32>) : vector<16xi1>, vector<16xi32>
        %convert_element_type3A_297 = arith.sitofp %unique3A_296 : vector<16xi32> to vector<16xf32>
        tpu.vector_store_idx %arg8[%get3A_292], %convert_element_type3A_297 masked %unique3A_295 {add = true} : memref<10240xf32, #tpu.memory_space<vmem>>[vector<16xi32>], vector<16xf32>, vector<16xi1>
        %get3A_298 = arith.constant 80 : index
        %get3A_299 = tpu.vector_load %arg15[%get3A_298] {strides = array<i32>} : memref<128xi32, #tpu.memory_space<vmem>>, vector<16xi32>,
        %broadcast_in_dim3A_300 = arith.constant true
        %broadcast_in_dim3A_301 = vector.broadcast %broadcast_in_dim3A_300 : i1 to vector<16xi1>
        %unique3A_302, %unique3A_303 = tpu.scan_count mask(%broadcast_in_dim3A_301 : vector<16xi1>) value(%get3A_299 : vector<16xi32>) : vector<16xi1>, vector<16xi32>
        %convert_element_type3A_304 = arith.sitofp %unique3A_303 : vector<16xi32> to vector<16xf32>
        tpu.vector_store_idx %arg8[%get3A_299], %convert_element_type3A_304 masked %unique3A_302 {add = true} : memref<10240xf32, #tpu.memory_space<vmem>>[vector<16xi32>], vector<16xf32>, vector<16xi1>
        %get3A_305 = arith.constant 96 : index
        %get3A_306 = tpu.vector_load %arg15[%get3A_305] {strides = array<i32>} : memref<128xi32, #tpu.memory_space<vmem>>, vector<16xi32>,
        %broadcast_in_dim3A_307 = arith.constant true
        %broadcast_in_dim3A_308 = vector.broadcast %broadcast_in_dim3A_307 : i1 to vector<16xi1>
        %unique3A_309, %unique3A_310 = tpu.scan_count mask(%broadcast_in_dim3A_308 : vector<16xi1>) value(%get3A_306 : vector<16xi32>) : vector<16xi1>, vector<16xi32>
        %convert_element_type3A_311 = arith.sitofp %unique3A_310 : vector<16xi32> to vector<16xf32>
        tpu.vector_store_idx %arg8[%get3A_306], %convert_element_type3A_311 masked %unique3A_309 {add = true} : memref<10240xf32, #tpu.memory_space<vmem>>[vector<16xi32>], vector<16xf32>, vector<16xi1>
        %get3A_312 = arith.constant 112 : index
        %get3A_313 = tpu.vector_load %arg15[%get3A_312] {strides = array<i32>} : memref<128xi32, #tpu.memory_space<vmem>>, vector<16xi32>,
        %broadcast_in_dim3A_314 = arith.constant true
        %broadcast_in_dim3A_315 = vector.broadcast %broadcast_in_dim3A_314 : i1 to vector<16xi1>
        %unique3A_316, %unique3A_317 = tpu.scan_count mask(%broadcast_in_dim3A_315 : vector<16xi1>) value(%get3A_313 : vector<16xi32>) : vector<16xi1>, vector<16xi32>
        %convert_element_type3A_318 = arith.sitofp %unique3A_317 : vector<16xi32> to vector<16xf32>
        tpu.vector_store_idx %arg8[%get3A_313], %convert_element_type3A_318 masked %unique3A_316 {add = true} : memref<10240xf32, #tpu.memory_space<vmem>>[vector<16xi32>], vector<16xf32>, vector<16xi1>
        %dma_start3A_319 = arith.constant 0 : i32
        %dma_start3A_320 = arith.constant 0 : i32
        %dma_start3A_321 = tpu.memref_slice %arg7[%dma_start3A_319, %dma_start3A_320] : memref<10240x128xf32, #tpu.memory_space<vmem_shared>> -> memref<10240x128xf32, #tpu.memory_space<vmem_shared>>
        tpu.enqueue_indirect_dma source(%arg17 : memref<128x128xf32, #tpu.memory_space<vmem>>) target(%dma_start3A_321 : memref<10240x128xf32, #tpu.memory_space<vmem_shared>>) offsets(%arg15 : memref<128xi32, #tpu.memory_space<vmem>>) semaphore(%arg25 : memref<!tpu.dma_semaphore, #tpu.memory_space<semaphore_mem>>) {add = true}
        %dma_wait3A_322 = arith.constant 0 : i32
        %dma_wait3A_323 = arith.constant 0 : i32
        %dma_wait3A_324 = tpu.memref_slice %arg7[%dma_wait3A_322, %dma_wait3A_323] : memref<10240x128xf32, #tpu.memory_space<vmem_shared>> -> memref<10240x128xf32, #tpu.memory_space<vmem_shared>>
        tpu.wait_indirect_dma semaphore(%arg25 : memref<!tpu.dma_semaphore, #tpu.memory_space<semaphore_mem>>) src(%arg17 : memref<128x128xf32, #tpu.memory_space<vmem>>) dst(%dma_wait3A_324 : memref<10240x128xf32, #tpu.memory_space<vmem_shared>>)
        %lt3A_325 = arith.constant 2 : i32
        %lt3A_326 = arith.cmpi slt, %scan3A_80, %lt3A_325 : i32
        %convert_element_type3A_327 = arith.extui %lt3A_326 : i1 to i32
        %cond3A_328 = arith.constant 0 : i32
        %cond3A_329 = arith.cmpi ne, %convert_element_type3A_327, %cond3A_328 : i32
        scf.if %cond3A_329 {
          %dma_wait3A_392 = arith.constant 0 : i32
          %dma_wait3A_393 = tpu.memref_slice %arg3[%dma_wait3A_392] : memref<327680xi32, #tpu.memory_space<hbm>> -> memref<128xi32, #tpu.memory_space<hbm>>
          %dma_wait3A_394 = arith.constant 0 : i32
          %dma_wait3A_395 = tpu.memref_slice %arg3[%dma_wait3A_394] : memref<327680xi32, #tpu.memory_space<hbm>> -> memref<128xi32, #tpu.memory_space<hbm>>
          tpu.wait_dma2 semaphore(%arg19 : memref<!tpu.dma_semaphore, #tpu.memory_space<semaphore_mem>>) src(%dma_wait3A_395 : memref<128xi32, #tpu.memory_space<hbm>>) dst(%arg9 : memref<128xi32, #tpu.memory_space<vmem>>)
          %dma_wait3A_396 = arith.constant 0 : i32
          %dma_wait3A_397 = tpu.memref_slice %arg4[%dma_wait3A_396] : memref<327680xi32, #tpu.memory_space<hbm>> -> memref<128xi32, #tpu.memory_space<hbm>>
          %dma_wait3A_398 = arith.constant 0 : i32
          %dma_wait3A_399 = tpu.memref_slice %arg4[%dma_wait3A_398] : memref<327680xi32, #tpu.memory_space<hbm>> -> memref<128xi32, #tpu.memory_space<hbm>>
          tpu.wait_dma2 semaphore(%arg19 : memref<!tpu.dma_semaphore, #tpu.memory_space<semaphore_mem>>) src(%dma_wait3A_399 : memref<128xi32, #tpu.memory_space<hbm>>) dst(%arg13 : memref<128xi32, #tpu.memory_space<vmem>>)
          %dma_start3A_400 = arith.constant 0 : i32
          %dma_start3A_401 = arith.constant 0 : i32
          %dma_start3A_402 = tpu.memref_slice %arg2[%dma_start3A_400, %dma_start3A_401] : memref<10240x128xf32, #tpu.memory_space<hbm>> -> memref<10240x128xf32, #tpu.memory_space<hbm>>
          tpu.enqueue_indirect_dma source(%dma_start3A_402 : memref<10240x128xf32, #tpu.memory_space<hbm>>) target(%arg17 : memref<128x128xf32, #tpu.memory_space<vmem>>) offsets(%arg9 : memref<128xi32, #tpu.memory_space<vmem>>) semaphore(%arg23 : memref<!tpu.dma_semaphore, #tpu.memory_space<semaphore_mem>>)
          %mul3A_403 = arith.constant 4 : i32
          %mul3A_404 = arith.muli %mul3A_403, %scan3A_80 : i32
          %add3A_405 = arith.constant 6 : i32
          %add3A_406 = arith.addi %mul3A_404, %add3A_405 : i32
          %mul3A_407 = arith.constant 128 : i32
          %mul3A_408 = arith.muli %add3A_406, %mul3A_407 : i32
          %add3A_409 = arith.addi %add3A_43, %mul3A_408 : i32
          %dma_start3A_410 = tpu.memref_slice %arg3[%add3A_409] : memref<327680xi32, #tpu.memory_space<hbm>> -> memref<128xi32, #tpu.memory_space<hbm>>
          %dma_start3A_411 = tpu.memref_slice %arg3[%add3A_409] : memref<327680xi32, #tpu.memory_space<hbm>> -> memref<128xi32, #tpu.memory_space<hbm>>
          tpu.enqueue_dma source(%dma_start3A_411 : memref<128xi32, #tpu.memory_space<hbm>>) target(%arg11 : memref<128xi32, #tpu.memory_space<vmem>>) target_semaphore(%arg21 : memref<!tpu.dma_semaphore, #tpu.memory_space<semaphore_mem>>)
          %dma_start3A_412 = tpu.memref_slice %arg4[%add3A_409] : memref<327680xi32, #tpu.memory_space<hbm>> -> memref<128xi32, #tpu.memory_space<hbm>>
          %dma_start3A_413 = tpu.memref_slice %arg4[%add3A_409] : memref<327680xi32, #tpu.memory_space<hbm>> -> memref<128xi32, #tpu.memory_space<hbm>>
          tpu.enqueue_dma source(%dma_start3A_413 : memref<128xi32, #tpu.memory_space<hbm>>) target(%arg15 : memref<128xi32, #tpu.memory_space<vmem>>) target_semaphore(%arg21 : memref<!tpu.dma_semaphore, #tpu.memory_space<semaphore_mem>>)
        } else {
        }
        %dma_wait3A_330 = arith.constant 0 : i32
        %dma_wait3A_331 = arith.constant 0 : i32
        %dma_wait3A_332 = tpu.memref_slice %arg2[%dma_wait3A_330, %dma_wait3A_331] : memref<10240x128xf32, #tpu.memory_space<hbm>> -> memref<10240x128xf32, #tpu.memory_space<hbm>>
        tpu.wait_indirect_dma semaphore(%arg24 : memref<!tpu.dma_semaphore, #tpu.memory_space<semaphore_mem>>) src(%dma_wait3A_332 : memref<10240x128xf32, #tpu.memory_space<hbm>>) dst(%arg18 : memref<128x128xf32, #tpu.memory_space<vmem>>)
        %get3A_333 = arith.constant 0 : index
        %get3A_334 = tpu.vector_load %arg16[%get3A_333] {strides = array<i32>} : memref<128xi32, #tpu.memory_space<vmem>>, vector<16xi32>,
        %broadcast_in_dim3A_335 = arith.constant true
        %broadcast_in_dim3A_336 = vector.broadcast %broadcast_in_dim3A_335 : i1 to vector<16xi1>
        %unique3A_337, %unique3A_338 = tpu.scan_count mask(%broadcast_in_dim3A_336 : vector<16xi1>) value(%get3A_334 : vector<16xi32>) : vector<16xi1>, vector<16xi32>
        %convert_element_type3A_339 = arith.sitofp %unique3A_338 : vector<16xi32> to vector<16xf32>
        tpu.vector_store_idx %arg8[%get3A_334], %convert_element_type3A_339 masked %unique3A_337 {add = true} : memref<10240xf32, #tpu.memory_space<vmem>>[vector<16xi32>], vector<16xf32>, vector<16xi1>
        %get3A_340 = arith.constant 16 : index
        %get3A_341 = tpu.vector_load %arg16[%get3A_340] {strides = array<i32>} : memref<128xi32, #tpu.memory_space<vmem>>, vector<16xi32>,
        %broadcast_in_dim3A_342 = arith.constant true
        %broadcast_in_dim3A_343 = vector.broadcast %broadcast_in_dim3A_342 : i1 to vector<16xi1>
        %unique3A_344, %unique3A_345 = tpu.scan_count mask(%broadcast_in_dim3A_343 : vector<16xi1>) value(%get3A_341 : vector<16xi32>) : vector<16xi1>, vector<16xi32>
        %convert_element_type3A_346 = arith.sitofp %unique3A_345 : vector<16xi32> to vector<16xf32>
        tpu.vector_store_idx %arg8[%get3A_341], %convert_element_type3A_346 masked %unique3A_344 {add = true} : memref<10240xf32, #tpu.memory_space<vmem>>[vector<16xi32>], vector<16xf32>, vector<16xi1>
        %get3A_347 = arith.constant 32 : index
        %get3A_348 = tpu.vector_load %arg16[%get3A_347] {strides = array<i32>} : memref<128xi32, #tpu.memory_space<vmem>>, vector<16xi32>,
        %broadcast_in_dim3A_349 = arith.constant true
        %broadcast_in_dim3A_350 = vector.broadcast %broadcast_in_dim3A_349 : i1 to vector<16xi1>
        %unique3A_351, %unique3A_352 = tpu.scan_count mask(%broadcast_in_dim3A_350 : vector<16xi1>) value(%get3A_348 : vector<16xi32>) : vector<16xi1>, vector<16xi32>
        %convert_element_type3A_353 = arith.sitofp %unique3A_352 : vector<16xi32> to vector<16xf32>
        tpu.vector_store_idx %arg8[%get3A_348], %convert_element_type3A_353 masked %unique3A_351 {add = true} : memref<10240xf32, #tpu.memory_space<vmem>>[vector<16xi32>], vector<16xf32>, vector<16xi1>
        %get3A_354 = arith.constant 48 : index
        %get3A_355 = tpu.vector_load %arg16[%get3A_354] {strides = array<i32>} : memref<128xi32, #tpu.memory_space<vmem>>, vector<16xi32>,
        %broadcast_in_dim3A_356 = arith.constant true
        %broadcast_in_dim3A_357 = vector.broadcast %broadcast_in_dim3A_356 : i1 to vector<16xi1>
        %unique3A_358, %unique3A_359 = tpu.scan_count mask(%broadcast_in_dim3A_357 : vector<16xi1>) value(%get3A_355 : vector<16xi32>) : vector<16xi1>, vector<16xi32>
        %convert_element_type3A_360 = arith.sitofp %unique3A_359 : vector<16xi32> to vector<16xf32>
        tpu.vector_store_idx %arg8[%get3A_355], %convert_element_type3A_360 masked %unique3A_358 {add = true} : memref<10240xf32, #tpu.memory_space<vmem>>[vector<16xi32>], vector<16xf32>, vector<16xi1>
        %get3A_361 = arith.constant 64 : index
        %get3A_362 = tpu.vector_load %arg16[%get3A_361] {strides = array<i32>} : memref<128xi32, #tpu.memory_space<vmem>>, vector<16xi32>,
        %broadcast_in_dim3A_363 = arith.constant true
        %broadcast_in_dim3A_364 = vector.broadcast %broadcast_in_dim3A_363 : i1 to vector<16xi1>
        %unique3A_365, %unique3A_366 = tpu.scan_count mask(%broadcast_in_dim3A_364 : vector<16xi1>) value(%get3A_362 : vector<16xi32>) : vector<16xi1>, vector<16xi32>
        %convert_element_type3A_367 = arith.sitofp %unique3A_366 : vector<16xi32> to vector<16xf32>
        tpu.vector_store_idx %arg8[%get3A_362], %convert_element_type3A_367 masked %unique3A_365 {add = true} : memref<10240xf32, #tpu.memory_space<vmem>>[vector<16xi32>], vector<16xf32>, vector<16xi1>
        %get3A_368 = arith.constant 80 : index
        %get3A_369 = tpu.vector_load %arg16[%get3A_368] {strides = array<i32>} : memref<128xi32, #tpu.memory_space<vmem>>, vector<16xi32>,
        %broadcast_in_dim3A_370 = arith.constant true
        %broadcast_in_dim3A_371 = vector.broadcast %broadcast_in_dim3A_370 : i1 to vector<16xi1>
        %unique3A_372, %unique3A_373 = tpu.scan_count mask(%broadcast_in_dim3A_371 : vector<16xi1>) value(%get3A_369 : vector<16xi32>) : vector<16xi1>, vector<16xi32>
        %convert_element_type3A_374 = arith.sitofp %unique3A_373 : vector<16xi32> to vector<16xf32>
        tpu.vector_store_idx %arg8[%get3A_369], %convert_element_type3A_374 masked %unique3A_372 {add = true} : memref<10240xf32, #tpu.memory_space<vmem>>[vector<16xi32>], vector<16xf32>, vector<16xi1>
        %get3A_375 = arith.constant 96 : index
        %get3A_376 = tpu.vector_load %arg16[%get3A_375] {strides = array<i32>} : memref<128xi32, #tpu.memory_space<vmem>>, vector<16xi32>,
        %broadcast_in_dim3A_377 = arith.constant true
        %broadcast_in_dim3A_378 = vector.broadcast %broadcast_in_dim3A_377 : i1 to vector<16xi1>
        %unique3A_379, %unique3A_380 = tpu.scan_count mask(%broadcast_in_dim3A_378 : vector<16xi1>) value(%get3A_376 : vector<16xi32>) : vector<16xi1>, vector<16xi32>
        %convert_element_type3A_381 = arith.sitofp %unique3A_380 : vector<16xi32> to vector<16xf32>
        tpu.vector_store_idx %arg8[%get3A_376], %convert_element_type3A_381 masked %unique3A_379 {add = true} : memref<10240xf32, #tpu.memory_space<vmem>>[vector<16xi32>], vector<16xf32>, vector<16xi1>
        %get3A_382 = arith.constant 112 : index
        %get3A_383 = tpu.vector_load %arg16[%get3A_382] {strides = array<i32>} : memref<128xi32, #tpu.memory_space<vmem>>, vector<16xi32>,
        %broadcast_in_dim3A_384 = arith.constant true
        %broadcast_in_dim3A_385 = vector.broadcast %broadcast_in_dim3A_384 : i1 to vector<16xi1>
        %unique3A_386, %unique3A_387 = tpu.scan_count mask(%broadcast_in_dim3A_385 : vector<16xi1>) value(%get3A_383 : vector<16xi32>) : vector<16xi1>, vector<16xi32>
        %convert_element_type3A_388 = arith.sitofp %unique3A_387 : vector<16xi32> to vector<16xf32>
        tpu.vector_store_idx %arg8[%get3A_383], %convert_element_type3A_388 masked %unique3A_386 {add = true} : memref<10240xf32, #tpu.memory_space<vmem>>[vector<16xi32>], vector<16xf32>, vector<16xi1>
        %dma_start3A_389 = arith.constant 0 : i32
        %dma_start3A_390 = arith.constant 0 : i32
        %dma_start3A_391 = tpu.memref_slice %arg7[%dma_start3A_389, %dma_start3A_390] : memref<10240x128xf32, #tpu.memory_space<vmem_shared>> -> memref<10240x128xf32, #tpu.memory_space<vmem_shared>>
        tpu.enqueue_indirect_dma source(%arg18 : memref<128x128xf32, #tpu.memory_space<vmem>>) target(%dma_start3A_391 : memref<10240x128xf32, #tpu.memory_space<vmem_shared>>) offsets(%arg16 : memref<128xi32, #tpu.memory_space<vmem>>) semaphore(%arg26 : memref<!tpu.dma_semaphore, #tpu.memory_space<semaphore_mem>>) {add = true}
      }
      %scan3A_76 = arith.constant 3 : i32
      %dma_wait3A_77 = arith.constant 0 : i32
      %dma_wait3A_78 = arith.constant 0 : i32
      %dma_wait3A_79 = tpu.memref_slice %arg7[%dma_wait3A_77, %dma_wait3A_78] : memref<10240x128xf32, #tpu.memory_space<vmem_shared>> -> memref<10240x128xf32, #tpu.memory_space<vmem_shared>>
      tpu.wait_indirect_dma semaphore(%arg26 : memref<!tpu.dma_semaphore, #tpu.memory_space<semaphore_mem>>) src(%arg18 : memref<128x128xf32, #tpu.memory_space<vmem>>) dst(%dma_wait3A_79 : memref<10240x128xf32, #tpu.memory_space<vmem_shared>>)
    } else {
    }
    "tpu.region"() ({
      %run_scoped3A = tpu.sem_alloc : memref<!tpu.dma_semaphore, #tpu.memory_space<semaphore_mem>>
      %dma_start3A = arith.constant 0 : i32
      %dma_start3A_40 = tpu.memref_slice %arg6[%arg0, %arg1, %dma_start3A] : memref<2x16x10240xf32, #tpu.memory_space<hbm>> -> memref<1x1x10240xf32, #tpu.memory_space<hbm>>
      %dma_start3A_41 = tpu.memref_squeeze %dma_start3A_40 : memref<1x1x10240xf32, #tpu.memory_space<hbm>> -> memref<10240xf32, #tpu.memory_space<hbm>>
      %dma_start3A_42 = arith.constant 0 : i32
      %dma_start3A_43 = tpu.memref_slice %arg6[%arg0, %arg1, %dma_start3A_42] : memref<2x16x10240xf32, #tpu.memory_space<hbm>> -> memref<1x1x10240xf32, #tpu.memory_space<hbm>>
      %dma_start3A_44 = tpu.memref_squeeze %dma_start3A_43 : memref<1x1x10240xf32, #tpu.memory_space<hbm>> -> memref<10240xf32, #tpu.memory_space<hbm>>
      tpu.enqueue_dma source(%arg8 : memref<10240xf32, #tpu.memory_space<vmem>>) target(%dma_start3A_44 : memref<10240xf32, #tpu.memory_space<hbm>>) target_semaphore(%run_scoped3A : memref<!tpu.dma_semaphore, #tpu.memory_space<semaphore_mem>>)
      %dma_wait3A = arith.constant 0 : i32
      %dma_wait3A_45 = tpu.memref_slice %arg6[%arg0, %arg1, %dma_wait3A] : memref<2x16x10240xf32, #tpu.memory_space<hbm>> -> memref<1x1x10240xf32, #tpu.memory_space<hbm>>
      %dma_wait3A_46 = tpu.memref_squeeze %dma_wait3A_45 : memref<1x1x10240xf32, #tpu.memory_space<hbm>> -> memref<10240xf32, #tpu.memory_space<hbm>>
      %dma_wait3A_47 = arith.constant 0 : i32
      %dma_wait3A_48 = tpu.memref_slice %arg6[%arg0, %arg1, %dma_wait3A_47] : memref<2x16x10240xf32, #tpu.memory_space<hbm>> -> memref<1x1x10240xf32, #tpu.memory_space<hbm>>
      %dma_wait3A_49 = tpu.memref_squeeze %dma_wait3A_48 : memref<1x1x10240xf32, #tpu.memory_space<hbm>> -> memref<10240xf32, #tpu.memory_space<hbm>>
      tpu.wait_dma2 semaphore(%run_scoped3A : memref<!tpu.dma_semaphore, #tpu.memory_space<semaphore_mem>>) src(%arg8 : memref<10240xf32, #tpu.memory_space<vmem>>) dst(%dma_wait3A_49 : memref<10240xf32, #tpu.memory_space<hbm>>)
      tpu.yield
    }) : () -> ()
    %barrier3A_29 = arith.constant 0 : index
    tpu.barrier barrier_id(%barrier3A_29)
    %add3A_30 = arith.constant 0 : i32
    %add3A_31 = arith.addi %mul3A_12, %add3A_30 : i32
    "tpu.region"() ({
      %run_scoped3A = tpu.sem_alloc : memref<!tpu.dma_semaphore, #tpu.memory_space<semaphore_mem>>
      %dma_start3A = arith.constant 0 : i32
      %dma_start3A_40 = tpu.memref_slice %arg5[%arg0, %add3A_31, %dma_start3A] : memref<2x10240x128xf32, #tpu.memory_space<hbm>> -> memref<1x128x128xf32, #tpu.memory_space<hbm>>
      %dma_start3A_41 = tpu.memref_squeeze %dma_start3A_40 : memref<1x128x128xf32, #tpu.memory_space<hbm>> -> memref<128x128xf32, #tpu.memory_space<hbm>>
      %dma_start3A_42 = arith.constant 0 : i32
      %dma_start3A_43 = tpu.memref_slice %arg7[%add3A_31, %dma_start3A_42] : memref<10240x128xf32, #tpu.memory_space<vmem_shared>> -> memref<128x128xf32, #tpu.memory_space<vmem_shared>>
      tpu.enqueue_dma source(%dma_start3A_43 : memref<128x128xf32, #tpu.memory_space<vmem_shared>>) target(%dma_start3A_41 : memref<128x128xf32, #tpu.memory_space<hbm>>) target_semaphore(%run_scoped3A : memref<!tpu.dma_semaphore, #tpu.memory_space<semaphore_mem>>)
      %dma_wait3A = arith.constant 0 : i32
      %dma_wait3A_44 = tpu.memref_slice %arg5[%arg0, %add3A_31, %dma_wait3A] : memref<2x10240x128xf32, #tpu.memory_space<hbm>> -> memref<1x128x128xf32, #tpu.memory_space<hbm>>
      %dma_wait3A_45 = tpu.memref_squeeze %dma_wait3A_44 : memref<1x128x128xf32, #tpu.memory_space<hbm>> -> memref<128x128xf32, #tpu.memory_space<hbm>>
      %dma_wait3A_46 = arith.constant 0 : i32
      %dma_wait3A_47 = tpu.memref_slice %arg7[%add3A_31, %dma_wait3A_46] : memref<10240x128xf32, #tpu.memory_space<vmem_shared>> -> memref<128x128xf32, #tpu.memory_space<vmem_shared>>
      tpu.wait_dma2 semaphore(%run_scoped3A : memref<!tpu.dma_semaphore, #tpu.memory_space<semaphore_mem>>) src(%dma_wait3A_47 : memref<128x128xf32, #tpu.memory_space<vmem_shared>>) dst(%dma_wait3A_45 : memref<128x128xf32, #tpu.memory_space<hbm>>)
      tpu.yield
    }) : () -> ()
    %add3A_32 = arith.constant 128 : i32
    %add3A_33 = arith.addi %mul3A_12, %add3A_32 : i32
    "tpu.region"() ({
      %run_scoped3A = tpu.sem_alloc : memref<!tpu.dma_semaphore, #tpu.memory_space<semaphore_mem>>
      %dma_start3A = arith.constant 0 : i32
      %dma_start3A_40 = tpu.memref_slice %arg5[%arg0, %add3A_33, %dma_start3A] : memref<2x10240x128xf32, #tpu.memory_space<hbm>> -> memref<1x128x128xf32, #tpu.memory_space<hbm>>
      %dma_start3A_41 = tpu.memref_squeeze %dma_start3A_40 : memref<1x128x128xf32, #tpu.memory_space<hbm>> -> memref<128x128xf32, #tpu.memory_space<hbm>>
      %dma_start3A_42 = arith.constant 0 : i32
      %dma_start3A_43 = tpu.memref_slice %arg7[%add3A_33, %dma_start3A_42] : memref<10240x128xf32, #tpu.memory_space<vmem_shared>> -> memref<128x128xf32, #tpu.memory_space<vmem_shared>>
      tpu.enqueue_dma source(%dma_start3A_43 : memref<128x128xf32, #tpu.memory_space<vmem_shared>>) target(%dma_start3A_41 : memref<128x128xf32, #tpu.memory_space<hbm>>) target_semaphore(%run_scoped3A : memref<!tpu.dma_semaphore, #tpu.memory_space<semaphore_mem>>)
      %dma_wait3A = arith.constant 0 : i32
      %dma_wait3A_44 = tpu.memref_slice %arg5[%arg0, %add3A_33, %dma_wait3A] : memref<2x10240x128xf32, #tpu.memory_space<hbm>> -> memref<1x128x128xf32, #tpu.memory_space<hbm>>
      %dma_wait3A_45 = tpu.memref_squeeze %dma_wait3A_44 : memref<1x128x128xf32, #tpu.memory_space<hbm>> -> memref<128x128xf32, #tpu.memory_space<hbm>>
      %dma_wait3A_46 = arith.constant 0 : i32
      %dma_wait3A_47 = tpu.memref_slice %arg7[%add3A_33, %dma_wait3A_46] : memref<10240x128xf32, #tpu.memory_space<vmem_shared>> -> memref<128x128xf32, #tpu.memory_space<vmem_shared>>
      tpu.wait_dma2 semaphore(%run_scoped3A : memref<!tpu.dma_semaphore, #tpu.memory_space<semaphore_mem>>) src(%dma_wait3A_47 : memref<128x128xf32, #tpu.memory_space<vmem_shared>>) dst(%dma_wait3A_45 : memref<128x128xf32, #tpu.memory_space<hbm>>)
      tpu.yield
    }) : () -> ()
    %add3A_34 = arith.constant 256 : i32
    %add3A_35 = arith.addi %mul3A_12, %add3A_34 : i32
    "tpu.region"() ({
      %run_scoped3A = tpu.sem_alloc : memref<!tpu.dma_semaphore, #tpu.memory_space<semaphore_mem>>
      %dma_start3A = arith.constant 0 : i32
      %dma_start3A_40 = tpu.memref_slice %arg5[%arg0, %add3A_35, %dma_start3A] : memref<2x10240x128xf32, #tpu.memory_space<hbm>> -> memref<1x128x128xf32, #tpu.memory_space<hbm>>
      %dma_start3A_41 = tpu.memref_squeeze %dma_start3A_40 : memref<1x128x128xf32, #tpu.memory_space<hbm>> -> memref<128x128xf32, #tpu.memory_space<hbm>>
      %dma_start3A_42 = arith.constant 0 : i32
      %dma_start3A_43 = tpu.memref_slice %arg7[%add3A_35, %dma_start3A_42] : memref<10240x128xf32, #tpu.memory_space<vmem_shared>> -> memref<128x128xf32, #tpu.memory_space<vmem_shared>>
      tpu.enqueue_dma source(%dma_start3A_43 : memref<128x128xf32, #tpu.memory_space<vmem_shared>>) target(%dma_start3A_41 : memref<128x128xf32, #tpu.memory_space<hbm>>) target_semaphore(%run_scoped3A : memref<!tpu.dma_semaphore, #tpu.memory_space<semaphore_mem>>)
      %dma_wait3A = arith.constant 0 : i32
      %dma_wait3A_44 = tpu.memref_slice %arg5[%arg0, %add3A_35, %dma_wait3A] : memref<2x10240x128xf32, #tpu.memory_space<hbm>> -> memref<1x128x128xf32, #tpu.memory_space<hbm>>
      %dma_wait3A_45 = tpu.memref_squeeze %dma_wait3A_44 : memref<1x128x128xf32, #tpu.memory_space<hbm>> -> memref<128x128xf32, #tpu.memory_space<hbm>>
      %dma_wait3A_46 = arith.constant 0 : i32
      %dma_wait3A_47 = tpu.memref_slice %arg7[%add3A_35, %dma_wait3A_46] : memref<10240x128xf32, #tpu.memory_space<vmem_shared>> -> memref<128x128xf32, #tpu.memory_space<vmem_shared>>
      tpu.wait_dma2 semaphore(%run_scoped3A : memref<!tpu.dma_semaphore, #tpu.memory_space<semaphore_mem>>) src(%dma_wait3A_47 : memref<128x128xf32, #tpu.memory_space<vmem_shared>>) dst(%dma_wait3A_45 : memref<128x128xf32, #tpu.memory_space<hbm>>)
      tpu.yield
    }) : () -> ()
    %add3A_36 = arith.constant 384 : i32
    %add3A_37 = arith.addi %mul3A_12, %add3A_36 : i32
    "tpu.region"() ({
      %run_scoped3A = tpu.sem_alloc : memref<!tpu.dma_semaphore, #tpu.memory_space<semaphore_mem>>
      %dma_start3A = arith.constant 0 : i32
      %dma_start3A_40 = tpu.memref_slice %arg5[%arg0, %add3A_37, %dma_start3A] : memref<2x10240x128xf32, #tpu.memory_space<hbm>> -> memref<1x128x128xf32, #tpu.memory_space<hbm>>
      %dma_start3A_41 = tpu.memref_squeeze %dma_start3A_40 : memref<1x128x128xf32, #tpu.memory_space<hbm>> -> memref<128x128xf32, #tpu.memory_space<hbm>>
      %dma_start3A_42 = arith.constant 0 : i32
      %dma_start3A_43 = tpu.memref_slice %arg7[%add3A_37, %dma_start3A_42] : memref<10240x128xf32, #tpu.memory_space<vmem_shared>> -> memref<128x128xf32, #tpu.memory_space<vmem_shared>>
      tpu.enqueue_dma source(%dma_start3A_43 : memref<128x128xf32, #tpu.memory_space<vmem_shared>>) target(%dma_start3A_41 : memref<128x128xf32, #tpu.memory_space<hbm>>) target_semaphore(%run_scoped3A : memref<!tpu.dma_semaphore, #tpu.memory_space<semaphore_mem>>)
      %dma_wait3A = arith.constant 0 : i32
      %dma_wait3A_44 = tpu.memref_slice %arg5[%arg0, %add3A_37, %dma_wait3A] : memref<2x10240x128xf32, #tpu.memory_space<hbm>> -> memref<1x128x128xf32, #tpu.memory_space<hbm>>
      %dma_wait3A_45 = tpu.memref_squeeze %dma_wait3A_44 : memref<1x128x128xf32, #tpu.memory_space<hbm>> -> memref<128x128xf32, #tpu.memory_space<hbm>>
      %dma_wait3A_46 = arith.constant 0 : i32
      %dma_wait3A_47 = tpu.memref_slice %arg7[%add3A_37, %dma_wait3A_46] : memref<10240x128xf32, #tpu.memory_space<vmem_shared>> -> memref<128x128xf32, #tpu.memory_space<vmem_shared>>
      tpu.wait_dma2 semaphore(%run_scoped3A : memref<!tpu.dma_semaphore, #tpu.memory_space<semaphore_mem>>) src(%dma_wait3A_47 : memref<128x128xf32, #tpu.memory_space<vmem_shared>>) dst(%dma_wait3A_45 : memref<128x128xf32, #tpu.memory_space<hbm>>)
      tpu.yield
    }) : () -> ()
    %add3A_38 = arith.constant 512 : i32
    %add3A_39 = arith.addi %mul3A_12, %add3A_38 : i32
    "tpu.region"() ({
      %run_scoped3A = tpu.sem_alloc : memref<!tpu.dma_semaphore, #tpu.memory_space<semaphore_mem>>
      %dma_start3A = arith.constant 0 : i32
      %dma_start3A_40 = tpu.memref_slice %arg5[%arg0, %add3A_39, %dma_start3A] : memref<2x10240x128xf32, #tpu.memory_space<hbm>> -> memref<1x128x128xf32, #tpu.memory_space<hbm>>
      %dma_start3A_41 = tpu.memref_squeeze %dma_start3A_40 : memref<1x128x128xf32, #tpu.memory_space<hbm>> -> memref<128x128xf32, #tpu.memory_space<hbm>>
      %dma_start3A_42 = arith.constant 0 : i32
      %dma_start3A_43 = tpu.memref_slice %arg7[%add3A_39, %dma_start3A_42] : memref<10240x128xf32, #tpu.memory_space<vmem_shared>> -> memref<128x128xf32, #tpu.memory_space<vmem_shared>>
      tpu.enqueue_dma source(%dma_start3A_43 : memref<128x128xf32, #tpu.memory_space<vmem_shared>>) target(%dma_start3A_41 : memref<128x128xf32, #tpu.memory_space<hbm>>) target_semaphore(%run_scoped3A : memref<!tpu.dma_semaphore, #tpu.memory_space<semaphore_mem>>)
      %dma_wait3A = arith.constant 0 : i32
      %dma_wait3A_44 = tpu.memref_slice %arg5[%arg0, %add3A_39, %dma_wait3A] : memref<2x10240x128xf32, #tpu.memory_space<hbm>> -> memref<1x128x128xf32, #tpu.memory_space<hbm>>
      %dma_wait3A_45 = tpu.memref_squeeze %dma_wait3A_44 : memref<1x128x128xf32, #tpu.memory_space<hbm>> -> memref<128x128xf32, #tpu.memory_space<hbm>>
      %dma_wait3A_46 = arith.constant 0 : i32
      %dma_wait3A_47 = tpu.memref_slice %arg7[%add3A_39, %dma_wait3A_46] : memref<10240x128xf32, #tpu.memory_space<vmem_shared>> -> memref<128x128xf32, #tpu.memory_space<vmem_shared>>
      tpu.wait_dma2 semaphore(%run_scoped3A : memref<!tpu.dma_semaphore, #tpu.memory_space<semaphore_mem>>) src(%dma_wait3A_47 : memref<128x128xf32, #tpu.memory_space<vmem_shared>>) dst(%dma_wait3A_45 : memref<128x128xf32, #tpu.memory_space<hbm>>)
      tpu.yield
    }) : () -> ()
    return
  }
}

#map = affine_map<(d0, d1) -> (0, 0)>
#map1 = affine_map<(d0, d1) -> (0)>
#map2 = affine_map<(d0, d1) -> (0, 0, 0)>
module attributes {stable_mosaic.version = 14 : i64} {
  func.func @body(%arg0: i32, %arg1: i32, %arg2: memref<10240x128xf32, #tpu.memory_space<hbm>>, %arg3: memref<327680xi32, #tpu.memory_space<hbm>>, %arg4: memref<327680xi32, #tpu.memory_space<hbm>>, %arg5: memref<2x10240x128xf32, #tpu.memory_space<hbm>>, %arg6: memref<10240x128xf32, #tpu.memory_space<vmem_shared>>, %arg7: memref<128xi32, #tpu.memory_space<vmem>>, %arg8: memref<128xi32, #tpu.memory_space<vmem>>, %arg9: memref<128xi32, #tpu.memory_space<vmem>>, %arg10: memref<128xi32, #tpu.memory_space<vmem>>, %arg11: memref<128xi32, #tpu.memory_space<vmem>>, %arg12: memref<128xi32, #tpu.memory_space<vmem>>, %arg13: memref<128xi32, #tpu.memory_space<vmem>>, %arg14: memref<128xi32, #tpu.memory_space<vmem>>, %arg15: memref<128x128xf32, #tpu.memory_space<vmem>>, %arg16: memref<128x128xf32, #tpu.memory_space<vmem>>, %arg17: memref<!tpu.dma_semaphore, #tpu.memory_space<semaphore_mem>>, %arg18: memref<!tpu.dma_semaphore, #tpu.memory_space<semaphore_mem>>, %arg19: memref<!tpu.dma_semaphore, #tpu.memory_space<semaphore_mem>>, %arg20: memref<!tpu.dma_semaphore, #tpu.memory_space<semaphore_mem>>, %arg21: memref<!tpu.dma_semaphore, #tpu.memory_space<semaphore_mem>>, %arg22: memref<!tpu.dma_semaphore, #tpu.memory_space<semaphore_mem>>, %arg23: memref<!tpu.dma_semaphore, #tpu.memory_space<semaphore_mem>>, %arg24: memref<!tpu.dma_semaphore, #tpu.memory_space<semaphore_mem>>) attributes {dimension_semantics = [#tpu.dimension_semantics<core_parallel>, #tpu.dimension_semantics<subcore_parallel>], iteration_bounds = array<i64: 2, 16>, scalar_prefetch = 0 : i64, scratch_operands = 19 : i64, tpu.core_type = #tpu.core_type<sc_vector_subcore>, window_params = [{transform_indices = #map}, {transform_indices = #map1}, {transform_indices = #map1}, {transform_indices = #map2}]} {
    %broadcast_in_dim3A = arith.constant 0.000000e+00 : f32
    %broadcast_in_dim3A_0 = vector.broadcast %broadcast_in_dim3A : f32 to vector<16xf32>
    %scan3A = arith.constant 0 : i32
    %scan3A_1 = arith.constant 0 : i32
    %scan3A_2 = arith.constant 1024 : i32
    %scan3A_3 = arith.addi %scan3A_1, %scan3A_2 : i32
    %scan3A_4 = arith.constant 1 : i32
    scf.for %scan3A_34 = %scan3A_1 to %scan3A_3 step %scan3A_4  : i32 {
      %jit3A = arith.constant 8 : i32
      %div3A = arith.divsi %scan3A_34, %jit3A : i32
      %sign3A = arith.constant 0 : i32
      %sign3A_35 = arith.cmpi sgt, %scan3A_34, %sign3A : i32
      %sign3A_36 = arith.extui %sign3A_35 : i1 to i32
      %sign3A_37 = arith.constant 0 : i32
      %sign3A_38 = arith.cmpi slt, %scan3A_34, %sign3A_37 : i32
      %sign3A_39 = arith.extui %sign3A_38 : i1 to i32
      %sign3A_40 = arith.subi %sign3A_36, %sign3A_39 : i32
      %sign3A_41 = arith.constant 0 : i32
      %sign3A_42 = arith.cmpi sgt, %jit3A, %sign3A_41 : i32
      %sign3A_43 = arith.extui %sign3A_42 : i1 to i32
      %sign3A_44 = arith.constant 0 : i32
      %sign3A_45 = arith.cmpi slt, %jit3A, %sign3A_44 : i32
      %sign3A_46 = arith.extui %sign3A_45 : i1 to i32
      %sign3A_47 = arith.subi %sign3A_43, %sign3A_46 : i32
      %ne3A = arith.cmpi ne, %sign3A_40, %sign3A_47 : i32
      %rem3A = arith.remsi %scan3A_34, %jit3A : i32
      %ne3A_48 = arith.constant 0 : i32
      %ne3A_49 = arith.cmpi ne, %rem3A, %ne3A_48 : i32
      %and3A = arith.andi %ne3A, %ne3A_49 : i1
      %sub3A = arith.constant 1 : i32
      %sub3A_50 = arith.subi %div3A, %sub3A : i32
      %select_n3A = arith.select %and3A, %sub3A_50, %div3A : i32
      %jit3A_51 = arith.constant 8 : i32
      %eq3A_52 = arith.constant 0 : i32
      %eq3A_53 = arith.cmpi eq, %jit3A_51, %eq3A_52 : i32
      %jit3A_54 = arith.constant 1 : i32
      %select_n3A_55 = arith.select %eq3A_53, %jit3A_54, %jit3A_51 : i32
      %rem3A_56 = arith.remsi %scan3A_34, %select_n3A_55 : i32
      %ne3A_57 = arith.constant 0 : i32
      %ne3A_58 = arith.cmpi ne, %rem3A_56, %ne3A_57 : i32
      %lt3A = arith.constant 0 : i32
      %lt3A_59 = arith.cmpi slt, %rem3A_56, %lt3A : i32
      %lt3A_60 = arith.constant 0 : i32
      %lt3A_61 = arith.cmpi slt, %select_n3A_55, %lt3A_60 : i32
      %ne3A_62 = arith.xori %lt3A_59, %lt3A_61 : i1
      %and3A_63 = arith.andi %ne3A_62, %ne3A_58 : i1
      %add3A_64 = arith.addi %rem3A_56, %select_n3A_55 : i32
      %select_n3A_65 = arith.select %and3A_63, %add3A_64, %rem3A_56 : i32
      %mul3A_66 = arith.constant 16 : i32
      %mul3A_67 = arith.muli %select_n3A_65, %mul3A_66 : i32
      %swap3A = arith.index_cast %select_n3A : i32 to index
      %swap3A_68 = arith.index_cast %mul3A_67 : i32 to index
      %swap3A_69 = tpu.vector_load %arg15[%swap3A, %swap3A_68] {strides = array<i32>} : memref<128x128xf32, #tpu.memory_space<vmem>>, vector<16xf32>,
      tpu.vector_store %arg15[%swap3A, %swap3A_68], %broadcast_in_dim3A_0 {strides = array<i32>} : memref<128x128xf32, #tpu.memory_space<vmem>>, vector<16xf32>,
    }
    %scan3A_5 = arith.constant 1024 : i32
    %mul3A = arith.constant 640 : i32
    %mul3A_6 = arith.muli %arg1, %mul3A : i32
    %add3A = arith.constant 0 : i32
    %add3A_7 = arith.addi %mul3A_6, %add3A : i32
    "tpu.region"() ({
      %run_scoped3A = tpu.sem_alloc : memref<!tpu.dma_semaphore, #tpu.memory_space<semaphore_mem>>
      %dma_start3A = arith.constant 0 : i32
      %dma_start3A_34 = tpu.memref_slice %arg6[%add3A_7, %dma_start3A] : memref<10240x128xf32, #tpu.memory_space<vmem_shared>> -> memref<128x128xf32, #tpu.memory_space<vmem_shared>>
      %dma_start3A_35 = arith.constant 0 : i32
      %dma_start3A_36 = tpu.memref_slice %arg6[%add3A_7, %dma_start3A_35] : memref<10240x128xf32, #tpu.memory_space<vmem_shared>> -> memref<128x128xf32, #tpu.memory_space<vmem_shared>>
      tpu.enqueue_dma source(%arg15 : memref<128x128xf32, #tpu.memory_space<vmem>>) target(%dma_start3A_36 : memref<128x128xf32, #tpu.memory_space<vmem_shared>>) target_semaphore(%run_scoped3A : memref<!tpu.dma_semaphore, #tpu.memory_space<semaphore_mem>>)
      %dma_wait3A = arith.constant 0 : i32
      %dma_wait3A_37 = tpu.memref_slice %arg6[%add3A_7, %dma_wait3A] : memref<10240x128xf32, #tpu.memory_space<vmem_shared>> -> memref<128x128xf32, #tpu.memory_space<vmem_shared>>
      %dma_wait3A_38 = arith.constant 0 : i32
      %dma_wait3A_39 = tpu.memref_slice %arg6[%add3A_7, %dma_wait3A_38] : memref<10240x128xf32, #tpu.memory_space<vmem_shared>> -> memref<128x128xf32, #tpu.memory_space<vmem_shared>>
      tpu.wait_dma2 semaphore(%run_scoped3A : memref<!tpu.dma_semaphore, #tpu.memory_space<semaphore_mem>>) src(%arg15 : memref<128x128xf32, #tpu.memory_space<vmem>>) dst(%dma_wait3A_39 : memref<128x128xf32, #tpu.memory_space<vmem_shared>>)
      tpu.yield
    }) : () -> ()
    %add3A_8 = arith.constant 128 : i32
    %add3A_9 = arith.addi %mul3A_6, %add3A_8 : i32
    "tpu.region"() ({
      %run_scoped3A = tpu.sem_alloc : memref<!tpu.dma_semaphore, #tpu.memory_space<semaphore_mem>>
      %dma_start3A = arith.constant 0 : i32
      %dma_start3A_34 = tpu.memref_slice %arg6[%add3A_9, %dma_start3A] : memref<10240x128xf32, #tpu.memory_space<vmem_shared>> -> memref<128x128xf32, #tpu.memory_space<vmem_shared>>
      %dma_start3A_35 = arith.constant 0 : i32
      %dma_start3A_36 = tpu.memref_slice %arg6[%add3A_9, %dma_start3A_35] : memref<10240x128xf32, #tpu.memory_space<vmem_shared>> -> memref<128x128xf32, #tpu.memory_space<vmem_shared>>
      tpu.enqueue_dma source(%arg15 : memref<128x128xf32, #tpu.memory_space<vmem>>) target(%dma_start3A_36 : memref<128x128xf32, #tpu.memory_space<vmem_shared>>) target_semaphore(%run_scoped3A : memref<!tpu.dma_semaphore, #tpu.memory_space<semaphore_mem>>)
      %dma_wait3A = arith.constant 0 : i32
      %dma_wait3A_37 = tpu.memref_slice %arg6[%add3A_9, %dma_wait3A] : memref<10240x128xf32, #tpu.memory_space<vmem_shared>> -> memref<128x128xf32, #tpu.memory_space<vmem_shared>>
      %dma_wait3A_38 = arith.constant 0 : i32
      %dma_wait3A_39 = tpu.memref_slice %arg6[%add3A_9, %dma_wait3A_38] : memref<10240x128xf32, #tpu.memory_space<vmem_shared>> -> memref<128x128xf32, #tpu.memory_space<vmem_shared>>
      tpu.wait_dma2 semaphore(%run_scoped3A : memref<!tpu.dma_semaphore, #tpu.memory_space<semaphore_mem>>) src(%arg15 : memref<128x128xf32, #tpu.memory_space<vmem>>) dst(%dma_wait3A_39 : memref<128x128xf32, #tpu.memory_space<vmem_shared>>)
      tpu.yield
    }) : () -> ()
    %add3A_10 = arith.constant 256 : i32
    %add3A_11 = arith.addi %mul3A_6, %add3A_10 : i32
    "tpu.region"() ({
      %run_scoped3A = tpu.sem_alloc : memref<!tpu.dma_semaphore, #tpu.memory_space<semaphore_mem>>
      %dma_start3A = arith.constant 0 : i32
      %dma_start3A_34 = tpu.memref_slice %arg6[%add3A_11, %dma_start3A] : memref<10240x128xf32, #tpu.memory_space<vmem_shared>> -> memref<128x128xf32, #tpu.memory_space<vmem_shared>>
      %dma_start3A_35 = arith.constant 0 : i32
      %dma_start3A_36 = tpu.memref_slice %arg6[%add3A_11, %dma_start3A_35] : memref<10240x128xf32, #tpu.memory_space<vmem_shared>> -> memref<128x128xf32, #tpu.memory_space<vmem_shared>>
      tpu.enqueue_dma source(%arg15 : memref<128x128xf32, #tpu.memory_space<vmem>>) target(%dma_start3A_36 : memref<128x128xf32, #tpu.memory_space<vmem_shared>>) target_semaphore(%run_scoped3A : memref<!tpu.dma_semaphore, #tpu.memory_space<semaphore_mem>>)
      %dma_wait3A = arith.constant 0 : i32
      %dma_wait3A_37 = tpu.memref_slice %arg6[%add3A_11, %dma_wait3A] : memref<10240x128xf32, #tpu.memory_space<vmem_shared>> -> memref<128x128xf32, #tpu.memory_space<vmem_shared>>
      %dma_wait3A_38 = arith.constant 0 : i32
      %dma_wait3A_39 = tpu.memref_slice %arg6[%add3A_11, %dma_wait3A_38] : memref<10240x128xf32, #tpu.memory_space<vmem_shared>> -> memref<128x128xf32, #tpu.memory_space<vmem_shared>>
      tpu.wait_dma2 semaphore(%run_scoped3A : memref<!tpu.dma_semaphore, #tpu.memory_space<semaphore_mem>>) src(%arg15 : memref<128x128xf32, #tpu.memory_space<vmem>>) dst(%dma_wait3A_39 : memref<128x128xf32, #tpu.memory_space<vmem_shared>>)
      tpu.yield
    }) : () -> ()
    %add3A_12 = arith.constant 384 : i32
    %add3A_13 = arith.addi %mul3A_6, %add3A_12 : i32
    "tpu.region"() ({
      %run_scoped3A = tpu.sem_alloc : memref<!tpu.dma_semaphore, #tpu.memory_space<semaphore_mem>>
      %dma_start3A = arith.constant 0 : i32
      %dma_start3A_34 = tpu.memref_slice %arg6[%add3A_13, %dma_start3A] : memref<10240x128xf32, #tpu.memory_space<vmem_shared>> -> memref<128x128xf32, #tpu.memory_space<vmem_shared>>
      %dma_start3A_35 = arith.constant 0 : i32
      %dma_start3A_36 = tpu.memref_slice %arg6[%add3A_13, %dma_start3A_35] : memref<10240x128xf32, #tpu.memory_space<vmem_shared>> -> memref<128x128xf32, #tpu.memory_space<vmem_shared>>
      tpu.enqueue_dma source(%arg15 : memref<128x128xf32, #tpu.memory_space<vmem>>) target(%dma_start3A_36 : memref<128x128xf32, #tpu.memory_space<vmem_shared>>) target_semaphore(%run_scoped3A : memref<!tpu.dma_semaphore, #tpu.memory_space<semaphore_mem>>)
      %dma_wait3A = arith.constant 0 : i32
      %dma_wait3A_37 = tpu.memref_slice %arg6[%add3A_13, %dma_wait3A] : memref<10240x128xf32, #tpu.memory_space<vmem_shared>> -> memref<128x128xf32, #tpu.memory_space<vmem_shared>>
      %dma_wait3A_38 = arith.constant 0 : i32
      %dma_wait3A_39 = tpu.memref_slice %arg6[%add3A_13, %dma_wait3A_38] : memref<10240x128xf32, #tpu.memory_space<vmem_shared>> -> memref<128x128xf32, #tpu.memory_space<vmem_shared>>
      tpu.wait_dma2 semaphore(%run_scoped3A : memref<!tpu.dma_semaphore, #tpu.memory_space<semaphore_mem>>) src(%arg15 : memref<128x128xf32, #tpu.memory_space<vmem>>) dst(%dma_wait3A_39 : memref<128x128xf32, #tpu.memory_space<vmem_shared>>)
      tpu.yield
    }) : () -> ()
    %add3A_14 = arith.constant 512 : i32
    %add3A_15 = arith.addi %mul3A_6, %add3A_14 : i32
    "tpu.region"() ({
      %run_scoped3A = tpu.sem_alloc : memref<!tpu.dma_semaphore, #tpu.memory_space<semaphore_mem>>
      %dma_start3A = arith.constant 0 : i32
      %dma_start3A_34 = tpu.memref_slice %arg6[%add3A_15, %dma_start3A] : memref<10240x128xf32, #tpu.memory_space<vmem_shared>> -> memref<128x128xf32, #tpu.memory_space<vmem_shared>>
      %dma_start3A_35 = arith.constant 0 : i32
      %dma_start3A_36 = tpu.memref_slice %arg6[%add3A_15, %dma_start3A_35] : memref<10240x128xf32, #tpu.memory_space<vmem_shared>> -> memref<128x128xf32, #tpu.memory_space<vmem_shared>>
      tpu.enqueue_dma source(%arg15 : memref<128x128xf32, #tpu.memory_space<vmem>>) target(%dma_start3A_36 : memref<128x128xf32, #tpu.memory_space<vmem_shared>>) target_semaphore(%run_scoped3A : memref<!tpu.dma_semaphore, #tpu.memory_space<semaphore_mem>>)
      %dma_wait3A = arith.constant 0 : i32
      %dma_wait3A_37 = tpu.memref_slice %arg6[%add3A_15, %dma_wait3A] : memref<10240x128xf32, #tpu.memory_space<vmem_shared>> -> memref<128x128xf32, #tpu.memory_space<vmem_shared>>
      %dma_wait3A_38 = arith.constant 0 : i32
      %dma_wait3A_39 = tpu.memref_slice %arg6[%add3A_15, %dma_wait3A_38] : memref<10240x128xf32, #tpu.memory_space<vmem_shared>> -> memref<128x128xf32, #tpu.memory_space<vmem_shared>>
      tpu.wait_dma2 semaphore(%run_scoped3A : memref<!tpu.dma_semaphore, #tpu.memory_space<semaphore_mem>>) src(%arg15 : memref<128x128xf32, #tpu.memory_space<vmem>>) dst(%dma_wait3A_39 : memref<128x128xf32, #tpu.memory_space<vmem_shared>>)
      tpu.yield
    }) : () -> ()
    %barrier3A = arith.constant 0 : index
    tpu.barrier barrier_id(%barrier3A)
    %eq3A = arith.constant 0 : i32
    %eq3A_16 = arith.cmpi eq, %arg0, %eq3A : i32
    %convert_element_type3A = arith.extui %eq3A_16 : i1 to i32
    %cond3A = arith.constant 0 : i32
    %cond3A_17 = arith.cmpi ne, %convert_element_type3A, %cond3A : i32
    scf.if %cond3A_17 {
      %mul3A_34 = arith.constant 18944 : i32
      %mul3A_35 = arith.muli %arg1, %mul3A_34 : i32
      %add3A_36 = arith.constant 0 : i32
      %add3A_37 = arith.addi %mul3A_35, %add3A_36 : i32
      %dma_start3A = tpu.memref_slice %arg3[%add3A_37] : memref<327680xi32, #tpu.memory_space<hbm>> -> memref<128xi32, #tpu.memory_space<hbm>>
      %dma_start3A_38 = tpu.memref_slice %arg3[%add3A_37] : memref<327680xi32, #tpu.memory_space<hbm>> -> memref<128xi32, #tpu.memory_space<hbm>>
      tpu.enqueue_dma source(%dma_start3A_38 : memref<128xi32, #tpu.memory_space<hbm>>) target(%arg7 : memref<128xi32, #tpu.memory_space<vmem>>) target_semaphore(%arg17 : memref<!tpu.dma_semaphore, #tpu.memory_space<semaphore_mem>>)
      %dma_start3A_39 = tpu.memref_slice %arg4[%add3A_37] : memref<327680xi32, #tpu.memory_space<hbm>> -> memref<128xi32, #tpu.memory_space<hbm>>
      %dma_start3A_40 = tpu.memref_slice %arg4[%add3A_37] : memref<327680xi32, #tpu.memory_space<hbm>> -> memref<128xi32, #tpu.memory_space<hbm>>
      tpu.enqueue_dma source(%dma_start3A_40 : memref<128xi32, #tpu.memory_space<hbm>>) target(%arg11 : memref<128xi32, #tpu.memory_space<vmem>>) target_semaphore(%arg17 : memref<!tpu.dma_semaphore, #tpu.memory_space<semaphore_mem>>)
      %add3A_41 = arith.constant 128 : i32
      %add3A_42 = arith.addi %mul3A_35, %add3A_41 : i32
      %dma_start3A_43 = tpu.memref_slice %arg3[%add3A_42] : memref<327680xi32, #tpu.memory_space<hbm>> -> memref<128xi32, #tpu.memory_space<hbm>>
      %dma_start3A_44 = tpu.memref_slice %arg3[%add3A_42] : memref<327680xi32, #tpu.memory_space<hbm>> -> memref<128xi32, #tpu.memory_space<hbm>>
      tpu.enqueue_dma source(%dma_start3A_44 : memref<128xi32, #tpu.memory_space<hbm>>) target(%arg8 : memref<128xi32, #tpu.memory_space<vmem>>) target_semaphore(%arg18 : memref<!tpu.dma_semaphore, #tpu.memory_space<semaphore_mem>>)
      %dma_start3A_45 = tpu.memref_slice %arg4[%add3A_42] : memref<327680xi32, #tpu.memory_space<hbm>> -> memref<128xi32, #tpu.memory_space<hbm>>
      %dma_start3A_46 = tpu.memref_slice %arg4[%add3A_42] : memref<327680xi32, #tpu.memory_space<hbm>> -> memref<128xi32, #tpu.memory_space<hbm>>
      tpu.enqueue_dma source(%dma_start3A_46 : memref<128xi32, #tpu.memory_space<hbm>>) target(%arg12 : memref<128xi32, #tpu.memory_space<vmem>>) target_semaphore(%arg18 : memref<!tpu.dma_semaphore, #tpu.memory_space<semaphore_mem>>)
      %add3A_47 = arith.constant 256 : i32
      %add3A_48 = arith.addi %mul3A_35, %add3A_47 : i32
      %dma_start3A_49 = tpu.memref_slice %arg3[%add3A_48] : memref<327680xi32, #tpu.memory_space<hbm>> -> memref<128xi32, #tpu.memory_space<hbm>>
      %dma_start3A_50 = tpu.memref_slice %arg3[%add3A_48] : memref<327680xi32, #tpu.memory_space<hbm>> -> memref<128xi32, #tpu.memory_space<hbm>>
      tpu.enqueue_dma source(%dma_start3A_50 : memref<128xi32, #tpu.memory_space<hbm>>) target(%arg9 : memref<128xi32, #tpu.memory_space<vmem>>) target_semaphore(%arg19 : memref<!tpu.dma_semaphore, #tpu.memory_space<semaphore_mem>>)
      %dma_start3A_51 = tpu.memref_slice %arg4[%add3A_48] : memref<327680xi32, #tpu.memory_space<hbm>> -> memref<128xi32, #tpu.memory_space<hbm>>
      %dma_start3A_52 = tpu.memref_slice %arg4[%add3A_48] : memref<327680xi32, #tpu.memory_space<hbm>> -> memref<128xi32, #tpu.memory_space<hbm>>
      tpu.enqueue_dma source(%dma_start3A_52 : memref<128xi32, #tpu.memory_space<hbm>>) target(%arg13 : memref<128xi32, #tpu.memory_space<vmem>>) target_semaphore(%arg19 : memref<!tpu.dma_semaphore, #tpu.memory_space<semaphore_mem>>)
      %dma_wait3A = arith.constant 0 : i32
      %dma_wait3A_53 = tpu.memref_slice %arg3[%dma_wait3A] : memref<327680xi32, #tpu.memory_space<hbm>> -> memref<128xi32, #tpu.memory_space<hbm>>
      %dma_wait3A_54 = arith.constant 0 : i32
      %dma_wait3A_55 = tpu.memref_slice %arg3[%dma_wait3A_54] : memref<327680xi32, #tpu.memory_space<hbm>> -> memref<128xi32, #tpu.memory_space<hbm>>
      tpu.wait_dma2 semaphore(%arg17 : memref<!tpu.dma_semaphore, #tpu.memory_space<semaphore_mem>>) src(%dma_wait3A_55 : memref<128xi32, #tpu.memory_space<hbm>>) dst(%arg7 : memref<128xi32, #tpu.memory_space<vmem>>)
      %dma_wait3A_56 = arith.constant 0 : i32
      %dma_wait3A_57 = tpu.memref_slice %arg4[%dma_wait3A_56] : memref<327680xi32, #tpu.memory_space<hbm>> -> memref<128xi32, #tpu.memory_space<hbm>>
      %dma_wait3A_58 = arith.constant 0 : i32
      %dma_wait3A_59 = tpu.memref_slice %arg4[%dma_wait3A_58] : memref<327680xi32, #tpu.memory_space<hbm>> -> memref<128xi32, #tpu.memory_space<hbm>>
      tpu.wait_dma2 semaphore(%arg17 : memref<!tpu.dma_semaphore, #tpu.memory_space<semaphore_mem>>) src(%dma_wait3A_59 : memref<128xi32, #tpu.memory_space<hbm>>) dst(%arg11 : memref<128xi32, #tpu.memory_space<vmem>>)
      %dma_start3A_60 = arith.constant 0 : i32
      %dma_start3A_61 = arith.constant 0 : i32
      %dma_start3A_62 = tpu.memref_slice %arg2[%dma_start3A_60, %dma_start3A_61] : memref<10240x128xf32, #tpu.memory_space<hbm>> -> memref<10240x128xf32, #tpu.memory_space<hbm>>
      tpu.enqueue_indirect_dma source(%dma_start3A_62 : memref<10240x128xf32, #tpu.memory_space<hbm>>) target(%arg15 : memref<128x128xf32, #tpu.memory_space<vmem>>) offsets(%arg7 : memref<128xi32, #tpu.memory_space<vmem>>) semaphore(%arg21 : memref<!tpu.dma_semaphore, #tpu.memory_space<semaphore_mem>>)
      %scan3A_63 = arith.constant 0 : i32
      %scan3A_64 = arith.constant 0 : i32
      %scan3A_65 = arith.constant 37 : i32
      %scan3A_66 = arith.addi %scan3A_64, %scan3A_65 : i32
      %scan3A_67 = arith.constant 1 : i32
      scf.for %scan3A_72 = %scan3A_64 to %scan3A_66 step %scan3A_67  : i32 {
        %ge3A = arith.constant 1 : i32
        %ge3A_73 = arith.cmpi sge, %scan3A_72, %ge3A : i32
        %convert_element_type3A_74 = arith.extui %ge3A_73 : i1 to i32
        %cond3A_75 = arith.constant 0 : i32
        %cond3A_76 = arith.cmpi ne, %convert_element_type3A_74, %cond3A_75 : i32
        scf.if %cond3A_76 {
          %dma_wait3A_162 = arith.constant 0 : i32
          %dma_wait3A_163 = arith.constant 0 : i32
          %dma_wait3A_164 = tpu.memref_slice %arg6[%dma_wait3A_162, %dma_wait3A_163] : memref<10240x128xf32, #tpu.memory_space<vmem_shared>> -> memref<10240x128xf32, #tpu.memory_space<vmem_shared>>
          tpu.wait_indirect_dma semaphore(%arg24 : memref<!tpu.dma_semaphore, #tpu.memory_space<semaphore_mem>>) src(%arg16 : memref<128x128xf32, #tpu.memory_space<vmem>>) dst(%dma_wait3A_164 : memref<10240x128xf32, #tpu.memory_space<vmem_shared>>)
        } else {
        }
        %dma_wait3A_77 = arith.constant 0 : i32
        %dma_wait3A_78 = tpu.memref_slice %arg3[%dma_wait3A_77] : memref<327680xi32, #tpu.memory_space<hbm>> -> memref<128xi32, #tpu.memory_space<hbm>>
        %dma_wait3A_79 = arith.constant 0 : i32
        %dma_wait3A_80 = tpu.memref_slice %arg3[%dma_wait3A_79] : memref<327680xi32, #tpu.memory_space<hbm>> -> memref<128xi32, #tpu.memory_space<hbm>>
        tpu.wait_dma2 semaphore(%arg18 : memref<!tpu.dma_semaphore, #tpu.memory_space<semaphore_mem>>) src(%dma_wait3A_80 : memref<128xi32, #tpu.memory_space<hbm>>) dst(%arg8 : memref<128xi32, #tpu.memory_space<vmem>>)
        %dma_wait3A_81 = arith.constant 0 : i32
        %dma_wait3A_82 = tpu.memref_slice %arg4[%dma_wait3A_81] : memref<327680xi32, #tpu.memory_space<hbm>> -> memref<128xi32, #tpu.memory_space<hbm>>
        %dma_wait3A_83 = arith.constant 0 : i32
        %dma_wait3A_84 = tpu.memref_slice %arg4[%dma_wait3A_83] : memref<327680xi32, #tpu.memory_space<hbm>> -> memref<128xi32, #tpu.memory_space<hbm>>
        tpu.wait_dma2 semaphore(%arg18 : memref<!tpu.dma_semaphore, #tpu.memory_space<semaphore_mem>>) src(%dma_wait3A_84 : memref<128xi32, #tpu.memory_space<hbm>>) dst(%arg12 : memref<128xi32, #tpu.memory_space<vmem>>)
        %dma_start3A_85 = arith.constant 0 : i32
        %dma_start3A_86 = arith.constant 0 : i32
        %dma_start3A_87 = tpu.memref_slice %arg2[%dma_start3A_85, %dma_start3A_86] : memref<10240x128xf32, #tpu.memory_space<hbm>> -> memref<10240x128xf32, #tpu.memory_space<hbm>>
        tpu.enqueue_indirect_dma source(%dma_start3A_87 : memref<10240x128xf32, #tpu.memory_space<hbm>>) target(%arg16 : memref<128x128xf32, #tpu.memory_space<vmem>>) offsets(%arg8 : memref<128xi32, #tpu.memory_space<vmem>>) semaphore(%arg22 : memref<!tpu.dma_semaphore, #tpu.memory_space<semaphore_mem>>)
        %lt3A = arith.constant 37 : i32
        %lt3A_88 = arith.cmpi slt, %scan3A_72, %lt3A : i32
        %convert_element_type3A_89 = arith.extui %lt3A_88 : i1 to i32
        %cond3A_90 = arith.constant 0 : i32
        %cond3A_91 = arith.cmpi ne, %convert_element_type3A_89, %cond3A_90 : i32
        scf.if %cond3A_91 {
          %mul3A_162 = arith.constant 4 : i32
          %mul3A_163 = arith.muli %mul3A_162, %scan3A_72 : i32
          %add3A_164 = arith.constant 0 : i32
          %add3A_165 = arith.addi %mul3A_163, %add3A_164 : i32
          %add3A_166 = arith.constant 3 : i32
          %add3A_167 = arith.addi %add3A_165, %add3A_166 : i32
          %mul3A_168 = arith.constant 128 : i32
          %mul3A_169 = arith.muli %add3A_167, %mul3A_168 : i32
          %add3A_170 = arith.addi %mul3A_35, %mul3A_169 : i32
          %dma_start3A_171 = tpu.memref_slice %arg3[%add3A_170] : memref<327680xi32, #tpu.memory_space<hbm>> -> memref<128xi32, #tpu.memory_space<hbm>>
          %dma_start3A_172 = tpu.memref_slice %arg3[%add3A_170] : memref<327680xi32, #tpu.memory_space<hbm>> -> memref<128xi32, #tpu.memory_space<hbm>>
          tpu.enqueue_dma source(%dma_start3A_172 : memref<128xi32, #tpu.memory_space<hbm>>) target(%arg10 : memref<128xi32, #tpu.memory_space<vmem>>) target_semaphore(%arg20 : memref<!tpu.dma_semaphore, #tpu.memory_space<semaphore_mem>>)
          %dma_start3A_173 = tpu.memref_slice %arg4[%add3A_170] : memref<327680xi32, #tpu.memory_space<hbm>> -> memref<128xi32, #tpu.memory_space<hbm>>
          %dma_start3A_174 = tpu.memref_slice %arg4[%add3A_170] : memref<327680xi32, #tpu.memory_space<hbm>> -> memref<128xi32, #tpu.memory_space<hbm>>
          tpu.enqueue_dma source(%dma_start3A_174 : memref<128xi32, #tpu.memory_space<hbm>>) target(%arg14 : memref<128xi32, #tpu.memory_space<vmem>>) target_semaphore(%arg20 : memref<!tpu.dma_semaphore, #tpu.memory_space<semaphore_mem>>)
        } else {
        }
        %dma_wait3A_92 = arith.constant 0 : i32
        %dma_wait3A_93 = arith.constant 0 : i32
        %dma_wait3A_94 = tpu.memref_slice %arg2[%dma_wait3A_92, %dma_wait3A_93] : memref<10240x128xf32, #tpu.memory_space<hbm>> -> memref<10240x128xf32, #tpu.memory_space<hbm>>
        tpu.wait_indirect_dma semaphore(%arg21 : memref<!tpu.dma_semaphore, #tpu.memory_space<semaphore_mem>>) src(%dma_wait3A_94 : memref<10240x128xf32, #tpu.memory_space<hbm>>) dst(%arg15 : memref<128x128xf32, #tpu.memory_space<vmem>>)
        %dma_start3A_95 = arith.constant 0 : i32
        %dma_start3A_96 = arith.constant 0 : i32
        %dma_start3A_97 = tpu.memref_slice %arg6[%dma_start3A_95, %dma_start3A_96] : memref<10240x128xf32, #tpu.memory_space<vmem_shared>> -> memref<10240x128xf32, #tpu.memory_space<vmem_shared>>
        tpu.enqueue_indirect_dma source(%arg15 : memref<128x128xf32, #tpu.memory_space<vmem>>) target(%dma_start3A_97 : memref<10240x128xf32, #tpu.memory_space<vmem_shared>>) offsets(%arg11 : memref<128xi32, #tpu.memory_space<vmem>>) semaphore(%arg23 : memref<!tpu.dma_semaphore, #tpu.memory_space<semaphore_mem>>) {add = true}
        %dma_wait3A_98 = arith.constant 0 : i32
        %dma_wait3A_99 = arith.constant 0 : i32
        %dma_wait3A_100 = tpu.memref_slice %arg6[%dma_wait3A_98, %dma_wait3A_99] : memref<10240x128xf32, #tpu.memory_space<vmem_shared>> -> memref<10240x128xf32, #tpu.memory_space<vmem_shared>>
        tpu.wait_indirect_dma semaphore(%arg23 : memref<!tpu.dma_semaphore, #tpu.memory_space<semaphore_mem>>) src(%arg15 : memref<128x128xf32, #tpu.memory_space<vmem>>) dst(%dma_wait3A_100 : memref<10240x128xf32, #tpu.memory_space<vmem_shared>>)
        %dma_wait3A_101 = arith.constant 0 : i32
        %dma_wait3A_102 = tpu.memref_slice %arg3[%dma_wait3A_101] : memref<327680xi32, #tpu.memory_space<hbm>> -> memref<128xi32, #tpu.memory_space<hbm>>
        %dma_wait3A_103 = arith.constant 0 : i32
        %dma_wait3A_104 = tpu.memref_slice %arg3[%dma_wait3A_103] : memref<327680xi32, #tpu.memory_space<hbm>> -> memref<128xi32, #tpu.memory_space<hbm>>
        tpu.wait_dma2 semaphore(%arg19 : memref<!tpu.dma_semaphore, #tpu.memory_space<semaphore_mem>>) src(%dma_wait3A_104 : memref<128xi32, #tpu.memory_space<hbm>>) dst(%arg9 : memref<128xi32, #tpu.memory_space<vmem>>)
        %dma_wait3A_105 = arith.constant 0 : i32
        %dma_wait3A_106 = tpu.memref_slice %arg4[%dma_wait3A_105] : memref<327680xi32, #tpu.memory_space<hbm>> -> memref<128xi32, #tpu.memory_space<hbm>>
        %dma_wait3A_107 = arith.constant 0 : i32
        %dma_wait3A_108 = tpu.memref_slice %arg4[%dma_wait3A_107] : memref<327680xi32, #tpu.memory_space<hbm>> -> memref<128xi32, #tpu.memory_space<hbm>>
        tpu.wait_dma2 semaphore(%arg19 : memref<!tpu.dma_semaphore, #tpu.memory_space<semaphore_mem>>) src(%dma_wait3A_108 : memref<128xi32, #tpu.memory_space<hbm>>) dst(%arg13 : memref<128xi32, #tpu.memory_space<vmem>>)
        %dma_start3A_109 = arith.constant 0 : i32
        %dma_start3A_110 = arith.constant 0 : i32
        %dma_start3A_111 = tpu.memref_slice %arg2[%dma_start3A_109, %dma_start3A_110] : memref<10240x128xf32, #tpu.memory_space<hbm>> -> memref<10240x128xf32, #tpu.memory_space<hbm>>
        tpu.enqueue_indirect_dma source(%dma_start3A_111 : memref<10240x128xf32, #tpu.memory_space<hbm>>) target(%arg15 : memref<128x128xf32, #tpu.memory_space<vmem>>) offsets(%arg9 : memref<128xi32, #tpu.memory_space<vmem>>) semaphore(%arg21 : memref<!tpu.dma_semaphore, #tpu.memory_space<semaphore_mem>>)
        %lt3A_112 = arith.constant 36 : i32
        %lt3A_113 = arith.cmpi slt, %scan3A_72, %lt3A_112 : i32
        %convert_element_type3A_114 = arith.extui %lt3A_113 : i1 to i32
        %cond3A_115 = arith.constant 0 : i32
        %cond3A_116 = arith.cmpi ne, %convert_element_type3A_114, %cond3A_115 : i32
        scf.if %cond3A_116 {
          %mul3A_162 = arith.constant 4 : i32
          %mul3A_163 = arith.muli %mul3A_162, %scan3A_72 : i32
          %add3A_164 = arith.constant 1 : i32
          %add3A_165 = arith.addi %mul3A_163, %add3A_164 : i32
          %add3A_166 = arith.constant 3 : i32
          %add3A_167 = arith.addi %add3A_165, %add3A_166 : i32
          %mul3A_168 = arith.constant 128 : i32
          %mul3A_169 = arith.muli %add3A_167, %mul3A_168 : i32
          %add3A_170 = arith.addi %mul3A_35, %mul3A_169 : i32
          %dma_start3A_171 = tpu.memref_slice %arg3[%add3A_170] : memref<327680xi32, #tpu.memory_space<hbm>> -> memref<128xi32, #tpu.memory_space<hbm>>
          %dma_start3A_172 = tpu.memref_slice %arg3[%add3A_170] : memref<327680xi32, #tpu.memory_space<hbm>> -> memref<128xi32, #tpu.memory_space<hbm>>
          tpu.enqueue_dma source(%dma_start3A_172 : memref<128xi32, #tpu.memory_space<hbm>>) target(%arg7 : memref<128xi32, #tpu.memory_space<vmem>>) target_semaphore(%arg17 : memref<!tpu.dma_semaphore, #tpu.memory_space<semaphore_mem>>)
          %dma_start3A_173 = tpu.memref_slice %arg4[%add3A_170] : memref<327680xi32, #tpu.memory_space<hbm>> -> memref<128xi32, #tpu.memory_space<hbm>>
          %dma_start3A_174 = tpu.memref_slice %arg4[%add3A_170] : memref<327680xi32, #tpu.memory_space<hbm>> -> memref<128xi32, #tpu.memory_space<hbm>>
          tpu.enqueue_dma source(%dma_start3A_174 : memref<128xi32, #tpu.memory_space<hbm>>) target(%arg11 : memref<128xi32, #tpu.memory_space<vmem>>) target_semaphore(%arg17 : memref<!tpu.dma_semaphore, #tpu.memory_space<semaphore_mem>>)
        } else {
        }
        %dma_wait3A_117 = arith.constant 0 : i32
        %dma_wait3A_118 = arith.constant 0 : i32
        %dma_wait3A_119 = tpu.memref_slice %arg2[%dma_wait3A_117, %dma_wait3A_118] : memref<10240x128xf32, #tpu.memory_space<hbm>> -> memref<10240x128xf32, #tpu.memory_space<hbm>>
        tpu.wait_indirect_dma semaphore(%arg22 : memref<!tpu.dma_semaphore, #tpu.memory_space<semaphore_mem>>) src(%dma_wait3A_119 : memref<10240x128xf32, #tpu.memory_space<hbm>>) dst(%arg16 : memref<128x128xf32, #tpu.memory_space<vmem>>)
        %dma_start3A_120 = arith.constant 0 : i32
        %dma_start3A_121 = arith.constant 0 : i32
        %dma_start3A_122 = tpu.memref_slice %arg6[%dma_start3A_120, %dma_start3A_121] : memref<10240x128xf32, #tpu.memory_space<vmem_shared>> -> memref<10240x128xf32, #tpu.memory_space<vmem_shared>>
        tpu.enqueue_indirect_dma source(%arg16 : memref<128x128xf32, #tpu.memory_space<vmem>>) target(%dma_start3A_122 : memref<10240x128xf32, #tpu.memory_space<vmem_shared>>) offsets(%arg12 : memref<128xi32, #tpu.memory_space<vmem>>) semaphore(%arg24 : memref<!tpu.dma_semaphore, #tpu.memory_space<semaphore_mem>>) {add = true}
        %dma_wait3A_123 = arith.constant 0 : i32
        %dma_wait3A_124 = arith.constant 0 : i32
        %dma_wait3A_125 = tpu.memref_slice %arg6[%dma_wait3A_123, %dma_wait3A_124] : memref<10240x128xf32, #tpu.memory_space<vmem_shared>> -> memref<10240x128xf32, #tpu.memory_space<vmem_shared>>
        tpu.wait_indirect_dma semaphore(%arg24 : memref<!tpu.dma_semaphore, #tpu.memory_space<semaphore_mem>>) src(%arg16 : memref<128x128xf32, #tpu.memory_space<vmem>>) dst(%dma_wait3A_125 : memref<10240x128xf32, #tpu.memory_space<vmem_shared>>)
        %dma_wait3A_126 = arith.constant 0 : i32
        %dma_wait3A_127 = tpu.memref_slice %arg3[%dma_wait3A_126] : memref<327680xi32, #tpu.memory_space<hbm>> -> memref<128xi32, #tpu.memory_space<hbm>>
        %dma_wait3A_128 = arith.constant 0 : i32
        %dma_wait3A_129 = tpu.memref_slice %arg3[%dma_wait3A_128] : memref<327680xi32, #tpu.memory_space<hbm>> -> memref<128xi32, #tpu.memory_space<hbm>>
        tpu.wait_dma2 semaphore(%arg20 : memref<!tpu.dma_semaphore, #tpu.memory_space<semaphore_mem>>) src(%dma_wait3A_129 : memref<128xi32, #tpu.memory_space<hbm>>) dst(%arg10 : memref<128xi32, #tpu.memory_space<vmem>>)
        %dma_wait3A_130 = arith.constant 0 : i32
        %dma_wait3A_131 = tpu.memref_slice %arg4[%dma_wait3A_130] : memref<327680xi32, #tpu.memory_space<hbm>> -> memref<128xi32, #tpu.memory_space<hbm>>
        %dma_wait3A_132 = arith.constant 0 : i32
        %dma_wait3A_133 = tpu.memref_slice %arg4[%dma_wait3A_132] : memref<327680xi32, #tpu.memory_space<hbm>> -> memref<128xi32, #tpu.memory_space<hbm>>
        tpu.wait_dma2 semaphore(%arg20 : memref<!tpu.dma_semaphore, #tpu.memory_space<semaphore_mem>>) src(%dma_wait3A_133 : memref<128xi32, #tpu.memory_space<hbm>>) dst(%arg14 : memref<128xi32, #tpu.memory_space<vmem>>)
        %dma_start3A_134 = arith.constant 0 : i32
        %dma_start3A_135 = arith.constant 0 : i32
        %dma_start3A_136 = tpu.memref_slice %arg2[%dma_start3A_134, %dma_start3A_135] : memref<10240x128xf32, #tpu.memory_space<hbm>> -> memref<10240x128xf32, #tpu.memory_space<hbm>>
        tpu.enqueue_indirect_dma source(%dma_start3A_136 : memref<10240x128xf32, #tpu.memory_space<hbm>>) target(%arg16 : memref<128x128xf32, #tpu.memory_space<vmem>>) offsets(%arg10 : memref<128xi32, #tpu.memory_space<vmem>>) semaphore(%arg22 : memref<!tpu.dma_semaphore, #tpu.memory_space<semaphore_mem>>)
        %lt3A_137 = arith.constant 36 : i32
        %lt3A_138 = arith.cmpi slt, %scan3A_72, %lt3A_137 : i32
        %convert_element_type3A_139 = arith.extui %lt3A_138 : i1 to i32
        %cond3A_140 = arith.constant 0 : i32
        %cond3A_141 = arith.cmpi ne, %convert_element_type3A_139, %cond3A_140 : i32
        scf.if %cond3A_141 {
          %mul3A_162 = arith.constant 4 : i32
          %mul3A_163 = arith.muli %mul3A_162, %scan3A_72 : i32
          %add3A_164 = arith.constant 2 : i32
          %add3A_165 = arith.addi %mul3A_163, %add3A_164 : i32
          %add3A_166 = arith.constant 3 : i32
          %add3A_167 = arith.addi %add3A_165, %add3A_166 : i32
          %mul3A_168 = arith.constant 128 : i32
          %mul3A_169 = arith.muli %add3A_167, %mul3A_168 : i32
          %add3A_170 = arith.addi %mul3A_35, %mul3A_169 : i32
          %dma_start3A_171 = tpu.memref_slice %arg3[%add3A_170] : memref<327680xi32, #tpu.memory_space<hbm>> -> memref<128xi32, #tpu.memory_space<hbm>>
          %dma_start3A_172 = tpu.memref_slice %arg3[%add3A_170] : memref<327680xi32, #tpu.memory_space<hbm>> -> memref<128xi32, #tpu.memory_space<hbm>>
          tpu.enqueue_dma source(%dma_start3A_172 : memref<128xi32, #tpu.memory_space<hbm>>) target(%arg8 : memref<128xi32, #tpu.memory_space<vmem>>) target_semaphore(%arg18 : memref<!tpu.dma_semaphore, #tpu.memory_space<semaphore_mem>>)
          %dma_start3A_173 = tpu.memref_slice %arg4[%add3A_170] : memref<327680xi32, #tpu.memory_space<hbm>> -> memref<128xi32, #tpu.memory_space<hbm>>
          %dma_start3A_174 = tpu.memref_slice %arg4[%add3A_170] : memref<327680xi32, #tpu.memory_space<hbm>> -> memref<128xi32, #tpu.memory_space<hbm>>
          tpu.enqueue_dma source(%dma_start3A_174 : memref<128xi32, #tpu.memory_space<hbm>>) target(%arg12 : memref<128xi32, #tpu.memory_space<vmem>>) target_semaphore(%arg18 : memref<!tpu.dma_semaphore, #tpu.memory_space<semaphore_mem>>)
        } else {
        }
        %dma_wait3A_142 = arith.constant 0 : i32
        %dma_wait3A_143 = arith.constant 0 : i32
        %dma_wait3A_144 = tpu.memref_slice %arg2[%dma_wait3A_142, %dma_wait3A_143] : memref<10240x128xf32, #tpu.memory_space<hbm>> -> memref<10240x128xf32, #tpu.memory_space<hbm>>
        tpu.wait_indirect_dma semaphore(%arg21 : memref<!tpu.dma_semaphore, #tpu.memory_space<semaphore_mem>>) src(%dma_wait3A_144 : memref<10240x128xf32, #tpu.memory_space<hbm>>) dst(%arg15 : memref<128x128xf32, #tpu.memory_space<vmem>>)
        %dma_start3A_145 = arith.constant 0 : i32
        %dma_start3A_146 = arith.constant 0 : i32
        %dma_start3A_147 = tpu.memref_slice %arg6[%dma_start3A_145, %dma_start3A_146] : memref<10240x128xf32, #tpu.memory_space<vmem_shared>> -> memref<10240x128xf32, #tpu.memory_space<vmem_shared>>
        tpu.enqueue_indirect_dma source(%arg15 : memref<128x128xf32, #tpu.memory_space<vmem>>) target(%dma_start3A_147 : memref<10240x128xf32, #tpu.memory_space<vmem_shared>>) offsets(%arg13 : memref<128xi32, #tpu.memory_space<vmem>>) semaphore(%arg23 : memref<!tpu.dma_semaphore, #tpu.memory_space<semaphore_mem>>) {add = true}
        %dma_wait3A_148 = arith.constant 0 : i32
        %dma_wait3A_149 = arith.constant 0 : i32
        %dma_wait3A_150 = tpu.memref_slice %arg6[%dma_wait3A_148, %dma_wait3A_149] : memref<10240x128xf32, #tpu.memory_space<vmem_shared>> -> memref<10240x128xf32, #tpu.memory_space<vmem_shared>>
        tpu.wait_indirect_dma semaphore(%arg23 : memref<!tpu.dma_semaphore, #tpu.memory_space<semaphore_mem>>) src(%arg15 : memref<128x128xf32, #tpu.memory_space<vmem>>) dst(%dma_wait3A_150 : memref<10240x128xf32, #tpu.memory_space<vmem_shared>>)
        %lt3A_151 = arith.constant 36 : i32
        %lt3A_152 = arith.cmpi slt, %scan3A_72, %lt3A_151 : i32
        %convert_element_type3A_153 = arith.extui %lt3A_152 : i1 to i32
        %cond3A_154 = arith.constant 0 : i32
        %cond3A_155 = arith.cmpi ne, %convert_element_type3A_153, %cond3A_154 : i32
        scf.if %cond3A_155 {
          %dma_wait3A_162 = arith.constant 0 : i32
          %dma_wait3A_163 = tpu.memref_slice %arg3[%dma_wait3A_162] : memref<327680xi32, #tpu.memory_space<hbm>> -> memref<128xi32, #tpu.memory_space<hbm>>
          %dma_wait3A_164 = arith.constant 0 : i32
          %dma_wait3A_165 = tpu.memref_slice %arg3[%dma_wait3A_164] : memref<327680xi32, #tpu.memory_space<hbm>> -> memref<128xi32, #tpu.memory_space<hbm>>
          tpu.wait_dma2 semaphore(%arg17 : memref<!tpu.dma_semaphore, #tpu.memory_space<semaphore_mem>>) src(%dma_wait3A_165 : memref<128xi32, #tpu.memory_space<hbm>>) dst(%arg7 : memref<128xi32, #tpu.memory_space<vmem>>)
          %dma_wait3A_166 = arith.constant 0 : i32
          %dma_wait3A_167 = tpu.memref_slice %arg4[%dma_wait3A_166] : memref<327680xi32, #tpu.memory_space<hbm>> -> memref<128xi32, #tpu.memory_space<hbm>>
          %dma_wait3A_168 = arith.constant 0 : i32
          %dma_wait3A_169 = tpu.memref_slice %arg4[%dma_wait3A_168] : memref<327680xi32, #tpu.memory_space<hbm>> -> memref<128xi32, #tpu.memory_space<hbm>>
          tpu.wait_dma2 semaphore(%arg17 : memref<!tpu.dma_semaphore, #tpu.memory_space<semaphore_mem>>) src(%dma_wait3A_169 : memref<128xi32, #tpu.memory_space<hbm>>) dst(%arg11 : memref<128xi32, #tpu.memory_space<vmem>>)
          %dma_start3A_170 = arith.constant 0 : i32
          %dma_start3A_171 = arith.constant 0 : i32
          %dma_start3A_172 = tpu.memref_slice %arg2[%dma_start3A_170, %dma_start3A_171] : memref<10240x128xf32, #tpu.memory_space<hbm>> -> memref<10240x128xf32, #tpu.memory_space<hbm>>
          tpu.enqueue_indirect_dma source(%dma_start3A_172 : memref<10240x128xf32, #tpu.memory_space<hbm>>) target(%arg15 : memref<128x128xf32, #tpu.memory_space<vmem>>) offsets(%arg7 : memref<128xi32, #tpu.memory_space<vmem>>) semaphore(%arg21 : memref<!tpu.dma_semaphore, #tpu.memory_space<semaphore_mem>>)
          %mul3A_173 = arith.constant 4 : i32
          %mul3A_174 = arith.muli %mul3A_173, %scan3A_72 : i32
          %add3A_175 = arith.constant 6 : i32
          %add3A_176 = arith.addi %mul3A_174, %add3A_175 : i32
          %mul3A_177 = arith.constant 128 : i32
          %mul3A_178 = arith.muli %add3A_176, %mul3A_177 : i32
          %add3A_179 = arith.addi %mul3A_35, %mul3A_178 : i32
          %dma_start3A_180 = tpu.memref_slice %arg3[%add3A_179] : memref<327680xi32, #tpu.memory_space<hbm>> -> memref<128xi32, #tpu.memory_space<hbm>>
          %dma_start3A_181 = tpu.memref_slice %arg3[%add3A_179] : memref<327680xi32, #tpu.memory_space<hbm>> -> memref<128xi32, #tpu.memory_space<hbm>>
          tpu.enqueue_dma source(%dma_start3A_181 : memref<128xi32, #tpu.memory_space<hbm>>) target(%arg9 : memref<128xi32, #tpu.memory_space<vmem>>) target_semaphore(%arg19 : memref<!tpu.dma_semaphore, #tpu.memory_space<semaphore_mem>>)
          %dma_start3A_182 = tpu.memref_slice %arg4[%add3A_179] : memref<327680xi32, #tpu.memory_space<hbm>> -> memref<128xi32, #tpu.memory_space<hbm>>
          %dma_start3A_183 = tpu.memref_slice %arg4[%add3A_179] : memref<327680xi32, #tpu.memory_space<hbm>> -> memref<128xi32, #tpu.memory_space<hbm>>
          tpu.enqueue_dma source(%dma_start3A_183 : memref<128xi32, #tpu.memory_space<hbm>>) target(%arg13 : memref<128xi32, #tpu.memory_space<vmem>>) target_semaphore(%arg19 : memref<!tpu.dma_semaphore, #tpu.memory_space<semaphore_mem>>)
        } else {
        }
        %dma_wait3A_156 = arith.constant 0 : i32
        %dma_wait3A_157 = arith.constant 0 : i32
        %dma_wait3A_158 = tpu.memref_slice %arg2[%dma_wait3A_156, %dma_wait3A_157] : memref<10240x128xf32, #tpu.memory_space<hbm>> -> memref<10240x128xf32, #tpu.memory_space<hbm>>
        tpu.wait_indirect_dma semaphore(%arg22 : memref<!tpu.dma_semaphore, #tpu.memory_space<semaphore_mem>>) src(%dma_wait3A_158 : memref<10240x128xf32, #tpu.memory_space<hbm>>) dst(%arg16 : memref<128x128xf32, #tpu.memory_space<vmem>>)
        %dma_start3A_159 = arith.constant 0 : i32
        %dma_start3A_160 = arith.constant 0 : i32
        %dma_start3A_161 = tpu.memref_slice %arg6[%dma_start3A_159, %dma_start3A_160] : memref<10240x128xf32, #tpu.memory_space<vmem_shared>> -> memref<10240x128xf32, #tpu.memory_space<vmem_shared>>
        tpu.enqueue_indirect_dma source(%arg16 : memref<128x128xf32, #tpu.memory_space<vmem>>) target(%dma_start3A_161 : memref<10240x128xf32, #tpu.memory_space<vmem_shared>>) offsets(%arg14 : memref<128xi32, #tpu.memory_space<vmem>>) semaphore(%arg24 : memref<!tpu.dma_semaphore, #tpu.memory_space<semaphore_mem>>) {add = true}
      }
      %scan3A_68 = arith.constant 37 : i32
      %dma_wait3A_69 = arith.constant 0 : i32
      %dma_wait3A_70 = arith.constant 0 : i32
      %dma_wait3A_71 = tpu.memref_slice %arg6[%dma_wait3A_69, %dma_wait3A_70] : memref<10240x128xf32, #tpu.memory_space<vmem_shared>> -> memref<10240x128xf32, #tpu.memory_space<vmem_shared>>
      tpu.wait_indirect_dma semaphore(%arg24 : memref<!tpu.dma_semaphore, #tpu.memory_space<semaphore_mem>>) src(%arg16 : memref<128x128xf32, #tpu.memory_space<vmem>>) dst(%dma_wait3A_71 : memref<10240x128xf32, #tpu.memory_space<vmem_shared>>)
    } else {
    }
    %eq3A_18 = arith.constant 1 : i32
    %eq3A_19 = arith.cmpi eq, %arg0, %eq3A_18 : i32
    %convert_element_type3A_20 = arith.extui %eq3A_19 : i1 to i32
    %cond3A_21 = arith.constant 0 : i32
    %cond3A_22 = arith.cmpi ne, %convert_element_type3A_20, %cond3A_21 : i32
    scf.if %cond3A_22 {
      %mul3A_34 = arith.constant 1536 : i32
      %mul3A_35 = arith.muli %arg1, %mul3A_34 : i32
      %add3A_36 = arith.constant 303104 : i32
      %add3A_37 = arith.addi %add3A_36, %mul3A_35 : i32
      %add3A_38 = arith.constant 0 : i32
      %add3A_39 = arith.addi %add3A_37, %add3A_38 : i32
      %dma_start3A = tpu.memref_slice %arg3[%add3A_39] : memref<327680xi32, #tpu.memory_space<hbm>> -> memref<128xi32, #tpu.memory_space<hbm>>
      %dma_start3A_40 = tpu.memref_slice %arg3[%add3A_39] : memref<327680xi32, #tpu.memory_space<hbm>> -> memref<128xi32, #tpu.memory_space<hbm>>
      tpu.enqueue_dma source(%dma_start3A_40 : memref<128xi32, #tpu.memory_space<hbm>>) target(%arg7 : memref<128xi32, #tpu.memory_space<vmem>>) target_semaphore(%arg17 : memref<!tpu.dma_semaphore, #tpu.memory_space<semaphore_mem>>)
      %dma_start3A_41 = tpu.memref_slice %arg4[%add3A_39] : memref<327680xi32, #tpu.memory_space<hbm>> -> memref<128xi32, #tpu.memory_space<hbm>>
      %dma_start3A_42 = tpu.memref_slice %arg4[%add3A_39] : memref<327680xi32, #tpu.memory_space<hbm>> -> memref<128xi32, #tpu.memory_space<hbm>>
      tpu.enqueue_dma source(%dma_start3A_42 : memref<128xi32, #tpu.memory_space<hbm>>) target(%arg11 : memref<128xi32, #tpu.memory_space<vmem>>) target_semaphore(%arg17 : memref<!tpu.dma_semaphore, #tpu.memory_space<semaphore_mem>>)
      %add3A_43 = arith.constant 128 : i32
      %add3A_44 = arith.addi %add3A_37, %add3A_43 : i32
      %dma_start3A_45 = tpu.memref_slice %arg3[%add3A_44] : memref<327680xi32, #tpu.memory_space<hbm>> -> memref<128xi32, #tpu.memory_space<hbm>>
      %dma_start3A_46 = tpu.memref_slice %arg3[%add3A_44] : memref<327680xi32, #tpu.memory_space<hbm>> -> memref<128xi32, #tpu.memory_space<hbm>>
      tpu.enqueue_dma source(%dma_start3A_46 : memref<128xi32, #tpu.memory_space<hbm>>) target(%arg8 : memref<128xi32, #tpu.memory_space<vmem>>) target_semaphore(%arg18 : memref<!tpu.dma_semaphore, #tpu.memory_space<semaphore_mem>>)
      %dma_start3A_47 = tpu.memref_slice %arg4[%add3A_44] : memref<327680xi32, #tpu.memory_space<hbm>> -> memref<128xi32, #tpu.memory_space<hbm>>
      %dma_start3A_48 = tpu.memref_slice %arg4[%add3A_44] : memref<327680xi32, #tpu.memory_space<hbm>> -> memref<128xi32, #tpu.memory_space<hbm>>
      tpu.enqueue_dma source(%dma_start3A_48 : memref<128xi32, #tpu.memory_space<hbm>>) target(%arg12 : memref<128xi32, #tpu.memory_space<vmem>>) target_semaphore(%arg18 : memref<!tpu.dma_semaphore, #tpu.memory_space<semaphore_mem>>)
      %add3A_49 = arith.constant 256 : i32
      %add3A_50 = arith.addi %add3A_37, %add3A_49 : i32
      %dma_start3A_51 = tpu.memref_slice %arg3[%add3A_50] : memref<327680xi32, #tpu.memory_space<hbm>> -> memref<128xi32, #tpu.memory_space<hbm>>
      %dma_start3A_52 = tpu.memref_slice %arg3[%add3A_50] : memref<327680xi32, #tpu.memory_space<hbm>> -> memref<128xi32, #tpu.memory_space<hbm>>
      tpu.enqueue_dma source(%dma_start3A_52 : memref<128xi32, #tpu.memory_space<hbm>>) target(%arg9 : memref<128xi32, #tpu.memory_space<vmem>>) target_semaphore(%arg19 : memref<!tpu.dma_semaphore, #tpu.memory_space<semaphore_mem>>)
      %dma_start3A_53 = tpu.memref_slice %arg4[%add3A_50] : memref<327680xi32, #tpu.memory_space<hbm>> -> memref<128xi32, #tpu.memory_space<hbm>>
      %dma_start3A_54 = tpu.memref_slice %arg4[%add3A_50] : memref<327680xi32, #tpu.memory_space<hbm>> -> memref<128xi32, #tpu.memory_space<hbm>>
      tpu.enqueue_dma source(%dma_start3A_54 : memref<128xi32, #tpu.memory_space<hbm>>) target(%arg13 : memref<128xi32, #tpu.memory_space<vmem>>) target_semaphore(%arg19 : memref<!tpu.dma_semaphore, #tpu.memory_space<semaphore_mem>>)
      %dma_wait3A = arith.constant 0 : i32
      %dma_wait3A_55 = tpu.memref_slice %arg3[%dma_wait3A] : memref<327680xi32, #tpu.memory_space<hbm>> -> memref<128xi32, #tpu.memory_space<hbm>>
      %dma_wait3A_56 = arith.constant 0 : i32
      %dma_wait3A_57 = tpu.memref_slice %arg3[%dma_wait3A_56] : memref<327680xi32, #tpu.memory_space<hbm>> -> memref<128xi32, #tpu.memory_space<hbm>>
      tpu.wait_dma2 semaphore(%arg17 : memref<!tpu.dma_semaphore, #tpu.memory_space<semaphore_mem>>) src(%dma_wait3A_57 : memref<128xi32, #tpu.memory_space<hbm>>) dst(%arg7 : memref<128xi32, #tpu.memory_space<vmem>>)
      %dma_wait3A_58 = arith.constant 0 : i32
      %dma_wait3A_59 = tpu.memref_slice %arg4[%dma_wait3A_58] : memref<327680xi32, #tpu.memory_space<hbm>> -> memref<128xi32, #tpu.memory_space<hbm>>
      %dma_wait3A_60 = arith.constant 0 : i32
      %dma_wait3A_61 = tpu.memref_slice %arg4[%dma_wait3A_60] : memref<327680xi32, #tpu.memory_space<hbm>> -> memref<128xi32, #tpu.memory_space<hbm>>
      tpu.wait_dma2 semaphore(%arg17 : memref<!tpu.dma_semaphore, #tpu.memory_space<semaphore_mem>>) src(%dma_wait3A_61 : memref<128xi32, #tpu.memory_space<hbm>>) dst(%arg11 : memref<128xi32, #tpu.memory_space<vmem>>)
      %dma_start3A_62 = arith.constant 0 : i32
      %dma_start3A_63 = arith.constant 0 : i32
      %dma_start3A_64 = tpu.memref_slice %arg2[%dma_start3A_62, %dma_start3A_63] : memref<10240x128xf32, #tpu.memory_space<hbm>> -> memref<10240x128xf32, #tpu.memory_space<hbm>>
      tpu.enqueue_indirect_dma source(%dma_start3A_64 : memref<10240x128xf32, #tpu.memory_space<hbm>>) target(%arg15 : memref<128x128xf32, #tpu.memory_space<vmem>>) offsets(%arg7 : memref<128xi32, #tpu.memory_space<vmem>>) semaphore(%arg21 : memref<!tpu.dma_semaphore, #tpu.memory_space<semaphore_mem>>)
      %scan3A_65 = arith.constant 0 : i32
      %scan3A_66 = arith.constant 0 : i32
      %scan3A_67 = arith.constant 3 : i32
      %scan3A_68 = arith.addi %scan3A_66, %scan3A_67 : i32
      %scan3A_69 = arith.constant 1 : i32
      scf.for %scan3A_74 = %scan3A_66 to %scan3A_68 step %scan3A_69  : i32 {
        %ge3A = arith.constant 1 : i32
        %ge3A_75 = arith.cmpi sge, %scan3A_74, %ge3A : i32
        %convert_element_type3A_76 = arith.extui %ge3A_75 : i1 to i32
        %cond3A_77 = arith.constant 0 : i32
        %cond3A_78 = arith.cmpi ne, %convert_element_type3A_76, %cond3A_77 : i32
        scf.if %cond3A_78 {
          %dma_wait3A_164 = arith.constant 0 : i32
          %dma_wait3A_165 = arith.constant 0 : i32
          %dma_wait3A_166 = tpu.memref_slice %arg6[%dma_wait3A_164, %dma_wait3A_165] : memref<10240x128xf32, #tpu.memory_space<vmem_shared>> -> memref<10240x128xf32, #tpu.memory_space<vmem_shared>>
          tpu.wait_indirect_dma semaphore(%arg24 : memref<!tpu.dma_semaphore, #tpu.memory_space<semaphore_mem>>) src(%arg16 : memref<128x128xf32, #tpu.memory_space<vmem>>) dst(%dma_wait3A_166 : memref<10240x128xf32, #tpu.memory_space<vmem_shared>>)
        } else {
        }
        %dma_wait3A_79 = arith.constant 0 : i32
        %dma_wait3A_80 = tpu.memref_slice %arg3[%dma_wait3A_79] : memref<327680xi32, #tpu.memory_space<hbm>> -> memref<128xi32, #tpu.memory_space<hbm>>
        %dma_wait3A_81 = arith.constant 0 : i32
        %dma_wait3A_82 = tpu.memref_slice %arg3[%dma_wait3A_81] : memref<327680xi32, #tpu.memory_space<hbm>> -> memref<128xi32, #tpu.memory_space<hbm>>
        tpu.wait_dma2 semaphore(%arg18 : memref<!tpu.dma_semaphore, #tpu.memory_space<semaphore_mem>>) src(%dma_wait3A_82 : memref<128xi32, #tpu.memory_space<hbm>>) dst(%arg8 : memref<128xi32, #tpu.memory_space<vmem>>)
        %dma_wait3A_83 = arith.constant 0 : i32
        %dma_wait3A_84 = tpu.memref_slice %arg4[%dma_wait3A_83] : memref<327680xi32, #tpu.memory_space<hbm>> -> memref<128xi32, #tpu.memory_space<hbm>>
        %dma_wait3A_85 = arith.constant 0 : i32
        %dma_wait3A_86 = tpu.memref_slice %arg4[%dma_wait3A_85] : memref<327680xi32, #tpu.memory_space<hbm>> -> memref<128xi32, #tpu.memory_space<hbm>>
        tpu.wait_dma2 semaphore(%arg18 : memref<!tpu.dma_semaphore, #tpu.memory_space<semaphore_mem>>) src(%dma_wait3A_86 : memref<128xi32, #tpu.memory_space<hbm>>) dst(%arg12 : memref<128xi32, #tpu.memory_space<vmem>>)
        %dma_start3A_87 = arith.constant 0 : i32
        %dma_start3A_88 = arith.constant 0 : i32
        %dma_start3A_89 = tpu.memref_slice %arg2[%dma_start3A_87, %dma_start3A_88] : memref<10240x128xf32, #tpu.memory_space<hbm>> -> memref<10240x128xf32, #tpu.memory_space<hbm>>
        tpu.enqueue_indirect_dma source(%dma_start3A_89 : memref<10240x128xf32, #tpu.memory_space<hbm>>) target(%arg16 : memref<128x128xf32, #tpu.memory_space<vmem>>) offsets(%arg8 : memref<128xi32, #tpu.memory_space<vmem>>) semaphore(%arg22 : memref<!tpu.dma_semaphore, #tpu.memory_space<semaphore_mem>>)
        %lt3A = arith.constant 3 : i32
        %lt3A_90 = arith.cmpi slt, %scan3A_74, %lt3A : i32
        %convert_element_type3A_91 = arith.extui %lt3A_90 : i1 to i32
        %cond3A_92 = arith.constant 0 : i32
        %cond3A_93 = arith.cmpi ne, %convert_element_type3A_91, %cond3A_92 : i32
        scf.if %cond3A_93 {
          %mul3A_164 = arith.constant 4 : i32
          %mul3A_165 = arith.muli %mul3A_164, %scan3A_74 : i32
          %add3A_166 = arith.constant 0 : i32
          %add3A_167 = arith.addi %mul3A_165, %add3A_166 : i32
          %add3A_168 = arith.constant 3 : i32
          %add3A_169 = arith.addi %add3A_167, %add3A_168 : i32
          %mul3A_170 = arith.constant 128 : i32
          %mul3A_171 = arith.muli %add3A_169, %mul3A_170 : i32
          %add3A_172 = arith.addi %add3A_37, %mul3A_171 : i32
          %dma_start3A_173 = tpu.memref_slice %arg3[%add3A_172] : memref<327680xi32, #tpu.memory_space<hbm>> -> memref<128xi32, #tpu.memory_space<hbm>>
          %dma_start3A_174 = tpu.memref_slice %arg3[%add3A_172] : memref<327680xi32, #tpu.memory_space<hbm>> -> memref<128xi32, #tpu.memory_space<hbm>>
          tpu.enqueue_dma source(%dma_start3A_174 : memref<128xi32, #tpu.memory_space<hbm>>) target(%arg10 : memref<128xi32, #tpu.memory_space<vmem>>) target_semaphore(%arg20 : memref<!tpu.dma_semaphore, #tpu.memory_space<semaphore_mem>>)
          %dma_start3A_175 = tpu.memref_slice %arg4[%add3A_172] : memref<327680xi32, #tpu.memory_space<hbm>> -> memref<128xi32, #tpu.memory_space<hbm>>
          %dma_start3A_176 = tpu.memref_slice %arg4[%add3A_172] : memref<327680xi32, #tpu.memory_space<hbm>> -> memref<128xi32, #tpu.memory_space<hbm>>
          tpu.enqueue_dma source(%dma_start3A_176 : memref<128xi32, #tpu.memory_space<hbm>>) target(%arg14 : memref<128xi32, #tpu.memory_space<vmem>>) target_semaphore(%arg20 : memref<!tpu.dma_semaphore, #tpu.memory_space<semaphore_mem>>)
        } else {
        }
        %dma_wait3A_94 = arith.constant 0 : i32
        %dma_wait3A_95 = arith.constant 0 : i32
        %dma_wait3A_96 = tpu.memref_slice %arg2[%dma_wait3A_94, %dma_wait3A_95] : memref<10240x128xf32, #tpu.memory_space<hbm>> -> memref<10240x128xf32, #tpu.memory_space<hbm>>
        tpu.wait_indirect_dma semaphore(%arg21 : memref<!tpu.dma_semaphore, #tpu.memory_space<semaphore_mem>>) src(%dma_wait3A_96 : memref<10240x128xf32, #tpu.memory_space<hbm>>) dst(%arg15 : memref<128x128xf32, #tpu.memory_space<vmem>>)
        %dma_start3A_97 = arith.constant 0 : i32
        %dma_start3A_98 = arith.constant 0 : i32
        %dma_start3A_99 = tpu.memref_slice %arg6[%dma_start3A_97, %dma_start3A_98] : memref<10240x128xf32, #tpu.memory_space<vmem_shared>> -> memref<10240x128xf32, #tpu.memory_space<vmem_shared>>
        tpu.enqueue_indirect_dma source(%arg15 : memref<128x128xf32, #tpu.memory_space<vmem>>) target(%dma_start3A_99 : memref<10240x128xf32, #tpu.memory_space<vmem_shared>>) offsets(%arg11 : memref<128xi32, #tpu.memory_space<vmem>>) semaphore(%arg23 : memref<!tpu.dma_semaphore, #tpu.memory_space<semaphore_mem>>) {add = true}
        %dma_wait3A_100 = arith.constant 0 : i32
        %dma_wait3A_101 = arith.constant 0 : i32
        %dma_wait3A_102 = tpu.memref_slice %arg6[%dma_wait3A_100, %dma_wait3A_101] : memref<10240x128xf32, #tpu.memory_space<vmem_shared>> -> memref<10240x128xf32, #tpu.memory_space<vmem_shared>>
        tpu.wait_indirect_dma semaphore(%arg23 : memref<!tpu.dma_semaphore, #tpu.memory_space<semaphore_mem>>) src(%arg15 : memref<128x128xf32, #tpu.memory_space<vmem>>) dst(%dma_wait3A_102 : memref<10240x128xf32, #tpu.memory_space<vmem_shared>>)
        %dma_wait3A_103 = arith.constant 0 : i32
        %dma_wait3A_104 = tpu.memref_slice %arg3[%dma_wait3A_103] : memref<327680xi32, #tpu.memory_space<hbm>> -> memref<128xi32, #tpu.memory_space<hbm>>
        %dma_wait3A_105 = arith.constant 0 : i32
        %dma_wait3A_106 = tpu.memref_slice %arg3[%dma_wait3A_105] : memref<327680xi32, #tpu.memory_space<hbm>> -> memref<128xi32, #tpu.memory_space<hbm>>
        tpu.wait_dma2 semaphore(%arg19 : memref<!tpu.dma_semaphore, #tpu.memory_space<semaphore_mem>>) src(%dma_wait3A_106 : memref<128xi32, #tpu.memory_space<hbm>>) dst(%arg9 : memref<128xi32, #tpu.memory_space<vmem>>)
        %dma_wait3A_107 = arith.constant 0 : i32
        %dma_wait3A_108 = tpu.memref_slice %arg4[%dma_wait3A_107] : memref<327680xi32, #tpu.memory_space<hbm>> -> memref<128xi32, #tpu.memory_space<hbm>>
        %dma_wait3A_109 = arith.constant 0 : i32
        %dma_wait3A_110 = tpu.memref_slice %arg4[%dma_wait3A_109] : memref<327680xi32, #tpu.memory_space<hbm>> -> memref<128xi32, #tpu.memory_space<hbm>>
        tpu.wait_dma2 semaphore(%arg19 : memref<!tpu.dma_semaphore, #tpu.memory_space<semaphore_mem>>) src(%dma_wait3A_110 : memref<128xi32, #tpu.memory_space<hbm>>) dst(%arg13 : memref<128xi32, #tpu.memory_space<vmem>>)
        %dma_start3A_111 = arith.constant 0 : i32
        %dma_start3A_112 = arith.constant 0 : i32
        %dma_start3A_113 = tpu.memref_slice %arg2[%dma_start3A_111, %dma_start3A_112] : memref<10240x128xf32, #tpu.memory_space<hbm>> -> memref<10240x128xf32, #tpu.memory_space<hbm>>
        tpu.enqueue_indirect_dma source(%dma_start3A_113 : memref<10240x128xf32, #tpu.memory_space<hbm>>) target(%arg15 : memref<128x128xf32, #tpu.memory_space<vmem>>) offsets(%arg9 : memref<128xi32, #tpu.memory_space<vmem>>) semaphore(%arg21 : memref<!tpu.dma_semaphore, #tpu.memory_space<semaphore_mem>>)
        %lt3A_114 = arith.constant 2 : i32
        %lt3A_115 = arith.cmpi slt, %scan3A_74, %lt3A_114 : i32
        %convert_element_type3A_116 = arith.extui %lt3A_115 : i1 to i32
        %cond3A_117 = arith.constant 0 : i32
        %cond3A_118 = arith.cmpi ne, %convert_element_type3A_116, %cond3A_117 : i32
        scf.if %cond3A_118 {
          %mul3A_164 = arith.constant 4 : i32
          %mul3A_165 = arith.muli %mul3A_164, %scan3A_74 : i32
          %add3A_166 = arith.constant 1 : i32
          %add3A_167 = arith.addi %mul3A_165, %add3A_166 : i32
          %add3A_168 = arith.constant 3 : i32
          %add3A_169 = arith.addi %add3A_167, %add3A_168 : i32
          %mul3A_170 = arith.constant 128 : i32
          %mul3A_171 = arith.muli %add3A_169, %mul3A_170 : i32
          %add3A_172 = arith.addi %add3A_37, %mul3A_171 : i32
          %dma_start3A_173 = tpu.memref_slice %arg3[%add3A_172] : memref<327680xi32, #tpu.memory_space<hbm>> -> memref<128xi32, #tpu.memory_space<hbm>>
          %dma_start3A_174 = tpu.memref_slice %arg3[%add3A_172] : memref<327680xi32, #tpu.memory_space<hbm>> -> memref<128xi32, #tpu.memory_space<hbm>>
          tpu.enqueue_dma source(%dma_start3A_174 : memref<128xi32, #tpu.memory_space<hbm>>) target(%arg7 : memref<128xi32, #tpu.memory_space<vmem>>) target_semaphore(%arg17 : memref<!tpu.dma_semaphore, #tpu.memory_space<semaphore_mem>>)
          %dma_start3A_175 = tpu.memref_slice %arg4[%add3A_172] : memref<327680xi32, #tpu.memory_space<hbm>> -> memref<128xi32, #tpu.memory_space<hbm>>
          %dma_start3A_176 = tpu.memref_slice %arg4[%add3A_172] : memref<327680xi32, #tpu.memory_space<hbm>> -> memref<128xi32, #tpu.memory_space<hbm>>
          tpu.enqueue_dma source(%dma_start3A_176 : memref<128xi32, #tpu.memory_space<hbm>>) target(%arg11 : memref<128xi32, #tpu.memory_space<vmem>>) target_semaphore(%arg17 : memref<!tpu.dma_semaphore, #tpu.memory_space<semaphore_mem>>)
        } else {
        }
        %dma_wait3A_119 = arith.constant 0 : i32
        %dma_wait3A_120 = arith.constant 0 : i32
        %dma_wait3A_121 = tpu.memref_slice %arg2[%dma_wait3A_119, %dma_wait3A_120] : memref<10240x128xf32, #tpu.memory_space<hbm>> -> memref<10240x128xf32, #tpu.memory_space<hbm>>
        tpu.wait_indirect_dma semaphore(%arg22 : memref<!tpu.dma_semaphore, #tpu.memory_space<semaphore_mem>>) src(%dma_wait3A_121 : memref<10240x128xf32, #tpu.memory_space<hbm>>) dst(%arg16 : memref<128x128xf32, #tpu.memory_space<vmem>>)
        %dma_start3A_122 = arith.constant 0 : i32
        %dma_start3A_123 = arith.constant 0 : i32
        %dma_start3A_124 = tpu.memref_slice %arg6[%dma_start3A_122, %dma_start3A_123] : memref<10240x128xf32, #tpu.memory_space<vmem_shared>> -> memref<10240x128xf32, #tpu.memory_space<vmem_shared>>
        tpu.enqueue_indirect_dma source(%arg16 : memref<128x128xf32, #tpu.memory_space<vmem>>) target(%dma_start3A_124 : memref<10240x128xf32, #tpu.memory_space<vmem_shared>>) offsets(%arg12 : memref<128xi32, #tpu.memory_space<vmem>>) semaphore(%arg24 : memref<!tpu.dma_semaphore, #tpu.memory_space<semaphore_mem>>) {add = true}
        %dma_wait3A_125 = arith.constant 0 : i32
        %dma_wait3A_126 = arith.constant 0 : i32
        %dma_wait3A_127 = tpu.memref_slice %arg6[%dma_wait3A_125, %dma_wait3A_126] : memref<10240x128xf32, #tpu.memory_space<vmem_shared>> -> memref<10240x128xf32, #tpu.memory_space<vmem_shared>>
        tpu.wait_indirect_dma semaphore(%arg24 : memref<!tpu.dma_semaphore, #tpu.memory_space<semaphore_mem>>) src(%arg16 : memref<128x128xf32, #tpu.memory_space<vmem>>) dst(%dma_wait3A_127 : memref<10240x128xf32, #tpu.memory_space<vmem_shared>>)
        %dma_wait3A_128 = arith.constant 0 : i32
        %dma_wait3A_129 = tpu.memref_slice %arg3[%dma_wait3A_128] : memref<327680xi32, #tpu.memory_space<hbm>> -> memref<128xi32, #tpu.memory_space<hbm>>
        %dma_wait3A_130 = arith.constant 0 : i32
        %dma_wait3A_131 = tpu.memref_slice %arg3[%dma_wait3A_130] : memref<327680xi32, #tpu.memory_space<hbm>> -> memref<128xi32, #tpu.memory_space<hbm>>
        tpu.wait_dma2 semaphore(%arg20 : memref<!tpu.dma_semaphore, #tpu.memory_space<semaphore_mem>>) src(%dma_wait3A_131 : memref<128xi32, #tpu.memory_space<hbm>>) dst(%arg10 : memref<128xi32, #tpu.memory_space<vmem>>)
        %dma_wait3A_132 = arith.constant 0 : i32
        %dma_wait3A_133 = tpu.memref_slice %arg4[%dma_wait3A_132] : memref<327680xi32, #tpu.memory_space<hbm>> -> memref<128xi32, #tpu.memory_space<hbm>>
        %dma_wait3A_134 = arith.constant 0 : i32
        %dma_wait3A_135 = tpu.memref_slice %arg4[%dma_wait3A_134] : memref<327680xi32, #tpu.memory_space<hbm>> -> memref<128xi32, #tpu.memory_space<hbm>>
        tpu.wait_dma2 semaphore(%arg20 : memref<!tpu.dma_semaphore, #tpu.memory_space<semaphore_mem>>) src(%dma_wait3A_135 : memref<128xi32, #tpu.memory_space<hbm>>) dst(%arg14 : memref<128xi32, #tpu.memory_space<vmem>>)
        %dma_start3A_136 = arith.constant 0 : i32
        %dma_start3A_137 = arith.constant 0 : i32
        %dma_start3A_138 = tpu.memref_slice %arg2[%dma_start3A_136, %dma_start3A_137] : memref<10240x128xf32, #tpu.memory_space<hbm>> -> memref<10240x128xf32, #tpu.memory_space<hbm>>
        tpu.enqueue_indirect_dma source(%dma_start3A_138 : memref<10240x128xf32, #tpu.memory_space<hbm>>) target(%arg16 : memref<128x128xf32, #tpu.memory_space<vmem>>) offsets(%arg10 : memref<128xi32, #tpu.memory_space<vmem>>) semaphore(%arg22 : memref<!tpu.dma_semaphore, #tpu.memory_space<semaphore_mem>>)
        %lt3A_139 = arith.constant 2 : i32
        %lt3A_140 = arith.cmpi slt, %scan3A_74, %lt3A_139 : i32
        %convert_element_type3A_141 = arith.extui %lt3A_140 : i1 to i32
        %cond3A_142 = arith.constant 0 : i32
        %cond3A_143 = arith.cmpi ne, %convert_element_type3A_141, %cond3A_142 : i32
        scf.if %cond3A_143 {
          %mul3A_164 = arith.constant 4 : i32
          %mul3A_165 = arith.muli %mul3A_164, %scan3A_74 : i32
          %add3A_166 = arith.constant 2 : i32
          %add3A_167 = arith.addi %mul3A_165, %add3A_166 : i32
          %add3A_168 = arith.constant 3 : i32
          %add3A_169 = arith.addi %add3A_167, %add3A_168 : i32
          %mul3A_170 = arith.constant 128 : i32
          %mul3A_171 = arith.muli %add3A_169, %mul3A_170 : i32
          %add3A_172 = arith.addi %add3A_37, %mul3A_171 : i32
          %dma_start3A_173 = tpu.memref_slice %arg3[%add3A_172] : memref<327680xi32, #tpu.memory_space<hbm>> -> memref<128xi32, #tpu.memory_space<hbm>>
          %dma_start3A_174 = tpu.memref_slice %arg3[%add3A_172] : memref<327680xi32, #tpu.memory_space<hbm>> -> memref<128xi32, #tpu.memory_space<hbm>>
          tpu.enqueue_dma source(%dma_start3A_174 : memref<128xi32, #tpu.memory_space<hbm>>) target(%arg8 : memref<128xi32, #tpu.memory_space<vmem>>) target_semaphore(%arg18 : memref<!tpu.dma_semaphore, #tpu.memory_space<semaphore_mem>>)
          %dma_start3A_175 = tpu.memref_slice %arg4[%add3A_172] : memref<327680xi32, #tpu.memory_space<hbm>> -> memref<128xi32, #tpu.memory_space<hbm>>
          %dma_start3A_176 = tpu.memref_slice %arg4[%add3A_172] : memref<327680xi32, #tpu.memory_space<hbm>> -> memref<128xi32, #tpu.memory_space<hbm>>
          tpu.enqueue_dma source(%dma_start3A_176 : memref<128xi32, #tpu.memory_space<hbm>>) target(%arg12 : memref<128xi32, #tpu.memory_space<vmem>>) target_semaphore(%arg18 : memref<!tpu.dma_semaphore, #tpu.memory_space<semaphore_mem>>)
        } else {
        }
        %dma_wait3A_144 = arith.constant 0 : i32
        %dma_wait3A_145 = arith.constant 0 : i32
        %dma_wait3A_146 = tpu.memref_slice %arg2[%dma_wait3A_144, %dma_wait3A_145] : memref<10240x128xf32, #tpu.memory_space<hbm>> -> memref<10240x128xf32, #tpu.memory_space<hbm>>
        tpu.wait_indirect_dma semaphore(%arg21 : memref<!tpu.dma_semaphore, #tpu.memory_space<semaphore_mem>>) src(%dma_wait3A_146 : memref<10240x128xf32, #tpu.memory_space<hbm>>) dst(%arg15 : memref<128x128xf32, #tpu.memory_space<vmem>>)
        %dma_start3A_147 = arith.constant 0 : i32
        %dma_start3A_148 = arith.constant 0 : i32
        %dma_start3A_149 = tpu.memref_slice %arg6[%dma_start3A_147, %dma_start3A_148] : memref<10240x128xf32, #tpu.memory_space<vmem_shared>> -> memref<10240x128xf32, #tpu.memory_space<vmem_shared>>
        tpu.enqueue_indirect_dma source(%arg15 : memref<128x128xf32, #tpu.memory_space<vmem>>) target(%dma_start3A_149 : memref<10240x128xf32, #tpu.memory_space<vmem_shared>>) offsets(%arg13 : memref<128xi32, #tpu.memory_space<vmem>>) semaphore(%arg23 : memref<!tpu.dma_semaphore, #tpu.memory_space<semaphore_mem>>) {add = true}
        %dma_wait3A_150 = arith.constant 0 : i32
        %dma_wait3A_151 = arith.constant 0 : i32
        %dma_wait3A_152 = tpu.memref_slice %arg6[%dma_wait3A_150, %dma_wait3A_151] : memref<10240x128xf32, #tpu.memory_space<vmem_shared>> -> memref<10240x128xf32, #tpu.memory_space<vmem_shared>>
        tpu.wait_indirect_dma semaphore(%arg23 : memref<!tpu.dma_semaphore, #tpu.memory_space<semaphore_mem>>) src(%arg15 : memref<128x128xf32, #tpu.memory_space<vmem>>) dst(%dma_wait3A_152 : memref<10240x128xf32, #tpu.memory_space<vmem_shared>>)
        %lt3A_153 = arith.constant 2 : i32
        %lt3A_154 = arith.cmpi slt, %scan3A_74, %lt3A_153 : i32
        %convert_element_type3A_155 = arith.extui %lt3A_154 : i1 to i32
        %cond3A_156 = arith.constant 0 : i32
        %cond3A_157 = arith.cmpi ne, %convert_element_type3A_155, %cond3A_156 : i32
        scf.if %cond3A_157 {
          %dma_wait3A_164 = arith.constant 0 : i32
          %dma_wait3A_165 = tpu.memref_slice %arg3[%dma_wait3A_164] : memref<327680xi32, #tpu.memory_space<hbm>> -> memref<128xi32, #tpu.memory_space<hbm>>
          %dma_wait3A_166 = arith.constant 0 : i32
          %dma_wait3A_167 = tpu.memref_slice %arg3[%dma_wait3A_166] : memref<327680xi32, #tpu.memory_space<hbm>> -> memref<128xi32, #tpu.memory_space<hbm>>
          tpu.wait_dma2 semaphore(%arg17 : memref<!tpu.dma_semaphore, #tpu.memory_space<semaphore_mem>>) src(%dma_wait3A_167 : memref<128xi32, #tpu.memory_space<hbm>>) dst(%arg7 : memref<128xi32, #tpu.memory_space<vmem>>)
          %dma_wait3A_168 = arith.constant 0 : i32
          %dma_wait3A_169 = tpu.memref_slice %arg4[%dma_wait3A_168] : memref<327680xi32, #tpu.memory_space<hbm>> -> memref<128xi32, #tpu.memory_space<hbm>>
          %dma_wait3A_170 = arith.constant 0 : i32
          %dma_wait3A_171 = tpu.memref_slice %arg4[%dma_wait3A_170] : memref<327680xi32, #tpu.memory_space<hbm>> -> memref<128xi32, #tpu.memory_space<hbm>>
          tpu.wait_dma2 semaphore(%arg17 : memref<!tpu.dma_semaphore, #tpu.memory_space<semaphore_mem>>) src(%dma_wait3A_171 : memref<128xi32, #tpu.memory_space<hbm>>) dst(%arg11 : memref<128xi32, #tpu.memory_space<vmem>>)
          %dma_start3A_172 = arith.constant 0 : i32
          %dma_start3A_173 = arith.constant 0 : i32
          %dma_start3A_174 = tpu.memref_slice %arg2[%dma_start3A_172, %dma_start3A_173] : memref<10240x128xf32, #tpu.memory_space<hbm>> -> memref<10240x128xf32, #tpu.memory_space<hbm>>
          tpu.enqueue_indirect_dma source(%dma_start3A_174 : memref<10240x128xf32, #tpu.memory_space<hbm>>) target(%arg15 : memref<128x128xf32, #tpu.memory_space<vmem>>) offsets(%arg7 : memref<128xi32, #tpu.memory_space<vmem>>) semaphore(%arg21 : memref<!tpu.dma_semaphore, #tpu.memory_space<semaphore_mem>>)
          %mul3A_175 = arith.constant 4 : i32
          %mul3A_176 = arith.muli %mul3A_175, %scan3A_74 : i32
          %add3A_177 = arith.constant 6 : i32
          %add3A_178 = arith.addi %mul3A_176, %add3A_177 : i32
          %mul3A_179 = arith.constant 128 : i32
          %mul3A_180 = arith.muli %add3A_178, %mul3A_179 : i32
          %add3A_181 = arith.addi %add3A_37, %mul3A_180 : i32
          %dma_start3A_182 = tpu.memref_slice %arg3[%add3A_181] : memref<327680xi32, #tpu.memory_space<hbm>> -> memref<128xi32, #tpu.memory_space<hbm>>
          %dma_start3A_183 = tpu.memref_slice %arg3[%add3A_181] : memref<327680xi32, #tpu.memory_space<hbm>> -> memref<128xi32, #tpu.memory_space<hbm>>
          tpu.enqueue_dma source(%dma_start3A_183 : memref<128xi32, #tpu.memory_space<hbm>>) target(%arg9 : memref<128xi32, #tpu.memory_space<vmem>>) target_semaphore(%arg19 : memref<!tpu.dma_semaphore, #tpu.memory_space<semaphore_mem>>)
          %dma_start3A_184 = tpu.memref_slice %arg4[%add3A_181] : memref<327680xi32, #tpu.memory_space<hbm>> -> memref<128xi32, #tpu.memory_space<hbm>>
          %dma_start3A_185 = tpu.memref_slice %arg4[%add3A_181] : memref<327680xi32, #tpu.memory_space<hbm>> -> memref<128xi32, #tpu.memory_space<hbm>>
          tpu.enqueue_dma source(%dma_start3A_185 : memref<128xi32, #tpu.memory_space<hbm>>) target(%arg13 : memref<128xi32, #tpu.memory_space<vmem>>) target_semaphore(%arg19 : memref<!tpu.dma_semaphore, #tpu.memory_space<semaphore_mem>>)
        } else {
        }
        %dma_wait3A_158 = arith.constant 0 : i32
        %dma_wait3A_159 = arith.constant 0 : i32
        %dma_wait3A_160 = tpu.memref_slice %arg2[%dma_wait3A_158, %dma_wait3A_159] : memref<10240x128xf32, #tpu.memory_space<hbm>> -> memref<10240x128xf32, #tpu.memory_space<hbm>>
        tpu.wait_indirect_dma semaphore(%arg22 : memref<!tpu.dma_semaphore, #tpu.memory_space<semaphore_mem>>) src(%dma_wait3A_160 : memref<10240x128xf32, #tpu.memory_space<hbm>>) dst(%arg16 : memref<128x128xf32, #tpu.memory_space<vmem>>)
        %dma_start3A_161 = arith.constant 0 : i32
        %dma_start3A_162 = arith.constant 0 : i32
        %dma_start3A_163 = tpu.memref_slice %arg6[%dma_start3A_161, %dma_start3A_162] : memref<10240x128xf32, #tpu.memory_space<vmem_shared>> -> memref<10240x128xf32, #tpu.memory_space<vmem_shared>>
        tpu.enqueue_indirect_dma source(%arg16 : memref<128x128xf32, #tpu.memory_space<vmem>>) target(%dma_start3A_163 : memref<10240x128xf32, #tpu.memory_space<vmem_shared>>) offsets(%arg14 : memref<128xi32, #tpu.memory_space<vmem>>) semaphore(%arg24 : memref<!tpu.dma_semaphore, #tpu.memory_space<semaphore_mem>>) {add = true}
      }
      %scan3A_70 = arith.constant 3 : i32
      %dma_wait3A_71 = arith.constant 0 : i32
      %dma_wait3A_72 = arith.constant 0 : i32
      %dma_wait3A_73 = tpu.memref_slice %arg6[%dma_wait3A_71, %dma_wait3A_72] : memref<10240x128xf32, #tpu.memory_space<vmem_shared>> -> memref<10240x128xf32, #tpu.memory_space<vmem_shared>>
      tpu.wait_indirect_dma semaphore(%arg24 : memref<!tpu.dma_semaphore, #tpu.memory_space<semaphore_mem>>) src(%arg16 : memref<128x128xf32, #tpu.memory_space<vmem>>) dst(%dma_wait3A_73 : memref<10240x128xf32, #tpu.memory_space<vmem_shared>>)
    } else {
    }
    %barrier3A_23 = arith.constant 0 : index
    tpu.barrier barrier_id(%barrier3A_23)
    %add3A_24 = arith.constant 0 : i32
    %add3A_25 = arith.addi %mul3A_6, %add3A_24 : i32
    "tpu.region"() ({
      %run_scoped3A = tpu.sem_alloc : memref<!tpu.dma_semaphore, #tpu.memory_space<semaphore_mem>>
      %dma_start3A = arith.constant 0 : i32
      %dma_start3A_34 = tpu.memref_slice %arg5[%arg0, %add3A_25, %dma_start3A] : memref<2x10240x128xf32, #tpu.memory_space<hbm>> -> memref<1x128x128xf32, #tpu.memory_space<hbm>>
      %dma_start3A_35 = tpu.memref_squeeze %dma_start3A_34 : memref<1x128x128xf32, #tpu.memory_space<hbm>> -> memref<128x128xf32, #tpu.memory_space<hbm>>
      %dma_start3A_36 = arith.constant 0 : i32
      %dma_start3A_37 = tpu.memref_slice %arg6[%add3A_25, %dma_start3A_36] : memref<10240x128xf32, #tpu.memory_space<vmem_shared>> -> memref<128x128xf32, #tpu.memory_space<vmem_shared>>
      tpu.enqueue_dma source(%dma_start3A_37 : memref<128x128xf32, #tpu.memory_space<vmem_shared>>) target(%dma_start3A_35 : memref<128x128xf32, #tpu.memory_space<hbm>>) target_semaphore(%run_scoped3A : memref<!tpu.dma_semaphore, #tpu.memory_space<semaphore_mem>>)
      %dma_wait3A = arith.constant 0 : i32
      %dma_wait3A_38 = tpu.memref_slice %arg5[%arg0, %add3A_25, %dma_wait3A] : memref<2x10240x128xf32, #tpu.memory_space<hbm>> -> memref<1x128x128xf32, #tpu.memory_space<hbm>>
      %dma_wait3A_39 = tpu.memref_squeeze %dma_wait3A_38 : memref<1x128x128xf32, #tpu.memory_space<hbm>> -> memref<128x128xf32, #tpu.memory_space<hbm>>
      %dma_wait3A_40 = arith.constant 0 : i32
      %dma_wait3A_41 = tpu.memref_slice %arg6[%add3A_25, %dma_wait3A_40] : memref<10240x128xf32, #tpu.memory_space<vmem_shared>> -> memref<128x128xf32, #tpu.memory_space<vmem_shared>>
      tpu.wait_dma2 semaphore(%run_scoped3A : memref<!tpu.dma_semaphore, #tpu.memory_space<semaphore_mem>>) src(%dma_wait3A_41 : memref<128x128xf32, #tpu.memory_space<vmem_shared>>) dst(%dma_wait3A_39 : memref<128x128xf32, #tpu.memory_space<hbm>>)
      tpu.yield
    }) : () -> ()
    %add3A_26 = arith.constant 128 : i32
    %add3A_27 = arith.addi %mul3A_6, %add3A_26 : i32
    "tpu.region"() ({
      %run_scoped3A = tpu.sem_alloc : memref<!tpu.dma_semaphore, #tpu.memory_space<semaphore_mem>>
      %dma_start3A = arith.constant 0 : i32
      %dma_start3A_34 = tpu.memref_slice %arg5[%arg0, %add3A_27, %dma_start3A] : memref<2x10240x128xf32, #tpu.memory_space<hbm>> -> memref<1x128x128xf32, #tpu.memory_space<hbm>>
      %dma_start3A_35 = tpu.memref_squeeze %dma_start3A_34 : memref<1x128x128xf32, #tpu.memory_space<hbm>> -> memref<128x128xf32, #tpu.memory_space<hbm>>
      %dma_start3A_36 = arith.constant 0 : i32
      %dma_start3A_37 = tpu.memref_slice %arg6[%add3A_27, %dma_start3A_36] : memref<10240x128xf32, #tpu.memory_space<vmem_shared>> -> memref<128x128xf32, #tpu.memory_space<vmem_shared>>
      tpu.enqueue_dma source(%dma_start3A_37 : memref<128x128xf32, #tpu.memory_space<vmem_shared>>) target(%dma_start3A_35 : memref<128x128xf32, #tpu.memory_space<hbm>>) target_semaphore(%run_scoped3A : memref<!tpu.dma_semaphore, #tpu.memory_space<semaphore_mem>>)
      %dma_wait3A = arith.constant 0 : i32
      %dma_wait3A_38 = tpu.memref_slice %arg5[%arg0, %add3A_27, %dma_wait3A] : memref<2x10240x128xf32, #tpu.memory_space<hbm>> -> memref<1x128x128xf32, #tpu.memory_space<hbm>>
      %dma_wait3A_39 = tpu.memref_squeeze %dma_wait3A_38 : memref<1x128x128xf32, #tpu.memory_space<hbm>> -> memref<128x128xf32, #tpu.memory_space<hbm>>
      %dma_wait3A_40 = arith.constant 0 : i32
      %dma_wait3A_41 = tpu.memref_slice %arg6[%add3A_27, %dma_wait3A_40] : memref<10240x128xf32, #tpu.memory_space<vmem_shared>> -> memref<128x128xf32, #tpu.memory_space<vmem_shared>>
      tpu.wait_dma2 semaphore(%run_scoped3A : memref<!tpu.dma_semaphore, #tpu.memory_space<semaphore_mem>>) src(%dma_wait3A_41 : memref<128x128xf32, #tpu.memory_space<vmem_shared>>) dst(%dma_wait3A_39 : memref<128x128xf32, #tpu.memory_space<hbm>>)
      tpu.yield
    }) : () -> ()
    %add3A_28 = arith.constant 256 : i32
    %add3A_29 = arith.addi %mul3A_6, %add3A_28 : i32
    "tpu.region"() ({
      %run_scoped3A = tpu.sem_alloc : memref<!tpu.dma_semaphore, #tpu.memory_space<semaphore_mem>>
      %dma_start3A = arith.constant 0 : i32
      %dma_start3A_34 = tpu.memref_slice %arg5[%arg0, %add3A_29, %dma_start3A] : memref<2x10240x128xf32, #tpu.memory_space<hbm>> -> memref<1x128x128xf32, #tpu.memory_space<hbm>>
      %dma_start3A_35 = tpu.memref_squeeze %dma_start3A_34 : memref<1x128x128xf32, #tpu.memory_space<hbm>> -> memref<128x128xf32, #tpu.memory_space<hbm>>
      %dma_start3A_36 = arith.constant 0 : i32
      %dma_start3A_37 = tpu.memref_slice %arg6[%add3A_29, %dma_start3A_36] : memref<10240x128xf32, #tpu.memory_space<vmem_shared>> -> memref<128x128xf32, #tpu.memory_space<vmem_shared>>
      tpu.enqueue_dma source(%dma_start3A_37 : memref<128x128xf32, #tpu.memory_space<vmem_shared>>) target(%dma_start3A_35 : memref<128x128xf32, #tpu.memory_space<hbm>>) target_semaphore(%run_scoped3A : memref<!tpu.dma_semaphore, #tpu.memory_space<semaphore_mem>>)
      %dma_wait3A = arith.constant 0 : i32
      %dma_wait3A_38 = tpu.memref_slice %arg5[%arg0, %add3A_29, %dma_wait3A] : memref<2x10240x128xf32, #tpu.memory_space<hbm>> -> memref<1x128x128xf32, #tpu.memory_space<hbm>>
      %dma_wait3A_39 = tpu.memref_squeeze %dma_wait3A_38 : memref<1x128x128xf32, #tpu.memory_space<hbm>> -> memref<128x128xf32, #tpu.memory_space<hbm>>
      %dma_wait3A_40 = arith.constant 0 : i32
      %dma_wait3A_41 = tpu.memref_slice %arg6[%add3A_29, %dma_wait3A_40] : memref<10240x128xf32, #tpu.memory_space<vmem_shared>> -> memref<128x128xf32, #tpu.memory_space<vmem_shared>>
      tpu.wait_dma2 semaphore(%run_scoped3A : memref<!tpu.dma_semaphore, #tpu.memory_space<semaphore_mem>>) src(%dma_wait3A_41 : memref<128x128xf32, #tpu.memory_space<vmem_shared>>) dst(%dma_wait3A_39 : memref<128x128xf32, #tpu.memory_space<hbm>>)
      tpu.yield
    }) : () -> ()
    %add3A_30 = arith.constant 384 : i32
    %add3A_31 = arith.addi %mul3A_6, %add3A_30 : i32
    "tpu.region"() ({
      %run_scoped3A = tpu.sem_alloc : memref<!tpu.dma_semaphore, #tpu.memory_space<semaphore_mem>>
      %dma_start3A = arith.constant 0 : i32
      %dma_start3A_34 = tpu.memref_slice %arg5[%arg0, %add3A_31, %dma_start3A] : memref<2x10240x128xf32, #tpu.memory_space<hbm>> -> memref<1x128x128xf32, #tpu.memory_space<hbm>>
      %dma_start3A_35 = tpu.memref_squeeze %dma_start3A_34 : memref<1x128x128xf32, #tpu.memory_space<hbm>> -> memref<128x128xf32, #tpu.memory_space<hbm>>
      %dma_start3A_36 = arith.constant 0 : i32
      %dma_start3A_37 = tpu.memref_slice %arg6[%add3A_31, %dma_start3A_36] : memref<10240x128xf32, #tpu.memory_space<vmem_shared>> -> memref<128x128xf32, #tpu.memory_space<vmem_shared>>
      tpu.enqueue_dma source(%dma_start3A_37 : memref<128x128xf32, #tpu.memory_space<vmem_shared>>) target(%dma_start3A_35 : memref<128x128xf32, #tpu.memory_space<hbm>>) target_semaphore(%run_scoped3A : memref<!tpu.dma_semaphore, #tpu.memory_space<semaphore_mem>>)
      %dma_wait3A = arith.constant 0 : i32
      %dma_wait3A_38 = tpu.memref_slice %arg5[%arg0, %add3A_31, %dma_wait3A] : memref<2x10240x128xf32, #tpu.memory_space<hbm>> -> memref<1x128x128xf32, #tpu.memory_space<hbm>>
      %dma_wait3A_39 = tpu.memref_squeeze %dma_wait3A_38 : memref<1x128x128xf32, #tpu.memory_space<hbm>> -> memref<128x128xf32, #tpu.memory_space<hbm>>
      %dma_wait3A_40 = arith.constant 0 : i32
      %dma_wait3A_41 = tpu.memref_slice %arg6[%add3A_31, %dma_wait3A_40] : memref<10240x128xf32, #tpu.memory_space<vmem_shared>> -> memref<128x128xf32, #tpu.memory_space<vmem_shared>>
      tpu.wait_dma2 semaphore(%run_scoped3A : memref<!tpu.dma_semaphore, #tpu.memory_space<semaphore_mem>>) src(%dma_wait3A_41 : memref<128x128xf32, #tpu.memory_space<vmem_shared>>) dst(%dma_wait3A_39 : memref<128x128xf32, #tpu.memory_space<hbm>>)
      tpu.yield
    }) : () -> ()
    %add3A_32 = arith.constant 512 : i32
    %add3A_33 = arith.addi %mul3A_6, %add3A_32 : i32
    "tpu.region"() ({
      %run_scoped3A = tpu.sem_alloc : memref<!tpu.dma_semaphore, #tpu.memory_space<semaphore_mem>>
      %dma_start3A = arith.constant 0 : i32
      %dma_start3A_34 = tpu.memref_slice %arg5[%arg0, %add3A_33, %dma_start3A] : memref<2x10240x128xf32, #tpu.memory_space<hbm>> -> memref<1x128x128xf32, #tpu.memory_space<hbm>>
      %dma_start3A_35 = tpu.memref_squeeze %dma_start3A_34 : memref<1x128x128xf32, #tpu.memory_space<hbm>> -> memref<128x128xf32, #tpu.memory_space<hbm>>
      %dma_start3A_36 = arith.constant 0 : i32
      %dma_start3A_37 = tpu.memref_slice %arg6[%add3A_33, %dma_start3A_36] : memref<10240x128xf32, #tpu.memory_space<vmem_shared>> -> memref<128x128xf32, #tpu.memory_space<vmem_shared>>
      tpu.enqueue_dma source(%dma_start3A_37 : memref<128x128xf32, #tpu.memory_space<vmem_shared>>) target(%dma_start3A_35 : memref<128x128xf32, #tpu.memory_space<hbm>>) target_semaphore(%run_scoped3A : memref<!tpu.dma_semaphore, #tpu.memory_space<semaphore_mem>>)
      %dma_wait3A = arith.constant 0 : i32
      %dma_wait3A_38 = tpu.memref_slice %arg5[%arg0, %add3A_33, %dma_wait3A] : memref<2x10240x128xf32, #tpu.memory_space<hbm>> -> memref<1x128x128xf32, #tpu.memory_space<hbm>>
      %dma_wait3A_39 = tpu.memref_squeeze %dma_wait3A_38 : memref<1x128x128xf32, #tpu.memory_space<hbm>> -> memref<128x128xf32, #tpu.memory_space<hbm>>
      %dma_wait3A_40 = arith.constant 0 : i32
      %dma_wait3A_41 = tpu.memref_slice %arg6[%add3A_33, %dma_wait3A_40] : memref<10240x128xf32, #tpu.memory_space<vmem_shared>> -> memref<128x128xf32, #tpu.memory_space<vmem_shared>>
      tpu.wait_dma2 semaphore(%run_scoped3A : memref<!tpu.dma_semaphore, #tpu.memory_space<semaphore_mem>>) src(%dma_wait3A_41 : memref<128x128xf32, #tpu.memory_space<vmem_shared>>) dst(%dma_wait3A_39 : memref<128x128xf32, #tpu.memory_space<hbm>>)
      tpu.yield
    }) : () -> ()
    return
  }
}

module attributes {stable_mosaic.version = 14 : i64} {
  func.func @_tc1_body(%arg0: i32, %arg1: memref<2x512x128xf32, #tpu.memory_space<vmem>>, %arg2: memref<32x1x512xf32, #tpu.memory_space<vmem>>, %arg3: memref<512x128xf32, #tpu.memory_space<vmem>>, %arg4: memref<128x128xf32, #tpu.memory_space<vmem>>, %arg5: memref<128x128xf32, #tpu.memory_space<vmem>>, %arg6: memref<1x128xf32, #tpu.memory_space<vmem>>, %arg7: memref<512x128xf32, #tpu.memory_space<vmem>>, %arg8: memref<512x16xf32, #tpu.memory_space<vmem>>) attributes {dimension_semantics = [#tpu.dimension_semantics<arbitrary>], iteration_bounds = array<i64: 20>, scalar_prefetch = 0 : i64, scratch_operands = 0 : i64, tpu.core_type = #tpu.core_type<tc>, window_params = [{transform_indices = @transform_0, window_bounds = array<i64: 2, 512, 128>}, {transform_indices = @transform_1, window_bounds = array<i64: 32, 1, 512>}, {transform_indices = @transform_2, window_bounds = array<i64: 512, 128>}, {pipeline_mode = #tpu.pipeline_mode<synchronous>, transform_indices = @transform_3, window_bounds = array<i64: 128, 128>}, {pipeline_mode = #tpu.pipeline_mode<synchronous>, transform_indices = @transform_4, window_bounds = array<i64: 128, 128>}, {pipeline_mode = #tpu.pipeline_mode<synchronous>, transform_indices = @transform_5, window_bounds = array<i64: 1, 128>}, {transform_indices = @transform_6, window_bounds = array<i64: 512, 128>}, {transform_indices = @transform_7, window_bounds = array<i64: 512, 16>}]} {
    %get3A = arith.constant 0 : index
    %get3A_0 = arith.constant 0 : index
    %get3A_1 = arith.constant 0 : index
    %get3A_2 = vector.load %arg1[%get3A, %get3A_0, %get3A_1] : memref<2x512x128xf32, #tpu.memory_space<vmem>>, vector<2x512x128xf32>
    %get3A_3 = arith.constant 0 : index
    %get3A_4 = arith.constant 0 : index
    %get3A_5 = arith.constant 0 : index
    %get3A_6 = vector.load %arg2[%get3A_3, %get3A_4, %get3A_5] : memref<32x1x512xf32, #tpu.memory_space<vmem>>, vector<32x1x512xf32>
    %reduce_sum3A = arith.constant dense<0.000000e+00> : vector<1x512xf32>
    %reduce_sum3A_7 = vector.multi_reduction <add>, %get3A_6, %reduce_sum3A [0] : vector<32x1x512xf32> to vector<1x512xf32>
    %max3A = arith.constant 1.000000e+00 : f32
    %max3A_8 = vector.broadcast %max3A : f32 to vector<1x512xf32>
    %max3A_9 = arith.maximumf %reduce_sum3A_7, %max3A_8 : vector<1x512xf32>
    %div3A = arith.constant 1.000000e+00 : f32
    %div3A_10 = vector.broadcast %div3A : f32 to vector<1x512xf32>
    %div3A_11 = arith.divf %div3A_10, %max3A_9 : vector<1x512xf32>
    %iota3A = tpu.iota {dimensions = array<i32: 0>} : vector<512x512xi32>
    %iota3A_12 = tpu.iota {dimensions = array<i32: 1>} : vector<512x512xi32>
    %eq3A = arith.cmpi eq, %iota3A, %iota3A_12 : vector<512x512xi32>
    %broadcast_in_dim3A = vector.shape_cast %div3A_11 : vector<1x512xf32> to vector<1x512xf32>
    %broadcast_in_dim3A_13 = vector.broadcast %broadcast_in_dim3A : vector<1x512xf32> to vector<512x512xf32>
    %jit3A = arith.constant 0.000000e+00 : f32
    %broadcast_in_dim3A_14 = vector.broadcast %jit3A : f32 to vector<512x512xf32>
    %select_n3A = arith.select %eq3A, %broadcast_in_dim3A_13, %broadcast_in_dim3A_14 : vector<512x512xi1>, vector<512x512xf32>
    %slice3A = vector.extract_strided_slice %get3A_2 {offsets = [0, 0, 0], sizes = [1, 512, 128], strides = [1, 1, 1]} : vector<2x512x128xf32> to vector<1x512x128xf32>
    %squeeze3A = vector.shape_cast %slice3A : vector<1x512x128xf32> to vector<512x128xf32>
    %slice3A_15 = vector.extract_strided_slice %get3A_2 {offsets = [1, 0, 0], sizes = [1, 512, 128], strides = [1, 1, 1]} : vector<2x512x128xf32> to vector<1x512x128xf32>
    %squeeze3A_16 = vector.shape_cast %slice3A_15 : vector<1x512x128xf32> to vector<512x128xf32>
    %add3A = arith.addf %squeeze3A, %squeeze3A_16 : vector<512x128xf32>
    %dot_general3A = arith.constant dense<0.000000e+00> : vector<512x128xf32>
    %dot_general3A_17 = tpu.matmul %select_n3A, %add3A, %dot_general3A {dimension_numbers = #tpu.dot_dimension_numbers<[1], [0], [0], [1], [0, 0, 1, 1], [], []>, transpose_lhs_hint = false} : vector<512x512xf32>, vector<512x128xf32>, vector<512x128xf32> -> vector<512x128xf32>
    %reduce_sum3A_18 = arith.constant dense<0.000000e+00> : vector<512xf32>
    %reduce_sum3A_19 = vector.multi_reduction <add>, %select_n3A, %reduce_sum3A_18 [1] : vector<512x512xf32> to vector<512xf32>
    %broadcast_in_dim3A_20 = vector.shape_cast %reduce_sum3A_19 : vector<512xf32> to vector<512x1xf32>
    %get3A_21 = arith.constant 0 : index
    %get3A_22 = arith.constant 0 : index
    %get3A_23 = vector.load %arg4[%get3A_21, %get3A_22] : memref<128x128xf32, #tpu.memory_space<vmem>>, vector<128x128xf32>
    %dot_general3A_24 = arith.constant dense<0.000000e+00> : vector<512x128xf32>
    %dot_general3A_25 = tpu.matmul %dot_general3A_17, %get3A_23, %dot_general3A_24 {dimension_numbers = #tpu.dot_dimension_numbers<[1], [0], [0], [1], [0, 0, 1, 1], [], []>, transpose_lhs_hint = false} : vector<512x128xf32>, vector<128x128xf32>, vector<512x128xf32> -> vector<512x128xf32>
    %get3A_26 = arith.constant 0 : index
    %get3A_27 = arith.constant 0 : index
    %get3A_28 = vector.load %arg3[%get3A_26, %get3A_27] : memref<512x128xf32, #tpu.memory_space<vmem>>, vector<512x128xf32>
    %get3A_29 = arith.constant 0 : index
    %get3A_30 = arith.constant 0 : index
    %get3A_31 = vector.load %arg5[%get3A_29, %get3A_30] : memref<128x128xf32, #tpu.memory_space<vmem>>, vector<128x128xf32>
    %dot_general3A_32 = arith.constant dense<0.000000e+00> : vector<512x128xf32>
    %dot_general3A_33 = tpu.matmul %get3A_28, %get3A_31, %dot_general3A_32 {dimension_numbers = #tpu.dot_dimension_numbers<[1], [0], [0], [1], [0, 0, 1, 1], [], []>, transpose_lhs_hint = false} : vector<512x128xf32>, vector<128x128xf32>, vector<512x128xf32> -> vector<512x128xf32>
    %add3A_34 = arith.addf %dot_general3A_25, %dot_general3A_33 : vector<512x128xf32>
    %get3A_35 = arith.constant 0 : index
    %get3A_36 = arith.constant 0 : index
    %get3A_37 = vector.load %arg6[%get3A_35, %get3A_36] : memref<1x128xf32, #tpu.memory_space<vmem>>, vector<1x128xf32>
    %add3A_38 = vector.broadcast %get3A_37 : vector<1x128xf32> to vector<512x128xf32>
    %add3A_39 = arith.addf %add3A_34, %add3A_38 : vector<512x128xf32>
    %max3A_40 = arith.constant 0.000000e+00 : f32
    %max3A_41 = vector.broadcast %max3A_40 : f32 to vector<512x128xf32>
    %max3A_42 = arith.maximumf %add3A_39, %max3A_41 : vector<512x128xf32>
    %swap3A = arith.constant 0 : index
    %swap3A_43 = arith.constant 0 : index
    %swap3A_44 = vector.load %arg7[%swap3A, %swap3A_43] : memref<512x128xf32, #tpu.memory_space<vmem>>, vector<512x128xf32>
    tpu.vector_store %arg7[%swap3A, %swap3A_43], %max3A_42 {strides = array<i32>} : memref<512x128xf32, #tpu.memory_space<vmem>>, vector<512x128xf32>,
    %broadcast_in_dim3A_45 = vector.shape_cast %broadcast_in_dim3A_20 : vector<512x1xf32> to vector<512x1xf32>
    %broadcast_in_dim3A_46 = vector.broadcast %broadcast_in_dim3A_45 : vector<512x1xf32> to vector<512x16xf32>
    %swap3A_47 = arith.constant 0 : index
    %swap3A_48 = arith.constant 0 : index
    %swap3A_49 = vector.load %arg8[%swap3A_47, %swap3A_48] : memref<512x16xf32, #tpu.memory_space<vmem>>, vector<512x16xf32>
    tpu.vector_store %arg8[%swap3A_47, %swap3A_48], %broadcast_in_dim3A_46 {strides = array<i32>} : memref<512x16xf32, #tpu.memory_space<vmem>>, vector<512x16xf32>,
    return
  }
  func.func @transform_0(%arg0: i32) -> (i32, i32, i32) {
    %c0_i32 = arith.constant 0 : i32
    %c0_i32_0 = arith.constant 0 : i32
    %c0_i32_1 = arith.constant 0 : i32
    return %c0_i32, %arg0, %c0_i32_0 : i32, i32, i32
  }
  func.func @transform_1(%arg0: i32) -> (i32, i32, i32) {
    %c0_i32 = arith.constant 0 : i32
    %c0_i32_0 = arith.constant 0 : i32
    %c0_i32_1 = arith.constant 0 : i32
    return %c0_i32, %c0_i32_0, %arg0 : i32, i32, i32
  }
  func.func @transform_2(%arg0: i32) -> (i32, i32) {
    %c0_i32 = arith.constant 0 : i32
    %c0_i32_0 = arith.constant 0 : i32
    return %arg0, %c0_i32 : i32, i32
  }
  func.func @transform_3(%arg0: i32) -> (i32, i32) {
    %c0_i32 = arith.constant 0 : i32
    %c0_i32_0 = arith.constant 0 : i32
    %c0_i32_1 = arith.constant 0 : i32
    return %c0_i32, %c0_i32_0 : i32, i32
  }
  func.func @transform_4(%arg0: i32) -> (i32, i32) {
    %c0_i32 = arith.constant 0 : i32
    %c0_i32_0 = arith.constant 0 : i32
    %c0_i32_1 = arith.constant 0 : i32
    return %c0_i32, %c0_i32_0 : i32, i32
  }
  func.func @transform_5(%arg0: i32) -> (i32, i32) {
    %c0_i32 = arith.constant 0 : i32
    %c0_i32_0 = arith.constant 0 : i32
    %c0_i32_1 = arith.constant 0 : i32
    return %c0_i32, %c0_i32_0 : i32, i32
  }
  func.func @transform_6(%arg0: i32) -> (i32, i32) {
    %c0_i32 = arith.constant 0 : i32
    %c0_i32_0 = arith.constant 0 : i32
    return %arg0, %c0_i32 : i32, i32
  }
  func.func @transform_7(%arg0: i32) -> (i32, i32) {
    %c0_i32 = arith.constant 0 : i32
    %c0_i32_0 = arith.constant 0 : i32
    return %arg0, %c0_i32 : i32, i32
  }
}

module attributes {stable_mosaic.version = 14 : i64} {
  func.func @_tc2_body(%arg0: i32, %arg1: memref<2x512x128xf32, #tpu.memory_space<vmem>>, %arg2: memref<512x16xf32, #tpu.memory_space<vmem>>, %arg3: memref<512x128xf32, #tpu.memory_space<vmem>>, %arg4: memref<128x128xf32, #tpu.memory_space<vmem>>, %arg5: memref<128x128xf32, #tpu.memory_space<vmem>>, %arg6: memref<1x128xf32, #tpu.memory_space<vmem>>, %arg7: memref<128x1xf32, #tpu.memory_space<vmem>>, %arg8: memref<128x1xf32, #tpu.memory_space<vmem>>, %arg9: memref<512x1xi32, #tpu.memory_space<vmem>>, %arg10: memref<1x1x512xf32, #tpu.memory_space<vmem>>, %arg11: memref<512x16xf32, #tpu.memory_space<vmem>>, %arg12: memref<16x128xf32, #tpu.memory_space<vmem>>) attributes {dimension_semantics = [#tpu.dimension_semantics<arbitrary>], iteration_bounds = array<i64: 20>, scalar_prefetch = 0 : i64, scratch_operands = 0 : i64, tpu.core_type = #tpu.core_type<tc>, window_params = [{transform_indices = @transform_0, window_bounds = array<i64: 2, 512, 128>}, {transform_indices = @transform_1, window_bounds = array<i64: 512, 16>}, {transform_indices = @transform_2, window_bounds = array<i64: 512, 128>}, {pipeline_mode = #tpu.pipeline_mode<synchronous>, transform_indices = @transform_3, window_bounds = array<i64: 128, 128>}, {pipeline_mode = #tpu.pipeline_mode<synchronous>, transform_indices = @transform_4, window_bounds = array<i64: 128, 128>}, {pipeline_mode = #tpu.pipeline_mode<synchronous>, transform_indices = @transform_5, window_bounds = array<i64: 1, 128>}, {pipeline_mode = #tpu.pipeline_mode<synchronous>, transform_indices = @transform_6, window_bounds = array<i64: 128, 1>}, {pipeline_mode = #tpu.pipeline_mode<synchronous>, transform_indices = @transform_7, window_bounds = array<i64: 128, 1>}, {transform_indices = @transform_8, window_bounds = array<i64: 512, 1>}, {transform_indices = @transform_9, window_bounds = array<i64: 1, 1, 512>}, {transform_indices = @transform_10, window_bounds = array<i64: 512, 16>}, {pipeline_mode = #tpu.pipeline_mode<synchronous>, transform_indices = @transform_11, window_bounds = array<i64: 16, 128>}]} {
    %get3A = arith.constant 0 : index
    %get3A_0 = arith.constant 0 : index
    %get3A_1 = arith.constant 0 : index
    %get3A_2 = vector.load %arg1[%get3A, %get3A_0, %get3A_1] : memref<2x512x128xf32, #tpu.memory_space<vmem>>, vector<2x512x128xf32>
    %slice3A = vector.extract_strided_slice %get3A_2 {offsets = [0, 0, 0], sizes = [1, 512, 128], strides = [1, 1, 1]} : vector<2x512x128xf32> to vector<1x512x128xf32>
    %squeeze3A = vector.shape_cast %slice3A : vector<1x512x128xf32> to vector<512x128xf32>
    %slice3A_3 = vector.extract_strided_slice %get3A_2 {offsets = [1, 0, 0], sizes = [1, 512, 128], strides = [1, 1, 1]} : vector<2x512x128xf32> to vector<1x512x128xf32>
    %squeeze3A_4 = vector.shape_cast %slice3A_3 : vector<1x512x128xf32> to vector<512x128xf32>
    %add3A = arith.addf %squeeze3A, %squeeze3A_4 : vector<512x128xf32>
    %get3A_5 = arith.constant 0 : index
    %get3A_6 = arith.constant 0 : index
    %get3A_7 = vector.load %arg2[%get3A_5, %get3A_6] : memref<512x16xf32, #tpu.memory_space<vmem>>, vector<512x1xf32>
    %mul3A = vector.broadcast %get3A_7 : vector<512x1xf32> to vector<512x128xf32>
    %mul3A_8 = arith.mulf %add3A, %mul3A : vector<512x128xf32>
    %get3A_9 = arith.constant 0 : index
    %get3A_10 = arith.constant 0 : index
    %get3A_11 = vector.load %arg4[%get3A_9, %get3A_10] : memref<128x128xf32, #tpu.memory_space<vmem>>, vector<128x128xf32>
    %dot_general3A = arith.constant dense<0.000000e+00> : vector<512x128xf32>
    %dot_general3A_12 = tpu.matmul %mul3A_8, %get3A_11, %dot_general3A {dimension_numbers = #tpu.dot_dimension_numbers<[1], [0], [0], [1], [0, 0, 1, 1], [], []>, transpose_lhs_hint = false} : vector<512x128xf32>, vector<128x128xf32>, vector<512x128xf32> -> vector<512x128xf32>
    %get3A_13 = arith.constant 0 : index
    %get3A_14 = arith.constant 0 : index
    %get3A_15 = vector.load %arg3[%get3A_13, %get3A_14] : memref<512x128xf32, #tpu.memory_space<vmem>>, vector<512x128xf32>
    %get3A_16 = arith.constant 0 : index
    %get3A_17 = arith.constant 0 : index
    %get3A_18 = vector.load %arg5[%get3A_16, %get3A_17] : memref<128x128xf32, #tpu.memory_space<vmem>>, vector<128x128xf32>
    %dot_general3A_19 = arith.constant dense<0.000000e+00> : vector<512x128xf32>
    %dot_general3A_20 = tpu.matmul %get3A_15, %get3A_18, %dot_general3A_19 {dimension_numbers = #tpu.dot_dimension_numbers<[1], [0], [0], [1], [0, 0, 1, 1], [], []>, transpose_lhs_hint = false} : vector<512x128xf32>, vector<128x128xf32>, vector<512x128xf32> -> vector<512x128xf32>
    %add3A_21 = arith.addf %dot_general3A_12, %dot_general3A_20 : vector<512x128xf32>
    %get3A_22 = arith.constant 0 : index
    %get3A_23 = arith.constant 0 : index
    %get3A_24 = vector.load %arg6[%get3A_22, %get3A_23] : memref<1x128xf32, #tpu.memory_space<vmem>>, vector<1x128xf32>
    %add3A_25 = vector.broadcast %get3A_24 : vector<1x128xf32> to vector<512x128xf32>
    %add3A_26 = arith.addf %add3A_21, %add3A_25 : vector<512x128xf32>
    %get3A_27 = arith.constant 0 : index
    %get3A_28 = arith.constant 0 : index
    %get3A_29 = vector.load %arg7[%get3A_27, %get3A_28] : memref<128x1xf32, #tpu.memory_space<vmem>>, vector<128x1xf32>
    %dot_general3A_30 = arith.constant dense<0.000000e+00> : vector<512x1xf32>
    %dot_general3A_31 = tpu.matmul %add3A_26, %get3A_29, %dot_general3A_30 {dimension_numbers = #tpu.dot_dimension_numbers<[1], [0], [0], [1], [0, 0, 1, 1], [], []>, transpose_lhs_hint = false} : vector<512x128xf32>, vector<128x1xf32>, vector<512x1xf32> -> vector<512x1xf32>
    %get3A_32 = arith.constant 0 : index
    %get3A_33 = arith.constant 0 : index
    %get3A_34 = vector.load %arg8[%get3A_32, %get3A_33] : memref<128x1xf32, #tpu.memory_space<vmem>>, vector<128x1xf32>
    %dot_general3A_35 = arith.constant dense<0.000000e+00> : vector<512x1xf32>
    %dot_general3A_36 = tpu.matmul %add3A_26, %get3A_34, %dot_general3A_35 {dimension_numbers = #tpu.dot_dimension_numbers<[1], [0], [0], [1], [0, 0, 1, 1], [], []>, transpose_lhs_hint = false} : vector<512x128xf32>, vector<128x1xf32>, vector<512x1xf32> -> vector<512x1xf32>
    %iota3A = tpu.iota {dimensions = array<i32: 0>} : vector<512x512xi32>
    %iota3A_37 = tpu.iota {dimensions = array<i32: 1>} : vector<512x512xi32>
    %eq3A = arith.cmpi eq, %iota3A, %iota3A_37 : vector<512x512xi32>
    %broadcast_in_dim3A = vector.shape_cast %dot_general3A_31 : vector<512x1xf32> to vector<512x1xf32>
    %broadcast_in_dim3A_38 = vector.broadcast %broadcast_in_dim3A : vector<512x1xf32> to vector<512x512xf32>
    %jit3A = arith.constant 0.000000e+00 : f32
    %broadcast_in_dim3A_39 = vector.broadcast %jit3A : f32 to vector<512x512xf32>
    %select_n3A = arith.select %eq3A, %broadcast_in_dim3A_38, %broadcast_in_dim3A_39 : vector<512x512xi1>, vector<512x512xf32>
    %reduce_sum3A = arith.constant dense<0.000000e+00> : vector<512xf32>
    %reduce_sum3A_40 = vector.multi_reduction <add>, %select_n3A, %reduce_sum3A [0] : vector<512x512xf32> to vector<512xf32>
    %broadcast_in_dim3A_41 = vector.shape_cast %reduce_sum3A_40 : vector<512xf32> to vector<1x512xf32>
    %broadcast_in_dim3A_42 = vector.shape_cast %broadcast_in_dim3A_41 : vector<1x512xf32> to vector<1x1x512xf32>
    %swap3A = arith.constant 0 : index
    %swap3A_43 = arith.constant 0 : index
    %swap3A_44 = arith.constant 0 : index
    %swap3A_45 = vector.load %arg10[%swap3A, %swap3A_43, %swap3A_44] : memref<1x1x512xf32, #tpu.memory_space<vmem>>, vector<1x1x512xf32>
    tpu.vector_store %arg10[%swap3A, %swap3A_43, %swap3A_44], %broadcast_in_dim3A_42 {strides = array<i32>} : memref<1x1x512xf32, #tpu.memory_space<vmem>>, vector<1x1x512xf32>,
    %broadcast_in_dim3A_46 = vector.shape_cast %dot_general3A_36 : vector<512x1xf32> to vector<512x1xf32>
    %broadcast_in_dim3A_47 = vector.broadcast %broadcast_in_dim3A_46 : vector<512x1xf32> to vector<512x16xf32>
    %swap3A_48 = arith.constant 0 : index
    %swap3A_49 = arith.constant 0 : index
    %swap3A_50 = vector.load %arg11[%swap3A_48, %swap3A_49] : memref<512x16xf32, #tpu.memory_space<vmem>>, vector<512x16xf32>
    tpu.vector_store %arg11[%swap3A_48, %swap3A_49], %broadcast_in_dim3A_47 {strides = array<i32>} : memref<512x16xf32, #tpu.memory_space<vmem>>, vector<512x16xf32>,
    %get3A_51 = arith.constant 0 : index
    %get3A_52 = arith.constant 0 : index
    %get3A_53 = vector.load %arg9[%get3A_51, %get3A_52] : memref<512x1xi32, #tpu.memory_space<vmem>>, vector<512x1xi32>
    %iota3A_54 = tpu.iota {dimensions = array<i32: 1>} : vector<512x16xi32>
    %eq3A_55 = vector.broadcast %get3A_53 : vector<512x1xi32> to vector<512x16xi32>
    %eq3A_56 = arith.cmpi eq, %eq3A_55, %iota3A_54 : vector<512x16xi32>
    %convert_element_type3A = arith.extui %eq3A_56 : vector<512x16xi1> to vector<512x16xi32>
    %convert_element_type3A_57 = arith.sitofp %convert_element_type3A : vector<512x16xi32> to vector<512x16xf32>
    %dot_general3A_58 = arith.constant dense<0.000000e+00> : vector<16x128xf32>
    %dot_general3A_59 = tpu.matmul %convert_element_type3A_57, %add3A_26, %dot_general3A_58 {dimension_numbers = #tpu.dot_dimension_numbers<[0], [0], [1], [1], [0, 1, 1, 1], [], []>, transpose_lhs_hint = false} : vector<512x16xf32>, vector<512x128xf32>, vector<16x128xf32> -> vector<16x128xf32>
    %eq3A_60 = arith.constant 0 : i32
    %eq3A_61 = arith.cmpi eq, %arg0, %eq3A_60 : i32
    %convert_element_type3A_62 = arith.extui %eq3A_61 : i1 to i32
    %cond3A = arith.constant 0 : i32
    %cond3A_63 = arith.cmpi ne, %convert_element_type3A_62, %cond3A : i32
    scf.if %cond3A_63 {
      %swap3A_68 = arith.constant 0 : index
      %swap3A_69 = arith.constant 0 : index
      %swap3A_70 = vector.load %arg12[%swap3A_68, %swap3A_69] : memref<16x128xf32, #tpu.memory_space<vmem>>, vector<16x128xf32>
      tpu.vector_store %arg12[%swap3A_68, %swap3A_69], %dot_general3A_59 {strides = array<i32>} : memref<16x128xf32, #tpu.memory_space<vmem>>, vector<16x128xf32>,
    } else {
    }
    %ne3A = arith.constant 0 : i32
    %ne3A_64 = arith.cmpi ne, %arg0, %ne3A : i32
    %convert_element_type3A_65 = arith.extui %ne3A_64 : i1 to i32
    %cond3A_66 = arith.constant 0 : i32
    %cond3A_67 = arith.cmpi ne, %convert_element_type3A_65, %cond3A_66 : i32
    scf.if %cond3A_67 {
      %get3A_68 = arith.constant 0 : index
      %get3A_69 = arith.constant 0 : index
      %get3A_70 = vector.load %arg12[%get3A_68, %get3A_69] : memref<16x128xf32, #tpu.memory_space<vmem>>, vector<16x128xf32>
      %add3A_71 = arith.addf %get3A_70, %dot_general3A_59 : vector<16x128xf32>
      %swap3A_72 = arith.constant 0 : index
      %swap3A_73 = arith.constant 0 : index
      %swap3A_74 = vector.load %arg12[%swap3A_72, %swap3A_73] : memref<16x128xf32, #tpu.memory_space<vmem>>, vector<16x128xf32>
      tpu.vector_store %arg12[%swap3A_72, %swap3A_73], %add3A_71 {strides = array<i32>} : memref<16x128xf32, #tpu.memory_space<vmem>>, vector<16x128xf32>,
    } else {
    }
    return
  }
  func.func @transform_0(%arg0: i32) -> (i32, i32, i32) {
    %c0_i32 = arith.constant 0 : i32
    %c0_i32_0 = arith.constant 0 : i32
    %c0_i32_1 = arith.constant 0 : i32
    return %c0_i32, %arg0, %c0_i32_0 : i32, i32, i32
  }
  func.func @transform_1(%arg0: i32) -> (i32, i32) {
    %c0_i32 = arith.constant 0 : i32
    %c0_i32_0 = arith.constant 0 : i32
    return %arg0, %c0_i32 : i32, i32
  }
  func.func @transform_2(%arg0: i32) -> (i32, i32) {
    %c0_i32 = arith.constant 0 : i32
    %c0_i32_0 = arith.constant 0 : i32
    return %arg0, %c0_i32 : i32, i32
  }
  func.func @transform_3(%arg0: i32) -> (i32, i32) {
    %c0_i32 = arith.constant 0 : i32
    %c0_i32_0 = arith.constant 0 : i32
    %c0_i32_1 = arith.constant 0 : i32
    return %c0_i32, %c0_i32_0 : i32, i32
  }
  func.func @transform_4(%arg0: i32) -> (i32, i32) {
    %c0_i32 = arith.constant 0 : i32
    %c0_i32_0 = arith.constant 0 : i32
    %c0_i32_1 = arith.constant 0 : i32
    return %c0_i32, %c0_i32_0 : i32, i32
  }
  func.func @transform_5(%arg0: i32) -> (i32, i32) {
    %c0_i32 = arith.constant 0 : i32
    %c0_i32_0 = arith.constant 0 : i32
    %c0_i32_1 = arith.constant 0 : i32
    return %c0_i32, %c0_i32_0 : i32, i32
  }
  func.func @transform_6(%arg0: i32) -> (i32, i32) {
    %c0_i32 = arith.constant 0 : i32
    %c0_i32_0 = arith.constant 0 : i32
    %c0_i32_1 = arith.constant 0 : i32
    return %c0_i32, %c0_i32_0 : i32, i32
  }
  func.func @transform_7(%arg0: i32) -> (i32, i32) {
    %c0_i32 = arith.constant 0 : i32
    %c0_i32_0 = arith.constant 0 : i32
    %c0_i32_1 = arith.constant 0 : i32
    return %c0_i32, %c0_i32_0 : i32, i32
  }
  func.func @transform_8(%arg0: i32) -> (i32, i32) {
    %c0_i32 = arith.constant 0 : i32
    %c0_i32_0 = arith.constant 0 : i32
    return %arg0, %c0_i32 : i32, i32
  }
  func.func @transform_9(%arg0: i32) -> (i32, i32, i32) {
    %c0_i32 = arith.constant 0 : i32
    %c0_i32_0 = arith.constant 0 : i32
    %c0_i32_1 = arith.constant 0 : i32
    return %arg0, %c0_i32, %c0_i32_0 : i32, i32, i32
  }
  func.func @transform_10(%arg0: i32) -> (i32, i32) {
    %c0_i32 = arith.constant 0 : i32
    %c0_i32_0 = arith.constant 0 : i32
    return %arg0, %c0_i32 : i32, i32
  }
  func.func @transform_11(%arg0: i32) -> (i32, i32) {
    %c0_i32 = arith.constant 0 : i32
    %c0_i32_0 = arith.constant 0 : i32
    %c0_i32_1 = arith.constant 0 : i32
    return %c0_i32, %c0_i32_0 : i32, i32
  }
}

module attributes {stable_mosaic.version = 14 : i64} {
  func.func @_tc3_body(%arg0: i32, %arg1: memref<2x16x1x512xf32, #tpu.memory_space<vmem>>, %arg2: memref<512x16xf32, #tpu.memory_space<vmem>>, %arg3: memref<512x16xf32, #tpu.memory_space<vmem>>, %arg4: memref<1x1xf32, #tpu.memory_space<vmem>>, %arg5: memref<16x128xf32, #tpu.memory_space<vmem>>, %arg6: memref<128x1xf32, #tpu.memory_space<vmem>>, %arg7: memref<1x1xf32, #tpu.memory_space<vmem>>, %arg8: memref<512x1xf32, #tpu.memory_space<vmem>>, %arg9: memref<16x1xf32, #tpu.memory_space<vmem>>) attributes {dimension_semantics = [#tpu.dimension_semantics<arbitrary>], iteration_bounds = array<i64: 20>, scalar_prefetch = 0 : i64, scratch_operands = 0 : i64, tpu.core_type = #tpu.core_type<tc>, window_params = [{transform_indices = @transform_0, window_bounds = array<i64: 2, 16, 1, 512>}, {transform_indices = @transform_1, window_bounds = array<i64: 512, 16>}, {transform_indices = @transform_2, window_bounds = array<i64: 512, 16>}, {pipeline_mode = #tpu.pipeline_mode<synchronous>, transform_indices = @transform_3, window_bounds = array<i64: 1, 1>}, {pipeline_mode = #tpu.pipeline_mode<synchronous>, transform_indices = @transform_4, window_bounds = array<i64: 16, 128>}, {pipeline_mode = #tpu.pipeline_mode<synchronous>, transform_indices = @transform_5, window_bounds = array<i64: 128, 1>}, {pipeline_mode = #tpu.pipeline_mode<synchronous>, transform_indices = @transform_6, window_bounds = array<i64: 1, 1>}, {transform_indices = @transform_7, window_bounds = array<i64: 512, 1>}, {pipeline_mode = #tpu.pipeline_mode<synchronous>, transform_indices = @transform_8, window_bounds = array<i64: 16, 1>}]} {
    %get3A = arith.constant 0 : index
    %get3A_0 = arith.constant 0 : index
    %get3A_1 = arith.constant 0 : index
    %get3A_2 = arith.constant 0 : index
    %get3A_3 = vector.load %arg1[%get3A, %get3A_0, %get3A_1, %get3A_2] : memref<2x16x1x512xf32, #tpu.memory_space<vmem>>, vector<2x16x1x512xf32>
    %reduce_sum3A = arith.constant dense<0.000000e+00> : vector<1x512xf32>
    %reduce_sum3A_4 = vector.multi_reduction <add>, %get3A_3, %reduce_sum3A [0, 1] : vector<2x16x1x512xf32> to vector<1x512xf32>
    %iota3A = tpu.iota {dimensions = array<i32: 0>} : vector<512x512xi32>
    %iota3A_5 = tpu.iota {dimensions = array<i32: 1>} : vector<512x512xi32>
    %eq3A = arith.cmpi eq, %iota3A, %iota3A_5 : vector<512x512xi32>
    %broadcast_in_dim3A = vector.shape_cast %reduce_sum3A_4 : vector<1x512xf32> to vector<1x512xf32>
    %broadcast_in_dim3A_6 = vector.broadcast %broadcast_in_dim3A : vector<1x512xf32> to vector<512x512xf32>
    %jit3A = arith.constant 0.000000e+00 : f32
    %broadcast_in_dim3A_7 = vector.broadcast %jit3A : f32 to vector<512x512xf32>
    %select_n3A = arith.select %eq3A, %broadcast_in_dim3A_6, %broadcast_in_dim3A_7 : vector<512x512xi1>, vector<512x512xf32>
    %reduce_sum3A_8 = arith.constant dense<0.000000e+00> : vector<512xf32>
    %reduce_sum3A_9 = vector.multi_reduction <add>, %select_n3A, %reduce_sum3A_8 [1] : vector<512x512xf32> to vector<512xf32>
    %broadcast_in_dim3A_10 = vector.shape_cast %reduce_sum3A_9 : vector<512xf32> to vector<512x1xf32>
    %get3A_11 = arith.constant 0 : index
    %get3A_12 = arith.constant 0 : index
    %get3A_13 = vector.load %arg2[%get3A_11, %get3A_12] : memref<512x16xf32, #tpu.memory_space<vmem>>, vector<512x1xf32>
    %mul3A = arith.mulf %broadcast_in_dim3A_10, %get3A_13 : vector<512x1xf32>
    %get3A_14 = arith.constant 0 : index
    %get3A_15 = arith.constant 0 : index
    %get3A_16 = vector.load %arg3[%get3A_14, %get3A_15] : memref<512x16xf32, #tpu.memory_space<vmem>>, vector<512x1xf32>
    %add3A = arith.addf %mul3A, %get3A_16 : vector<512x1xf32>
    %get3A_17 = arith.constant 0 : index
    %get3A_18 = arith.constant 0 : index
    %get3A_19 = vector.load %arg4[%get3A_17, %get3A_18] : memref<1x1xf32, #tpu.memory_space<vmem>>, vector<1x1xf32>
    %get3A_20 = vector.extract %get3A_19[0, 0] : f32 from vector<1x1xf32>
    %add3A_21 = vector.broadcast %get3A_20 : f32 to vector<512x1xf32>
    %add3A_22 = arith.addf %add3A, %add3A_21 : vector<512x1xf32>
    %swap3A = arith.constant 0 : index
    %swap3A_23 = arith.constant 0 : index
    %swap3A_24 = vector.load %arg8[%swap3A, %swap3A_23] : memref<512x1xf32, #tpu.memory_space<vmem>>, vector<512x1xf32>
    tpu.vector_store %arg8[%swap3A, %swap3A_23], %add3A_22 {strides = array<i32>} : memref<512x1xf32, #tpu.memory_space<vmem>>, vector<512x1xf32>,
    %eq3A_25 = arith.constant 0 : i32
    %eq3A_26 = arith.cmpi eq, %arg0, %eq3A_25 : i32
    %convert_element_type3A = arith.extui %eq3A_26 : i1 to i32
    %cond3A = arith.constant 0 : i32
    %cond3A_27 = arith.cmpi ne, %convert_element_type3A, %cond3A : i32
    scf.if %cond3A_27 {
      %get3A_28 = arith.constant 0 : index
      %get3A_29 = arith.constant 0 : index
      %get3A_30 = vector.load %arg5[%get3A_28, %get3A_29] : memref<16x128xf32, #tpu.memory_space<vmem>>, vector<16x128xf32>
      %get3A_31 = arith.constant 0 : index
      %get3A_32 = arith.constant 0 : index
      %get3A_33 = vector.load %arg6[%get3A_31, %get3A_32] : memref<128x1xf32, #tpu.memory_space<vmem>>, vector<128x1xf32>
      %dot_general3A = arith.constant dense<0.000000e+00> : vector<16x1xf32>
      %dot_general3A_34 = tpu.matmul %get3A_30, %get3A_33, %dot_general3A {dimension_numbers = #tpu.dot_dimension_numbers<[1], [0], [0], [1], [0, 0, 1, 1], [], []>, transpose_lhs_hint = false} : vector<16x128xf32>, vector<128x1xf32>, vector<16x1xf32> -> vector<16x1xf32>
      %get3A_35 = arith.constant 0 : index
      %get3A_36 = arith.constant 0 : index
      %get3A_37 = vector.load %arg7[%get3A_35, %get3A_36] : memref<1x1xf32, #tpu.memory_space<vmem>>, vector<1x1xf32>
      %get3A_38 = vector.extract %get3A_37[0, 0] : f32 from vector<1x1xf32>
      %add3A_39 = vector.broadcast %get3A_38 : f32 to vector<16x1xf32>
      %add3A_40 = arith.addf %dot_general3A_34, %add3A_39 : vector<16x1xf32>
      %logistic3A = arith.negf %add3A_40 : vector<16x1xf32>
      %logistic3A_41 = math.exp %logistic3A : vector<16x1xf32>
      %logistic3A_42 = arith.constant 1.000000e+00 : f32
      %logistic3A_43 = vector.broadcast %logistic3A_42 : f32 to vector<16x1xf32>
      %logistic3A_44 = arith.addf %logistic3A_43, %logistic3A_41 : vector<16x1xf32>
      %logistic3A_45 = arith.divf %logistic3A_43, %logistic3A_44 : vector<16x1xf32>
      %swap3A_46 = arith.constant 0 : index
      %swap3A_47 = arith.constant 0 : index
      %swap3A_48 = vector.load %arg9[%swap3A_46, %swap3A_47] : memref<16x1xf32, #tpu.memory_space<vmem>>, vector<16x1xf32>
      tpu.vector_store %arg9[%swap3A_46, %swap3A_47], %logistic3A_45 {strides = array<i32>} : memref<16x1xf32, #tpu.memory_space<vmem>>, vector<16x1xf32>,
    } else {
    }
    return
  }
  func.func @transform_0(%arg0: i32) -> (i32, i32, i32, i32) {
    %c0_i32 = arith.constant 0 : i32
    %c0_i32_0 = arith.constant 0 : i32
    %c0_i32_1 = arith.constant 0 : i32
    %c0_i32_2 = arith.constant 0 : i32
    return %c0_i32, %c0_i32_0, %c0_i32_1, %arg0 : i32, i32, i32, i32
  }
  func.func @transform_1(%arg0: i32) -> (i32, i32) {
    %c0_i32 = arith.constant 0 : i32
    %c0_i32_0 = arith.constant 0 : i32
    return %arg0, %c0_i32 : i32, i32
  }
  func.func @transform_2(%arg0: i32) -> (i32, i32) {
    %c0_i32 = arith.constant 0 : i32
    %c0_i32_0 = arith.constant 0 : i32
    return %arg0, %c0_i32 : i32, i32
  }
  func.func @transform_3(%arg0: i32) -> (i32, i32) {
    %c0_i32 = arith.constant 0 : i32
    %c0_i32_0 = arith.constant 0 : i32
    %c0_i32_1 = arith.constant 0 : i32
    return %c0_i32, %c0_i32_0 : i32, i32
  }
  func.func @transform_4(%arg0: i32) -> (i32, i32) {
    %c0_i32 = arith.constant 0 : i32
    %c0_i32_0 = arith.constant 0 : i32
    %c0_i32_1 = arith.constant 0 : i32
    return %c0_i32, %c0_i32_0 : i32, i32
  }
  func.func @transform_5(%arg0: i32) -> (i32, i32) {
    %c0_i32 = arith.constant 0 : i32
    %c0_i32_0 = arith.constant 0 : i32
    %c0_i32_1 = arith.constant 0 : i32
    return %c0_i32, %c0_i32_0 : i32, i32
  }
  func.func @transform_6(%arg0: i32) -> (i32, i32) {
    %c0_i32 = arith.constant 0 : i32
    %c0_i32_0 = arith.constant 0 : i32
    %c0_i32_1 = arith.constant 0 : i32
    return %c0_i32, %c0_i32_0 : i32, i32
  }
  func.func @transform_7(%arg0: i32) -> (i32, i32) {
    %c0_i32 = arith.constant 0 : i32
    %c0_i32_0 = arith.constant 0 : i32
    return %arg0, %c0_i32 : i32, i32
  }
  func.func @transform_8(%arg0: i32) -> (i32, i32) {
    %c0_i32 = arith.constant 0 : i32
    %c0_i32_0 = arith.constant 0 : i32
    %c0_i32_1 = arith.constant 0 : i32
    return %c0_i32, %c0_i32_0 : i32, i32
  }
}

</mosaic_0001>

<sc_bundles>
// kernel: kernel.11.cloned.1.call-start
scs
__scs_entry_jumppad:
0x0: {  	(pc) =	sbr.rel $0x88, $3  }
0x1: {  	(tag) =	ssettag $0x0;
	lr =	simm.s32 $0x1  }
0x2: {  	[smem:$0x3F93] =	sst lr;
	_ =	strace $0xD0000000  }
0x3: {  	_ = 	snop  }
0x4: {  	_ = 	snop  }
0x5: {  	_ = 	snop  }
0x6: {  	_ = 	snop  }
0x7: {  	_ = 	snop  }
__scs_overlays_trampoline_lowered:
0x8: {  	[smem:$0x3FA2] =	sst s0  }
0x9: {  	[smem:$0x3FA3] =	sst s1  }
0xa: {  	[smem:$0x3FA4] =	sst s2  }
0xb: {  	[smem:$0x3FA5] =	sst s3  }
0xc: {  	[smem:$0x3FA6] =	sst s4  }
0xd: {  	[smem:$0x3FA7] =	sst s5  }
0xe: {  	[smem:$0x3FA8] =	sst s6  }
0xf: {  	[smem:$0x3FA9] =	sst s7  }
0x10: {  	[smem:$0x3FAA] =	sst s8  }
0x11: {  	[smem:$0x3FAB] =	sst s9;
	s0 =	simm.s32 @!p0 $0x0  }
0x12: {  	s1 =	sld [smem:$0x3F91];
	s0 =	simm.s32 @p0 $0x1  }
0x13: {  	[smem:$0x3FAC] =	sst s0;
	s0 =	simm.s32 @!p1 $0x0  }
0x14: {  	s2 =	sld [smem:$0x3F90];
	s0 =	simm.s32 @p1 $0x1  }
0x15: {  	[smem:$0x3FAD] =	sst s0;
	s0 =	simm.s32 @!p2 $0x0  }
0x16: {  	s3 =	sld [smem:$0x3FDB];
	s0 =	simm.s32 @p2 $0x1  }
0x17: {  	s4 =	simm.s32 $0x1BF5;
	[smem:$0x3FAF] =	sst s0  }
0x18: {  	s0 =	sld [smem:$0x3F92];
	_ =	swait.ge [sflag:s4], $0x0  }
0x19: {  	s7 =	sld [smem:$0x3F93]  }
0x1a: {  	s8 =	sadd.s32 $0xFFFFE003, lr  }
0x1b: {  	s9 =	sadd.s32 $0xFFFFFEF7, lr;
	s5 =	simm.s32 $0xFFFFFFFF;
	p2 =	slt.u32 s8, $0xFFFFF086  }
0x1c: {  	p1 =	slt.u32 s9, $0xF7A;
	s5 =	simm.s32 @!p2 $0x0  }
0x1d: {  	s5 =	simm.s32 @p1 $0x1;
	p0 =	seq.s32 s7, s2  }
0x1e: {  	s7 =	smul.u32 @!p0 $0xF7A, s2;
	p2 =	seq.s32 @!p0 s5, $0x0  }
0x1f: {  	s9 =	smul.u32 $0xF7A, s1;
	s8 =	simm.s32 @!p0 $0x1BF5;
	p2 =	por !p2, p0  }
0x20: {  	[sflag:s8] =	ssyncset.s32 @!p0 $0xFFFFF086;
	s6 =	sadd.s32 @!p0 s3, s7;
	s7 =	simm.s32 @!p0 $0x108  }
0x21: {  	s3 =	sadd.s32 s3, s9;
	s6 =	sadd.s32 @!p0 $0x88, s6;
	s7 =	simm.s32 @p2 $0x1082  }
0x22: {  	[simem:s7], [sflag:s8] =	dma.local @!p0 [hbm:s6], $0xF7A  }
0x23: {  	s9 =	sor.u32 $0xD0000000, s2;
	s6 =	simm.s32 $0x108;
	_ =	swait.ge @!p0 [sflag:s8], $0x0  }
0x24: {  	s3 =	sadd.s32 $0x88, s3;
	s6 =	simm.s32 @!p1 $0x1082;
	[sflag:s4] =	ssyncset.s32 $0xFFFFF086  }
0x25: {  	[simem:s6], [sflag:s4] =	dma.local [hbm:s3], $0xF7A  }
0x26: {  	[smem:$0x3F93] =	sst s1;
	(tag) =	ssettag s2;
	_ =	strace s9  }
0x27: {  	s1 =	sld [smem:$0x3FA3]  }
0x28: {  	s2 =	sld [smem:$0x3FA4]  }
0x29: {  	s4 =	sld [smem:$0x3FA6]  }
0x2a: {  	p0 =	seq.s32 s5, $0x0;
	s5 =	sld [smem:$0x3FA7]  }
0x2b: {  	s6 =	sld [smem:$0x3FA8]  }
0x2c: {  	s7 =	sld [smem:$0x3FA9]  }
0x2d: {  	s3 =	simm.s32 $0x108;
	s8 =	sld [smem:$0x3FAA]  }
0x2e: {  	s3 =	simm.s32 @!p0 $0x1082;
	s9 =	sld [smem:$0x3FAB]  }
0x2f: {  	lr =	sadd.s32 s0, s3;
	s0 =	sld [smem:$0x3FA2]  }
0x30: {  	s3 =	sld [smem:$0x3FA5]  }
0x31: {  	[smem:$0x3FAE] =	sst s10  }
0x32: {  	s10 =	sld [smem:$0x3FAC];
	_ =	sdelay $0x3  }
0x33: {  	p0 =	seq.s32 s10, $0x1;
	s10 =	sld [smem:$0x3FAE];
	_ =	sdelay $0x3  }
0x34: {  	[smem:$0x3FAE] =	sst s10  }
0x35: {  	s10 =	sld [smem:$0x3FAD];
	_ =	sdelay $0x3  }
0x36: {  	p1 =	seq.s32 s10, $0x1;
	s10 =	sld [smem:$0x3FAE];
	_ =	sdelay $0x3  }
0x37: {  	[smem:$0x3FAE] =	sst s10  }
0x38: {  	s10 =	sld [smem:$0x3FAF]  }
0x39: {  	_ = 	snop;
	(pc) =	sbr.ind lr, $3  }
0x3a: {  	_ = 	snop  }
0x3b: {  	_ = 	snop  }
0x3c: {  	p2 =	seq.s32 s10, $0x1;
	s10 =	sld [smem:$0x3FAE]  }
0x3d: {  	_ =	shalt  }
0x3e: {  	_ =	shalt  }
0x3f: {  	_ =	shalt  }
0x40: {  	_ =	shalt  }
0x41: {  	_ =	shalt  }
0x42: {  	_ =	shalt  }
0x43: {  	_ =	shalt  }
0x44: {  	_ =	shalt  }
0x45: {  	_ =	shalt  }
0x46: {  	_ =	shalt  }
0x47: {  	_ =	shalt  }
0x48: {  	_ =	shalt  }
0x49: {  	_ =	shalt  }
0x4a: {  	_ =	shalt  }
0x4b: {  	_ =	shalt  }
0x4c: {  	_ =	shalt  }
0x4d: {  	_ =	shalt  }
0x4e: {  	_ =	shalt  }
0x4f: {  	_ =	shalt  }
0x50: {  	_ =	shalt  }
0x51: {  	_ =	shalt  }
0x52: {  	_ =	shalt  }
0x53: {  	_ =	shalt  }
0x54: {  	_ =	shalt  }
0x55: {  	_ =	shalt  }
0x56: {  	_ =	shalt  }
0x57: {  	_ =	shalt  }
0x58: {  	_ =	shalt  }
0x59: {  	_ =	shalt  }
0x5a: {  	_ =	shalt  }
0x5b: {  	_ =	shalt  }
0x5c: {  	_ =	shalt  }
0x5d: {  	_ =	shalt  }
0x5e: {  	_ =	shalt  }
0x5f: {  	_ =	shalt  }
0x60: {  	_ =	shalt  }
0x61: {  	_ =	shalt  }
0x62: {  	_ =	shalt  }
0x63: {  	_ =	shalt  }
0x64: {  	_ =	shalt  }
0x65: {  	_ =	shalt  }
0x66: {  	_ =	shalt  }
0x67: {  	_ =	shalt  }
0x68: {  	_ =	shalt  }
0x69: {  	_ =	shalt  }
0x6a: {  	_ =	shalt  }
0x6b: {  	_ =	shalt  }
0x6c: {  	_ =	shalt  }
0x6d: {  	_ =	shalt  }
0x6e: {  	_ =	shalt  }
0x6f: {  	_ =	shalt  }
0x70: {  	_ =	shalt  }
0x71: {  	_ =	shalt  }
0x72: {  	_ =	shalt  }
0x73: {  	_ =	shalt  }
0x74: {  	_ =	shalt  }
0x75: {  	_ =	shalt  }
0x76: {  	_ =	shalt  }
0x77: {  	_ =	shalt  }
0x78: {  	_ =	shalt  }
0x79: {  	_ =	shalt  }
0x7a: {  	_ =	shalt  }
0x7b: {  	_ =	shalt  }
0x7c: {  	_ =	shalt  }
0x7d: {  	_ =	shalt  }
0x7e: {  	_ =	shalt  }
0x7f: {  	_ =	shalt  }
0x80: {  	_ =	shalt  }
0x81: {  	_ =	shalt  }
0x82: {  	_ =	shalt  }
0x83: {  	_ =	shalt  }
0x84: {  	_ =	shalt  }
0x85: {  	_ =	shalt  }
0x86: {  	_ =	shalt  }
0x87: {  	_ =	shalt  }
.Lfunc_end0:
.L_simem_size_0:
called_computation.1_lowered:
.L_overlay_start_0:
0x88: {  	s2 =	sld [smem:$0x3FD9]  }
0x89: {  	s3 =	sld [smem:$0x3FFE];
	_ =	sdelay $0x1  }
0x8a: {  	s1 =	srdreg.scid  }
0x8b: {  	s0 =	sand.u32 $0x1, s1  }
0x8c: {  	s16 =	sshll.u32 s0, $0xA;
	s2 =	sadd.s32 s3, s2  }
0x8d: {  	s2 =	sadd.s32 s2, s16  }
0x8e: {  	[smem:$0x3FBA] =	sst s2  }
0x8f: {  	_ = 	snop  }
0x90: {  	(tm) =	ssettm $0x1  }
0x91: {  	s17 =	sld [smem:$0x3FFB];
	_ =	sdelay $0x3  }
0x92: {  	_ =	strace s17  }
0x93: {  	s2 =	sld [smem:$0x3FFC];
	_ =	sdelay $0x3  }
0x94: {  	_ =	strace s2  }
0x95: {  	s2 =	sld [smem:$0x3FFD];
	_ =	sdelay $0x3  }
0x96: {  	_ =	strace s2  }
0x97: {  	_ =	strace $0x8FFFFFFF  }
0x98: {  	s18 =	sld [smem:$0x3FDB];
	_ =	sdelay $0x1  }
0x99: {  	s19 =	simm.s32 $_scs_section_size  }
0x9a: {  	s4 =	simm.s32 $_size__tile_overlayer_lowered;
	s5 =	simm.s32 $_tile_overlayer_lowered  }
0x9b: {  	s22 =	simm.s32 $0x1BFF;
	s21 =	sshll.u32 s5, $0x1;
	s2 =	sadd.s32 s19, s18  }
0x9c: {  	s6 =	simm.s32 $0x0;
	s20 =	sshll.u32 s4, $0x1;
	s4 =	sadd.s32 s21, s2  }
0x9d: {  	[timem:s6], [sflag:s22] =	dma.local [hbm:s4], s20  }
0x9e: {  	_ =	swait.ge [sflag:s22], s20  }
0x9f: {  	s3 =	ssub.s32 $0x0, s20;
	[sflag:s22] =	ssyncset.done $0x0  }
0xa0: {  	[sflag:s22] =	ssyncadd.s32 s3;
	_ =	sdelay $0x1  }
0xa1: {  	s23 =	simm.s32 $0x1B8B  }
0xa2: {  	_ =	swait.ge [sflag:s23], $0x1  }
0xa3: {  	[sflag:s23] =	ssyncset.done $0x0  }
0xa4: {  	s25 =	simm.s32 $0x1B8E;
	s24 =	sld [smem:$0x3FFE];
	[sflag:s23] =	ssyncadd.s32 $0xFFFFFFFF  }
0xa5: {  	s26 =	simm.s32 $execute0_lowered;
	[smem:$0x3FD2] =	sst s25  }
0xa6: {  	s4 =	sshll.u32 s26, $0x1;
	_ =	strace $0x80000049;
	[dreg:$0x1] =	wrdreg $0xFFFFFFFF  }
0xa7: {  	s28 =	simm.s32 $_size_execute0_lowered;
	s2 =	sadd.s32 s2, s4;
	[dreg:$0x0] =	wrdreg $0x0  }
0xa8: {  	s4 =	sshll.u32 s28, $0x1;
	[dreg:$0x2] =	wrdreg s2  }
0xa9: {  	[dreg:$0x3] =	wrdreg s4  }
0xaa: {  	[dreg:$0x4] =	wrdreg $0xC0  }
0xab: {  	_ =	task [dreg:s6], $0x5FFFF  }
0xac: {  	[dreg:$0x1] =	wrdreg $0xFFFFFFFF  }
0xad: {  	[dreg:$0x0] =	wrdreg $0x60  }
0xae: {  	[dreg:$0x2] =	wrdreg s24  }
0xaf: {  	[dreg:$0x3] =	wrdreg $0x0  }
0xb0: {  	[dreg:$0x4] =	wrdreg $0x9  }
0xb1: {  	_ =	task.clear_ibuf [dreg:s6], $0x5FFFF;
	_ =	strace $0x90000049  }
0xb2: {  	s29 =	simm.s32 $0x9;
	_ =	strace $0x8000004B  }
0xb3: {  	_ =	swait.ge [sflag:s29], $0x1  }
0xb4: {  	[sflag:s29] =	ssyncadd.s32 $0xFFFFFFFF  }
0xb5: {  	_ =	strace $0x9000004B  }
0xb6: {  	_ =	sfence  }
0xb7: {  	s30 =	sld [smem:$0x0];
	_ =	sdelay $0x2  }
0xb8: {  	s31 =	sshll.u32 s1, $0xD;
	s1 =	sshrl.u32 s1, $0x2  }
0xb9: {  	s3 =	sand.u32 $0x4000, s31;
	s1 =	sadd.s32 s1, s30  }
0xba: {  	s0 =	sor.u32 s3, s0;
	s1 =	sshll.u32 s1, $0x11  }
0xbb: {  	s0 =	sor.u32 s1, s0  }
0xbc: {  	s0 =	sadd.s32 $0x8F2B, s0  }
0xbd: {  	[sflag:s0] =	ssyncadd.remote.s32 $0x1  }
0xbe: {  	_ =	sfence.sel $0xFFFF  }
0xbf: {  	[dreg:$0x0] =	wrdreg $0xFFFFFFFF;
	(pc) =	sbr.abs _section_cstart, $3  }
0xc0: {  	[dreg:$0x1] =	wrdreg $0xFFFFFFFF  }
0xc1: {  	_ =	task.clear_ibuf [dreg:s6], $0x2FFFF;
	_ =	strace $0x9FFFFFFF  }
0xc2: {  	(tm) =	ssettm $0x7FFFFFFF  }
0xc3: {  	_ =	shalt  }
tec
execute0_lowered:
.L_overlay_start_1:
0x0: {  	(tag) =	ssettag $0x1  }
0x1: {  	s0 =	rddreg [dreg:$0x0];
	s1 =	simm.s32 $0x0;
	s2 =	srdreg.scid  }
0x2: {  	s31 =	simm.s32 $0x9;
	[smem:$0x7FF] =	sst s1;
	s1 =	stileid.u32  }
0x3: {  	s3 =	sadd.s32 $0x3800, s0;
	s2 =	sand.u32 $0x1, s2;
	s6 =	smul.u32 $0x14000, s1  }
0x4: {  	s4 =	sadd.s32 $0xD800, s0;
	s5 =	ssub.s32 $0x2, s2;
	s9 =	smul.u32 $0x4A00, s1  }
0x5: {  	s7 =	sadd.s32 $0x3F800, s0;
	s14 =	smul.u32 $0x600, s1;
	s8 =	sshrl.u32 s5, $0x1  }
0x6: {  	p0 =	seq.s32 s2, $0x1;
	s2 =	smul.u32 $0x140000, s2;
	s5 =	ssub.s32 s5, s8  }
0x7: {  	s8 =	sadd.s32 $0x4000, s6;
	s10 =	sadd.s32 $0x8000, s6;
	s11 =	sadd.s32 $0xC000, s6  }
0x8: {  	s12 =	sadd.s32 $0x10000, s6;
	s9 =	sshrl.u32 s9, $0x3;
	s16 =	sshrl.u32 s14, $0x3  }
0x9: {  	s6 =	sadd.s32 s6, s2;
	s13 =	sor.u32 $0x10, s9;
	s15 =	sadd.s32 s3, s9  }
0xa: {  	s26 =	sadd.s32 s4, s9;
	s9 =	sor.u32 $0x20, s9;
	s18 =	sadd.s32 $0x9400, s16  }
0xb: {  	s21 =	sadd.s32 $0x9410, s16;
	s22 =	sadd.s32 s2, s8;
	[dreg:$0x4] =	wrdreg s15  }
0xc: {  	s6 =	sshrl.u32 s6, $0x3;
	s24 =	sadd.s32 s2, s10;
	[dreg:$0x5] =	wrdreg s26  }
0xd: {  	s28 =	sadd.s32 s3, s13;
	s14 =	sshrl.u32 s22, $0x3;
	s22 =	rddreg [dreg:$0x1]  }
0xe: {  	s25 =	sadd.s32 s2, s11;
	s13 =	sadd.s32 s4, s13;
	[dreg:$0x6] =	wrdreg s28  }
0xf: {  	s2 =	sadd.s32 s2, s12;
	s17 =	sadd.s32 s3, s9;
	[dreg:$0x7] =	wrdreg s13  }
0x10: {  	s9 =	sadd.s32 s4, s9;
	s19 =	sadd.s32 s3, s18;
	[dreg:$0x8] =	wrdreg s17  }
0x11: {  	s20 =	sadd.s32 s4, s18;
	s26 =	sshrl.u32 s25, $0x3;
	[dreg:$0x9] =	wrdreg s9  }
0x12: {  	s2 =	sshrl.u32 s2, $0x3;
	s18 =	smul.u32 $0xC0, s1;
	[dreg:$0xa] =	wrdreg s19  }
0x13: {  	s25 =	sadd.s32 $0x17800, s0;
	s0 =	simm.s32 $0x14380;
	[dreg:$0xb] =	wrdreg s20  }
0x14: {  	s13 =	sadd.s32 $0x9420, s16;
	s19 =	sadd.s32 s7, s6;
	s23 =	sadd.s32 s7, s14  }
0x15: {  	s6 =	sshrl.u32 s24, $0x3;
	s2 =	sadd.s32 s7, s2;
	s28 =	smul.u32 $0x940, s1  }
0x16: {  	s14 =	sadd.s32 s4, s21;
	s20 =	smul.u32 $0x50000, s1;
	[dreg:$0xd] =	wrdreg s23  }
0x17: {  	s29 =	sadd.s32 s11, s22;
	s30 =	sadd.s32 s12, s22;
	[dreg:$0x10] =	wrdreg s2  }
0x18: {  	s11 =	simm.s32 $0x7;
	s6 =	sadd.s32 s7, s6;
	[dreg:$0x12] =	wrdreg s14  }
0x19: {  	s12 =	simm.s32 $0x3;
	s15 =	sadd.s32 s3, s13;
	[dreg:$0xe] =	wrdreg s6  }
0x1a: {  	s16 =	sadd.s32 s4, s13;
	s23 =	sadd.s32 s18, s4;
	[dreg:$0x13] =	wrdreg s15  }
0x1b: {  	s24 =	sadd.s32 s18, s3;
	s6 =	sadd.s32 s7, s26;
	[dreg:$0x14] =	wrdreg s16  }
0x1c: {  	s2 =	simm.s32 $0x14400;
	s7 =	sadd.s32 s3, s21;
	[dreg:$0xf] =	wrdreg s6  }
0x1d: {  	s17 =	sadd.s32 s28, s4;
	s21 =	sadd.s32 s28, s3;
	[dreg:$0x11] =	wrdreg s7  }
0x1e: {  	s26 =	sshrl.u32 s20, $0x2;
	s28 =	smax.u32 s5, $0x1;
	[dreg:$0x3] =	wrdreg s17  }
0x1f: {  	s6 =	sadd.s32 s26, s22;
	_ =	strace $0x8000004A;
	[dreg:$0x1a] =	wrdreg s28  }
0x20: {  	s18 =	simm.s32 $0x14180;
	s7 =	sadd.s32 s8, s22;
	[dreg:$0x15] =	wrdreg s6  }
.Ltmp0:
0x21: {  	s13 =	simm.s32 $0x6;
	[dreg:$0x16] =	wrdreg s7;
	(pc) =	sbr.rel .LBB2_1-.Ltmp0, $4  }
0x22: {  	s14 =	simm.s32 $0x8;
	s8 =	sadd.s32 s10, s22;
	[dreg:$0xc] =	wrdreg s19  }
0x23: {  	s15 =	simm.s32 $0x80;
	s16 =	simm.s32 $0x2;
	[dreg:$0x17] =	wrdreg s8  }
0x24: {  	s4 =	simm.s32 $0x4;
	s3 =	simm.s32 $0x0;
	[dreg:$0x18] =	wrdreg s29  }
0x25: {  	v0 =	vimm.f32 $0.0e+00;
	s17 =	simm.s32 $0x18400;
	s10 =	simm.s32 $0x5;
	[dreg:$0x19] =	wrdreg s30  }
.LBB2_6:
0x26: {  	[sflag:s13] =	ssyncadd.s32 $0xFFFFC000  }
0x27: {  	[spmem:s22] =	stream.indirect.scatter.add.f32 [tilespmem:s17], [sflag:$0x8], $0x80, s0, s15, $0xb8;
	[tilespmem:$0x1C400] =	vst v63  }
0x28: {  	_ =	swait.ge @!p1 [sflag:s9], $0x4000  }
0x29: {  	[sflag:s9] =	ssyncset.done @!p1 $0x0  }
0x2a: {  	[sflag:s9] =	ssyncadd.s32 @!p1 $0xFFFFC000  }
0x2b: {  	_ =	swait.ge [sflag:s16], $0x80  }
0x2c: {  	[sflag:s16] =	ssyncset.done $0x0  }
0x2d: {  	[sflag:s16] =	ssyncadd.s32 $0xFFFFFF80  }
0x2e: {  	_ =	swait.ge [sflag:s16], $0x80  }
0x2f: {  	[sflag:s16] =	ssyncset.done $0x0  }
0x30: {  	s3 =	sadd.s32 s26, s21;
	[sflag:s16] =	ssyncadd.s32 $0xFFFFFF80  }
0x31: {  	[tilespmem:s17], [sflag:$0x6] =	stream.indirect.gather [hbm4b:s25+s15], $0x80, s7, s15, $0xb8;
	[tilespmem:$0x1C400] =	vst v63  }
0x32: {  	s5 =	sadd.s32 s26, s8;
	s3 =	sadd.s32 $0x30, s3  }
0x33: {  	[tilespmem:s18], [sflag:$0x4] =	stream.linear.gather [hbm4b:s3+s1], $0x80, $0x38;
	[tilespmem:$0x1C400] =	vst v63  }
0x34: {  	s20 =	sadd.s32 $0x30, s5  }
0x35: {  	[tilespmem:s0], [sflag:$0x4] =	stream.linear.gather [hbm4b:s20+s1], $0x80, $0x38;
	[tilespmem:$0x1C400] =	vst v63  }
0x36: {  	_ =	swait.ge [sflag:s10], $0x4000  }
0x37: {  	[sflag:s10] =	ssyncset.done $0x0  }
0x38: {  	[sflag:s10] =	ssyncadd.s32 $0xFFFFC000  }
0x39: {  	[spmem:s22] =	stream.indirect.scatter.add.f32 [tilespmem:s2], [sflag:$0x7], $0x80, s6, s15, $0xb8;
	[tilespmem:$0x1C400] =	vst v63  }
0x3a: {  	_ =	swait.ge [sflag:s11], $0x4000  }
0x3b: {  	[sflag:s11] =	ssyncset.done $0x0  }
0x3c: {  	[sflag:s11] =	ssyncadd.s32 $0xFFFFC000  }
0x3d: {  	_ =	swait.ge [sflag:s12], $0x80  }
0x3e: {  	[sflag:s12] =	ssyncset.done $0x0  }
0x3f: {  	[sflag:s12] =	ssyncadd.s32 $0xFFFFFF80  }
0x40: {  	_ =	swait.ge [sflag:s12], $0x80  }
0x41: {  	s28 =	simm.s32 $0x14100;
	p1 =	seq.s32 s26, $0x900;
	[sflag:s12] =	ssyncset.done $0x0  }
0x42: {  	s9 =	simm.s32 @!p1 $0x0;
	s3 =	sadd.s32 @!p1 s26, s21;
	[sflag:s12] =	ssyncadd.s32 $0xFFFFFF80  }
0x43: {  	[tilespmem:s2], [sflag:$0x5] =	stream.indirect.gather [hbm4b:s25+s15], $0x80, s28, s15, $0xb8;
	[tilespmem:$0x1C400] =	vst v63  }
0x44: {  	s5 =	simm.s32 @!p1 $0x14000;
	s7 =	sadd.s32 @!p1 s26, s8;
	s6 =	sadd.s32 @!p1 $0x40, s3  }
0x45: {  	[tilespmem:s5], [sflag:$0x1] =	stream.linear.gather @!p1 [hbm4b:s6+s9], $0x80, $0x38;
	[tilespmem:$0x1C400] =	vst v63  }
0x46: {  	s8 =	sadd.s32 @!p1 $0x40, s7;
	s6 =	simm.s32 @!p1 $0x14200  }
0x47: {  	[tilespmem:s6], [sflag:$0x1] =	stream.linear.gather @!p1 [hbm4b:s8+s9], $0x80, $0x38;
	[tilespmem:$0x1C400] =	vst v63  }
0x48: {  	_ =	swait.ge [sflag:s13], $0x4000  }
0x49: {  	[sflag:s13] =	ssyncset.done $0x0  }
0x4a: {  	[sflag:s13] =	ssyncadd.s32 $0xFFFFC000  }
0x4b: {  	[spmem:s22] =	stream.indirect.scatter.add.f32 [tilespmem:s17], [sflag:$0x8], $0x80, s19, s15, $0xb8;
	[tilespmem:$0x1C400] =	vst v63  }
0x4c: {  	_ =	swait.ge [sflag:s14], $0x4000  }
0x4d: {  	[sflag:s14] =	ssyncset.done $0x0  }
0x4e: {  	[sflag:s14] =	ssyncadd.s32 $0xFFFFC000  }
0x4f: {  	_ =	swait.ge [sflag:s4], $0x80  }
0x50: {  	[sflag:s4] =	ssyncset.done $0x0  }
0x51: {  	[sflag:s4] =	ssyncadd.s32 $0xFFFFFF80  }
0x52: {  	_ =	swait.ge [sflag:s4], $0x80  }
0x53: {  	[sflag:s4] =	ssyncset.done $0x0  }
0x54: {  	s6 =	simm.s32 @p1 $0x5;
	[sflag:s4] =	ssyncadd.s32 $0xFFFFFF80  }
0x55: {  	[tilespmem:s17], [sflag:$0x6] =	stream.indirect.gather [hbm4b:s25+s15], $0x80, s18, s15, $0xb8;
	[tilespmem:$0x1C400] =	vst v63  }
0x56: {  	_ =	swait.ge @p1 [sflag:s6], $0x4000  }
0x57: {  	s26 =	simm.s32 @p1 $0x14300;
	s20 =	simm.s32 @p1 $0x80;
	[sflag:s6] =	ssyncset.done @p1 $0x0  }
0x58: {  	s8 =	simm.s32 @p1 $0x14400;
	[sflag:s6] =	ssyncadd.s32 @p1 $0xFFFFC000;
	s6 =	simm.s32 @p1 $0x7  }
0x59: {  	[spmem:s22] =	stream.indirect.scatter.add.f32 @p1 [tilespmem:s8], [sflag:$0x7], $0x80, s26, s20, $0xb8;
	[tilespmem:$0x1C400] =	vst v63  }
0x5a: {  	_ =	swait.ge @p1 [sflag:s6], $0x4000  }
0x5b: {  	[sflag:s6] =	ssyncset.done @p1 $0x0  }
0x5c: {  	s8 =	sadd.s32 @!p1 $0x50, s3;
	s20 =	simm.s32 @!p1 $0x14080;
	[sflag:s6] =	ssyncadd.s32 @p1 $0xFFFFC000  }
0x5d: {  	[tilespmem:s20], [sflag:$0x2] =	stream.linear.gather @!p1 [hbm4b:s8+s9], $0x80, $0x38;
	[tilespmem:$0x1C400] =	vst v63  }
0x5e: {  	s6 =	sadd.s32 @!p1 $0x50, s7;
	s8 =	simm.s32 @!p1 $0x14280;
	s20 =	simm.s32 @!p1 $0x5  }
0x5f: {  	[tilespmem:s8], [sflag:$0x2] =	stream.linear.gather @!p1 [hbm4b:s6+s9], $0x80, $0x38;
	[tilespmem:$0x1C400] =	vst v63  }
0x60: {  	_ =	swait.ge @!p1 [sflag:s20], $0x4000  }
0x61: {  	s26 =	simm.s32 @!p1 $0x14300;
	s6 =	simm.s32 @!p1 $0x14400;
	[sflag:s20] =	ssyncset.done @!p1 $0x0  }
0x62: {  	s8 =	simm.s32 @!p1 $0x80;
	[sflag:s20] =	ssyncadd.s32 @!p1 $0xFFFFC000;
	s20 =	simm.s32 @!p1 $0x7  }
0x63: {  	[spmem:s22] =	stream.indirect.scatter.add.f32 @!p1 [tilespmem:s6], [sflag:$0x7], $0x80, s26, s8, $0xb8;
	[tilespmem:$0x1C400] =	vst v63  }
0x64: {  	_ =	swait.ge @!p1 [sflag:s20], $0x4000  }
0x65: {  	[sflag:s20] =	ssyncset.done @!p1 $0x0  }
0x66: {  	[sflag:s20] =	ssyncadd.s32 @!p1 $0xFFFFC000;
	s20 =	simm.s32 @!p1 $0x1  }
0x67: {  	_ =	swait.ge @!p1 [sflag:s20], $0x80  }
0x68: {  	[sflag:s20] =	ssyncset.done @!p1 $0x0  }
0x69: {  	[sflag:s20] =	ssyncadd.s32 @!p1 $0xFFFFFF80  }
0x6a: {  	_ =	swait.ge @!p1 [sflag:s20], $0x80  }
0x6b: {  	[sflag:s20] =	ssyncset.done @!p1 $0x0  }
0x6c: {  	[sflag:s20] =	ssyncadd.s32 @!p1 $0xFFFFFF80  }
0x6d: {  	[tilespmem:s6], [sflag:$0x5] =	stream.indirect.gather @!p1 [hbm4b:s25+s8], $0x80, s5, s8, $0xb8;
	[tilespmem:$0x1C400] =	vst v63  }
0x6e: {  	s3 =	sadd.s32 @!p1 $0x60, s3;
	s5 =	simm.s32 @!p1 $0x14100  }
0x6f: {  	[tilespmem:s5], [sflag:$0x3] =	stream.linear.gather @!p1 [hbm4b:s3+s9], $0x80, $0x38;
	[tilespmem:$0x1C400] =	vst v63  }
0x70: {  	s3 =	sadd.s32 @!p1 $0x60, s7  }
0x71: {  	[tilespmem:s26], [sflag:$0x3] =	stream.linear.gather @!p1 [hbm4b:s3+s9], $0x80, $0x38;
	[tilespmem:$0x1C400] =	vst v63  }
0x72: {  	_ =	swait.ge [sflag:s13], $0x4000  }
0x73: {  	s29 =	rddreg [dreg:$0x18]  }
0x74: {  	s30 =	rddreg [dreg:$0x19]  }
0x75: {  	[sflag:s13] =	ssyncset.done $0x0;
	s9 =	rddreg [dreg:$0x1b]  }
0x76: {  	s31 =	simm.s32 $0x9;
	s19 =	rddreg [dreg:$0xc];
	[sflag:s13] =	ssyncadd.s32 $0xFFFFC000  }
0x77: {  	[spmem:s22] =	stream.indirect.scatter.add.f32 [tilespmem:s17], [sflag:$0x8], $0x80, s0, s15, $0xb8;
	[tilespmem:$0x1C400] =	vst v63  }
.LBB2_10:
0x78: {  	_ =	swait.ge [sflag:s14], $0x4000  }
0x79: {  	[sflag:s14] =	ssyncset.done $0x0  }
0x7a: {  	[sflag:s14] =	ssyncadd.s32 $0xFFFFC000  }
0x7b: {  	s1 =	stileid.u32;
	[bflag:$0x0] =	sbarrier.arrive $0xFFFF  }
0x7c: {  	s1 =	sshll.u32 s1, $0x6;
	s6 =	rddreg [dreg:$0x15]  }
0x7d: {  	s1 =	sor.u32 $0x1C09, s1;
	s3 =	sshrl.u32 s6, $0x3  }
0x7e: {  	[hbm:s19], [sflag:s1] =	dma.local [spmem:s3], $0x800  }
0x7f: {  	_ =	swait.ge [sflag:s31], $0x800  }
0x80: {  	[sflag:s31] =	ssyncset.done $0x0;
	s7 =	rddreg [dreg:$0x16]  }
0x81: {  	s5 =	rddreg [dreg:$0xd];
	[sflag:s31] =	ssyncadd.s32 $0xFFFFF800;
	s20 =	sshrl.u32 s7, $0x3  }
0x82: {  	[hbm:s5], [sflag:s1] =	dma.local [spmem:s20], $0x800  }
0x83: {  	_ =	swait.ge [sflag:s31], $0x800  }
0x84: {  	[sflag:s31] =	ssyncset.done $0x0;
	s8 =	rddreg [dreg:$0x17]  }
0x85: {  	s28 =	rddreg [dreg:$0xe];
	[sflag:s31] =	ssyncadd.s32 $0xFFFFF800;
	s26 =	sshrl.u32 s8, $0x3  }
0x86: {  	[hbm:s28], [sflag:s1] =	dma.local [spmem:s26], $0x800  }
0x87: {  	_ =	swait.ge [sflag:s31], $0x800  }
0x88: {  	[sflag:s31] =	ssyncset.done $0x0  }
0x89: {  	s5 =	sshrl.u32 s29, $0x3;
	s19 =	rddreg [dreg:$0xf];
	[sflag:s31] =	ssyncadd.s32 $0xFFFFF800  }
0x8a: {  	[hbm:s19], [sflag:s1] =	dma.local [spmem:s5], $0x800  }
0x8b: {  	_ =	swait.ge [sflag:s31], $0x800  }
0x8c: {  	[sflag:s31] =	ssyncset.done $0x0  }
0x8d: {  	s20 =	sshrl.u32 s30, $0x3;
	s26 =	rddreg [dreg:$0x10];
	[sflag:s31] =	ssyncadd.s32 $0xFFFFF800  }
0x8e: {  	[hbm:s26], [sflag:s1] =	dma.local [spmem:s20], $0x800  }
0x8f: {  	_ =	swait.ge [sflag:s31], $0x800  }
0x90: {  	s3 =	sadd.s32 $0x1, s9;
	s28 =	rddreg [dreg:$0x1a]  }
0x91: {  	p1 =	sne.s32 s3, s28  }
.Ltmp1:
0x92: {  	_ = 	snop;
	(pc) =	sbr.rel @!p1 .LBB2_11-.Ltmp1, $3  }
0x93: {  	_ =	sdelay $0x1  }
0x94: {  	[sflag:s31] =	ssyncset.done $0x0  }
0x95: {  	[sflag:s31] =	ssyncadd.s32 $0xFFFFF800  }
.LBB2_1:
0x96: {  	s1 =	simm.s32 $0x0  }
0x97: {  	s9 =	sand.u32 $0xFE00, s1  }
0x98: {  	s20 =	sand.u32 $0x70, s1;
	s26 =	sshrl.u32 s9, $0x2  }
0x99: {  	s9 =	simm.s32 $0x40;
	s26 =	sor.u32 s20, s26;
	s20 =	simm.s32 $0x0  }
.LBB2_2:
0x9a: {  	p1 =	sne.s32 s9, $0xFFC0  }
0x9b: {  	[tilespmem:s26+$0x14400] =	vst v0;
	s20 =	sadd.s32 $0x10, s20;
	s26 =	smov.u32 s9;
	s9 =	sadd.s32 $0x40, s9  }
.Ltmp2:
0x9c: {  	(pc) =	sbr.rel @p1 .LBB2_2-.Ltmp2, $4  }
0x9d: {  	_ = 	snop  }
0x9e: {  	s26 =	sand.u32 $0xFE00, s26  }
0x9f: {  	s28 =	sand.u32 $0x70, s20;
	s26 =	sshrl.u32 s26, $0x2  }
0xa0: {  	s26 =	sor.u32 s28, s26  }
0xa1: {  	[dreg:$0x1b] =	wrdreg s3;
	[tilespmem:s26+$0x14400] =	vst v0  }
0xa2: {  	[spmem:s6] =	stream.linear.scatter [tilespmem:s2], [sflag:$0x9], $0x4000, $0x38;
	[tilespmem:$0x1C400] =	vst v63  }
0xa3: {  	_ =	swait.ge [sflag:s31], $0x4000  }
0xa4: {  	[sflag:s31] =	ssyncset.done $0x0  }
0xa5: {  	[sflag:s31] =	ssyncadd.s32 $0xFFFFC000  }
0xa6: {  	[spmem:s7] =	stream.linear.scatter [tilespmem:s2], [sflag:$0x9], $0x4000, $0x38;
	[tilespmem:$0x1C400] =	vst v63  }
0xa7: {  	_ =	swait.ge [sflag:s31], $0x4000  }
0xa8: {  	[sflag:s31] =	ssyncset.done $0x0  }
0xa9: {  	[sflag:s31] =	ssyncadd.s32 $0xFFFFC000  }
0xaa: {  	[spmem:s8] =	stream.linear.scatter [tilespmem:s2], [sflag:$0x9], $0x4000, $0x38;
	[tilespmem:$0x1C400] =	vst v63  }
0xab: {  	_ =	swait.ge [sflag:s31], $0x4000  }
0xac: {  	[sflag:s31] =	ssyncset.done $0x0  }
0xad: {  	[sflag:s31] =	ssyncadd.s32 $0xFFFFC000  }
0xae: {  	[spmem:s29] =	stream.linear.scatter [tilespmem:s2], [sflag:$0x9], $0x4000, $0x38;
	[tilespmem:$0x1C400] =	vst v63  }
0xaf: {  	_ =	swait.ge [sflag:s31], $0x4000  }
0xb0: {  	[sflag:s31] =	ssyncset.done $0x0  }
0xb1: {  	[sflag:s31] =	ssyncadd.s32 $0xFFFFC000  }
0xb2: {  	[spmem:s30] =	stream.linear.scatter [tilespmem:s2], [sflag:$0x9], $0x4000, $0x38;
	[tilespmem:$0x1C400] =	vst v63  }
.Ltmp3:
0xb3: {  	_ =	swait.ge [sflag:s31], $0x4000;
	(pc) =	sbr.rel @!p0 .LBB2_4-.Ltmp3, $3  }
0xb4: {  	[sflag:s31] =	ssyncset.done $0x0  }
0xb5: {  	[sflag:s31] =	ssyncadd.s32 $0xFFFFC000  }
0xb6: {  	[bflag:$0x0] =	sbarrier.arrive $0xFFFF;
	_ =	sdelay $0x1  }
0xb7: {  	s3 =	simm.s32 $0x0;
	s5 =	rddreg [dreg:$0xa];
	s6 =	simm.s32 $0x14000  }
0xb8: {  	[tilespmem:s6], [sflag:$0x1] =	stream.linear.gather [hbm4b:s5+s3], $0x80, $0x38;
	[tilespmem:$0x1C400] =	vst v63  }
0xb9: {  	s19 =	rddreg [dreg:$0xb];
	s8 =	simm.s32 $0x14200  }
0xba: {  	[tilespmem:s8], [sflag:$0x1] =	stream.linear.gather [hbm4b:s19+s3], $0x80, $0x38;
	[tilespmem:$0x1C400] =	vst v63  }
0xbb: {  	s20 =	rddreg [dreg:$0x11];
	s9 =	simm.s32 $0x14080  }
0xbc: {  	[tilespmem:s9], [sflag:$0x2] =	stream.linear.gather [hbm4b:s20+s3], $0x80, $0x38;
	[tilespmem:$0x1C400] =	vst v63  }
0xbd: {  	s26 =	rddreg [dreg:$0x12];
	s19 =	simm.s32 $0x14280  }
0xbe: {  	[tilespmem:s19], [sflag:$0x2] =	stream.linear.gather [hbm4b:s26+s3], $0x80, $0x38;
	[tilespmem:$0x1C400] =	vst v63  }
0xbf: {  	s30 =	rddreg [dreg:$0x13];
	s29 =	simm.s32 $0x14100  }
0xc0: {  	[tilespmem:s29], [sflag:$0x3] =	stream.linear.gather [hbm4b:s30+s3], $0x80, $0x38;
	[tilespmem:$0x1C400] =	vst v63  }
0xc1: {  	s31 =	rddreg [dreg:$0x14];
	s7 =	simm.s32 $0x14300;
	s20 =	simm.s32 $0x1  }
0xc2: {  	[tilespmem:s7], [sflag:$0x3] =	stream.linear.gather [hbm4b:s31+s3], $0x80, $0x38;
	[tilespmem:$0x1C400] =	vst v63  }
0xc3: {  	_ =	swait.ge [sflag:s20], $0x80  }
0xc4: {  	[sflag:s20] =	ssyncset.done $0x0  }
0xc5: {  	[sflag:s20] =	ssyncadd.s32 $0xFFFFFF80  }
0xc6: {  	p1 =	por $0x1, $0x1;
	_ =	swait.ge [sflag:s20], $0x80  }
0xc7: {  	p1 =	por p1, p1;
	[sflag:s20] =	ssyncset.done $0x0  }
0xc8: {  	s3 =	simm.s32 @!p1 $0x8;
	[sflag:s20] =	ssyncadd.s32 $0xFFFFFF80  }
0xc9: {  	[tilespmem:s2], [sflag:$0x5] =	stream.indirect.gather [hbm4b:s25+s15], $0x80, s6, s15, $0xb8;
	[tilespmem:$0x1C400] =	vst v63  }
0xca: {  	_ =	swait.ge @!p1 [sflag:s3], $0x4000  }
0xcb: {  	[sflag:s3] =	ssyncset.done @!p1 $0x0  }
0xcc: {  	[sflag:s3] =	ssyncadd.s32 @!p1 $0xFFFFC000  }
0xcd: {  	_ =	swait.ge [sflag:s16], $0x80  }
0xce: {  	[sflag:s16] =	ssyncset.done $0x0  }
0xcf: {  	[sflag:s16] =	ssyncadd.s32 $0xFFFFFF80  }
0xd0: {  	_ =	swait.ge [sflag:s16], $0x80  }
0xd1: {  	[sflag:s16] =	ssyncset.done $0x0  }
0xd2: {  	s26 =	sadd.s32 $0x0, s24;
	[sflag:s16] =	ssyncadd.s32 $0xFFFFFF80  }
0xd3: {  	[tilespmem:s17], [sflag:$0x6] =	stream.indirect.gather [hbm4b:s25+s15], $0x80, s9, s15, $0xb8;
	[tilespmem:$0x1C400] =	vst v63  }
0xd4: {  	s30 =	sadd.s32 $0x0, s23;
	s3 =	sadd.s32 $0x9430, s26  }
0xd5: {  	[tilespmem:s18], [sflag:$0x4] =	stream.linear.gather [hbm4b:s3+s1], $0x80, $0x38;
	[tilespmem:$0x1C400] =	vst v63  }
0xd6: {  	s31 =	sadd.s32 $0x9430, s30  }
0xd7: {  	[tilespmem:s0], [sflag:$0x4] =	stream.linear.gather [hbm4b:s31+s1], $0x80, $0x38;
	[tilespmem:$0x1C400] =	vst v63  }
0xd8: {  	_ =	swait.ge [sflag:s10], $0x4000  }
0xd9: {  	[sflag:s10] =	ssyncset.done $0x0  }
0xda: {  	[sflag:s10] =	ssyncadd.s32 $0xFFFFC000  }
0xdb: {  	[spmem:s22] =	stream.indirect.scatter.add.f32 [tilespmem:s2], [sflag:$0x7], $0x80, s8, s15, $0xb8;
	[tilespmem:$0x1C400] =	vst v63  }
0xdc: {  	_ =	swait.ge [sflag:s11], $0x4000  }
0xdd: {  	[sflag:s11] =	ssyncset.done $0x0  }
0xde: {  	[sflag:s11] =	ssyncadd.s32 $0xFFFFC000  }
0xdf: {  	_ =	swait.ge [sflag:s12], $0x80  }
0xe0: {  	[sflag:s12] =	ssyncset.done $0x0  }
0xe1: {  	[sflag:s12] =	ssyncadd.s32 $0xFFFFFF80  }
0xe2: {  	_ =	swait.ge [sflag:s12], $0x80  }
0xe3: {  	p1 =	por $0x0, $0x0;
	[sflag:s12] =	ssyncset.done $0x0  }
0xe4: {  	s5 =	simm.s32 @!p1 $0x14000;
	s3 =	sadd.s32 @!p1 $0x0, s24;
	[sflag:s12] =	ssyncadd.s32 $0xFFFFFF80  }
0xe5: {  	[tilespmem:s2], [sflag:$0x5] =	stream.indirect.gather [hbm4b:s25+s15], $0x80, s29, s15, $0xb8;
	[tilespmem:$0x1C400] =	vst v63  }
0xe6: {  	s7 =	sadd.s32 @!p1 $0x0, s23;
	s9 =	simm.s32 @!p1 $0x0;
	s6 =	sadd.s32 @!p1 $0x9440, s3  }
0xe7: {  	[tilespmem:s5], [sflag:$0x1] =	stream.linear.gather @!p1 [hbm4b:s6+s9], $0x80, $0x38;
	[tilespmem:$0x1C400] =	vst v63  }
0xe8: {  	s8 =	sadd.s32 @!p1 $0x9440, s7;
	s6 =	simm.s32 @!p1 $0x14200  }
0xe9: {  	[tilespmem:s6], [sflag:$0x1] =	stream.linear.gather @!p1 [hbm4b:s8+s9], $0x80, $0x38;
	[tilespmem:$0x1C400] =	vst v63  }
0xea: {  	_ =	swait.ge [sflag:s13], $0x4000  }
0xeb: {  	[sflag:s13] =	ssyncset.done $0x0  }
0xec: {  	[sflag:s13] =	ssyncadd.s32 $0xFFFFC000  }
0xed: {  	[spmem:s22] =	stream.indirect.scatter.add.f32 [tilespmem:s17], [sflag:$0x8], $0x80, s19, s15, $0xb8;
	[tilespmem:$0x1C400] =	vst v63  }
0xee: {  	_ =	swait.ge [sflag:s14], $0x4000  }
0xef: {  	[sflag:s14] =	ssyncset.done $0x0  }
0xf0: {  	[sflag:s14] =	ssyncadd.s32 $0xFFFFC000  }
0xf1: {  	_ =	swait.ge [sflag:s4], $0x80  }
0xf2: {  	[sflag:s4] =	ssyncset.done $0x0  }
0xf3: {  	[sflag:s4] =	ssyncadd.s32 $0xFFFFFF80  }
0xf4: {  	_ =	swait.ge [sflag:s4], $0x80  }
0xf5: {  	[sflag:s4] =	ssyncset.done $0x0  }
0xf6: {  	s6 =	simm.s32 @p1 $0x5;
	[sflag:s4] =	ssyncadd.s32 $0xFFFFFF80  }
0xf7: {  	[tilespmem:s17], [sflag:$0x6] =	stream.indirect.gather [hbm4b:s25+s15], $0x80, s18, s15, $0xb8;
	[tilespmem:$0x1C400] =	vst v63  }
0xf8: {  	_ =	swait.ge @p1 [sflag:s6], $0x4000  }
0xf9: {  	s20 =	simm.s32 @p1 $0x80;
	s26 =	simm.s32 @p1 $0x14300;
	[sflag:s6] =	ssyncset.done @p1 $0x0  }
0xfa: {  	s8 =	simm.s32 @p1 $0x14400;
	[sflag:s6] =	ssyncadd.s32 @p1 $0xFFFFC000;
	s6 =	simm.s32 @p1 $0x7  }
0xfb: {  	[spmem:s22] =	stream.indirect.scatter.add.f32 @p1 [tilespmem:s8], [sflag:$0x7], $0x80, s26, s20, $0xb8;
	[tilespmem:$0x1C400] =	vst v63  }
0xfc: {  	_ =	swait.ge @p1 [sflag:s6], $0x4000  }
0xfd: {  	[sflag:s6] =	ssyncset.done @p1 $0x0  }
0xfe: {  	s8 =	sadd.s32 @!p1 $0x9450, s3;
	s20 =	simm.s32 @!p1 $0x14080;
	[sflag:s6] =	ssyncadd.s32 @p1 $0xFFFFC000  }
0xff: {  	[tilespmem:s20], [sflag:$0x2] =	stream.linear.gather @!p1 [hbm4b:s8+s9], $0x80, $0x38;
	[tilespmem:$0x1C400] =	vst v63  }
0x100: {  	s6 =	sadd.s32 @!p1 $0x9450, s7;
	s8 =	simm.s32 @!p1 $0x14280;
	s20 =	simm.s32 @!p1 $0x5  }
0x101: {  	[tilespmem:s8], [sflag:$0x2] =	stream.linear.gather @!p1 [hbm4b:s6+s9], $0x80, $0x38;
	[tilespmem:$0x1C400] =	vst v63  }
0x102: {  	_ =	swait.ge @!p1 [sflag:s20], $0x4000  }
0x103: {  	s26 =	simm.s32 @!p1 $0x14300;
	s6 =	simm.s32 @!p1 $0x14400;
	[sflag:s20] =	ssyncset.done @!p1 $0x0  }
0x104: {  	s8 =	simm.s32 @!p1 $0x80;
	[sflag:s20] =	ssyncadd.s32 @!p1 $0xFFFFC000;
	s20 =	simm.s32 @!p1 $0x7  }
0x105: {  	[spmem:s22] =	stream.indirect.scatter.add.f32 @!p1 [tilespmem:s6], [sflag:$0x7], $0x80, s26, s8, $0xb8;
	[tilespmem:$0x1C400] =	vst v63  }
0x106: {  	_ =	swait.ge @!p1 [sflag:s20], $0x4000  }
0x107: {  	[sflag:s20] =	ssyncset.done @!p1 $0x0  }
0x108: {  	[sflag:s20] =	ssyncadd.s32 @!p1 $0xFFFFC000;
	s20 =	simm.s32 @!p1 $0x1  }
0x109: {  	_ =	swait.ge @!p1 [sflag:s20], $0x80  }
0x10a: {  	[sflag:s20] =	ssyncset.done @!p1 $0x0  }
0x10b: {  	[sflag:s20] =	ssyncadd.s32 @!p1 $0xFFFFFF80  }
0x10c: {  	_ =	swait.ge @!p1 [sflag:s20], $0x80  }
0x10d: {  	[sflag:s20] =	ssyncset.done @!p1 $0x0  }
0x10e: {  	[sflag:s20] =	ssyncadd.s32 @!p1 $0xFFFFFF80  }
0x10f: {  	[tilespmem:s6], [sflag:$0x5] =	stream.indirect.gather @!p1 [hbm4b:s25+s8], $0x80, s5, s8, $0xb8;
	[tilespmem:$0x1C400] =	vst v63  }
0x110: {  	s3 =	sadd.s32 @!p1 $0x9460, s3;
	s5 =	simm.s32 @!p1 $0x14100  }
0x111: {  	[tilespmem:s5], [sflag:$0x3] =	stream.linear.gather @!p1 [hbm4b:s3+s9], $0x80, $0x38;
	[tilespmem:$0x1C400] =	vst v63  }
0x112: {  	p2 =	por $0x0, $0x0;
	s28 =	simm.s32 $0x80;
	s3 =	sadd.s32 @!p1 $0x9460, s7  }
0x113: {  	[tilespmem:s26], [sflag:$0x3] =	stream.linear.gather @!p1 [hbm4b:s3+s9], $0x80, $0x38;
	[tilespmem:$0x1C400] =	vst v63  }
0x114: {  	s19 =	simm.s32 $0x0;
	p1 =	por p2, p2;
	_ =	swait.ge [sflag:s13], $0x4000  }
0x115: {  	s26 =	simm.s32 $0x40;
	s9 =	simm.s32 @!p1 $0x8;
	[sflag:s13] =	ssyncset.done $0x0  }
.LBB2_8:
0x116: {  	p3 =	seq.s32 s28, $0x0  }
0x117: {  	[sflag:s13] =	ssyncadd.s32 $0xFFFFC000;
	s20 =	smov.u32 s28;
	s28 =	sadd.s32 $0x40, s28  }
0x118: {  	[spmem:s22] =	stream.indirect.scatter.add.f32 [tilespmem:s17], [sflag:$0x8], $0x80, s0, s15, $0xb8;
	[tilespmem:$0x1C400] =	vst v63  }
0x119: {  	p2 =	sne.s32 s28, $0xC0;
	_ =	swait.ge @!p1 [sflag:s9], $0x4000  }
0x11a: {  	[sflag:s9] =	ssyncset.done @!p1 $0x0  }
0x11b: {  	[sflag:s9] =	ssyncadd.s32 @!p1 $0xFFFFC000;
	p1 =	por p3, p3  }
0x11c: {  	_ =	swait.ge [sflag:s16], $0x80  }
0x11d: {  	[sflag:s16] =	ssyncset.done $0x0  }
0x11e: {  	[sflag:s16] =	ssyncadd.s32 $0xFFFFFF80  }
0x11f: {  	_ =	swait.ge [sflag:s16], $0x80  }
0x120: {  	[sflag:s16] =	ssyncset.done $0x0  }
0x121: {  	s3 =	sadd.s32 s26, s24;
	s1 =	simm.s32 $0x14080;
	[sflag:s16] =	ssyncadd.s32 $0xFFFFFF80  }
0x122: {  	[tilespmem:s17], [sflag:$0x6] =	stream.indirect.gather [hbm4b:s25+s15], $0x80, s1, s15, $0xb8;
	[tilespmem:$0x1C400] =	vst v63  }
0x123: {  	s5 =	sadd.s32 s26, s23;
	s3 =	sadd.s32 $0x9430, s3  }
0x124: {  	[tilespmem:s18], [sflag:$0x4] =	stream.linear.gather [hbm4b:s3+s19], $0x80, $0x38;
	[tilespmem:$0x1C400] =	vst v63  }
0x125: {  	s3 =	sadd.s32 $0x9430, s5  }
0x126: {  	[tilespmem:s0], [sflag:$0x4] =	stream.linear.gather [hbm4b:s3+s19], $0x80, $0x38;
	[tilespmem:$0x1C400] =	vst v63  }
0x127: {  	_ =	swait.ge [sflag:s10], $0x4000  }
0x128: {  	[sflag:s10] =	ssyncset.done $0x0  }
0x129: {  	s1 =	simm.s32 $0x14200;
	[sflag:s10] =	ssyncadd.s32 $0xFFFFC000  }
0x12a: {  	[spmem:s22] =	stream.indirect.scatter.add.f32 [tilespmem:s2], [sflag:$0x7], $0x80, s1, s15, $0xb8;
	[tilespmem:$0x1C400] =	vst v63  }
0x12b: {  	_ =	swait.ge [sflag:s11], $0x4000  }
0x12c: {  	[sflag:s11] =	ssyncset.done $0x0  }
0x12d: {  	[sflag:s11] =	ssyncadd.s32 $0xFFFFC000  }
0x12e: {  	_ =	swait.ge [sflag:s12], $0x80  }
0x12f: {  	[sflag:s12] =	ssyncset.done $0x0  }
0x130: {  	[sflag:s12] =	ssyncadd.s32 $0xFFFFFF80  }
0x131: {  	_ =	swait.ge [sflag:s12], $0x80  }
0x132: {  	[sflag:s12] =	ssyncset.done $0x0  }
0x133: {  	p3 =	seq.s32 s26, $0x80;
	[sflag:s12] =	ssyncadd.s32 $0xFFFFFF80  }
0x134: {  	[tilespmem:s2], [sflag:$0x5] =	stream.indirect.gather [hbm4b:s25+s15], $0x80, s29, s15, $0xb8;
	[tilespmem:$0x1C400] =	vst v63  }
0x135: {  	s30 =	simm.s32 @!p3 $0x14000;
	s3 =	sadd.s32 @!p3 s26, s24;
	s29 =	simm.s32 @!p3 $0x0  }
0x136: {  	s6 =	sadd.s32 @!p3 s26, s23;
	s7 =	simm.s32 @!p3 $0x14200;
	s5 =	sadd.s32 @!p3 $0x9440, s3  }
0x137: {  	[tilespmem:s30], [sflag:$0x1] =	stream.linear.gather @!p3 [hbm4b:s5+s29], $0x80, $0x38;
	[tilespmem:$0x1C400] =	vst v63  }
0x138: {  	s8 =	sadd.s32 @!p3 $0x9450, s3;
	s1 =	sadd.s32 @!p3 $0x9450, s6;
	s5 =	sadd.s32 @!p3 $0x9440, s6  }
0x139: {  	[tilespmem:s7], [sflag:$0x1] =	stream.linear.gather @!p3 [hbm4b:s5+s29], $0x80, $0x38;
	[tilespmem:$0x1C400] =	vst v63  }
0x13a: {  	s31 =	sadd.s32 @!p3 $0x9460, s6;
	s9 =	sadd.s32 @!p3 $0x9460, s3;
	_ =	swait.ge [sflag:s13], $0x4000  }
0x13b: {  	s26 =	smov.u32 s20;
	[sflag:s13] =	ssyncset.done $0x0  }
0x13c: {  	s3 =	simm.s32 $0x14280;
	[sflag:s13] =	ssyncadd.s32 $0xFFFFC000  }
0x13d: {  	[spmem:s22] =	stream.indirect.scatter.add.f32 [tilespmem:s17], [sflag:$0x8], $0x80, s3, s15, $0xb8;
	[tilespmem:$0x1C400] =	vst v63  }
0x13e: {  	_ =	swait.ge [sflag:s14], $0x4000  }
0x13f: {  	[sflag:s14] =	ssyncset.done $0x0  }
0x140: {  	[sflag:s14] =	ssyncadd.s32 $0xFFFFC000  }
0x141: {  	_ =	swait.ge [sflag:s4], $0x80  }
0x142: {  	[sflag:s4] =	ssyncset.done $0x0  }
0x143: {  	[sflag:s4] =	ssyncadd.s32 $0xFFFFFF80  }
0x144: {  	_ =	swait.ge [sflag:s4], $0x80  }
0x145: {  	[sflag:s4] =	ssyncset.done $0x0  }
0x146: {  	s3 =	simm.s32 @p3 $0x5;
	[sflag:s4] =	ssyncadd.s32 $0xFFFFFF80  }
0x147: {  	[tilespmem:s17], [sflag:$0x6] =	stream.indirect.gather [hbm4b:s25+s15], $0x80, s18, s15, $0xb8;
	[tilespmem:$0x1C400] =	vst v63  }
0x148: {  	s5 =	simm.s32 @p3 $0x14400;
	_ =	swait.ge @p3 [sflag:s3], $0x4000  }
0x149: {  	s6 =	simm.s32 @p3 $0x80;
	s7 =	simm.s32 @p3 $0x14300;
	[sflag:s3] =	ssyncset.done @p3 $0x0  }
0x14a: {  	[sflag:s3] =	ssyncadd.s32 @p3 $0xFFFFC000;
	s3 =	simm.s32 @p3 $0x7  }
0x14b: {  	[spmem:s22] =	stream.indirect.scatter.add.f32 @p3 [tilespmem:s5], [sflag:$0x7], $0x80, s7, s6, $0xb8;
	[tilespmem:$0x1C400] =	vst v63  }
0x14c: {  	_ =	swait.ge @p3 [sflag:s3], $0x4000  }
0x14d: {  	s5 =	simm.s32 @!p3 $0x14080;
	[sflag:s3] =	ssyncset.done @p3 $0x0  }
0x14e: {  	[sflag:s3] =	ssyncadd.s32 @p3 $0xFFFFC000;
	s3 =	simm.s32 @!p3 $0x14280  }
0x14f: {  	[tilespmem:s5], [sflag:$0x2] =	stream.linear.gather @!p3 [hbm4b:s8+s29], $0x80, $0x38;
	[tilespmem:$0x1C400] =	vst v63  }
0x150: {  	s5 =	simm.s32 @!p3 $0x5  }
0x151: {  	[tilespmem:s3], [sflag:$0x2] =	stream.linear.gather @!p3 [hbm4b:s1+s29], $0x80, $0x38;
	[tilespmem:$0x1C400] =	vst v63  }
0x152: {  	s1 =	simm.s32 @!p3 $0x14400;
	_ =	swait.ge @!p3 [sflag:s5], $0x4000  }
0x153: {  	s6 =	simm.s32 @!p3 $0x14300;
	s3 =	simm.s32 @!p3 $0x80;
	[sflag:s5] =	ssyncset.done @!p3 $0x0  }
0x154: {  	[sflag:s5] =	ssyncadd.s32 @!p3 $0xFFFFC000;
	s5 =	simm.s32 @!p3 $0x7  }
0x155: {  	[spmem:s22] =	stream.indirect.scatter.add.f32 @!p3 [tilespmem:s1], [sflag:$0x7], $0x80, s6, s3, $0xb8;
	[tilespmem:$0x1C400] =	vst v63  }
0x156: {  	_ =	swait.ge @!p3 [sflag:s5], $0x4000  }
0x157: {  	s7 =	simm.s32 @!p3 $0x1;
	[sflag:s5] =	ssyncset.done @!p3 $0x0  }
0x158: {  	[sflag:s5] =	ssyncadd.s32 @!p3 $0xFFFFC000  }
0x159: {  	_ =	swait.ge @!p3 [sflag:s7], $0x80  }
0x15a: {  	[sflag:s7] =	ssyncset.done @!p3 $0x0  }
0x15b: {  	[sflag:s7] =	ssyncadd.s32 @!p3 $0xFFFFFF80  }
0x15c: {  	_ =	swait.ge @!p3 [sflag:s7], $0x80  }
0x15d: {  	[sflag:s7] =	ssyncset.done @!p3 $0x0  }
0x15e: {  	s5 =	simm.s32 @!p3 $0x14100;
	[sflag:s7] =	ssyncadd.s32 @!p3 $0xFFFFFF80  }
0x15f: {  	[tilespmem:s1], [sflag:$0x5] =	stream.indirect.gather @!p3 [hbm4b:s25+s3], $0x80, s30, s3, $0xb8;
	[tilespmem:$0x1C400] =	vst v63  }
0x160: {  	_ = 	snop  }
0x161: {  	[tilespmem:s5], [sflag:$0x3] =	stream.linear.gather @!p3 [hbm4b:s9+s29], $0x80, $0x38;
	[tilespmem:$0x1C400] =	vst v63  }
.Ltmp4:
0x162: {  	(pc) =	sbr.rel @p2 .LBB2_8-.Ltmp4, $4  }
0x163: {  	[tilespmem:s6], [sflag:$0x3] =	stream.linear.gather @!p3 [hbm4b:s31+s29], $0x80, $0x38;
	[tilespmem:$0x1C400] =	vst v63  }
0x164: {  	s29 =	simm.s32 $0x14100  }
0x165: {  	_ =	swait.ge [sflag:s13], $0x4000  }
0x166: {  	s9 =	simm.s32 @!p1 $0x8;
	[sflag:s13] =	ssyncset.done $0x0  }
0x167: {  	[sflag:s13] =	ssyncadd.s32 $0xFFFFC000  }
0x168: {  	[spmem:s22] =	stream.indirect.scatter.add.f32 [tilespmem:s17], [sflag:$0x8], $0x80, s0, s15, $0xb8;
	[tilespmem:$0x1C400] =	vst v63  }
0x169: {  	_ =	swait.ge @!p1 [sflag:s9], $0x4000  }
0x16a: {  	[sflag:s9] =	ssyncset.done @!p1 $0x0  }
0x16b: {  	[sflag:s9] =	ssyncadd.s32 @!p1 $0xFFFFC000  }
0x16c: {  	_ =	swait.ge [sflag:s16], $0x80  }
0x16d: {  	[sflag:s16] =	ssyncset.done $0x0  }
0x16e: {  	[sflag:s16] =	ssyncadd.s32 $0xFFFFFF80  }
0x16f: {  	_ =	swait.ge [sflag:s16], $0x80  }
0x170: {  	[sflag:s16] =	ssyncset.done $0x0  }
0x171: {  	s1 =	sadd.s32 s26, s24;
	s3 =	simm.s32 $0x14080;
	[sflag:s16] =	ssyncadd.s32 $0xFFFFFF80  }
0x172: {  	[tilespmem:s17], [sflag:$0x6] =	stream.indirect.gather [hbm4b:s25+s15], $0x80, s3, s15, $0xb8;
	[tilespmem:$0x1C400] =	vst v63  }
0x173: {  	s8 =	sadd.s32 s26, s23;
	s1 =	sadd.s32 $0x9430, s1  }
0x174: {  	[tilespmem:s18], [sflag:$0x4] =	stream.linear.gather [hbm4b:s1+s19], $0x80, $0x38;
	[tilespmem:$0x1C400] =	vst v63  }
0x175: {  	s9 =	sadd.s32 $0x9430, s8  }
0x176: {  	[tilespmem:s0], [sflag:$0x4] =	stream.linear.gather [hbm4b:s9+s19], $0x80, $0x38;
	[tilespmem:$0x1C400] =	vst v63  }
0x177: {  	_ =	swait.ge [sflag:s10], $0x4000  }
0x178: {  	[sflag:s10] =	ssyncset.done $0x0  }
0x179: {  	s20 =	simm.s32 $0x14200;
	[sflag:s10] =	ssyncadd.s32 $0xFFFFC000  }
0x17a: {  	[spmem:s22] =	stream.indirect.scatter.add.f32 [tilespmem:s2], [sflag:$0x7], $0x80, s20, s15, $0xb8;
	[tilespmem:$0x1C400] =	vst v63  }
0x17b: {  	_ =	swait.ge [sflag:s11], $0x4000  }
0x17c: {  	[sflag:s11] =	ssyncset.done $0x0  }
0x17d: {  	[sflag:s11] =	ssyncadd.s32 $0xFFFFC000  }
0x17e: {  	_ =	swait.ge [sflag:s12], $0x80  }
0x17f: {  	[sflag:s12] =	ssyncset.done $0x0  }
0x180: {  	[sflag:s12] =	ssyncadd.s32 $0xFFFFFF80  }
0x181: {  	_ =	swait.ge [sflag:s12], $0x80  }
0x182: {  	p1 =	seq.s32 s26, $0x80;
	[sflag:s12] =	ssyncset.done $0x0  }
0x183: {  	s6 =	sadd.s32 @!p1 s26, s23;
	s1 =	sadd.s32 @!p1 s26, s24;
	[sflag:s12] =	ssyncadd.s32 $0xFFFFFF80  }
0x184: {  	[tilespmem:s2], [sflag:$0x5] =	stream.indirect.gather [hbm4b:s25+s15], $0x80, s29, s15, $0xb8;
	[tilespmem:$0x1C400] =	vst v63  }
0x185: {  	s3 =	simm.s32 @!p1 $0x14000;
	s5 =	sadd.s32 @!p1 $0x9440, s1;
	s9 =	simm.s32 @!p1 $0x0  }
0x186: {  	[tilespmem:s3], [sflag:$0x1] =	stream.linear.gather @!p1 [hbm4b:s5+s9], $0x80, $0x38;
	[tilespmem:$0x1C400] =	vst v63  }
0x187: {  	s7 =	sadd.s32 @!p1 $0x9440, s6;
	s5 =	simm.s32 @!p1 $0x14200  }
0x188: {  	[tilespmem:s5], [sflag:$0x1] =	stream.linear.gather @!p1 [hbm4b:s7+s9], $0x80, $0x38;
	[tilespmem:$0x1C400] =	vst v63  }
0x189: {  	_ =	swait.ge [sflag:s13], $0x4000  }
0x18a: {  	[sflag:s13] =	ssyncset.done $0x0  }
0x18b: {  	s28 =	simm.s32 $0x14280;
	[sflag:s13] =	ssyncadd.s32 $0xFFFFC000  }
0x18c: {  	[spmem:s22] =	stream.indirect.scatter.add.f32 [tilespmem:s17], [sflag:$0x8], $0x80, s28, s15, $0xb8;
	[tilespmem:$0x1C400] =	vst v63  }
0x18d: {  	_ =	swait.ge [sflag:s14], $0x4000  }
0x18e: {  	[sflag:s14] =	ssyncset.done $0x0  }
0x18f: {  	[sflag:s14] =	ssyncadd.s32 $0xFFFFC000  }
0x190: {  	_ =	swait.ge [sflag:s4], $0x80  }
0x191: {  	[sflag:s4] =	ssyncset.done $0x0  }
0x192: {  	[sflag:s4] =	ssyncadd.s32 $0xFFFFFF80  }
0x193: {  	_ =	swait.ge [sflag:s4], $0x80  }
0x194: {  	[sflag:s4] =	ssyncset.done $0x0  }
0x195: {  	s5 =	simm.s32 @p1 $0x5;
	[sflag:s4] =	ssyncadd.s32 $0xFFFFFF80  }
0x196: {  	[tilespmem:s17], [sflag:$0x6] =	stream.indirect.gather [hbm4b:s25+s15], $0x80, s18, s15, $0xb8;
	[tilespmem:$0x1C400] =	vst v63  }
0x197: {  	_ =	swait.ge @p1 [sflag:s5], $0x4000  }
0x198: {  	s8 =	simm.s32 @p1 $0x80;
	s20 =	simm.s32 @p1 $0x14300;
	[sflag:s5] =	ssyncset.done @p1 $0x0  }
0x199: {  	s7 =	simm.s32 @p1 $0x14400;
	[sflag:s5] =	ssyncadd.s32 @p1 $0xFFFFC000;
	s5 =	simm.s32 @p1 $0x7  }
0x19a: {  	[spmem:s22] =	stream.indirect.scatter.add.f32 @p1 [tilespmem:s7], [sflag:$0x7], $0x80, s20, s8, $0xb8;
	[tilespmem:$0x1C400] =	vst v63  }
0x19b: {  	_ =	swait.ge @p1 [sflag:s5], $0x4000  }
0x19c: {  	[sflag:s5] =	ssyncset.done @p1 $0x0  }
0x19d: {  	s7 =	sadd.s32 @!p1 $0x9450, s1;
	s8 =	simm.s32 @!p1 $0x14080;
	[sflag:s5] =	ssyncadd.s32 @p1 $0xFFFFC000  }
0x19e: {  	[tilespmem:s8], [sflag:$0x2] =	stream.linear.gather @!p1 [hbm4b:s7+s9], $0x80, $0x38;
	[tilespmem:$0x1C400] =	vst v63  }
0x19f: {  	s5 =	sadd.s32 @!p1 $0x9450, s6;
	s7 =	simm.s32 @!p1 $0x14280;
	s8 =	simm.s32 @!p1 $0x5  }
0x1a0: {  	[tilespmem:s7], [sflag:$0x2] =	stream.linear.gather @!p1 [hbm4b:s5+s9], $0x80, $0x38;
	[tilespmem:$0x1C400] =	vst v63  }
0x1a1: {  	_ =	swait.ge @!p1 [sflag:s8], $0x4000  }
0x1a2: {  	s20 =	simm.s32 @!p1 $0x14300;
	s5 =	simm.s32 @!p1 $0x14400;
	[sflag:s8] =	ssyncset.done @!p1 $0x0  }
0x1a3: {  	s7 =	simm.s32 @!p1 $0x80;
	[sflag:s8] =	ssyncadd.s32 @!p1 $0xFFFFC000;
	s8 =	simm.s32 @!p1 $0x7  }
0x1a4: {  	[spmem:s22] =	stream.indirect.scatter.add.f32 @!p1 [tilespmem:s5], [sflag:$0x7], $0x80, s20, s7, $0xb8;
	[tilespmem:$0x1C400] =	vst v63  }
0x1a5: {  	_ =	swait.ge @!p1 [sflag:s8], $0x4000  }
0x1a6: {  	[sflag:s8] =	ssyncset.done @!p1 $0x0  }
0x1a7: {  	[sflag:s8] =	ssyncadd.s32 @!p1 $0xFFFFC000;
	s8 =	simm.s32 @!p1 $0x1  }
0x1a8: {  	_ =	swait.ge @!p1 [sflag:s8], $0x80  }
0x1a9: {  	[sflag:s8] =	ssyncset.done @!p1 $0x0  }
0x1aa: {  	[sflag:s8] =	ssyncadd.s32 @!p1 $0xFFFFFF80  }
0x1ab: {  	_ =	swait.ge @!p1 [sflag:s8], $0x80  }
0x1ac: {  	[sflag:s8] =	ssyncset.done @!p1 $0x0  }
0x1ad: {  	[sflag:s8] =	ssyncadd.s32 @!p1 $0xFFFFFF80  }
0x1ae: {  	[tilespmem:s5], [sflag:$0x5] =	stream.indirect.gather @!p1 [hbm4b:s25+s7], $0x80, s3, s7, $0xb8;
	[tilespmem:$0x1C400] =	vst v63  }
0x1af: {  	s1 =	sadd.s32 @!p1 $0x9460, s1;
	s3 =	simm.s32 @!p1 $0x14100  }
0x1b0: {  	[tilespmem:s3], [sflag:$0x3] =	stream.linear.gather @!p1 [hbm4b:s1+s9], $0x80, $0x38;
	[tilespmem:$0x1C400] =	vst v63  }
0x1b1: {  	s1 =	sadd.s32 @!p1 $0x9460, s6  }
0x1b2: {  	[tilespmem:s20], [sflag:$0x3] =	stream.linear.gather @!p1 [hbm4b:s1+s9], $0x80, $0x38;
	[tilespmem:$0x1C400] =	vst v63  }
0x1b3: {  	_ =	swait.ge [sflag:s13], $0x4000  }
.Ltmp5:
0x1b4: {  	s19 =	rddreg [dreg:$0xc];
	(pc) =	sbr.rel .LBB2_10-.Ltmp5, $4  }
0x1b5: {  	s29 =	rddreg [dreg:$0x18]  }
0x1b6: {  	[sflag:s13] =	ssyncset.done $0x0;
	s30 =	rddreg [dreg:$0x19]  }
0x1b7: {  	s31 =	simm.s32 $0x9;
	s9 =	rddreg [dreg:$0x1b];
	[sflag:s13] =	ssyncadd.s32 $0xFFFFC000  }
0x1b8: {  	[spmem:s22] =	stream.indirect.scatter.add.f32 [tilespmem:s17], [sflag:$0x8], $0x80, s0, s15, $0xb8;
	[tilespmem:$0x1C400] =	vst v63  }
.LBB2_4:
0x1b9: {  	s9 =	simm.s32 $0x0;
	s3 =	rddreg [dreg:$0x4];
	s5 =	simm.s32 $0x14000  }
0x1ba: {  	[tilespmem:s5], [sflag:$0x1] =	stream.linear.gather [hbm4b:s3+s9], $0x80, $0x38;
	[tilespmem:$0x1C400] =	vst v63  }
0x1bb: {  	s26 =	rddreg [dreg:$0x5];
	s6 =	simm.s32 $0x14200  }
0x1bc: {  	[tilespmem:s6], [sflag:$0x1] =	stream.linear.gather [hbm4b:s26+s9], $0x80, $0x38;
	[tilespmem:$0x1C400] =	vst v63  }
0x1bd: {  	s29 =	rddreg [dreg:$0x6];
	s7 =	simm.s32 $0x14080  }
0x1be: {  	[tilespmem:s7], [sflag:$0x2] =	stream.linear.gather [hbm4b:s29+s9], $0x80, $0x38;
	[tilespmem:$0x1C400] =	vst v63  }
0x1bf: {  	s30 =	rddreg [dreg:$0x7];
	s31 =	simm.s32 $0x14280  }
0x1c0: {  	[tilespmem:s31], [sflag:$0x2] =	stream.linear.gather [hbm4b:s30+s9], $0x80, $0x38;
	[tilespmem:$0x1C400] =	vst v63  }
0x1c1: {  	s8 =	rddreg [dreg:$0x8];
	s19 =	simm.s32 $0x14100  }
0x1c2: {  	[tilespmem:s19], [sflag:$0x3] =	stream.linear.gather [hbm4b:s8+s9], $0x80, $0x38;
	[tilespmem:$0x1C400] =	vst v63  }
0x1c3: {  	s20 =	rddreg [dreg:$0x9];
	s26 =	simm.s32 $0x1;
	s8 =	simm.s32 $0x14300  }
0x1c4: {  	[tilespmem:s8], [sflag:$0x3] =	stream.linear.gather [hbm4b:s20+s9], $0x80, $0x38;
	[tilespmem:$0x1C400] =	vst v63  }
0x1c5: {  	_ =	swait.ge [sflag:s26], $0x80  }
0x1c6: {  	[sflag:s26] =	ssyncset.done $0x0  }
0x1c7: {  	[sflag:s26] =	ssyncadd.s32 $0xFFFFFF80  }
0x1c8: {  	p1 =	por $0x1, $0x1;
	_ =	swait.ge [sflag:s26], $0x80  }
0x1c9: {  	p1 =	por p1, p1;
	[sflag:s26] =	ssyncset.done $0x0  }
0x1ca: {  	s9 =	simm.s32 @!p1 $0x8;
	[sflag:s26] =	ssyncadd.s32 $0xFFFFFF80  }
0x1cb: {  	[tilespmem:s2], [sflag:$0x5] =	stream.indirect.gather [hbm4b:s25+s15], $0x80, s5, s15, $0xb8;
	[tilespmem:$0x1C400] =	vst v63  }
0x1cc: {  	_ =	swait.ge @!p1 [sflag:s9], $0x4000  }
0x1cd: {  	[sflag:s9] =	ssyncset.done @!p1 $0x0  }
0x1ce: {  	[sflag:s9] =	ssyncadd.s32 @!p1 $0xFFFFC000  }
0x1cf: {  	_ =	swait.ge [sflag:s16], $0x80  }
0x1d0: {  	[sflag:s16] =	ssyncset.done $0x0  }
0x1d1: {  	[sflag:s16] =	ssyncadd.s32 $0xFFFFFF80  }
0x1d2: {  	_ =	swait.ge [sflag:s16], $0x80  }
0x1d3: {  	[sflag:s16] =	ssyncset.done $0x0  }
0x1d4: {  	s29 =	sadd.s32 $0x0, s21;
	s8 =	rddreg [dreg:$0x3];
	[sflag:s16] =	ssyncadd.s32 $0xFFFFFF80  }
0x1d5: {  	[tilespmem:s17], [sflag:$0x6] =	stream.indirect.gather [hbm4b:s25+s15], $0x80, s7, s15, $0xb8;
	[tilespmem:$0x1C400] =	vst v63  }
0x1d6: {  	s9 =	sadd.s32 $0x30, s29;
	s20 =	sadd.s32 $0x0, s8  }
0x1d7: {  	[tilespmem:s18], [sflag:$0x4] =	stream.linear.gather [hbm4b:s9+s1], $0x80, $0x38;
	[tilespmem:$0x1C400] =	vst v63  }
0x1d8: {  	s30 =	sadd.s32 $0x30, s20  }
0x1d9: {  	[tilespmem:s0], [sflag:$0x4] =	stream.linear.gather [hbm4b:s30+s1], $0x80, $0x38;
	[tilespmem:$0x1C400] =	vst v63  }
0x1da: {  	_ =	swait.ge [sflag:s10], $0x4000  }
0x1db: {  	[sflag:s10] =	ssyncset.done $0x0  }
0x1dc: {  	[sflag:s10] =	ssyncadd.s32 $0xFFFFC000  }
0x1dd: {  	[spmem:s22] =	stream.indirect.scatter.add.f32 [tilespmem:s2], [sflag:$0x7], $0x80, s6, s15, $0xb8;
	[tilespmem:$0x1C400] =	vst v63  }
0x1de: {  	_ =	swait.ge [sflag:s11], $0x4000  }
0x1df: {  	[sflag:s11] =	ssyncset.done $0x0  }
0x1e0: {  	[sflag:s11] =	ssyncadd.s32 $0xFFFFC000  }
0x1e1: {  	_ =	swait.ge [sflag:s12], $0x80  }
0x1e2: {  	[sflag:s12] =	ssyncset.done $0x0  }
0x1e3: {  	[sflag:s12] =	ssyncadd.s32 $0xFFFFFF80  }
0x1e4: {  	_ =	swait.ge [sflag:s12], $0x80  }
0x1e5: {  	p1 =	por $0x0, $0x0;
	[sflag:s12] =	ssyncset.done $0x0  }
0x1e6: {  	s26 =	simm.s32 @!p1 $0x14000;
	s20 =	sadd.s32 @!p1 $0x0, s21;
	[sflag:s12] =	ssyncadd.s32 $0xFFFFFF80  }
0x1e7: {  	[tilespmem:s2], [sflag:$0x5] =	stream.indirect.gather [hbm4b:s25+s15], $0x80, s19, s15, $0xb8;
	[tilespmem:$0x1C400] =	vst v63  }
0x1e8: {  	s29 =	sadd.s32 @!p1 $0x0, s8;
	s28 =	sadd.s32 @!p1 $0x40, s20;
	s9 =	simm.s32 @!p1 $0x0  }
0x1e9: {  	[tilespmem:s26], [sflag:$0x1] =	stream.linear.gather @!p1 [hbm4b:s28+s9], $0x80, $0x38;
	[tilespmem:$0x1C400] =	vst v63  }
0x1ea: {  	s30 =	sadd.s32 @!p1 $0x40, s29;
	s28 =	simm.s32 @!p1 $0x14200  }
0x1eb: {  	[tilespmem:s28], [sflag:$0x1] =	stream.linear.gather @!p1 [hbm4b:s30+s9], $0x80, $0x38;
	[tilespmem:$0x1C400] =	vst v63  }
0x1ec: {  	_ =	swait.ge [sflag:s13], $0x4000  }
0x1ed: {  	[sflag:s13] =	ssyncset.done $0x0  }
0x1ee: {  	[sflag:s13] =	ssyncadd.s32 $0xFFFFC000  }
0x1ef: {  	[spmem:s22] =	stream.indirect.scatter.add.f32 [tilespmem:s17], [sflag:$0x8], $0x80, s31, s15, $0xb8;
	[tilespmem:$0x1C400] =	vst v63  }
0x1f0: {  	_ =	swait.ge [sflag:s14], $0x4000  }
0x1f1: {  	[sflag:s14] =	ssyncset.done $0x0  }
0x1f2: {  	[sflag:s14] =	ssyncadd.s32 $0xFFFFC000  }
0x1f3: {  	_ =	swait.ge [sflag:s4], $0x80  }
0x1f4: {  	[sflag:s4] =	ssyncset.done $0x0  }
0x1f5: {  	[sflag:s4] =	ssyncadd.s32 $0xFFFFFF80  }
0x1f6: {  	_ =	swait.ge [sflag:s4], $0x80  }
0x1f7: {  	[sflag:s4] =	ssyncset.done $0x0  }
0x1f8: {  	s28 =	simm.s32 @p1 $0x5;
	[sflag:s4] =	ssyncadd.s32 $0xFFFFFF80  }
0x1f9: {  	[tilespmem:s17], [sflag:$0x6] =	stream.indirect.gather [hbm4b:s25+s15], $0x80, s18, s15, $0xb8;
	[tilespmem:$0x1C400] =	vst v63  }
0x1fa: {  	_ =	swait.ge @p1 [sflag:s28], $0x4000  }
0x1fb: {  	s3 =	simm.s32 @p1 $0x14300;
	s30 =	simm.s32 @p1 $0x14400;
	[sflag:s28] =	ssyncset.done @p1 $0x0  }
0x1fc: {  	s31 =	simm.s32 @p1 $0x80;
	[sflag:s28] =	ssyncadd.s32 @p1 $0xFFFFC000;
	s28 =	simm.s32 @p1 $0x7  }
0x1fd: {  	[spmem:s22] =	stream.indirect.scatter.add.f32 @p1 [tilespmem:s30], [sflag:$0x7], $0x80, s3, s31, $0xb8;
	[tilespmem:$0x1C400] =	vst v63  }
0x1fe: {  	_ =	swait.ge @p1 [sflag:s28], $0x4000  }
0x1ff: {  	[sflag:s28] =	ssyncset.done @p1 $0x0  }
0x200: {  	s3 =	sadd.s32 @!p1 $0x50, s20;
	s30 =	simm.s32 @!p1 $0x14080;
	[sflag:s28] =	ssyncadd.s32 @p1 $0xFFFFC000  }
0x201: {  	[tilespmem:s30], [sflag:$0x2] =	stream.linear.gather @!p1 [hbm4b:s3+s9], $0x80, $0x38;
	[tilespmem:$0x1C400] =	vst v63  }
0x202: {  	s28 =	simm.s32 @!p1 $0x14280;
	s3 =	sadd.s32 @!p1 $0x50, s29;
	s30 =	simm.s32 @!p1 $0x5  }
0x203: {  	[tilespmem:s28], [sflag:$0x2] =	stream.linear.gather @!p1 [hbm4b:s3+s9], $0x80, $0x38;
	[tilespmem:$0x1C400] =	vst v63  }
0x204: {  	_ =	swait.ge @!p1 [sflag:s30], $0x4000  }
0x205: {  	s31 =	simm.s32 @!p1 $0x14300;
	s3 =	simm.s32 @!p1 $0x14400;
	[sflag:s30] =	ssyncset.done @!p1 $0x0  }
0x206: {  	s28 =	simm.s32 @!p1 $0x80;
	[sflag:s30] =	ssyncadd.s32 @!p1 $0xFFFFC000;
	s30 =	simm.s32 @!p1 $0x7  }
0x207: {  	[spmem:s22] =	stream.indirect.scatter.add.f32 @!p1 [tilespmem:s3], [sflag:$0x7], $0x80, s31, s28, $0xb8;
	[tilespmem:$0x1C400] =	vst v63  }
0x208: {  	_ =	swait.ge @!p1 [sflag:s30], $0x4000  }
0x209: {  	[sflag:s30] =	ssyncset.done @!p1 $0x0  }
0x20a: {  	[sflag:s30] =	ssyncadd.s32 @!p1 $0xFFFFC000;
	s30 =	simm.s32 @!p1 $0x1  }
0x20b: {  	_ =	swait.ge @!p1 [sflag:s30], $0x80  }
0x20c: {  	[sflag:s30] =	ssyncset.done @!p1 $0x0  }
0x20d: {  	[sflag:s30] =	ssyncadd.s32 @!p1 $0xFFFFFF80  }
0x20e: {  	_ =	swait.ge @!p1 [sflag:s30], $0x80  }
0x20f: {  	[sflag:s30] =	ssyncset.done @!p1 $0x0  }
0x210: {  	[sflag:s30] =	ssyncadd.s32 @!p1 $0xFFFFFF80  }
0x211: {  	[tilespmem:s3], [sflag:$0x5] =	stream.indirect.gather @!p1 [hbm4b:s25+s28], $0x80, s26, s28, $0xb8;
	[tilespmem:$0x1C400] =	vst v63  }
0x212: {  	s3 =	sadd.s32 @!p1 $0x60, s20;
	s20 =	simm.s32 @!p1 $0x14100  }
0x213: {  	[tilespmem:s20], [sflag:$0x3] =	stream.linear.gather @!p1 [hbm4b:s3+s9], $0x80, $0x38;
	[tilespmem:$0x1C400] =	vst v63  }
0x214: {  	p2 =	por $0x0, $0x0;
	s19 =	simm.s32 $0x14280;
	s3 =	sadd.s32 @!p1 $0x60, s29  }
0x215: {  	[tilespmem:s31], [sflag:$0x3] =	stream.linear.gather @!p1 [hbm4b:s3+s9], $0x80, $0x38;
	[tilespmem:$0x1C400] =	vst v63  }
0x216: {  	s26 =	simm.s32 $0x40;
	p1 =	por p2, p2;
	_ =	swait.ge [sflag:s13], $0x4000  }
0x217: {  	s28 =	simm.s32 $0x80;
	s9 =	simm.s32 @!p1 $0x8;
	[sflag:s13] =	ssyncset.done $0x0  }
.LBB2_5:
0x218: {  	[sflag:s13] =	ssyncadd.s32 $0xFFFFC000  }
0x219: {  	[spmem:s22] =	stream.indirect.scatter.add.f32 [tilespmem:s17], [sflag:$0x8], $0x80, s0, s15, $0xb8;
	[tilespmem:$0x1C400] =	vst v63  }
0x21a: {  	_ =	swait.ge @!p1 [sflag:s9], $0x4000  }
0x21b: {  	[sflag:s9] =	ssyncset.done @!p1 $0x0  }
0x21c: {  	[sflag:s9] =	ssyncadd.s32 @!p1 $0xFFFFC000  }
0x21d: {  	_ =	swait.ge [sflag:s16], $0x80  }
0x21e: {  	[sflag:s16] =	ssyncset.done $0x0  }
0x21f: {  	[sflag:s16] =	ssyncadd.s32 $0xFFFFFF80  }
0x220: {  	_ =	swait.ge [sflag:s16], $0x80  }
0x221: {  	[sflag:s16] =	ssyncset.done $0x0  }
0x222: {  	s3 =	sadd.s32 s26, s21;
	[sflag:s16] =	ssyncadd.s32 $0xFFFFFF80  }
0x223: {  	[tilespmem:s17], [sflag:$0x6] =	stream.indirect.gather [hbm4b:s25+s15], $0x80, s7, s15, $0xb8;
	[tilespmem:$0x1C400] =	vst v63  }
0x224: {  	s29 =	sadd.s32 s26, s8;
	s3 =	sadd.s32 $0x30, s3  }
0x225: {  	[tilespmem:s18], [sflag:$0x4] =	stream.linear.gather [hbm4b:s3+s1], $0x80, $0x38;
	[tilespmem:$0x1C400] =	vst v63  }
0x226: {  	s30 =	sadd.s32 $0x30, s29  }
0x227: {  	[tilespmem:s0], [sflag:$0x4] =	stream.linear.gather [hbm4b:s30+s1], $0x80, $0x38;
	[tilespmem:$0x1C400] =	vst v63  }
0x228: {  	_ =	swait.ge [sflag:s10], $0x4000  }
0x229: {  	[sflag:s10] =	ssyncset.done $0x0  }
0x22a: {  	[sflag:s10] =	ssyncadd.s32 $0xFFFFC000  }
0x22b: {  	[spmem:s22] =	stream.indirect.scatter.add.f32 [tilespmem:s2], [sflag:$0x7], $0x80, s6, s15, $0xb8;
	[tilespmem:$0x1C400] =	vst v63  }
0x22c: {  	_ =	swait.ge [sflag:s11], $0x4000  }
0x22d: {  	[sflag:s11] =	ssyncset.done $0x0  }
0x22e: {  	[sflag:s11] =	ssyncadd.s32 $0xFFFFC000  }
0x22f: {  	_ =	swait.ge [sflag:s12], $0x80  }
0x230: {  	[sflag:s12] =	ssyncset.done $0x0  }
0x231: {  	[sflag:s12] =	ssyncadd.s32 $0xFFFFFF80  }
0x232: {  	p3 =	seq.s32 s28, $0x0;
	s31 =	simm.s32 $0x14100;
	_ =	swait.ge [sflag:s12], $0x80  }
0x233: {  	p1 =	por p3, p3;
	p3 =	seq.s32 s26, $0x900;
	[sflag:s12] =	ssyncset.done $0x0  }
0x234: {  	s29 =	simm.s32 @!p3 $0x0;
	s3 =	sadd.s32 @!p3 s26, s21;
	[sflag:s12] =	ssyncadd.s32 $0xFFFFFF80  }
0x235: {  	[tilespmem:s2], [sflag:$0x5] =	stream.indirect.gather [hbm4b:s25+s15], $0x80, s31, s15, $0xb8;
	[tilespmem:$0x1C400] =	vst v63  }
0x236: {  	s26 =	sadd.s32 @!p3 s26, s8;
	s9 =	sadd.s32 @!p3 $0x40, s3;
	s30 =	simm.s32 @!p3 $0x14000  }
0x237: {  	[tilespmem:s30], [sflag:$0x1] =	stream.linear.gather @!p3 [hbm4b:s9+s29], $0x80, $0x38;
	[tilespmem:$0x1C400] =	vst v63  }
0x238: {  	s31 =	simm.s32 @!p3 $0x14200;
	s9 =	sadd.s32 @!p3 $0x40, s26  }
0x239: {  	[tilespmem:s31], [sflag:$0x1] =	stream.linear.gather @!p3 [hbm4b:s9+s29], $0x80, $0x38;
	[tilespmem:$0x1C400] =	vst v63  }
0x23a: {  	_ =	swait.ge [sflag:s13], $0x4000  }
0x23b: {  	[sflag:s13] =	ssyncset.done $0x0  }
0x23c: {  	[sflag:s13] =	ssyncadd.s32 $0xFFFFC000  }
0x23d: {  	[spmem:s22] =	stream.indirect.scatter.add.f32 [tilespmem:s17], [sflag:$0x8], $0x80, s19, s15, $0xb8;
	[tilespmem:$0x1C400] =	vst v63  }
0x23e: {  	_ =	swait.ge [sflag:s14], $0x4000  }
0x23f: {  	[sflag:s14] =	ssyncset.done $0x0  }
0x240: {  	[sflag:s14] =	ssyncadd.s32 $0xFFFFC000  }
0x241: {  	_ =	swait.ge [sflag:s4], $0x80  }
0x242: {  	[sflag:s4] =	ssyncset.done $0x0  }
0x243: {  	[sflag:s4] =	ssyncadd.s32 $0xFFFFFF80  }
0x244: {  	s20 =	smov.u32 s28;
	_ =	swait.ge [sflag:s4], $0x80  }
0x245: {  	s7 =	simm.s32 @p3 $0x80;
	s5 =	sadd.s32 @!p3 $0x50, s3;
	[sflag:s4] =	ssyncset.done $0x0  }
0x246: {  	s9 =	sadd.s32 @!p3 $0x60, s3;
	s3 =	simm.s32 @p3 $0x5;
	[sflag:s4] =	ssyncadd.s32 $0xFFFFFF80  }
0x247: {  	[tilespmem:s17], [sflag:$0x6] =	stream.indirect.gather [hbm4b:s25+s15], $0x80, s18, s15, $0xb8;
	[tilespmem:$0x1C400] =	vst v63  }
0x248: {  	s8 =	simm.s32 @p3 $0x14300;
	s6 =	sadd.s32 @!p3 $0x50, s26;
	_ =	swait.ge @p3 [sflag:s3], $0x4000  }
0x249: {  	s31 =	sadd.s32 @!p3 $0x60, s26;
	s26 =	smov.u32 s20;
	[sflag:s3] =	ssyncset.done @p3 $0x0  }
0x24a: {  	s20 =	simm.s32 @p3 $0x14400;
	[sflag:s3] =	ssyncadd.s32 @p3 $0xFFFFC000;
	s3 =	simm.s32 @p3 $0x7  }
0x24b: {  	[spmem:s22] =	stream.indirect.scatter.add.f32 @p3 [tilespmem:s20], [sflag:$0x7], $0x80, s8, s7, $0xb8;
	[tilespmem:$0x1C400] =	vst v63  }
0x24c: {  	_ =	swait.ge @p3 [sflag:s3], $0x4000  }
0x24d: {  	[sflag:s3] =	ssyncset.done @p3 $0x0  }
0x24e: {  	s7 =	simm.s32 @!p3 $0x14080;
	[sflag:s3] =	ssyncadd.s32 @p3 $0xFFFFC000  }
0x24f: {  	[tilespmem:s7], [sflag:$0x2] =	stream.linear.gather @!p3 [hbm4b:s5+s29], $0x80, $0x38;
	[tilespmem:$0x1C400] =	vst v63  }
0x250: {  	s3 =	simm.s32 @!p3 $0x14280;
	s5 =	simm.s32 @!p3 $0x5  }
0x251: {  	[tilespmem:s3], [sflag:$0x2] =	stream.linear.gather @!p3 [hbm4b:s6+s29], $0x80, $0x38;
	[tilespmem:$0x1C400] =	vst v63  }
0x252: {  	_ =	swait.ge @!p3 [sflag:s5], $0x4000  }
0x253: {  	s7 =	simm.s32 @!p3 $0x14300;
	s3 =	simm.s32 @!p3 $0x14400;
	[sflag:s5] =	ssyncset.done @!p3 $0x0  }
0x254: {  	s6 =	simm.s32 @!p3 $0x80;
	[sflag:s5] =	ssyncadd.s32 @!p3 $0xFFFFC000;
	s5 =	simm.s32 @!p3 $0x7  }
0x255: {  	[spmem:s22] =	stream.indirect.scatter.add.f32 @!p3 [tilespmem:s3], [sflag:$0x7], $0x80, s7, s6, $0xb8;
	[tilespmem:$0x1C400] =	vst v63  }
0x256: {  	_ =	swait.ge @!p3 [sflag:s5], $0x4000  }
0x257: {  	[sflag:s5] =	ssyncset.done @!p3 $0x0  }
0x258: {  	s8 =	simm.s32 @!p3 $0x1;
	[sflag:s5] =	ssyncadd.s32 @!p3 $0xFFFFC000  }
0x259: {  	_ =	swait.ge @!p3 [sflag:s8], $0x80  }
0x25a: {  	[sflag:s8] =	ssyncset.done @!p3 $0x0  }
0x25b: {  	[sflag:s8] =	ssyncadd.s32 @!p3 $0xFFFFFF80  }
0x25c: {  	_ =	swait.ge @!p3 [sflag:s8], $0x80  }
0x25d: {  	[sflag:s8] =	ssyncset.done @!p3 $0x0  }
0x25e: {  	s28 =	sadd.s32 $0x40, s28;
	[sflag:s8] =	ssyncadd.s32 @!p3 $0xFFFFFF80  }
0x25f: {  	[tilespmem:s3], [sflag:$0x5] =	stream.indirect.gather @!p3 [hbm4b:s25+s6], $0x80, s30, s6, $0xb8;
	[tilespmem:$0x1C400] =	vst v63  }
0x260: {  	p2 =	seq.s32 s28, $0x940;
	s5 =	simm.s32 @!p3 $0x14100  }
0x261: {  	[tilespmem:s5], [sflag:$0x3] =	stream.linear.gather @!p3 [hbm4b:s9+s29], $0x80, $0x38;
	[tilespmem:$0x1C400] =	vst v63  }
.Ltmp6:
0x262: {  	_ = 	snop;
	(pc) =	sbr.rel @!p2 .LBB2_5-.Ltmp6, $4  }
0x263: {  	_ = 	snop  }
0x264: {  	[tilespmem:s7], [sflag:$0x3] =	stream.linear.gather @!p3 [hbm4b:s31+s29], $0x80, $0x38;
	[tilespmem:$0x1C400] =	vst v63  }
0x265: {  	s8 =	rddreg [dreg:$0x3];
	s6 =	simm.s32 $0x14200;
	_ =	swait.ge [sflag:s13], $0x4000  }
0x266: {  	s9 =	simm.s32 @!p1 $0x8;
	s7 =	simm.s32 $0x14080;
	[sflag:s13] =	ssyncset.done $0x0  }
.Ltmp7:
0x267: {  	_ = 	snop;
	(pc) =	sbr.rel .LBB2_6-.Ltmp7, $1  }
0x268: {  	_ =	sdelay $0x3  }
.LBB2_11:
0x269: {  	_ =	sfence.sel $0x180000  }
0x26a: {  	[bflag:$0x0] =	sbarrier.arrive $0xFFFF  }
0x26b: {  	_ =	strace $0x9000004A  }
0x26c: {  	s0 =	stileid.u32;
	[bflag:$0x2] =	sbarrier.arrive $0xFFFF  }
0x26d: {  	p0 =	sne.s32 s0, $0x0;
	s0 =	rddreg [dreg:$0x2]  }
0x26e: {  	s0 =	sadd.s32 @!p0 $0x100000, s0  }
0x26f: {  	[sflag:s0] =	ssyncadd.tile.s32 @!p0 $0x1;
	_ =	shalt  }
.Lfunc_end2:
_tile_overlayer_lowered:
.L_overlay_start_2:
0x270: {  	(tag) =	ssettag $0x2  }
0x271: {  	s0 =	rddreg [dreg:$0x0];
	s2 =	stileid.u32  }
0x272: {  	s1 =	rddreg [dreg:$0x1];
	p0 =	sne.s32 s2, $0x0  }
0x273: {  	s3 =	rddreg [dreg:$0x2];
	[bflag:$0x3] =	sbarrier.arrive $0xFFFF;
	s2 =	simm.s32 @!p0 $0x1C09  }
0x274: {  	[timem:s3], [sflag:s2] =	dma.local @!p0 [hbm:s0], s1  }
0x275: {  	s0 =	simm.s32 @!p0 $0x9  }
0x276: {  	_ =	swait.ge @!p0 [sflag:s0], s1  }
0x277: {  	s1 =	ssub.s32 @!p0 $0x0, s1;
	[sflag:s0] =	ssyncset.done @!p0 $0x0  }
0x278: {  	[sflag:s0] =	ssyncadd.s32 @!p0 s1  }
0x279: {  	[bflag:$0x3] =	sbarrier.arrive $0xFFFF  }
0x27a: {  	_ =	shalt  }

// kernel: kernel.14.cloned.1.call-start
scs
__scs_entry_jumppad:
0x0: {  	(pc) =	sbr.rel $0x88, $3  }
0x1: {  	(tag) =	ssettag $0x0;
	lr =	simm.s32 $0x1  }
0x2: {  	[smem:$0x3F93] =	sst lr;
	_ =	strace $0xD0000000  }
0x3: {  	_ = 	snop  }
0x4: {  	_ = 	snop  }
0x5: {  	_ = 	snop  }
0x6: {  	_ = 	snop  }
0x7: {  	_ = 	snop  }
__scs_overlays_trampoline_lowered:
0x8: {  	[smem:$0x3FA2] =	sst s0  }
0x9: {  	[smem:$0x3FA3] =	sst s1  }
0xa: {  	[smem:$0x3FA4] =	sst s2  }
0xb: {  	[smem:$0x3FA5] =	sst s3  }
0xc: {  	[smem:$0x3FA6] =	sst s4  }
0xd: {  	[smem:$0x3FA7] =	sst s5  }
0xe: {  	[smem:$0x3FA8] =	sst s6  }
0xf: {  	[smem:$0x3FA9] =	sst s7  }
0x10: {  	[smem:$0x3FAA] =	sst s8  }
0x11: {  	[smem:$0x3FAB] =	sst s9;
	s0 =	simm.s32 @!p0 $0x0  }
0x12: {  	s1 =	sld [smem:$0x3F91];
	s0 =	simm.s32 @p0 $0x1  }
0x13: {  	[smem:$0x3FAC] =	sst s0;
	s0 =	simm.s32 @!p1 $0x0  }
0x14: {  	s2 =	sld [smem:$0x3F90];
	s0 =	simm.s32 @p1 $0x1  }
0x15: {  	[smem:$0x3FAD] =	sst s0;
	s0 =	simm.s32 @!p2 $0x0  }
0x16: {  	s3 =	sld [smem:$0x3FDB];
	s0 =	simm.s32 @p2 $0x1  }
0x17: {  	s4 =	simm.s32 $0x1BF5;
	[smem:$0x3FAF] =	sst s0  }
0x18: {  	s0 =	sld [smem:$0x3F92];
	_ =	swait.ge [sflag:s4], $0x0  }
0x19: {  	s7 =	sld [smem:$0x3F93]  }
0x1a: {  	s8 =	sadd.s32 $0xFFFFE003, lr  }
0x1b: {  	s9 =	sadd.s32 $0xFFFFFEF7, lr;
	s5 =	simm.s32 $0xFFFFFFFF;
	p2 =	slt.u32 s8, $0xFFFFF086  }
0x1c: {  	p1 =	slt.u32 s9, $0xF7A;
	s5 =	simm.s32 @!p2 $0x0  }
0x1d: {  	s5 =	simm.s32 @p1 $0x1;
	p0 =	seq.s32 s7, s2  }
0x1e: {  	s7 =	smul.u32 @!p0 $0xF7A, s2;
	p2 =	seq.s32 @!p0 s5, $0x0  }
0x1f: {  	s9 =	smul.u32 $0xF7A, s1;
	s8 =	simm.s32 @!p0 $0x1BF5;
	p2 =	por !p2, p0  }
0x20: {  	[sflag:s8] =	ssyncset.s32 @!p0 $0xFFFFF086;
	s6 =	sadd.s32 @!p0 s3, s7;
	s7 =	simm.s32 @!p0 $0x108  }
0x21: {  	s3 =	sadd.s32 s3, s9;
	s6 =	sadd.s32 @!p0 $0x88, s6;
	s7 =	simm.s32 @p2 $0x1082  }
0x22: {  	[simem:s7], [sflag:s8] =	dma.local @!p0 [hbm:s6], $0xF7A  }
0x23: {  	s9 =	sor.u32 $0xD0000000, s2;
	s6 =	simm.s32 $0x108;
	_ =	swait.ge @!p0 [sflag:s8], $0x0  }
0x24: {  	s3 =	sadd.s32 $0x88, s3;
	s6 =	simm.s32 @!p1 $0x1082;
	[sflag:s4] =	ssyncset.s32 $0xFFFFF086  }
0x25: {  	[simem:s6], [sflag:s4] =	dma.local [hbm:s3], $0xF7A  }
0x26: {  	[smem:$0x3F93] =	sst s1;
	(tag) =	ssettag s2;
	_ =	strace s9  }
0x27: {  	s1 =	sld [smem:$0x3FA3]  }
0x28: {  	s2 =	sld [smem:$0x3FA4]  }
0x29: {  	s4 =	sld [smem:$0x3FA6]  }
0x2a: {  	p0 =	seq.s32 s5, $0x0;
	s5 =	sld [smem:$0x3FA7]  }
0x2b: {  	s6 =	sld [smem:$0x3FA8]  }
0x2c: {  	s7 =	sld [smem:$0x3FA9]  }
0x2d: {  	s3 =	simm.s32 $0x108;
	s8 =	sld [smem:$0x3FAA]  }
0x2e: {  	s3 =	simm.s32 @!p0 $0x1082;
	s9 =	sld [smem:$0x3FAB]  }
0x2f: {  	lr =	sadd.s32 s0, s3;
	s0 =	sld [smem:$0x3FA2]  }
0x30: {  	s3 =	sld [smem:$0x3FA5]  }
0x31: {  	[smem:$0x3FAE] =	sst s10  }
0x32: {  	s10 =	sld [smem:$0x3FAC];
	_ =	sdelay $0x3  }
0x33: {  	p0 =	seq.s32 s10, $0x1;
	s10 =	sld [smem:$0x3FAE];
	_ =	sdelay $0x3  }
0x34: {  	[smem:$0x3FAE] =	sst s10  }
0x35: {  	s10 =	sld [smem:$0x3FAD];
	_ =	sdelay $0x3  }
0x36: {  	p1 =	seq.s32 s10, $0x1;
	s10 =	sld [smem:$0x3FAE];
	_ =	sdelay $0x3  }
0x37: {  	[smem:$0x3FAE] =	sst s10  }
0x38: {  	s10 =	sld [smem:$0x3FAF]  }
0x39: {  	_ = 	snop;
	(pc) =	sbr.ind lr, $3  }
0x3a: {  	_ = 	snop  }
0x3b: {  	_ = 	snop  }
0x3c: {  	p2 =	seq.s32 s10, $0x1;
	s10 =	sld [smem:$0x3FAE]  }
0x3d: {  	_ =	shalt  }
0x3e: {  	_ =	shalt  }
0x3f: {  	_ =	shalt  }
0x40: {  	_ =	shalt  }
0x41: {  	_ =	shalt  }
0x42: {  	_ =	shalt  }
0x43: {  	_ =	shalt  }
0x44: {  	_ =	shalt  }
0x45: {  	_ =	shalt  }
0x46: {  	_ =	shalt  }
0x47: {  	_ =	shalt  }
0x48: {  	_ =	shalt  }
0x49: {  	_ =	shalt  }
0x4a: {  	_ =	shalt  }
0x4b: {  	_ =	shalt  }
0x4c: {  	_ =	shalt  }
0x4d: {  	_ =	shalt  }
0x4e: {  	_ =	shalt  }
0x4f: {  	_ =	shalt  }
0x50: {  	_ =	shalt  }
0x51: {  	_ =	shalt  }
0x52: {  	_ =	shalt  }
0x53: {  	_ =	shalt  }
0x54: {  	_ =	shalt  }
0x55: {  	_ =	shalt  }
0x56: {  	_ =	shalt  }
0x57: {  	_ =	shalt  }
0x58: {  	_ =	shalt  }
0x59: {  	_ =	shalt  }
0x5a: {  	_ =	shalt  }
0x5b: {  	_ =	shalt  }
0x5c: {  	_ =	shalt  }
0x5d: {  	_ =	shalt  }
0x5e: {  	_ =	shalt  }
0x5f: {  	_ =	shalt  }
0x60: {  	_ =	shalt  }
0x61: {  	_ =	shalt  }
0x62: {  	_ =	shalt  }
0x63: {  	_ =	shalt  }
0x64: {  	_ =	shalt  }
0x65: {  	_ =	shalt  }
0x66: {  	_ =	shalt  }
0x67: {  	_ =	shalt  }
0x68: {  	_ =	shalt  }
0x69: {  	_ =	shalt  }
0x6a: {  	_ =	shalt  }
0x6b: {  	_ =	shalt  }
0x6c: {  	_ =	shalt  }
0x6d: {  	_ =	shalt  }
0x6e: {  	_ =	shalt  }
0x6f: {  	_ =	shalt  }
0x70: {  	_ =	shalt  }
0x71: {  	_ =	shalt  }
0x72: {  	_ =	shalt  }
0x73: {  	_ =	shalt  }
0x74: {  	_ =	shalt  }
0x75: {  	_ =	shalt  }
0x76: {  	_ =	shalt  }
0x77: {  	_ =	shalt  }
0x78: {  	_ =	shalt  }
0x79: {  	_ =	shalt  }
0x7a: {  	_ =	shalt  }
0x7b: {  	_ =	shalt  }
0x7c: {  	_ =	shalt  }
0x7d: {  	_ =	shalt  }
0x7e: {  	_ =	shalt  }
0x7f: {  	_ =	shalt  }
0x80: {  	_ =	shalt  }
0x81: {  	_ =	shalt  }
0x82: {  	_ =	shalt  }
0x83: {  	_ =	shalt  }
0x84: {  	_ =	shalt  }
0x85: {  	_ =	shalt  }
0x86: {  	_ =	shalt  }
0x87: {  	_ =	shalt  }
.Lfunc_end0:
.L_simem_size_0:
called_computation.2_lowered:
.L_overlay_start_0:
0x88: {  	s2 =	sld [smem:$0x3FD9]  }
0x89: {  	s3 =	sld [smem:$0x3FFE];
	_ =	sdelay $0x1  }
0x8a: {  	s1 =	srdreg.scid  }
0x8b: {  	s0 =	sand.u32 $0x1, s1  }
0x8c: {  	s16 =	sshll.u32 s0, $0xA;
	s2 =	sadd.s32 s3, s2  }
0x8d: {  	s2 =	sadd.s32 s2, s16  }
0x8e: {  	[smem:$0x3FBA] =	sst s2  }
0x8f: {  	_ = 	snop  }
0x90: {  	(tm) =	ssettm $0x1  }
0x91: {  	s17 =	sld [smem:$0x3FFB];
	_ =	sdelay $0x3  }
0x92: {  	_ =	strace s17  }
0x93: {  	s2 =	sld [smem:$0x3FFC];
	_ =	sdelay $0x3  }
0x94: {  	_ =	strace s2  }
0x95: {  	s2 =	sld [smem:$0x3FFD];
	_ =	sdelay $0x3  }
0x96: {  	_ =	strace s2  }
0x97: {  	_ =	strace $0x8FFFFFFF  }
0x98: {  	s18 =	sld [smem:$0x3FDB];
	_ =	sdelay $0x1  }
0x99: {  	s19 =	simm.s32 $_scs_section_size  }
0x9a: {  	s4 =	simm.s32 $_size__tile_overlayer_lowered;
	s5 =	simm.s32 $_tile_overlayer_lowered  }
0x9b: {  	s22 =	simm.s32 $0x1BFF;
	s21 =	sshll.u32 s5, $0x1;
	s2 =	sadd.s32 s19, s18  }
0x9c: {  	s6 =	simm.s32 $0x0;
	s20 =	sshll.u32 s4, $0x1;
	s4 =	sadd.s32 s21, s2  }
0x9d: {  	[timem:s6], [sflag:s22] =	dma.local [hbm:s4], s20  }
0x9e: {  	_ =	swait.ge [sflag:s22], s20  }
0x9f: {  	s3 =	ssub.s32 $0x0, s20;
	[sflag:s22] =	ssyncset.done $0x0  }
0xa0: {  	[sflag:s22] =	ssyncadd.s32 s3;
	_ =	sdelay $0x1  }
0xa1: {  	s23 =	simm.s32 $0x1B8B  }
0xa2: {  	_ =	swait.ge [sflag:s23], $0x1  }
0xa3: {  	[sflag:s23] =	ssyncset.done $0x0  }
0xa4: {  	s25 =	simm.s32 $0x1B8E;
	s24 =	sld [smem:$0x3FFE];
	[sflag:s23] =	ssyncadd.s32 $0xFFFFFFFF  }
0xa5: {  	s26 =	simm.s32 $execute0_lowered;
	[smem:$0x3FD2] =	sst s25  }
0xa6: {  	s4 =	sshll.u32 s26, $0x1;
	_ =	strace $0x8000004C;
	[dreg:$0x1] =	wrdreg $0xFFFFFFFF  }
0xa7: {  	s28 =	simm.s32 $_size_execute0_lowered;
	s2 =	sadd.s32 s2, s4;
	[dreg:$0x0] =	wrdreg $0x0  }
0xa8: {  	s4 =	sshll.u32 s28, $0x1;
	[dreg:$0x2] =	wrdreg s2  }
0xa9: {  	[dreg:$0x3] =	wrdreg s4  }
0xaa: {  	[dreg:$0x4] =	wrdreg $0xC0  }
0xab: {  	_ =	task [dreg:s6], $0x5FFFF  }
0xac: {  	[dreg:$0x1] =	wrdreg $0xFFFFFFFF  }
0xad: {  	[dreg:$0x0] =	wrdreg $0x60  }
0xae: {  	[dreg:$0x2] =	wrdreg s24  }
0xaf: {  	[dreg:$0x3] =	wrdreg $0x9  }
0xb0: {  	_ =	task.clear_ibuf [dreg:s6], $0x4FFFF;
	_ =	strace $0x9000004C  }
0xb1: {  	s29 =	simm.s32 $0x9;
	_ =	strace $0x8000004E  }
0xb2: {  	_ =	swait.ge [sflag:s29], $0x1  }
0xb3: {  	[sflag:s29] =	ssyncadd.s32 $0xFFFFFFFF  }
0xb4: {  	_ =	strace $0x9000004E  }
0xb5: {  	_ =	sfence  }
0xb6: {  	s30 =	sld [smem:$0x0];
	_ =	sdelay $0x2  }
0xb7: {  	s31 =	sshll.u32 s1, $0xD;
	s1 =	sshrl.u32 s1, $0x2  }
0xb8: {  	s3 =	sand.u32 $0x4000, s31;
	s1 =	sadd.s32 s1, s30  }
0xb9: {  	s0 =	sor.u32 s3, s0;
	s1 =	sshll.u32 s1, $0x11  }
0xba: {  	s0 =	sor.u32 s1, s0  }
0xbb: {  	s0 =	sadd.s32 $0x8F2B, s0  }
0xbc: {  	[sflag:s0] =	ssyncadd.remote.s32 $0x1  }
0xbd: {  	_ =	sfence.sel $0xFFFF  }
0xbe: {  	[dreg:$0x0] =	wrdreg $0xFFFFFFFF;
	(pc) =	sbr.abs _section_cstart, $3  }
0xbf: {  	[dreg:$0x1] =	wrdreg $0xFFFFFFFF  }
0xc0: {  	_ =	task.clear_ibuf [dreg:s6], $0x2FFFF;
	_ =	strace $0x9FFFFFFF  }
0xc1: {  	(tm) =	ssettm $0x7FFFFFFF  }
tec
execute0_lowered:
.L_overlay_start_1:
0x0: {  	(tag) =	ssettag $0x1  }
0x1: {  	s4 =	rddreg [dreg:$0x0];
	s2 =	srdreg.scid  }
0x2: {  	s0 =	rddreg [dreg:$0x1];
	s1 =	stileid.u32  }
0x3: {  	s10 =	simm.s32 $0x1;
	s11 =	simm.s32 $0x2800;
	s12 =	simm.s32 $0x80  }
0x4: {  	s13 =	simm.s32 $0x400;
	s14 =	simm.s32 $0x2;
	s3 =	sand.u32 $0x1, s2  }
0x5: {  	s15 =	simm.s32 $0x0;
	s6 =	sshrl.u32 s1, $0x3;
	s5 =	smul.u32 $0x28000, s3  }
0x6: {  	s2 =	simm.s32 $0x0;
	s8 =	sshll.u32 s1, $0x7;
	s6 =	smul.u32 $0x14000, s6  }
0x7: {  	[smem:$0x7FF] =	sst s2;
	s7 =	sshll.u32 s3, $0x4;
	s29 =	sand.u32 $0x380, s8  }
0x8: {  	v0 =	vimm.f32 $0.0e+00;
	s30 =	ssub.s32 $0x2, s3;
	s7 =	sor.u32 s1, s7;
	s5 =	sadd.s32 s5, s6  }
0x9: {  	vm0 =	vcmask $0x704;
	vm1 =	vcmask $0xB08;
	vm14 =	vcmask $0x3F3C;
	s3 =	sadd.s32 $0x17800, s4;
	s7 =	smul.u32 $0x500, s7;
	s5 =	sor.u32 s29, s5  }
0xa: {  	vm2 =	vcmask $0xF0C;
	vm3 =	vcmask $0x1310;
	vm4 =	vcmask $0x1714;
	_ =	strace $0x8000004D;
	s31 =	sshrl.u32 s30, $0x1;
	s5 =	sshrl.u32 s5, $0x3  }
0xb: {  	vm5 =	vcmask $0x1B18;
	vm6 =	vcmask $0x1F1C;
	vm7 =	vcmask $0x2320;
	s8 =	ssub.s32 s30, s31;
	s7 =	sadd.s32 s7, s4;
	s9 =	sadd.s32 s5, s4  }
0xc: {  	vm8 =	vcmask $0x2724;
	vm9 =	vcmask $0x2B28;
	vm10 =	vcmask $0x2F2C;
	s4 =	sadd.s32 $0x3800, s7;
	s5 =	sadd.s32 $0xD800, s7;
	s7 =	smax.u32 s8, $0x1  }
0xd: {  	vm11 =	vcmask $0x3330;
	vm12 =	vcmask $0x3734;
	vm13 =	vcmask $0x3B38;
	s8 =	simm.s32 $0x5000;
	s6 =	sadd.s32 $0x17E00, s9;
	s9 =	simm.s32 $0x7800  }
.LBB2_1:
0xe: {  	s16 =	simm.s32 $0x40;
	s17 =	simm.s32 $0x0  }
.LBB2_2:
0xf: {  	p0 =	sne.s32 s16, $0x9FC0;
	[tilespmem:s17+$0x2800] =	vst v0;
	s17 =	smov.u32 s16;
	s16 =	sadd.s32 $0x40, s16  }
.Ltmp0:
0x10: {  	(pc) =	sbr.rel @p0 .LBB2_2-.Ltmp0, $2  }
0x11: {  	_ =	sdelay $0x2  }
0x12: {  	s17 =	sshra.s32 s17, $0x2  }
0x13: {  	[tilespmem:s17+$0x2800] =	vst v0;
	s16 =	simm.s32 $0x0  }
0x14: {  	[tilespmem:s8], [sflag:$0x1] =	stream.linear.gather [hbm4b:s4+s16], $0x2800, $0x38;
	[tilespmem:$0xA000] =	vst v63  }
0x15: {  	_ = 	snop  }
0x16: {  	[tilespmem:s9], [sflag:$0x1] =	stream.linear.gather [hbm4b:s5+s16], $0x2800, $0x38;
	[tilespmem:$0xA000] =	vst v63  }
0x17: {  	_ = 	snop  }
0x18: {  	[tilespmem:s16], [sflag:$0x1] =	stream.linear.gather [hbm4b:s3+s16], $0x2800, $0x38;
	[tilespmem:$0xA000] =	vst v63  }
0x19: {  	_ =	swait.ge [sflag:s10], $0x2800  }
0x1a: {  	[sflag:s10] =	ssyncset.done $0x0  }
0x1b: {  	[sflag:s10] =	ssyncadd.s32 $0xFFFFD800  }
0x1c: {  	_ =	swait.ge [sflag:s10], $0x2800  }
0x1d: {  	[sflag:s10] =	ssyncset.done $0x0  }
0x1e: {  	[sflag:s10] =	ssyncadd.s32 $0xFFFFD800  }
0x1f: {  	_ =	swait.ge [sflag:s10], $0x2800  }
0x20: {  	[sflag:s10] =	ssyncset.done $0x0  }
0x21: {  	s31 =	simm.s32 $0x0;
	[sflag:s10] =	ssyncadd.s32 $0xFFFFD800  }
0x22: {  	v2 =	vld [tilespmem:s31+$0x5000];
	_ =	sdelay $0x4  }
0x23: {  	v1 =	vld [tilespmem:s31+$0x7800];
	_ =	sdelay $0x2  }
0x24: {  	v2 =	vld.idx.msk [tilespmem:v2+s2+$0x0], $0xffff;
	_ =	sdelay $0x4  }
0x25: {  	[tilespmem:v1+s11+$0x0] =	vst.idx.add.f32.msk $0x1, v2  }
0x26: {  	[tilespmem:v1+s11+$0x0] =	vst.idx.add.f32.msk vm0, v2  }
0x27: {  	[tilespmem:v1+s11+$0x0] =	vst.idx.add.f32.msk vm1, v2  }
0x28: {  	[tilespmem:v1+s11+$0x0] =	vst.idx.add.f32.msk vm2, v2  }
0x29: {  	[tilespmem:v1+s11+$0x0] =	vst.idx.add.f32.msk vm3, v2  }
0x2a: {  	[tilespmem:v1+s11+$0x0] =	vst.idx.add.f32.msk vm4, v2  }
0x2b: {  	[tilespmem:v1+s11+$0x0] =	vst.idx.add.f32.msk vm5, v2  }
0x2c: {  	[tilespmem:v1+s11+$0x0] =	vst.idx.add.f32.msk vm6, v2  }
0x2d: {  	[tilespmem:v1+s11+$0x0] =	vst.idx.add.f32.msk vm7, v2  }
0x2e: {  	[tilespmem:v1+s11+$0x0] =	vst.idx.add.f32.msk vm8, v2  }
0x2f: {  	[tilespmem:v1+s11+$0x0] =	vst.idx.add.f32.msk vm9, v2  }
0x30: {  	[tilespmem:v1+s11+$0x0] =	vst.idx.add.f32.msk vm10, v2  }
0x31: {  	[tilespmem:v1+s11+$0x0] =	vst.idx.add.f32.msk vm11, v2  }
0x32: {  	[tilespmem:v1+s11+$0x0] =	vst.idx.add.f32.msk vm12, v2  }
0x33: {  	s17 =	simm.s32 $0x80;
	s16 =	simm.s32 $0x40;
	[tilespmem:v1+s11+$0x0] =	vst.idx.add.f32.msk vm13, v2  }
.LBB2_4:
0x34: {  	p0 =	sne.s32 s17, $0x9FC0  }
0x35: {  	s18 =	sshra.s32 s16, $0x2;
	[tilespmem:v1+s11+$0x0] =	vst.idx.add.f32.msk vm14, v2;
	s16 =	smov.u32 s17;
	s17 =	sadd.s32 $0x40, s17  }
0x36: {  	v2 =	vld [tilespmem:s18+$0x5000];
	_ =	sdelay $0x5  }
0x37: {  	v1 =	vld [tilespmem:s18+$0x7800];
	_ =	sdelay $0x1  }
0x38: {  	v2 =	vld.idx.msk [tilespmem:v2+s2+$0x0], $0xffff;
	_ =	sdelay $0x5  }
0x39: {  	[tilespmem:v1+s11+$0x0] =	vst.idx.add.f32.msk $0x1, v2  }
0x3a: {  	[tilespmem:v1+s11+$0x0] =	vst.idx.add.f32.msk vm0, v2  }
0x3b: {  	[tilespmem:v1+s11+$0x0] =	vst.idx.add.f32.msk vm1, v2  }
0x3c: {  	[tilespmem:v1+s11+$0x0] =	vst.idx.add.f32.msk vm2, v2  }
0x3d: {  	[tilespmem:v1+s11+$0x0] =	vst.idx.add.f32.msk vm3, v2  }
0x3e: {  	[tilespmem:v1+s11+$0x0] =	vst.idx.add.f32.msk vm4, v2  }
0x3f: {  	[tilespmem:v1+s11+$0x0] =	vst.idx.add.f32.msk vm5, v2  }
0x40: {  	[tilespmem:v1+s11+$0x0] =	vst.idx.add.f32.msk vm6, v2  }
0x41: {  	[tilespmem:v1+s11+$0x0] =	vst.idx.add.f32.msk vm7, v2  }
0x42: {  	[tilespmem:v1+s11+$0x0] =	vst.idx.add.f32.msk vm8, v2  }
.Ltmp1:
0x43: {  	[tilespmem:v1+s11+$0x0] =	vst.idx.add.f32.msk vm9, v2;
	(pc) =	sbr.rel @p0 .LBB2_4-.Ltmp1, $4  }
0x44: {  	[tilespmem:v1+s11+$0x0] =	vst.idx.add.f32.msk vm10, v2  }
0x45: {  	[tilespmem:v1+s11+$0x0] =	vst.idx.add.f32.msk vm11, v2  }
0x46: {  	[tilespmem:v1+s11+$0x0] =	vst.idx.add.f32.msk vm12, v2  }
0x47: {  	[tilespmem:v1+s11+$0x0] =	vst.idx.add.f32.msk vm13, v2  }
0x48: {  	_ =	sdelay $0x4  }
0x49: {  	s16 =	sshra.s32 s16, $0x2;
	[tilespmem:v1+s11+$0x0] =	vst.idx.add.f32.msk vm14, v2  }
0x4a: {  	v1 =	vld [tilespmem:s16+$0x5000];
	_ =	sdelay $0x4  }
0x4b: {  	v2 =	vld [tilespmem:s16+$0x7800];
	_ =	sdelay $0x2  }
0x4c: {  	v1 =	vld.idx.msk [tilespmem:v1+s2+$0x0], $0xffff;
	_ =	sdelay $0x4  }
0x4d: {  	[tilespmem:v2+s11+$0x0] =	vst.idx.add.f32.msk $0x1, v1  }
0x4e: {  	[tilespmem:v2+s11+$0x0] =	vst.idx.add.f32.msk vm0, v1  }
0x4f: {  	[tilespmem:v2+s11+$0x0] =	vst.idx.add.f32.msk vm1, v1  }
0x50: {  	[tilespmem:v2+s11+$0x0] =	vst.idx.add.f32.msk vm2, v1  }
0x51: {  	[tilespmem:v2+s11+$0x0] =	vst.idx.add.f32.msk vm3, v1  }
0x52: {  	[tilespmem:v2+s11+$0x0] =	vst.idx.add.f32.msk vm4, v1  }
0x53: {  	[tilespmem:v2+s11+$0x0] =	vst.idx.add.f32.msk vm5, v1  }
0x54: {  	[tilespmem:v2+s11+$0x0] =	vst.idx.add.f32.msk vm6, v1  }
0x55: {  	[tilespmem:v2+s11+$0x0] =	vst.idx.add.f32.msk vm7, v1  }
0x56: {  	[tilespmem:v2+s11+$0x0] =	vst.idx.add.f32.msk vm8, v1  }
0x57: {  	[tilespmem:v2+s11+$0x0] =	vst.idx.add.f32.msk vm9, v1  }
0x58: {  	[tilespmem:v2+s11+$0x0] =	vst.idx.add.f32.msk vm10, v1  }
0x59: {  	[tilespmem:v2+s11+$0x0] =	vst.idx.add.f32.msk vm11, v1  }
0x5a: {  	s15 =	sadd.s32 $0x1, s15;
	[tilespmem:v2+s11+$0x0] =	vst.idx.add.f32.msk vm12, v1  }
0x5b: {  	p0 =	sne.s32 s15, s7;
	[tilespmem:v2+s11+$0x0] =	vst.idx.add.f32.msk vm13, v1  }
.Ltmp2:
0x5c: {  	[tilespmem:v2+s11+$0x0] =	vst.idx.add.f32.msk vm14, v1;
	(pc) =	sbr.rel @p0 .LBB2_1-.Ltmp2, $4  }
0x5d: {  	[hbm4b:s6+s12] =	stream.strided.scatter [tilespmem:s11], [sflag:$0x2], $0x2800, s13, s12, $0x38;
	[tilespmem:$0xA000] =	vst v63  }
0x5e: {  	_ =	swait.ge [sflag:s14], $0x2800  }
0x5f: {  	[sflag:s14] =	ssyncset.done $0x0  }
0x60: {  	[sflag:s14] =	ssyncadd.s32 $0xFFFFD800  }
0x61: {  	_ =	sfence.sel $0x180000  }
0x62: {  	[bflag:$0x0] =	sbarrier.arrive $0xFFFF  }
0x63: {  	p0 =	sne.s32 s1, $0x0;
	_ =	strace $0x9000004D  }
0x64: {  	s0 =	sadd.s32 @!p0 $0x100000, s0;
	[bflag:$0x2] =	sbarrier.arrive $0xFFFF  }
0x65: {  	[sflag:s0] =	ssyncadd.tile.s32 @!p0 $0x1;
	_ =	shalt  }
.Lfunc_end2:
_tile_overlayer_lowered:
.L_overlay_start_2:
0x66: {  	(tag) =	ssettag $0x2  }
0x67: {  	s0 =	rddreg [dreg:$0x0];
	s2 =	stileid.u32  }
0x68: {  	s1 =	rddreg [dreg:$0x1];
	p0 =	sne.s32 s2, $0x0  }
0x69: {  	s3 =	rddreg [dreg:$0x2];
	[bflag:$0x3] =	sbarrier.arrive $0xFFFF;
	s2 =	simm.s32 @!p0 $0x1C02  }
0x6a: {  	[timem:s3], [sflag:s2] =	dma.local @!p0 [hbm:s0], s1  }
0x6b: {  	s0 =	simm.s32 @!p0 $0x2  }
0x6c: {  	_ =	swait.ge @!p0 [sflag:s0], s1  }
0x6d: {  	s1 =	ssub.s32 @!p0 $0x0, s1;
	[sflag:s0] =	ssyncset.done @!p0 $0x0  }
0x6e: {  	[sflag:s0] =	ssyncadd.s32 @!p0 s1  }
0x6f: {  	[bflag:$0x3] =	sbarrier.arrive $0xFFFF  }
0x70: {  	_ =	shalt  }

// kernel: kernel.8.cloned.1.call-start
scs
__scs_entry_jumppad:
0x0: {  	(pc) =	sbr.rel $0x88, $3  }
0x1: {  	(tag) =	ssettag $0x0;
	lr =	simm.s32 $0x1  }
0x2: {  	[smem:$0x3F93] =	sst lr;
	_ =	strace $0xD0000000  }
0x3: {  	_ = 	snop  }
0x4: {  	_ = 	snop  }
0x5: {  	_ = 	snop  }
0x6: {  	_ = 	snop  }
0x7: {  	_ = 	snop  }
__scs_overlays_trampoline_lowered:
0x8: {  	[smem:$0x3FA2] =	sst s0  }
0x9: {  	[smem:$0x3FA3] =	sst s1  }
0xa: {  	[smem:$0x3FA4] =	sst s2  }
0xb: {  	[smem:$0x3FA5] =	sst s3  }
0xc: {  	[smem:$0x3FA6] =	sst s4  }
0xd: {  	[smem:$0x3FA7] =	sst s5  }
0xe: {  	[smem:$0x3FA8] =	sst s6  }
0xf: {  	[smem:$0x3FA9] =	sst s7  }
0x10: {  	[smem:$0x3FAA] =	sst s8  }
0x11: {  	[smem:$0x3FAB] =	sst s9;
	s0 =	simm.s32 @!p0 $0x0  }
0x12: {  	s1 =	sld [smem:$0x3F91];
	s0 =	simm.s32 @p0 $0x1  }
0x13: {  	[smem:$0x3FAC] =	sst s0;
	s0 =	simm.s32 @!p1 $0x0  }
0x14: {  	s2 =	sld [smem:$0x3F90];
	s0 =	simm.s32 @p1 $0x1  }
0x15: {  	[smem:$0x3FAD] =	sst s0;
	s0 =	simm.s32 @!p2 $0x0  }
0x16: {  	s3 =	sld [smem:$0x3FDB];
	s0 =	simm.s32 @p2 $0x1  }
0x17: {  	s4 =	simm.s32 $0x1BF5;
	[smem:$0x3FAF] =	sst s0  }
0x18: {  	s0 =	sld [smem:$0x3F92];
	_ =	swait.ge [sflag:s4], $0x0  }
0x19: {  	s7 =	sld [smem:$0x3F93]  }
0x1a: {  	s8 =	sadd.s32 $0xFFFFE003, lr  }
0x1b: {  	s9 =	sadd.s32 $0xFFFFFEF7, lr;
	s5 =	simm.s32 $0xFFFFFFFF;
	p2 =	slt.u32 s8, $0xFFFFF086  }
0x1c: {  	p1 =	slt.u32 s9, $0xF7A;
	s5 =	simm.s32 @!p2 $0x0  }
0x1d: {  	s5 =	simm.s32 @p1 $0x1;
	p0 =	seq.s32 s7, s2  }
0x1e: {  	s7 =	smul.u32 @!p0 $0xF7A, s2;
	p2 =	seq.s32 @!p0 s5, $0x0  }
0x1f: {  	s9 =	smul.u32 $0xF7A, s1;
	s8 =	simm.s32 @!p0 $0x1BF5;
	p2 =	por !p2, p0  }
0x20: {  	[sflag:s8] =	ssyncset.s32 @!p0 $0xFFFFF086;
	s6 =	sadd.s32 @!p0 s3, s7;
	s7 =	simm.s32 @!p0 $0x108  }
0x21: {  	s3 =	sadd.s32 s3, s9;
	s6 =	sadd.s32 @!p0 $0x88, s6;
	s7 =	simm.s32 @p2 $0x1082  }
0x22: {  	[simem:s7], [sflag:s8] =	dma.local @!p0 [hbm:s6], $0xF7A  }
0x23: {  	s9 =	sor.u32 $0xD0000000, s2;
	s6 =	simm.s32 $0x108;
	_ =	swait.ge @!p0 [sflag:s8], $0x0  }
0x24: {  	s3 =	sadd.s32 $0x88, s3;
	s6 =	simm.s32 @!p1 $0x1082;
	[sflag:s4] =	ssyncset.s32 $0xFFFFF086  }
0x25: {  	[simem:s6], [sflag:s4] =	dma.local [hbm:s3], $0xF7A  }
0x26: {  	[smem:$0x3F93] =	sst s1;
	(tag) =	ssettag s2;
	_ =	strace s9  }
0x27: {  	s1 =	sld [smem:$0x3FA3]  }
0x28: {  	s2 =	sld [smem:$0x3FA4]  }
0x29: {  	s4 =	sld [smem:$0x3FA6]  }
0x2a: {  	p0 =	seq.s32 s5, $0x0;
	s5 =	sld [smem:$0x3FA7]  }
0x2b: {  	s6 =	sld [smem:$0x3FA8]  }
0x2c: {  	s7 =	sld [smem:$0x3FA9]  }
0x2d: {  	s3 =	simm.s32 $0x108;
	s8 =	sld [smem:$0x3FAA]  }
0x2e: {  	s3 =	simm.s32 @!p0 $0x1082;
	s9 =	sld [smem:$0x3FAB]  }
0x2f: {  	lr =	sadd.s32 s0, s3;
	s0 =	sld [smem:$0x3FA2]  }
0x30: {  	s3 =	sld [smem:$0x3FA5]  }
0x31: {  	[smem:$0x3FAE] =	sst s10  }
0x32: {  	s10 =	sld [smem:$0x3FAC];
	_ =	sdelay $0x3  }
0x33: {  	p0 =	seq.s32 s10, $0x1;
	s10 =	sld [smem:$0x3FAE];
	_ =	sdelay $0x3  }
0x34: {  	[smem:$0x3FAE] =	sst s10  }
0x35: {  	s10 =	sld [smem:$0x3FAD];
	_ =	sdelay $0x3  }
0x36: {  	p1 =	seq.s32 s10, $0x1;
	s10 =	sld [smem:$0x3FAE];
	_ =	sdelay $0x3  }
0x37: {  	[smem:$0x3FAE] =	sst s10  }
0x38: {  	s10 =	sld [smem:$0x3FAF]  }
0x39: {  	_ = 	snop;
	(pc) =	sbr.ind lr, $3  }
0x3a: {  	_ = 	snop  }
0x3b: {  	_ = 	snop  }
0x3c: {  	p2 =	seq.s32 s10, $0x1;
	s10 =	sld [smem:$0x3FAE]  }
0x3d: {  	_ =	shalt  }
0x3e: {  	_ =	shalt  }
0x3f: {  	_ =	shalt  }
0x40: {  	_ =	shalt  }
0x41: {  	_ =	shalt  }
0x42: {  	_ =	shalt  }
0x43: {  	_ =	shalt  }
0x44: {  	_ =	shalt  }
0x45: {  	_ =	shalt  }
0x46: {  	_ =	shalt  }
0x47: {  	_ =	shalt  }
0x48: {  	_ =	shalt  }
0x49: {  	_ =	shalt  }
0x4a: {  	_ =	shalt  }
0x4b: {  	_ =	shalt  }
0x4c: {  	_ =	shalt  }
0x4d: {  	_ =	shalt  }
0x4e: {  	_ =	shalt  }
0x4f: {  	_ =	shalt  }
0x50: {  	_ =	shalt  }
0x51: {  	_ =	shalt  }
0x52: {  	_ =	shalt  }
0x53: {  	_ =	shalt  }
0x54: {  	_ =	shalt  }
0x55: {  	_ =	shalt  }
0x56: {  	_ =	shalt  }
0x57: {  	_ =	shalt  }
0x58: {  	_ =	shalt  }
0x59: {  	_ =	shalt  }
0x5a: {  	_ =	shalt  }
0x5b: {  	_ =	shalt  }
0x5c: {  	_ =	shalt  }
0x5d: {  	_ =	shalt  }
0x5e: {  	_ =	shalt  }
0x5f: {  	_ =	shalt  }
0x60: {  	_ =	shalt  }
0x61: {  	_ =	shalt  }
0x62: {  	_ =	shalt  }
0x63: {  	_ =	shalt  }
0x64: {  	_ =	shalt  }
0x65: {  	_ =	shalt  }
0x66: {  	_ =	shalt  }
0x67: {  	_ =	shalt  }
0x68: {  	_ =	shalt  }
0x69: {  	_ =	shalt  }
0x6a: {  	_ =	shalt  }
0x6b: {  	_ =	shalt  }
0x6c: {  	_ =	shalt  }
0x6d: {  	_ =	shalt  }
0x6e: {  	_ =	shalt  }
0x6f: {  	_ =	shalt  }
0x70: {  	_ =	shalt  }
0x71: {  	_ =	shalt  }
0x72: {  	_ =	shalt  }
0x73: {  	_ =	shalt  }
0x74: {  	_ =	shalt  }
0x75: {  	_ =	shalt  }
0x76: {  	_ =	shalt  }
0x77: {  	_ =	shalt  }
0x78: {  	_ =	shalt  }
0x79: {  	_ =	shalt  }
0x7a: {  	_ =	shalt  }
0x7b: {  	_ =	shalt  }
0x7c: {  	_ =	shalt  }
0x7d: {  	_ =	shalt  }
0x7e: {  	_ =	shalt  }
0x7f: {  	_ =	shalt  }
0x80: {  	_ =	shalt  }
0x81: {  	_ =	shalt  }
0x82: {  	_ =	shalt  }
0x83: {  	_ =	shalt  }
0x84: {  	_ =	shalt  }
0x85: {  	_ =	shalt  }
0x86: {  	_ =	shalt  }
0x87: {  	_ =	shalt  }
.Lfunc_end0:
.L_simem_size_0:
called_computation_lowered:
.L_overlay_start_0:
0x88: {  	s2 =	sld [smem:$0x3FD9]  }
0x89: {  	s3 =	sld [smem:$0x3FFE];
	_ =	sdelay $0x1  }
0x8a: {  	s1 =	srdreg.scid  }
0x8b: {  	s0 =	sand.u32 $0x1, s1  }
0x8c: {  	s16 =	sshll.u32 s0, $0xA;
	s2 =	sadd.s32 s3, s2  }
0x8d: {  	s2 =	sadd.s32 s2, s16  }
0x8e: {  	[smem:$0x3FBA] =	sst s2  }
0x8f: {  	_ = 	snop  }
0x90: {  	(tm) =	ssettm $0x1  }
0x91: {  	s17 =	sld [smem:$0x3FFB];
	_ =	sdelay $0x3  }
0x92: {  	_ =	strace s17  }
0x93: {  	s2 =	sld [smem:$0x3FFC];
	_ =	sdelay $0x3  }
0x94: {  	_ =	strace s2  }
0x95: {  	s2 =	sld [smem:$0x3FFD];
	_ =	sdelay $0x3  }
0x96: {  	_ =	strace s2  }
0x97: {  	_ =	strace $0x8FFFFFFF  }
0x98: {  	s18 =	sld [smem:$0x3FDB];
	_ =	sdelay $0x1  }
0x99: {  	s19 =	simm.s32 $_scs_section_size  }
0x9a: {  	s4 =	simm.s32 $_size__tile_overlayer_lowered;
	s5 =	simm.s32 $_tile_overlayer_lowered  }
0x9b: {  	s22 =	simm.s32 $0x1BFF;
	s21 =	sshll.u32 s5, $0x1;
	s2 =	sadd.s32 s19, s18  }
0x9c: {  	s6 =	simm.s32 $0x0;
	s20 =	sshll.u32 s4, $0x1;
	s4 =	sadd.s32 s21, s2  }
0x9d: {  	[timem:s6], [sflag:s22] =	dma.local [hbm:s4], s20  }
0x9e: {  	_ =	swait.ge [sflag:s22], s20  }
0x9f: {  	s3 =	ssub.s32 $0x0, s20;
	[sflag:s22] =	ssyncset.done $0x0  }
0xa0: {  	[sflag:s22] =	ssyncadd.s32 s3;
	_ =	sdelay $0x1  }
0xa1: {  	s23 =	simm.s32 $0x1B8B  }
0xa2: {  	_ =	swait.ge [sflag:s23], $0x1  }
0xa3: {  	[sflag:s23] =	ssyncset.done $0x0  }
0xa4: {  	s25 =	simm.s32 $0x1B8E;
	s24 =	sld [smem:$0x3FFE];
	[sflag:s23] =	ssyncadd.s32 $0xFFFFFFFF  }
0xa5: {  	s26 =	simm.s32 $execute0_lowered;
	[smem:$0x3FD2] =	sst s25  }
0xa6: {  	s4 =	sshll.u32 s26, $0x1;
	_ =	strace $0x80000046;
	[dreg:$0x1] =	wrdreg $0xFFFFFFFF  }
0xa7: {  	s28 =	simm.s32 $_size_execute0_lowered;
	s2 =	sadd.s32 s2, s4;
	[dreg:$0x0] =	wrdreg $0x0  }
0xa8: {  	s4 =	sshll.u32 s28, $0x1;
	[dreg:$0x2] =	wrdreg s2  }
0xa9: {  	[dreg:$0x3] =	wrdreg s4  }
0xaa: {  	[dreg:$0x4] =	wrdreg $0xC0  }
0xab: {  	_ =	task [dreg:s6], $0x5FFFF  }
0xac: {  	[dreg:$0x1] =	wrdreg $0xFFFFFFFF  }
0xad: {  	[dreg:$0x0] =	wrdreg $0x60  }
0xae: {  	[dreg:$0x2] =	wrdreg s24  }
0xaf: {  	[dreg:$0x3] =	wrdreg $0x0  }
0xb0: {  	[dreg:$0x4] =	wrdreg $0x9  }
0xb1: {  	_ =	task.clear_ibuf [dreg:s6], $0x5FFFF;
	_ =	strace $0x90000046  }
0xb2: {  	s29 =	simm.s32 $0x9;
	_ =	strace $0x80000048  }
0xb3: {  	_ =	swait.ge [sflag:s29], $0x1  }
0xb4: {  	[sflag:s29] =	ssyncadd.s32 $0xFFFFFFFF  }
0xb5: {  	_ =	strace $0x90000048  }
0xb6: {  	_ =	sfence  }
0xb7: {  	s30 =	sld [smem:$0x0];
	_ =	sdelay $0x2  }
0xb8: {  	s31 =	sshll.u32 s1, $0xD;
	s1 =	sshrl.u32 s1, $0x2  }
0xb9: {  	s3 =	sand.u32 $0x4000, s31;
	s1 =	sadd.s32 s1, s30  }
0xba: {  	s0 =	sor.u32 s3, s0;
	s1 =	sshll.u32 s1, $0x11  }
0xbb: {  	s0 =	sor.u32 s1, s0  }
0xbc: {  	s0 =	sadd.s32 $0x8F2B, s0  }
0xbd: {  	[sflag:s0] =	ssyncadd.remote.s32 $0x1  }
0xbe: {  	_ =	sfence.sel $0xFFFF  }
0xbf: {  	[dreg:$0x0] =	wrdreg $0xFFFFFFFF;
	(pc) =	sbr.abs _section_cstart, $3  }
0xc0: {  	[dreg:$0x1] =	wrdreg $0xFFFFFFFF  }
0xc1: {  	_ =	task.clear_ibuf [dreg:s6], $0x2FFFF;
	_ =	strace $0x9FFFFFFF  }
0xc2: {  	(tm) =	ssettm $0x7FFFFFFF  }
0xc3: {  	_ =	shalt  }
tec
execute0_lowered:
.L_overlay_start_1:
0x0: {  	(tag) =	ssettag $0x1  }
0x1: {  	s17 =	stileid.u32  }
0x2: {  	s9 =	smul.u32 $0x14000, s17  }
0x3: {  	s0 =	srdreg.scid;
	s1 =	simm.s32 $0x0;
	s11 =	smul.u32 $0x4A00, s17  }
0x4: {  	s2 =	sand.u32 $0x1, s0;
	s0 =	rddreg [dreg:$0x0];
	s15 =	smul.u32 $0x600, s17  }
0x5: {  	s4 =	sshrl.u32 s17, $0x3;
	[smem:$0x7FF] =	sst s1;
	s3 =	smul.u32 $0x28000, s2  }
0x6: {  	s25 =	sshll.u32 s17, $0x7;
	s4 =	smul.u32 $0x14000, s4;
	s5 =	sadd.s32 $0x3800, s0  }
0x7: {  	s6 =	sadd.s32 $0xD800, s0;
	s7 =	sadd.s32 $0x49800, s0;
	s8 =	ssub.s32 $0x2, s2  }
0x8: {  	p0 =	seq.s32 s2, $0x1;
	s2 =	smul.u32 $0x140000, s2;
	s10 =	sshrl.u32 s8, $0x1  }
0x9: {  	s12 =	sadd.s32 $0xC000, s9;
	s11 =	sshrl.u32 s11, $0x3;
	s13 =	sadd.s32 $0x10000, s9  }
0xa: {  	s30 =	sshrl.u32 s15, $0x3;
	s3 =	sadd.s32 s3, s4;
	s4 =	sand.u32 $0x380, s25  }
0xb: {  	s14 =	sadd.s32 s5, s11;
	s26 =	sadd.s32 s6, s11;
	s28 =	sor.u32 $0x10, s11  }
0xc: {  	s11 =	sor.u32 $0x20, s11;
	s15 =	sadd.s32 $0x9400, s30;
	s19 =	sadd.s32 $0x9410, s30  }
0xd: {  	s22 =	sadd.s32 s2, s12;
	s3 =	sor.u32 s4, s3;
	[dreg:$0x3] =	wrdreg s14  }
0xe: {  	s4 =	ssub.s32 s8, s10;
	[dreg:$0x4] =	wrdreg s26;
	s16 =	sadd.s32 s5, s28  }
0xf: {  	s8 =	sadd.s32 $0x4000, s9;
	s14 =	sadd.s32 s6, s28;
	[dreg:$0x5] =	wrdreg s16  }
0x10: {  	s10 =	sadd.s32 $0x8000, s9;
	s29 =	sadd.s32 s5, s11;
	[dreg:$0x6] =	wrdreg s14  }
0x11: {  	s11 =	sadd.s32 s6, s11;
	s9 =	sadd.s32 s9, s2;
	[dreg:$0x7] =	wrdreg s29  }
0x12: {  	s24 =	sadd.s32 s5, s15;
	s25 =	sadd.s32 s6, s15;
	[dreg:$0x8] =	wrdreg s11  }
0x13: {  	s26 =	sadd.s32 s5, s19;
	s28 =	sadd.s32 s6, s19;
	[dreg:$0xe] =	wrdreg s24  }
0x14: {  	s15 =	smul.u32 $0x50000, s17;
	s18 =	sadd.s32 s2, s8;
	[dreg:$0xf] =	wrdreg s25  }
0x15: {  	s9 =	sshrl.u32 s9, $0x3;
	s21 =	sadd.s32 s2, s10;
	[dreg:$0x10] =	wrdreg s26  }
0x16: {  	s2 =	sadd.s32 s2, s13;
	[dreg:$0x11] =	wrdreg s28;
	s29 =	sadd.s32 $0x9420, s30  }
0x17: {  	s30 =	smul.u32 $0x940, s17;
	s16 =	sshrl.u32 s3, $0x3;
	s25 =	sadd.s32 $0x17800, s0  }
0x18: {  	s3 =	simm.s32 $0x16C00;
	s14 =	sshrl.u32 s18, $0x3;
	s9 =	sadd.s32 s7, s9  }
0x19: {  	s2 =	sshrl.u32 s2, $0x3;
	s11 =	sadd.s32 s5, s29;
	[dreg:$0x9] =	wrdreg s9  }
0x1a: {  	s20 =	sadd.s32 s7, s14;
	s9 =	sshrl.u32 s21, $0x3;
	[dreg:$0x12] =	wrdreg s11  }
0x1b: {  	s14 =	sshrl.u32 s22, $0x3;
	s2 =	sadd.s32 s7, s2;
	s22 =	rddreg [dreg:$0x1]  }
0x1c: {  	s21 =	sadd.s32 s30, s5;
	s11 =	simm.s32 $0x14000;
	[dreg:$0xa] =	wrdreg s20  }
0x1d: {  	s9 =	sadd.s32 s7, s9;
	s23 =	sadd.s32 s7, s14;
	[dreg:$0xd] =	wrdreg s2  }
0x1e: {  	s2 =	sadd.s32 s6, s29;
	s14 =	smul.u32 $0xC0, s17;
	s20 =	sadd.s32 s30, s6  }
0x1f: {  	s17 =	sshrl.u32 s15, $0x2;
	s18 =	sadd.s32 s8, s22;
	s19 =	sadd.s32 s10, s22  }
0x20: {  	s26 =	sadd.s32 s12, s22;
	s28 =	sadd.s32 s13, s22;
	s30 =	smax.u32 s4, $0x1  }
0x21: {  	s7 =	simm.s32 $0x16880;
	s13 =	simm.s32 $0x16A80;
	[dreg:$0xb] =	wrdreg s9  }
0x22: {  	s15 =	simm.s32 $0x16B00;
	s8 =	simm.s32 $0x16980;
	[dreg:$0xc] =	wrdreg s23  }
0x23: {  	s10 =	simm.s32 $0x5;
	s12 =	simm.s32 $0x7;
	[dreg:$0x13] =	wrdreg s2  }
0x24: {  	s2 =	sadd.s32 s16, s0;
	_ =	strace $0x80000047;
	[dreg:$0x15] =	wrdreg s18  }
0x25: {  	s31 =	sadd.s32 s17, s22;
	s17 =	simm.s32 $0x80;
	[dreg:$0x16] =	wrdreg s19  }
0x26: {  	s0 =	simm.s32 $0x1AC00;
	s9 =	simm.s32 $0x16B80;
	[dreg:$0x17] =	wrdreg s26  }
.Ltmp0:
0x27: {  	s23 =	sadd.s32 s14, s6;
	[dreg:$0x18] =	wrdreg s28;
	(pc) =	sbr.rel .LBB2_1-.Ltmp0, $4  }
0x28: {  	s24 =	sadd.s32 s14, s5;
	s29 =	sadd.s32 $0x3F800, s2;
	[dreg:$0x1a] =	wrdreg s30  }
0x29: {  	s14 =	simm.s32 $0x16900;
	s19 =	simm.s32 $0x2;
	s5 =	simm.s32 $0x3  }
0x2a: {  	s18 =	simm.s32 $0x6;
	s2 =	simm.s32 $0x8;
	[dreg:$0x14] =	wrdreg s31  }
0x2b: {  	v0 =	vimm.f32 $0.0e+00;
	s26 =	simm.s32 $0x4;
	s6 =	simm.s32 $0x0;
	[dreg:$0x19] =	wrdreg s29  }
.LBB2_10:
0x2c: {  	_ =	swait.ge [sflag:s2], $0x4000  }
0x2d: {  	s6 =	simm.s32 $0x400;
	[sflag:s2] =	ssyncset.done $0x0  }
0x2e: {  	s28 =	simm.s32 $0x9;
	s4 =	rddreg [dreg:$0x19];
	[sflag:s2] =	ssyncadd.s32 $0xFFFFC000  }
0x2f: {  	[hbm4b:s4+s17] =	stream.strided.scatter [tilespmem:s11], [sflag:$0x9], $0x2800, s6, s17, $0x38;
	[tilespmem:$0x1EC00] =	vst v63  }
0x30: {  	_ =	swait.ge [sflag:s28], $0x2800  }
0x31: {  	[sflag:s28] =	ssyncset.done $0x0  }
0x32: {  	[sflag:s28] =	ssyncadd.s32 $0xFFFFD800  }
0x33: {  	s29 =	stileid.u32;
	[bflag:$0x0] =	sbarrier.arrive $0xFFFF  }
0x34: {  	s4 =	sshll.u32 s29, $0x6;
	s31 =	rddreg [dreg:$0x14]  }
0x35: {  	s4 =	sor.u32 $0x1C09, s4;
	s16 =	rddreg [dreg:$0x9];
	s30 =	sshrl.u32 s31, $0x3  }
0x36: {  	[hbm:s16], [sflag:s4] =	dma.local [spmem:s30], $0x800  }
0x37: {  	_ =	swait.ge [sflag:s28], $0x800  }
0x38: {  	[sflag:s28] =	ssyncset.done $0x0;
	s29 =	rddreg [dreg:$0x15]  }
0x39: {  	s30 =	rddreg [dreg:$0xa];
	[sflag:s28] =	ssyncadd.s32 $0xFFFFF800;
	s6 =	sshrl.u32 s29, $0x3  }
0x3a: {  	[hbm:s30], [sflag:s4] =	dma.local [spmem:s6], $0x800  }
0x3b: {  	_ =	swait.ge [sflag:s28], $0x800  }
0x3c: {  	[sflag:s28] =	ssyncset.done $0x0;
	s29 =	rddreg [dreg:$0x16]  }
0x3d: {  	s30 =	rddreg [dreg:$0xb];
	[sflag:s28] =	ssyncadd.s32 $0xFFFFF800;
	s6 =	sshrl.u32 s29, $0x3  }
0x3e: {  	[hbm:s30], [sflag:s4] =	dma.local [spmem:s6], $0x800  }
0x3f: {  	_ =	swait.ge [sflag:s28], $0x800  }
0x40: {  	[sflag:s28] =	ssyncset.done $0x0;
	s29 =	rddreg [dreg:$0x17]  }
0x41: {  	s30 =	rddreg [dreg:$0xc];
	[sflag:s28] =	ssyncadd.s32 $0xFFFFF800;
	s6 =	sshrl.u32 s29, $0x3  }
0x42: {  	[hbm:s30], [sflag:s4] =	dma.local [spmem:s6], $0x800  }
0x43: {  	_ =	swait.ge [sflag:s28], $0x800  }
0x44: {  	[sflag:s28] =	ssyncset.done $0x0;
	s29 =	rddreg [dreg:$0x18]  }
0x45: {  	s30 =	rddreg [dreg:$0xd];
	[sflag:s28] =	ssyncadd.s32 $0xFFFFF800;
	s6 =	sshrl.u32 s29, $0x3  }
0x46: {  	[hbm:s30], [sflag:s4] =	dma.local [spmem:s6], $0x800  }
0x47: {  	_ =	swait.ge [sflag:s28], $0x800  }
0x48: {  	s29 =	rddreg [dreg:$0x1b]  }
0x49: {  	s30 =	rddreg [dreg:$0x1a];
	s6 =	sadd.s32 $0x1, s29  }
0x4a: {  	p1 =	sne.s32 s6, s30  }
.Ltmp1:
0x4b: {  	_ = 	snop;
	(pc) =	sbr.rel @!p1 .LBB2_11-.Ltmp1, $3  }
0x4c: {  	_ =	sdelay $0x1  }
0x4d: {  	[sflag:s28] =	ssyncset.done $0x0  }
0x4e: {  	[sflag:s28] =	ssyncadd.s32 $0xFFFFF800  }
.LBB2_1:
0x4f: {  	s16 =	simm.s32 $0x0;
	s28 =	simm.s32 $0x0  }
.LBB2_2:
0x50: {  	p1 =	sne.s32 s28, $0xFFC0  }
.Ltmp2:
0x51: {  	_ = 	snop;
	(pc) =	sbr.rel @p1 .LBB2_2-.Ltmp2, $4  }
0x52: {  	s29 =	sand.u32 $0xFE00, s28  }
0x53: {  	s30 =	sand.u32 $0x70, s16;
	s29 =	sshrl.u32 s29, $0x2  }
0x54: {  	s29 =	sor.u32 s30, s29  }
0x55: {  	s16 =	sadd.s32 $0x10, s16;
	s28 =	sadd.s32 $0x40, s28;
	[tilespmem:s29+$0x16C00] =	vst v0  }
0x56: {  	[dreg:$0x1b] =	wrdreg s6;
	s16 =	simm.s32 $0x40;
	s28 =	simm.s32 $0x0  }
.LBB2_4:
0x57: {  	p1 =	sne.s32 s16, $0x9FC0;
	[tilespmem:s28+$0x14000] =	vst v0;
	s28 =	smov.u32 s16;
	s16 =	sadd.s32 $0x40, s16  }
.Ltmp3:
0x58: {  	(pc) =	sbr.rel @p1 .LBB2_4-.Ltmp3, $2  }
0x59: {  	_ =	sdelay $0x2  }
0x5a: {  	s28 =	sshra.s32 s28, $0x2  }
0x5b: {  	[tilespmem:s28+$0x14000] =	vst v0;
	s6 =	simm.s32 $0x9  }
0x5c: {  	[spmem:s31] =	stream.linear.scatter [tilespmem:s3], [sflag:$0x9], $0x4000, $0x38;
	[tilespmem:$0x1EC00] =	vst v63  }
0x5d: {  	_ =	swait.ge [sflag:s6], $0x4000  }
0x5e: {  	[sflag:s6] =	ssyncset.done $0x0  }
0x5f: {  	s4 =	rddreg [dreg:$0x15];
	[sflag:s6] =	ssyncadd.s32 $0xFFFFC000  }
0x60: {  	[spmem:s4] =	stream.linear.scatter [tilespmem:s3], [sflag:$0x9], $0x4000, $0x38;
	[tilespmem:$0x1EC00] =	vst v63  }
0x61: {  	_ =	swait.ge [sflag:s6], $0x4000  }
0x62: {  	[sflag:s6] =	ssyncset.done $0x0  }
0x63: {  	s16 =	rddreg [dreg:$0x16];
	[sflag:s6] =	ssyncadd.s32 $0xFFFFC000  }
0x64: {  	[spmem:s16] =	stream.linear.scatter [tilespmem:s3], [sflag:$0x9], $0x4000, $0x38;
	[tilespmem:$0x1EC00] =	vst v63  }
0x65: {  	_ =	swait.ge [sflag:s6], $0x4000  }
0x66: {  	[sflag:s6] =	ssyncset.done $0x0  }
0x67: {  	s30 =	rddreg [dreg:$0x17];
	[sflag:s6] =	ssyncadd.s32 $0xFFFFC000  }
0x68: {  	[spmem:s30] =	stream.linear.scatter [tilespmem:s3], [sflag:$0x9], $0x4000, $0x38;
	[tilespmem:$0x1EC00] =	vst v63  }
0x69: {  	_ =	swait.ge [sflag:s6], $0x4000  }
0x6a: {  	[sflag:s6] =	ssyncset.done $0x0  }
0x6b: {  	s31 =	rddreg [dreg:$0x18];
	[sflag:s6] =	ssyncadd.s32 $0xFFFFC000  }
0x6c: {  	[spmem:s31] =	stream.linear.scatter [tilespmem:s3], [sflag:$0x9], $0x4000, $0x38;
	[tilespmem:$0x1EC00] =	vst v63  }
.Ltmp4:
0x6d: {  	_ =	swait.ge [sflag:s6], $0x4000;
	(pc) =	sbr.rel @!p0 .LBB2_6-.Ltmp4, $4  }
0x6e: {  	[sflag:s6] =	ssyncset.done $0x0  }
0x6f: {  	[sflag:s6] =	ssyncadd.s32 $0xFFFFC000  }
0x70: {  	[bflag:$0x0] =	sbarrier.arrive $0xFFFF  }
0x71: {  	s28 =	simm.s32 $0x16A00;
	s29 =	simm.s32 $0x0  }
0x72: {  	s4 =	rddreg [dreg:$0xe];
	s6 =	simm.s32 $0x16800  }
0x73: {  	[tilespmem:s6], [sflag:$0x1] =	stream.linear.gather [hbm4b:s4+s29], $0x80, $0x38;
	[tilespmem:$0x1EC00] =	vst v63  }
0x74: {  	s16 =	rddreg [dreg:$0xf]  }
0x75: {  	[tilespmem:s28], [sflag:$0x1] =	stream.linear.gather [hbm4b:s16+s29], $0x80, $0x38;
	[tilespmem:$0x1EC00] =	vst v63  }
0x76: {  	s30 =	rddreg [dreg:$0x10]  }
0x77: {  	[tilespmem:s7], [sflag:$0x2] =	stream.linear.gather [hbm4b:s30+s29], $0x80, $0x38;
	[tilespmem:$0x1EC00] =	vst v63  }
0x78: {  	s31 =	rddreg [dreg:$0x11]  }
0x79: {  	[tilespmem:s13], [sflag:$0x2] =	stream.linear.gather [hbm4b:s31+s29], $0x80, $0x38;
	[tilespmem:$0x1EC00] =	vst v63  }
0x7a: {  	s16 =	rddreg [dreg:$0x12]  }
0x7b: {  	[tilespmem:s14], [sflag:$0x3] =	stream.linear.gather [hbm4b:s16+s29], $0x80, $0x38;
	[tilespmem:$0x1EC00] =	vst v63  }
0x7c: {  	s30 =	rddreg [dreg:$0x13];
	s31 =	simm.s32 $0x1  }
0x7d: {  	[tilespmem:s15], [sflag:$0x3] =	stream.linear.gather [hbm4b:s30+s29], $0x80, $0x38;
	[tilespmem:$0x1EC00] =	vst v63  }
0x7e: {  	_ =	swait.ge [sflag:s31], $0x80  }
0x7f: {  	[sflag:s31] =	ssyncset.done $0x0  }
0x80: {  	[sflag:s31] =	ssyncadd.s32 $0xFFFFFF80  }
0x81: {  	_ =	swait.ge [sflag:s31], $0x80  }
0x82: {  	[sflag:s31] =	ssyncset.done $0x0  }
0x83: {  	[sflag:s31] =	ssyncadd.s32 $0xFFFFFF80  }
0x84: {  	[tilespmem:s3], [sflag:$0x5] =	stream.indirect.gather [hbm4b:s25+s17], $0x80, s6, s17, $0xb8;
	[tilespmem:$0x1EC00] =	vst v63  }
.LBB2_9:
0x85: {  	p1 =	seq.s32 s29, $0x0  }
0x86: {  	s4 =	simm.s32 @!p1 $0x8  }
0x87: {  	_ =	swait.ge @!p1 [sflag:s4], $0x4000  }
0x88: {  	[sflag:s4] =	ssyncset.done @!p1 $0x0  }
0x89: {  	[sflag:s4] =	ssyncadd.s32 @!p1 $0xFFFFC000  }
0x8a: {  	_ =	swait.ge [sflag:s19], $0x80  }
0x8b: {  	[sflag:s19] =	ssyncset.done $0x0  }
0x8c: {  	[sflag:s19] =	ssyncadd.s32 $0xFFFFFF80  }
0x8d: {  	_ =	swait.ge [sflag:s19], $0x80  }
0x8e: {  	[sflag:s19] =	ssyncset.done $0x0  }
0x8f: {  	s30 =	sadd.s32 s29, s24;
	[sflag:s19] =	ssyncadd.s32 $0xFFFFFF80  }
0x90: {  	[tilespmem:s0], [sflag:$0x6] =	stream.indirect.gather [hbm4b:s25+s17], $0x80, s7, s17, $0xb8;
	[tilespmem:$0x1EC00] =	vst v63  }
0x91: {  	s31 =	sadd.s32 s29, s23;
	s4 =	sadd.s32 $0x9430, s30  }
0x92: {  	[tilespmem:s8], [sflag:$0x4] =	stream.linear.gather [hbm4b:s4+s1], $0x80, $0x38;
	[tilespmem:$0x1EC00] =	vst v63  }
0x93: {  	s4 =	sadd.s32 $0x9430, s31  }
0x94: {  	[tilespmem:s9], [sflag:$0x4] =	stream.linear.gather [hbm4b:s4+s1], $0x80, $0x38;
	[tilespmem:$0x1EC00] =	vst v63  }
0x95: {  	_ =	swait.ge [sflag:s10], $0x4000  }
0x96: {  	[sflag:s10] =	ssyncset.done $0x0  }
0x97: {  	[sflag:s10] =	ssyncadd.s32 $0xFFFFC000  }
0x98: {  	v1 =	vld [tilespmem:$0x16A00];
	_ =	sdelay $0x4  }
0x99: {  	(xrf1) =	vunique.msk.u32 $0xffff, v1;
	_ =	sdelay $0xd  }
0x9a: {  	_, v2, vm0 =	vpop (xrf1);
	_ =	sdelay $0x3  }
0x9b: {  	v2 =	vcvt.s32.f32 v2;
	_ =	sdelay $0x1  }
0x9c: {  	[tilespmem:v1+s11+$0x0] =	vst.idx.add.f32.msk vm0, v2  }
0x9d: {  	v1 =	vld [tilespmem:$0x16A10];
	_ =	sdelay $0x4  }
0x9e: {  	(xrf1) =	vunique.msk.u32 $0xffff, v1;
	_ =	sdelay $0xd  }
0x9f: {  	_, v2, vm0 =	vpop (xrf1);
	_ =	sdelay $0x3  }
0xa0: {  	v2 =	vcvt.s32.f32 v2;
	_ =	sdelay $0x1  }
0xa1: {  	[tilespmem:v1+s11+$0x0] =	vst.idx.add.f32.msk vm0, v2  }
0xa2: {  	v1 =	vld [tilespmem:$0x16A20];
	_ =	sdelay $0x4  }
0xa3: {  	(xrf1) =	vunique.msk.u32 $0xffff, v1;
	_ =	sdelay $0xd  }
0xa4: {  	_, v2, vm0 =	vpop (xrf1);
	_ =	sdelay $0x3  }
0xa5: {  	v2 =	vcvt.s32.f32 v2;
	_ =	sdelay $0x1  }
0xa6: {  	[tilespmem:v1+s11+$0x0] =	vst.idx.add.f32.msk vm0, v2  }
0xa7: {  	v1 =	vld [tilespmem:$0x16A30];
	_ =	sdelay $0x4  }
0xa8: {  	(xrf1) =	vunique.msk.u32 $0xffff, v1;
	_ =	sdelay $0xd  }
0xa9: {  	_, v2, vm0 =	vpop (xrf1);
	_ =	sdelay $0x3  }
0xaa: {  	v2 =	vcvt.s32.f32 v2;
	_ =	sdelay $0x1  }
0xab: {  	[tilespmem:v1+s11+$0x0] =	vst.idx.add.f32.msk vm0, v2  }
0xac: {  	v1 =	vld [tilespmem:$0x16A40];
	_ =	sdelay $0x4  }
0xad: {  	(xrf1) =	vunique.msk.u32 $0xffff, v1;
	_ =	sdelay $0xd  }
0xae: {  	_, v2, vm0 =	vpop (xrf1);
	_ =	sdelay $0x3  }
0xaf: {  	v2 =	vcvt.s32.f32 v2;
	_ =	sdelay $0x1  }
0xb0: {  	[tilespmem:v1+s11+$0x0] =	vst.idx.add.f32.msk vm0, v2  }
0xb1: {  	v1 =	vld [tilespmem:$0x16A50];
	_ =	sdelay $0x4  }
0xb2: {  	(xrf1) =	vunique.msk.u32 $0xffff, v1;
	_ =	sdelay $0xd  }
0xb3: {  	_, v2, vm0 =	vpop (xrf1);
	_ =	sdelay $0x3  }
0xb4: {  	v2 =	vcvt.s32.f32 v2;
	_ =	sdelay $0x1  }
0xb5: {  	[tilespmem:v1+s11+$0x0] =	vst.idx.add.f32.msk vm0, v2  }
0xb6: {  	v1 =	vld [tilespmem:$0x16A60];
	_ =	sdelay $0x4  }
0xb7: {  	(xrf1) =	vunique.msk.u32 $0xffff, v1;
	_ =	sdelay $0xd  }
0xb8: {  	_, v2, vm0 =	vpop (xrf1);
	_ =	sdelay $0x3  }
0xb9: {  	v2 =	vcvt.s32.f32 v2;
	_ =	sdelay $0x1  }
0xba: {  	[tilespmem:v1+s11+$0x0] =	vst.idx.add.f32.msk vm0, v2  }
0xbb: {  	v1 =	vld [tilespmem:$0x16A70];
	_ =	sdelay $0x4  }
0xbc: {  	(xrf1) =	vunique.msk.u32 $0xffff, v1;
	_ =	sdelay $0xd  }
0xbd: {  	_, v2, vm0 =	vpop (xrf1);
	_ =	sdelay $0x3  }
0xbe: {  	v2 =	vcvt.s32.f32 v2;
	_ =	sdelay $0x1  }
0xbf: {  	[tilespmem:v1+s11+$0x0] =	vst.idx.add.f32.msk vm0, v2  }
0xc0: {  	[spmem:s22] =	stream.indirect.scatter.add.f32 [tilespmem:s3], [sflag:$0x7], $0x80, s28, s17, $0xb8;
	[tilespmem:$0x1EC00] =	vst v63  }
0xc1: {  	_ =	swait.ge [sflag:s12], $0x4000  }
0xc2: {  	[sflag:s12] =	ssyncset.done $0x0  }
0xc3: {  	[sflag:s12] =	ssyncadd.s32 $0xFFFFC000  }
0xc4: {  	_ =	swait.ge [sflag:s5], $0x80  }
0xc5: {  	[sflag:s5] =	ssyncset.done $0x0  }
0xc6: {  	[sflag:s5] =	ssyncadd.s32 $0xFFFFFF80  }
0xc7: {  	_ =	swait.ge [sflag:s5], $0x80  }
0xc8: {  	p1 =	seq.s32 s29, $0x80;
	[sflag:s5] =	ssyncset.done $0x0  }
0xc9: {  	s30 =	simm.s32 @!p1 $0x0;
	s31 =	sadd.s32 @!p1 s29, s24;
	[sflag:s5] =	ssyncadd.s32 $0xFFFFFF80  }
0xca: {  	[tilespmem:s3], [sflag:$0x5] =	stream.indirect.gather [hbm4b:s25+s17], $0x80, s14, s17, $0xb8;
	[tilespmem:$0x1EC00] =	vst v63  }
0xcb: {  	s16 =	sadd.s32 @!p1 s29, s23;
	s4 =	sadd.s32 @!p1 $0x9440, s31;
	s28 =	simm.s32 @!p1 $0x16800  }
0xcc: {  	[tilespmem:s28], [sflag:$0x1] =	stream.linear.gather @!p1 [hbm4b:s4+s30], $0x80, $0x38;
	[tilespmem:$0x1EC00] =	vst v63  }
0xcd: {  	s6 =	simm.s32 @!p1 $0x16A00;
	s4 =	sadd.s32 @!p1 $0x9440, s16  }
0xce: {  	[tilespmem:s6], [sflag:$0x1] =	stream.linear.gather @!p1 [hbm4b:s4+s30], $0x80, $0x38;
	[tilespmem:$0x1EC00] =	vst v63  }
0xcf: {  	_ =	swait.ge [sflag:s18], $0x4000  }
0xd0: {  	[sflag:s18] =	ssyncset.done $0x0  }
0xd1: {  	[sflag:s18] =	ssyncadd.s32 $0xFFFFC000  }
0xd2: {  	v1 =	vld [tilespmem:$0x16A80];
	_ =	sdelay $0x4  }
0xd3: {  	(xrf1) =	vunique.msk.u32 $0xffff, v1;
	_ =	sdelay $0xd  }
0xd4: {  	_, v2, vm0 =	vpop (xrf1);
	_ =	sdelay $0x3  }
0xd5: {  	v2 =	vcvt.s32.f32 v2;
	_ =	sdelay $0x1  }
0xd6: {  	[tilespmem:v1+s11+$0x0] =	vst.idx.add.f32.msk vm0, v2  }
0xd7: {  	v1 =	vld [tilespmem:$0x16A90];
	_ =	sdelay $0x4  }
0xd8: {  	(xrf1) =	vunique.msk.u32 $0xffff, v1;
	_ =	sdelay $0xd  }
0xd9: {  	_, v2, vm0 =	vpop (xrf1);
	_ =	sdelay $0x3  }
0xda: {  	v2 =	vcvt.s32.f32 v2;
	_ =	sdelay $0x1  }
0xdb: {  	[tilespmem:v1+s11+$0x0] =	vst.idx.add.f32.msk vm0, v2  }
0xdc: {  	v1 =	vld [tilespmem:$0x16AA0];
	_ =	sdelay $0x4  }
0xdd: {  	(xrf1) =	vunique.msk.u32 $0xffff, v1;
	_ =	sdelay $0xd  }
0xde: {  	_, v2, vm0 =	vpop (xrf1);
	_ =	sdelay $0x3  }
0xdf: {  	v2 =	vcvt.s32.f32 v2;
	_ =	sdelay $0x1  }
0xe0: {  	[tilespmem:v1+s11+$0x0] =	vst.idx.add.f32.msk vm0, v2  }
0xe1: {  	v1 =	vld [tilespmem:$0x16AB0];
	_ =	sdelay $0x4  }
0xe2: {  	(xrf1) =	vunique.msk.u32 $0xffff, v1;
	_ =	sdelay $0xd  }
0xe3: {  	_, v2, vm0 =	vpop (xrf1);
	_ =	sdelay $0x3  }
0xe4: {  	v2 =	vcvt.s32.f32 v2;
	_ =	sdelay $0x1  }
0xe5: {  	[tilespmem:v1+s11+$0x0] =	vst.idx.add.f32.msk vm0, v2  }
0xe6: {  	v1 =	vld [tilespmem:$0x16AC0];
	_ =	sdelay $0x4  }
0xe7: {  	(xrf1) =	vunique.msk.u32 $0xffff, v1;
	_ =	sdelay $0xd  }
0xe8: {  	_, v2, vm0 =	vpop (xrf1);
	_ =	sdelay $0x3  }
0xe9: {  	v2 =	vcvt.s32.f32 v2;
	_ =	sdelay $0x1  }
0xea: {  	[tilespmem:v1+s11+$0x0] =	vst.idx.add.f32.msk vm0, v2  }
0xeb: {  	v1 =	vld [tilespmem:$0x16AD0];
	_ =	sdelay $0x4  }
0xec: {  	(xrf1) =	vunique.msk.u32 $0xffff, v1;
	_ =	sdelay $0xd  }
0xed: {  	_, v2, vm0 =	vpop (xrf1);
	_ =	sdelay $0x3  }
0xee: {  	v2 =	vcvt.s32.f32 v2;
	_ =	sdelay $0x1  }
0xef: {  	[tilespmem:v1+s11+$0x0] =	vst.idx.add.f32.msk vm0, v2  }
0xf0: {  	v1 =	vld [tilespmem:$0x16AE0];
	_ =	sdelay $0x4  }
0xf1: {  	(xrf1) =	vunique.msk.u32 $0xffff, v1;
	_ =	sdelay $0xd  }
0xf2: {  	_, v2, vm0 =	vpop (xrf1);
	_ =	sdelay $0x3  }
0xf3: {  	v2 =	vcvt.s32.f32 v2;
	_ =	sdelay $0x1  }
0xf4: {  	[tilespmem:v1+s11+$0x0] =	vst.idx.add.f32.msk vm0, v2  }
0xf5: {  	v1 =	vld [tilespmem:$0x16AF0];
	_ =	sdelay $0x4  }
0xf6: {  	(xrf1) =	vunique.msk.u32 $0xffff, v1;
	_ =	sdelay $0xd  }
0xf7: {  	_, v2, vm0 =	vpop (xrf1);
	_ =	sdelay $0x3  }
0xf8: {  	v2 =	vcvt.s32.f32 v2;
	_ =	sdelay $0x1  }
0xf9: {  	[tilespmem:v1+s11+$0x0] =	vst.idx.add.f32.msk vm0, v2  }
0xfa: {  	[spmem:s22] =	stream.indirect.scatter.add.f32 [tilespmem:s0], [sflag:$0x8], $0x80, s13, s17, $0xb8;
	[tilespmem:$0x1EC00] =	vst v63  }
0xfb: {  	_ =	swait.ge [sflag:s2], $0x4000  }
0xfc: {  	[sflag:s2] =	ssyncset.done $0x0  }
0xfd: {  	[sflag:s2] =	ssyncadd.s32 $0xFFFFC000  }
0xfe: {  	_ =	swait.ge [sflag:s26], $0x80  }
0xff: {  	[sflag:s26] =	ssyncset.done $0x0  }
0x100: {  	[sflag:s26] =	ssyncadd.s32 $0xFFFFFF80  }
0x101: {  	_ =	swait.ge [sflag:s26], $0x80  }
0x102: {  	[sflag:s26] =	ssyncset.done $0x0  }
0x103: {  	[sflag:s26] =	ssyncadd.s32 $0xFFFFFF80  }
0x104: {  	[tilespmem:s0], [sflag:$0x6] =	stream.indirect.gather [hbm4b:s25+s17], $0x80, s8, s17, $0xb8;
	[tilespmem:$0x1EC00] =	vst v63  }
0x105: {  	s4 =	sadd.s32 @!p1 $0x9450, s31;
	s6 =	simm.s32 @!p1 $0x16880  }
0x106: {  	[tilespmem:s6], [sflag:$0x2] =	stream.linear.gather @!p1 [hbm4b:s4+s30], $0x80, $0x38;
	[tilespmem:$0x1EC00] =	vst v63  }
0x107: {  	s4 =	sadd.s32 @!p1 $0x9450, s16;
	s6 =	simm.s32 @!p1 $0x16A80  }
0x108: {  	[tilespmem:s6], [sflag:$0x2] =	stream.linear.gather @!p1 [hbm4b:s4+s30], $0x80, $0x38;
	[tilespmem:$0x1EC00] =	vst v63  }
0x109: {  	_ =	swait.ge [sflag:s10], $0x4000  }
0x10a: {  	[sflag:s10] =	ssyncset.done $0x0  }
0x10b: {  	[sflag:s10] =	ssyncadd.s32 $0xFFFFC000  }
0x10c: {  	v1 =	vld [tilespmem:$0x16B00];
	_ =	sdelay $0x4  }
0x10d: {  	(xrf1) =	vunique.msk.u32 $0xffff, v1;
	_ =	sdelay $0xd  }
0x10e: {  	_, v2, vm0 =	vpop (xrf1);
	_ =	sdelay $0x3  }
0x10f: {  	v2 =	vcvt.s32.f32 v2;
	_ =	sdelay $0x1  }
0x110: {  	[tilespmem:v1+s11+$0x0] =	vst.idx.add.f32.msk vm0, v2  }
0x111: {  	v1 =	vld [tilespmem:$0x16B10];
	_ =	sdelay $0x4  }
0x112: {  	(xrf1) =	vunique.msk.u32 $0xffff, v1;
	_ =	sdelay $0xd  }
0x113: {  	_, v2, vm0 =	vpop (xrf1);
	_ =	sdelay $0x3  }
0x114: {  	v2 =	vcvt.s32.f32 v2;
	_ =	sdelay $0x1  }
0x115: {  	[tilespmem:v1+s11+$0x0] =	vst.idx.add.f32.msk vm0, v2  }
0x116: {  	v1 =	vld [tilespmem:$0x16B20];
	_ =	sdelay $0x4  }
0x117: {  	(xrf1) =	vunique.msk.u32 $0xffff, v1;
	_ =	sdelay $0xd  }
0x118: {  	_, v2, vm0 =	vpop (xrf1);
	_ =	sdelay $0x3  }
0x119: {  	v2 =	vcvt.s32.f32 v2;
	_ =	sdelay $0x1  }
0x11a: {  	[tilespmem:v1+s11+$0x0] =	vst.idx.add.f32.msk vm0, v2  }
0x11b: {  	v1 =	vld [tilespmem:$0x16B30];
	_ =	sdelay $0x4  }
0x11c: {  	(xrf1) =	vunique.msk.u32 $0xffff, v1;
	_ =	sdelay $0xd  }
0x11d: {  	_, v2, vm0 =	vpop (xrf1);
	_ =	sdelay $0x3  }
0x11e: {  	v2 =	vcvt.s32.f32 v2;
	_ =	sdelay $0x1  }
0x11f: {  	[tilespmem:v1+s11+$0x0] =	vst.idx.add.f32.msk vm0, v2  }
0x120: {  	v1 =	vld [tilespmem:$0x16B40];
	_ =	sdelay $0x4  }
0x121: {  	(xrf1) =	vunique.msk.u32 $0xffff, v1;
	_ =	sdelay $0xd  }
0x122: {  	_, v2, vm0 =	vpop (xrf1);
	_ =	sdelay $0x3  }
0x123: {  	v2 =	vcvt.s32.f32 v2;
	_ =	sdelay $0x1  }
0x124: {  	[tilespmem:v1+s11+$0x0] =	vst.idx.add.f32.msk vm0, v2  }
0x125: {  	v1 =	vld [tilespmem:$0x16B50];
	_ =	sdelay $0x4  }
0x126: {  	(xrf1) =	vunique.msk.u32 $0xffff, v1;
	_ =	sdelay $0xd  }
0x127: {  	_, v2, vm0 =	vpop (xrf1);
	_ =	sdelay $0x3  }
0x128: {  	v2 =	vcvt.s32.f32 v2;
	_ =	sdelay $0x1  }
0x129: {  	[tilespmem:v1+s11+$0x0] =	vst.idx.add.f32.msk vm0, v2  }
0x12a: {  	v1 =	vld [tilespmem:$0x16B60];
	_ =	sdelay $0x4  }
0x12b: {  	(xrf1) =	vunique.msk.u32 $0xffff, v1;
	_ =	sdelay $0xd  }
0x12c: {  	_, v2, vm0 =	vpop (xrf1);
	_ =	sdelay $0x3  }
0x12d: {  	v2 =	vcvt.s32.f32 v2;
	_ =	sdelay $0x1  }
0x12e: {  	[tilespmem:v1+s11+$0x0] =	vst.idx.add.f32.msk vm0, v2  }
0x12f: {  	v1 =	vld [tilespmem:$0x16B70];
	_ =	sdelay $0x4  }
0x130: {  	(xrf1) =	vunique.msk.u32 $0xffff, v1;
	_ =	sdelay $0xd  }
0x131: {  	_, v2, vm0 =	vpop (xrf1);
	_ =	sdelay $0x3  }
0x132: {  	v2 =	vcvt.s32.f32 v2;
	_ =	sdelay $0x1  }
0x133: {  	[tilespmem:v1+s11+$0x0] =	vst.idx.add.f32.msk vm0, v2  }
0x134: {  	[spmem:s22] =	stream.indirect.scatter.add.f32 [tilespmem:s3], [sflag:$0x7], $0x80, s15, s17, $0xb8;
	[tilespmem:$0x1EC00] =	vst v63  }
0x135: {  	_ =	swait.ge [sflag:s12], $0x4000  }
0x136: {  	[sflag:s12] =	ssyncset.done $0x0  }
0x137: {  	s4 =	simm.s32 @!p1 $0x1;
	[sflag:s12] =	ssyncadd.s32 $0xFFFFC000  }
0x138: {  	_ =	swait.ge @!p1 [sflag:s4], $0x80  }
0x139: {  	[sflag:s4] =	ssyncset.done @!p1 $0x0  }
0x13a: {  	[sflag:s4] =	ssyncadd.s32 @!p1 $0xFFFFFF80  }
0x13b: {  	_ =	swait.ge @!p1 [sflag:s4], $0x80  }
0x13c: {  	[sflag:s4] =	ssyncset.done @!p1 $0x0  }
0x13d: {  	s6 =	simm.s32 @!p1 $0x16C00;
	[sflag:s4] =	ssyncadd.s32 @!p1 $0xFFFFFF80;
	s4 =	simm.s32 @!p1 $0x80  }
0x13e: {  	[tilespmem:s6], [sflag:$0x5] =	stream.indirect.gather @!p1 [hbm4b:s25+s4], $0x80, s28, s4, $0xb8;
	[tilespmem:$0x1EC00] =	vst v63  }
0x13f: {  	s4 =	sadd.s32 @!p1 $0x9460, s31;
	s6 =	simm.s32 @!p1 $0x16900  }
0x140: {  	[tilespmem:s6], [sflag:$0x3] =	stream.linear.gather @!p1 [hbm4b:s4+s30], $0x80, $0x38;
	[tilespmem:$0x1EC00] =	vst v63  }
0x141: {  	s4 =	sadd.s32 @!p1 $0x9460, s16;
	s6 =	simm.s32 @!p1 $0x16B00  }
0x142: {  	[tilespmem:s6], [sflag:$0x3] =	stream.linear.gather @!p1 [hbm4b:s4+s30], $0x80, $0x38;
	[tilespmem:$0x1EC00] =	vst v63  }
0x143: {  	_ =	swait.ge [sflag:s18], $0x4000  }
0x144: {  	[sflag:s18] =	ssyncset.done $0x0  }
0x145: {  	[sflag:s18] =	ssyncadd.s32 $0xFFFFC000  }
0x146: {  	v1 =	vld [tilespmem:$0x16B80];
	_ =	sdelay $0x4  }
0x147: {  	(xrf1) =	vunique.msk.u32 $0xffff, v1;
	_ =	sdelay $0xd  }
0x148: {  	_, v2, vm0 =	vpop (xrf1);
	_ =	sdelay $0x3  }
0x149: {  	v2 =	vcvt.s32.f32 v2;
	_ =	sdelay $0x1  }
0x14a: {  	[tilespmem:v1+s11+$0x0] =	vst.idx.add.f32.msk vm0, v2  }
0x14b: {  	v1 =	vld [tilespmem:$0x16B90];
	_ =	sdelay $0x4  }
0x14c: {  	(xrf1) =	vunique.msk.u32 $0xffff, v1;
	_ =	sdelay $0xd  }
0x14d: {  	_, v2, vm0 =	vpop (xrf1);
	_ =	sdelay $0x3  }
0x14e: {  	v2 =	vcvt.s32.f32 v2;
	_ =	sdelay $0x1  }
0x14f: {  	[tilespmem:v1+s11+$0x0] =	vst.idx.add.f32.msk vm0, v2  }
0x150: {  	v1 =	vld [tilespmem:$0x16BA0];
	_ =	sdelay $0x4  }
0x151: {  	(xrf1) =	vunique.msk.u32 $0xffff, v1;
	_ =	sdelay $0xd  }
0x152: {  	_, v2, vm0 =	vpop (xrf1);
	_ =	sdelay $0x3  }
0x153: {  	v2 =	vcvt.s32.f32 v2;
	_ =	sdelay $0x1  }
0x154: {  	[tilespmem:v1+s11+$0x0] =	vst.idx.add.f32.msk vm0, v2  }
0x155: {  	v1 =	vld [tilespmem:$0x16BB0];
	_ =	sdelay $0x4  }
0x156: {  	(xrf1) =	vunique.msk.u32 $0xffff, v1;
	_ =	sdelay $0xd  }
0x157: {  	_, v2, vm0 =	vpop (xrf1);
	_ =	sdelay $0x3  }
0x158: {  	v2 =	vcvt.s32.f32 v2;
	_ =	sdelay $0x1  }
0x159: {  	[tilespmem:v1+s11+$0x0] =	vst.idx.add.f32.msk vm0, v2  }
0x15a: {  	v1 =	vld [tilespmem:$0x16BC0];
	_ =	sdelay $0x4  }
0x15b: {  	(xrf1) =	vunique.msk.u32 $0xffff, v1;
	_ =	sdelay $0xd  }
0x15c: {  	_, v2, vm0 =	vpop (xrf1);
	_ =	sdelay $0x3  }
0x15d: {  	v2 =	vcvt.s32.f32 v2;
	_ =	sdelay $0x1  }
0x15e: {  	[tilespmem:v1+s11+$0x0] =	vst.idx.add.f32.msk vm0, v2  }
0x15f: {  	v1 =	vld [tilespmem:$0x16BD0];
	_ =	sdelay $0x4  }
0x160: {  	(xrf1) =	vunique.msk.u32 $0xffff, v1;
	_ =	sdelay $0xd  }
0x161: {  	_, v2, vm0 =	vpop (xrf1);
	_ =	sdelay $0x3  }
0x162: {  	v2 =	vcvt.s32.f32 v2;
	_ =	sdelay $0x1  }
0x163: {  	[tilespmem:v1+s11+$0x0] =	vst.idx.add.f32.msk vm0, v2  }
0x164: {  	v1 =	vld [tilespmem:$0x16BE0];
	_ =	sdelay $0x4  }
0x165: {  	(xrf1) =	vunique.msk.u32 $0xffff, v1;
	_ =	sdelay $0xd  }
0x166: {  	_, v2, vm0 =	vpop (xrf1);
	_ =	sdelay $0x3  }
0x167: {  	v2 =	vcvt.s32.f32 v2;
	_ =	sdelay $0x1  }
0x168: {  	[tilespmem:v1+s11+$0x0] =	vst.idx.add.f32.msk vm0, v2  }
0x169: {  	v1 =	vld [tilespmem:$0x16BF0];
	_ =	sdelay $0x4  }
0x16a: {  	(xrf1) =	vunique.msk.u32 $0xffff, v1;
	_ =	sdelay $0xd  }
0x16b: {  	_, v2, vm0 =	vpop (xrf1)  }
0x16c: {  	s29 =	sadd.s32 $0x40, s29  }
0x16d: {  	p1 =	sne.s32 s29, $0xC0  }
.Ltmp5:
0x16e: {  	_ = 	snop;
	(pc) =	sbr.rel @p1 .LBB2_9-.Ltmp5, $3  }
0x16f: {  	v2 =	vcvt.s32.f32 v2;
	_ =	sdelay $0x1  }
0x170: {  	s28 =	simm.s32 $0x16A00;
	[tilespmem:v1+s11+$0x0] =	vst.idx.add.f32.msk vm0, v2  }
0x171: {  	[spmem:s22] =	stream.indirect.scatter.add.f32 [tilespmem:s0], [sflag:$0x8], $0x80, s9, s17, $0xb8;
	[tilespmem:$0x1EC00] =	vst v63  }
.Ltmp6:
0x172: {  	_ = 	snop;
	(pc) =	sbr.rel .LBB2_10-.Ltmp6, $1  }
0x173: {  	_ =	sdelay $0x3  }
.LBB2_6:
0x174: {  	s4 =	rddreg [dreg:$0x3];
	s6 =	simm.s32 $0x16800  }
0x175: {  	[tilespmem:s6], [sflag:$0x1] =	stream.linear.gather [hbm4b:s4+s29], $0x80, $0x38;
	[tilespmem:$0x1EC00] =	vst v63  }
0x176: {  	s16 =	rddreg [dreg:$0x4]  }
0x177: {  	[tilespmem:s28], [sflag:$0x1] =	stream.linear.gather [hbm4b:s16+s29], $0x80, $0x38;
	[tilespmem:$0x1EC00] =	vst v63  }
0x178: {  	s30 =	rddreg [dreg:$0x5]  }
0x179: {  	[tilespmem:s7], [sflag:$0x2] =	stream.linear.gather [hbm4b:s30+s29], $0x80, $0x38;
	[tilespmem:$0x1EC00] =	vst v63  }
0x17a: {  	s31 =	rddreg [dreg:$0x6]  }
0x17b: {  	[tilespmem:s13], [sflag:$0x2] =	stream.linear.gather [hbm4b:s31+s29], $0x80, $0x38;
	[tilespmem:$0x1EC00] =	vst v63  }
0x17c: {  	s16 =	rddreg [dreg:$0x7]  }
0x17d: {  	[tilespmem:s14], [sflag:$0x3] =	stream.linear.gather [hbm4b:s16+s29], $0x80, $0x38;
	[tilespmem:$0x1EC00] =	vst v63  }
0x17e: {  	s30 =	rddreg [dreg:$0x8];
	s31 =	simm.s32 $0x1  }
0x17f: {  	[tilespmem:s15], [sflag:$0x3] =	stream.linear.gather [hbm4b:s30+s29], $0x80, $0x38;
	[tilespmem:$0x1EC00] =	vst v63  }
0x180: {  	_ =	swait.ge [sflag:s31], $0x80  }
0x181: {  	[sflag:s31] =	ssyncset.done $0x0  }
0x182: {  	[sflag:s31] =	ssyncadd.s32 $0xFFFFFF80  }
0x183: {  	_ =	swait.ge [sflag:s31], $0x80  }
0x184: {  	[sflag:s31] =	ssyncset.done $0x0  }
0x185: {  	[sflag:s31] =	ssyncadd.s32 $0xFFFFFF80  }
0x186: {  	[tilespmem:s3], [sflag:$0x5] =	stream.indirect.gather [hbm4b:s25+s17], $0x80, s6, s17, $0xb8;
	[tilespmem:$0x1EC00] =	vst v63  }
.LBB2_7:
0x187: {  	p1 =	seq.s32 s29, $0x0  }
0x188: {  	s16 =	simm.s32 @!p1 $0x8  }
0x189: {  	_ =	swait.ge @!p1 [sflag:s16], $0x4000  }
0x18a: {  	[sflag:s16] =	ssyncset.done @!p1 $0x0  }
0x18b: {  	[sflag:s16] =	ssyncadd.s32 @!p1 $0xFFFFC000  }
0x18c: {  	_ =	swait.ge [sflag:s19], $0x80  }
0x18d: {  	[sflag:s19] =	ssyncset.done $0x0  }
0x18e: {  	[sflag:s19] =	ssyncadd.s32 $0xFFFFFF80  }
0x18f: {  	_ =	swait.ge [sflag:s19], $0x80  }
0x190: {  	[sflag:s19] =	ssyncset.done $0x0  }
0x191: {  	s30 =	sadd.s32 s29, s21;
	[sflag:s19] =	ssyncadd.s32 $0xFFFFFF80  }
0x192: {  	[tilespmem:s0], [sflag:$0x6] =	stream.indirect.gather [hbm4b:s25+s17], $0x80, s7, s17, $0xb8;
	[tilespmem:$0x1EC00] =	vst v63  }
0x193: {  	s31 =	sadd.s32 s29, s20;
	s16 =	sadd.s32 $0x30, s30  }
0x194: {  	[tilespmem:s8], [sflag:$0x4] =	stream.linear.gather [hbm4b:s16+s1], $0x80, $0x38;
	[tilespmem:$0x1EC00] =	vst v63  }
0x195: {  	s16 =	sadd.s32 $0x30, s31  }
0x196: {  	[tilespmem:s9], [sflag:$0x4] =	stream.linear.gather [hbm4b:s16+s1], $0x80, $0x38;
	[tilespmem:$0x1EC00] =	vst v63  }
0x197: {  	_ =	swait.ge [sflag:s10], $0x4000  }
0x198: {  	[sflag:s10] =	ssyncset.done $0x0  }
0x199: {  	[sflag:s10] =	ssyncadd.s32 $0xFFFFC000  }
0x19a: {  	v1 =	vld [tilespmem:$0x16A00];
	_ =	sdelay $0x4  }
0x19b: {  	(xrf1) =	vunique.msk.u32 $0xffff, v1;
	_ =	sdelay $0xd  }
0x19c: {  	_, v2, vm0 =	vpop (xrf1);
	_ =	sdelay $0x3  }
0x19d: {  	v2 =	vcvt.s32.f32 v2;
	_ =	sdelay $0x1  }
0x19e: {  	[tilespmem:v1+s11+$0x0] =	vst.idx.add.f32.msk vm0, v2  }
0x19f: {  	v1 =	vld [tilespmem:$0x16A10];
	_ =	sdelay $0x4  }
0x1a0: {  	(xrf1) =	vunique.msk.u32 $0xffff, v1;
	_ =	sdelay $0xd  }
0x1a1: {  	_, v2, vm0 =	vpop (xrf1);
	_ =	sdelay $0x3  }
0x1a2: {  	v2 =	vcvt.s32.f32 v2;
	_ =	sdelay $0x1  }
0x1a3: {  	[tilespmem:v1+s11+$0x0] =	vst.idx.add.f32.msk vm0, v2  }
0x1a4: {  	v1 =	vld [tilespmem:$0x16A20];
	_ =	sdelay $0x4  }
0x1a5: {  	(xrf1) =	vunique.msk.u32 $0xffff, v1;
	_ =	sdelay $0xd  }
0x1a6: {  	_, v2, vm0 =	vpop (xrf1);
	_ =	sdelay $0x3  }
0x1a7: {  	v2 =	vcvt.s32.f32 v2;
	_ =	sdelay $0x1  }
0x1a8: {  	[tilespmem:v1+s11+$0x0] =	vst.idx.add.f32.msk vm0, v2  }
0x1a9: {  	v1 =	vld [tilespmem:$0x16A30];
	_ =	sdelay $0x4  }
0x1aa: {  	(xrf1) =	vunique.msk.u32 $0xffff, v1;
	_ =	sdelay $0xd  }
0x1ab: {  	_, v2, vm0 =	vpop (xrf1);
	_ =	sdelay $0x3  }
0x1ac: {  	v2 =	vcvt.s32.f32 v2;
	_ =	sdelay $0x1  }
0x1ad: {  	[tilespmem:v1+s11+$0x0] =	vst.idx.add.f32.msk vm0, v2  }
0x1ae: {  	v1 =	vld [tilespmem:$0x16A40];
	_ =	sdelay $0x4  }
0x1af: {  	(xrf1) =	vunique.msk.u32 $0xffff, v1;
	_ =	sdelay $0xd  }
0x1b0: {  	_, v2, vm0 =	vpop (xrf1);
	_ =	sdelay $0x3  }
0x1b1: {  	v2 =	vcvt.s32.f32 v2;
	_ =	sdelay $0x1  }
0x1b2: {  	[tilespmem:v1+s11+$0x0] =	vst.idx.add.f32.msk vm0, v2  }
0x1b3: {  	v1 =	vld [tilespmem:$0x16A50];
	_ =	sdelay $0x4  }
0x1b4: {  	(xrf1) =	vunique.msk.u32 $0xffff, v1;
	_ =	sdelay $0xd  }
0x1b5: {  	_, v2, vm0 =	vpop (xrf1);
	_ =	sdelay $0x3  }
0x1b6: {  	v2 =	vcvt.s32.f32 v2;
	_ =	sdelay $0x1  }
0x1b7: {  	[tilespmem:v1+s11+$0x0] =	vst.idx.add.f32.msk vm0, v2  }
0x1b8: {  	v1 =	vld [tilespmem:$0x16A60];
	_ =	sdelay $0x4  }
0x1b9: {  	(xrf1) =	vunique.msk.u32 $0xffff, v1;
	_ =	sdelay $0xd  }
0x1ba: {  	_, v2, vm0 =	vpop (xrf1);
	_ =	sdelay $0x3  }
0x1bb: {  	v2 =	vcvt.s32.f32 v2;
	_ =	sdelay $0x1  }
0x1bc: {  	[tilespmem:v1+s11+$0x0] =	vst.idx.add.f32.msk vm0, v2  }
0x1bd: {  	v1 =	vld [tilespmem:$0x16A70];
	_ =	sdelay $0x4  }
0x1be: {  	(xrf1) =	vunique.msk.u32 $0xffff, v1;
	_ =	sdelay $0xd  }
0x1bf: {  	_, v2, vm0 =	vpop (xrf1);
	_ =	sdelay $0x3  }
0x1c0: {  	v2 =	vcvt.s32.f32 v2;
	_ =	sdelay $0x1  }
0x1c1: {  	[tilespmem:v1+s11+$0x0] =	vst.idx.add.f32.msk vm0, v2  }
0x1c2: {  	[spmem:s22] =	stream.indirect.scatter.add.f32 [tilespmem:s3], [sflag:$0x7], $0x80, s28, s17, $0xb8;
	[tilespmem:$0x1EC00] =	vst v63  }
0x1c3: {  	_ =	swait.ge [sflag:s12], $0x4000  }
0x1c4: {  	[sflag:s12] =	ssyncset.done $0x0  }
0x1c5: {  	[sflag:s12] =	ssyncadd.s32 $0xFFFFC000  }
0x1c6: {  	_ =	swait.ge [sflag:s5], $0x80  }
0x1c7: {  	[sflag:s5] =	ssyncset.done $0x0  }
0x1c8: {  	[sflag:s5] =	ssyncadd.s32 $0xFFFFFF80  }
0x1c9: {  	_ =	swait.ge [sflag:s5], $0x80  }
0x1ca: {  	p1 =	seq.s32 s29, $0x900;
	[sflag:s5] =	ssyncset.done $0x0  }
0x1cb: {  	s31 =	sadd.s32 @!p1 s29, s21;
	[sflag:s5] =	ssyncadd.s32 $0xFFFFFF80  }
0x1cc: {  	[tilespmem:s3], [sflag:$0x5] =	stream.indirect.gather [hbm4b:s25+s17], $0x80, s14, s17, $0xb8;
	[tilespmem:$0x1EC00] =	vst v63  }
0x1cd: {  	s30 =	simm.s32 @!p1 $0x0;
	s16 =	sadd.s32 @!p1 $0x40, s31;
	s28 =	simm.s32 @!p1 $0x16800  }
0x1ce: {  	[tilespmem:s28], [sflag:$0x1] =	stream.linear.gather @!p1 [hbm4b:s16+s30], $0x80, $0x38;
	[tilespmem:$0x1EC00] =	vst v63  }
0x1cf: {  	s16 =	sadd.s32 @!p1 s29, s20  }
0x1d0: {  	s6 =	simm.s32 @!p1 $0x16A00;
	s4 =	sadd.s32 @!p1 $0x40, s16  }
0x1d1: {  	[tilespmem:s6], [sflag:$0x1] =	stream.linear.gather @!p1 [hbm4b:s4+s30], $0x80, $0x38;
	[tilespmem:$0x1EC00] =	vst v63  }
0x1d2: {  	_ =	swait.ge [sflag:s18], $0x4000  }
0x1d3: {  	[sflag:s18] =	ssyncset.done $0x0  }
0x1d4: {  	[sflag:s18] =	ssyncadd.s32 $0xFFFFC000  }
0x1d5: {  	v1 =	vld [tilespmem:$0x16A80];
	_ =	sdelay $0x4  }
0x1d6: {  	(xrf1) =	vunique.msk.u32 $0xffff, v1;
	_ =	sdelay $0xd  }
0x1d7: {  	_, v2, vm0 =	vpop (xrf1);
	_ =	sdelay $0x3  }
0x1d8: {  	v2 =	vcvt.s32.f32 v2;
	_ =	sdelay $0x1  }
0x1d9: {  	[tilespmem:v1+s11+$0x0] =	vst.idx.add.f32.msk vm0, v2  }
0x1da: {  	v1 =	vld [tilespmem:$0x16A90];
	_ =	sdelay $0x4  }
0x1db: {  	(xrf1) =	vunique.msk.u32 $0xffff, v1;
	_ =	sdelay $0xd  }
0x1dc: {  	_, v2, vm0 =	vpop (xrf1);
	_ =	sdelay $0x3  }
0x1dd: {  	v2 =	vcvt.s32.f32 v2;
	_ =	sdelay $0x1  }
0x1de: {  	[tilespmem:v1+s11+$0x0] =	vst.idx.add.f32.msk vm0, v2  }
0x1df: {  	v1 =	vld [tilespmem:$0x16AA0];
	_ =	sdelay $0x4  }
0x1e0: {  	(xrf1) =	vunique.msk.u32 $0xffff, v1;
	_ =	sdelay $0xd  }
0x1e1: {  	_, v2, vm0 =	vpop (xrf1);
	_ =	sdelay $0x3  }
0x1e2: {  	v2 =	vcvt.s32.f32 v2;
	_ =	sdelay $0x1  }
0x1e3: {  	[tilespmem:v1+s11+$0x0] =	vst.idx.add.f32.msk vm0, v2  }
0x1e4: {  	v1 =	vld [tilespmem:$0x16AB0];
	_ =	sdelay $0x4  }
0x1e5: {  	(xrf1) =	vunique.msk.u32 $0xffff, v1;
	_ =	sdelay $0xd  }
0x1e6: {  	_, v2, vm0 =	vpop (xrf1);
	_ =	sdelay $0x3  }
0x1e7: {  	v2 =	vcvt.s32.f32 v2;
	_ =	sdelay $0x1  }
0x1e8: {  	[tilespmem:v1+s11+$0x0] =	vst.idx.add.f32.msk vm0, v2  }
0x1e9: {  	v1 =	vld [tilespmem:$0x16AC0];
	_ =	sdelay $0x4  }
0x1ea: {  	(xrf1) =	vunique.msk.u32 $0xffff, v1;
	_ =	sdelay $0xd  }
0x1eb: {  	_, v2, vm0 =	vpop (xrf1);
	_ =	sdelay $0x3  }
0x1ec: {  	v2 =	vcvt.s32.f32 v2;
	_ =	sdelay $0x1  }
0x1ed: {  	[tilespmem:v1+s11+$0x0] =	vst.idx.add.f32.msk vm0, v2  }
0x1ee: {  	v1 =	vld [tilespmem:$0x16AD0];
	_ =	sdelay $0x4  }
0x1ef: {  	(xrf1) =	vunique.msk.u32 $0xffff, v1;
	_ =	sdelay $0xd  }
0x1f0: {  	_, v2, vm0 =	vpop (xrf1);
	_ =	sdelay $0x3  }
0x1f1: {  	v2 =	vcvt.s32.f32 v2;
	_ =	sdelay $0x1  }
0x1f2: {  	[tilespmem:v1+s11+$0x0] =	vst.idx.add.f32.msk vm0, v2  }
0x1f3: {  	v1 =	vld [tilespmem:$0x16AE0];
	_ =	sdelay $0x4  }
0x1f4: {  	(xrf1) =	vunique.msk.u32 $0xffff, v1;
	_ =	sdelay $0xd  }
0x1f5: {  	_, v2, vm0 =	vpop (xrf1);
	_ =	sdelay $0x3  }
0x1f6: {  	v2 =	vcvt.s32.f32 v2;
	_ =	sdelay $0x1  }
0x1f7: {  	[tilespmem:v1+s11+$0x0] =	vst.idx.add.f32.msk vm0, v2  }
0x1f8: {  	v1 =	vld [tilespmem:$0x16AF0];
	_ =	sdelay $0x4  }
0x1f9: {  	(xrf1) =	vunique.msk.u32 $0xffff, v1;
	_ =	sdelay $0xd  }
0x1fa: {  	_, v2, vm0 =	vpop (xrf1);
	_ =	sdelay $0x3  }
0x1fb: {  	v2 =	vcvt.s32.f32 v2;
	_ =	sdelay $0x1  }
0x1fc: {  	[tilespmem:v1+s11+$0x0] =	vst.idx.add.f32.msk vm0, v2  }
0x1fd: {  	[spmem:s22] =	stream.indirect.scatter.add.f32 [tilespmem:s0], [sflag:$0x8], $0x80, s13, s17, $0xb8;
	[tilespmem:$0x1EC00] =	vst v63  }
0x1fe: {  	_ =	swait.ge [sflag:s2], $0x4000  }
0x1ff: {  	[sflag:s2] =	ssyncset.done $0x0  }
0x200: {  	[sflag:s2] =	ssyncadd.s32 $0xFFFFC000  }
0x201: {  	_ =	swait.ge [sflag:s26], $0x80  }
0x202: {  	[sflag:s26] =	ssyncset.done $0x0  }
0x203: {  	[sflag:s26] =	ssyncadd.s32 $0xFFFFFF80  }
0x204: {  	_ =	swait.ge [sflag:s26], $0x80  }
0x205: {  	[sflag:s26] =	ssyncset.done $0x0  }
0x206: {  	[sflag:s26] =	ssyncadd.s32 $0xFFFFFF80  }
0x207: {  	[tilespmem:s0], [sflag:$0x6] =	stream.indirect.gather [hbm4b:s25+s17], $0x80, s8, s17, $0xb8;
	[tilespmem:$0x1EC00] =	vst v63  }
0x208: {  	s4 =	sadd.s32 @!p1 $0x50, s31;
	s6 =	simm.s32 @!p1 $0x16880  }
0x209: {  	[tilespmem:s6], [sflag:$0x2] =	stream.linear.gather @!p1 [hbm4b:s4+s30], $0x80, $0x38;
	[tilespmem:$0x1EC00] =	vst v63  }
0x20a: {  	s4 =	sadd.s32 @!p1 $0x50, s16;
	s6 =	simm.s32 @!p1 $0x16A80  }
0x20b: {  	[tilespmem:s6], [sflag:$0x2] =	stream.linear.gather @!p1 [hbm4b:s4+s30], $0x80, $0x38;
	[tilespmem:$0x1EC00] =	vst v63  }
0x20c: {  	_ =	swait.ge [sflag:s10], $0x4000  }
0x20d: {  	[sflag:s10] =	ssyncset.done $0x0  }
0x20e: {  	[sflag:s10] =	ssyncadd.s32 $0xFFFFC000  }
0x20f: {  	v1 =	vld [tilespmem:$0x16B00];
	_ =	sdelay $0x4  }
0x210: {  	(xrf1) =	vunique.msk.u32 $0xffff, v1;
	_ =	sdelay $0xd  }
0x211: {  	_, v2, vm0 =	vpop (xrf1);
	_ =	sdelay $0x3  }
0x212: {  	v2 =	vcvt.s32.f32 v2;
	_ =	sdelay $0x1  }
0x213: {  	[tilespmem:v1+s11+$0x0] =	vst.idx.add.f32.msk vm0, v2  }
0x214: {  	v1 =	vld [tilespmem:$0x16B10];
	_ =	sdelay $0x4  }
0x215: {  	(xrf1) =	vunique.msk.u32 $0xffff, v1;
	_ =	sdelay $0xd  }
0x216: {  	_, v2, vm0 =	vpop (xrf1);
	_ =	sdelay $0x3  }
0x217: {  	v2 =	vcvt.s32.f32 v2;
	_ =	sdelay $0x1  }
0x218: {  	[tilespmem:v1+s11+$0x0] =	vst.idx.add.f32.msk vm0, v2  }
0x219: {  	v1 =	vld [tilespmem:$0x16B20];
	_ =	sdelay $0x4  }
0x21a: {  	(xrf1) =	vunique.msk.u32 $0xffff, v1;
	_ =	sdelay $0xd  }
0x21b: {  	_, v2, vm0 =	vpop (xrf1);
	_ =	sdelay $0x3  }
0x21c: {  	v2 =	vcvt.s32.f32 v2;
	_ =	sdelay $0x1  }
0x21d: {  	[tilespmem:v1+s11+$0x0] =	vst.idx.add.f32.msk vm0, v2  }
0x21e: {  	v1 =	vld [tilespmem:$0x16B30];
	_ =	sdelay $0x4  }
0x21f: {  	(xrf1) =	vunique.msk.u32 $0xffff, v1;
	_ =	sdelay $0xd  }
0x220: {  	_, v2, vm0 =	vpop (xrf1);
	_ =	sdelay $0x3  }
0x221: {  	v2 =	vcvt.s32.f32 v2;
	_ =	sdelay $0x1  }
0x222: {  	[tilespmem:v1+s11+$0x0] =	vst.idx.add.f32.msk vm0, v2  }
0x223: {  	v1 =	vld [tilespmem:$0x16B40];
	_ =	sdelay $0x4  }
0x224: {  	(xrf1) =	vunique.msk.u32 $0xffff, v1;
	_ =	sdelay $0xd  }
0x225: {  	_, v2, vm0 =	vpop (xrf1);
	_ =	sdelay $0x3  }
0x226: {  	v2 =	vcvt.s32.f32 v2;
	_ =	sdelay $0x1  }
0x227: {  	[tilespmem:v1+s11+$0x0] =	vst.idx.add.f32.msk vm0, v2  }
0x228: {  	v1 =	vld [tilespmem:$0x16B50];
	_ =	sdelay $0x4  }
0x229: {  	(xrf1) =	vunique.msk.u32 $0xffff, v1;
	_ =	sdelay $0xd  }
0x22a: {  	_, v2, vm0 =	vpop (xrf1);
	_ =	sdelay $0x3  }
0x22b: {  	v2 =	vcvt.s32.f32 v2;
	_ =	sdelay $0x1  }
0x22c: {  	[tilespmem:v1+s11+$0x0] =	vst.idx.add.f32.msk vm0, v2  }
0x22d: {  	v1 =	vld [tilespmem:$0x16B60];
	_ =	sdelay $0x4  }
0x22e: {  	(xrf1) =	vunique.msk.u32 $0xffff, v1;
	_ =	sdelay $0xd  }
0x22f: {  	_, v2, vm0 =	vpop (xrf1);
	_ =	sdelay $0x3  }
0x230: {  	v2 =	vcvt.s32.f32 v2;
	_ =	sdelay $0x1  }
0x231: {  	[tilespmem:v1+s11+$0x0] =	vst.idx.add.f32.msk vm0, v2  }
0x232: {  	v1 =	vld [tilespmem:$0x16B70];
	_ =	sdelay $0x4  }
0x233: {  	(xrf1) =	vunique.msk.u32 $0xffff, v1;
	_ =	sdelay $0xd  }
0x234: {  	_, v2, vm0 =	vpop (xrf1);
	_ =	sdelay $0x3  }
0x235: {  	v2 =	vcvt.s32.f32 v2;
	_ =	sdelay $0x1  }
0x236: {  	[tilespmem:v1+s11+$0x0] =	vst.idx.add.f32.msk vm0, v2  }
0x237: {  	[spmem:s22] =	stream.indirect.scatter.add.f32 [tilespmem:s3], [sflag:$0x7], $0x80, s15, s17, $0xb8;
	[tilespmem:$0x1EC00] =	vst v63  }
0x238: {  	_ =	swait.ge [sflag:s12], $0x4000  }
0x239: {  	[sflag:s12] =	ssyncset.done $0x0  }
0x23a: {  	s4 =	simm.s32 @!p1 $0x1;
	[sflag:s12] =	ssyncadd.s32 $0xFFFFC000  }
0x23b: {  	_ =	swait.ge @!p1 [sflag:s4], $0x80  }
0x23c: {  	[sflag:s4] =	ssyncset.done @!p1 $0x0  }
0x23d: {  	[sflag:s4] =	ssyncadd.s32 @!p1 $0xFFFFFF80  }
0x23e: {  	_ =	swait.ge @!p1 [sflag:s4], $0x80  }
0x23f: {  	[sflag:s4] =	ssyncset.done @!p1 $0x0  }
0x240: {  	s6 =	simm.s32 @!p1 $0x16C00;
	[sflag:s4] =	ssyncadd.s32 @!p1 $0xFFFFFF80;
	s4 =	simm.s32 @!p1 $0x80  }
0x241: {  	[tilespmem:s6], [sflag:$0x5] =	stream.indirect.gather @!p1 [hbm4b:s25+s4], $0x80, s28, s4, $0xb8;
	[tilespmem:$0x1EC00] =	vst v63  }
0x242: {  	s4 =	sadd.s32 @!p1 $0x60, s31;
	s6 =	simm.s32 @!p1 $0x16900  }
0x243: {  	[tilespmem:s6], [sflag:$0x3] =	stream.linear.gather @!p1 [hbm4b:s4+s30], $0x80, $0x38;
	[tilespmem:$0x1EC00] =	vst v63  }
0x244: {  	s4 =	sadd.s32 @!p1 $0x60, s16;
	s6 =	simm.s32 @!p1 $0x16B00  }
0x245: {  	[tilespmem:s6], [sflag:$0x3] =	stream.linear.gather @!p1 [hbm4b:s4+s30], $0x80, $0x38;
	[tilespmem:$0x1EC00] =	vst v63  }
0x246: {  	_ =	swait.ge [sflag:s18], $0x4000  }
0x247: {  	[sflag:s18] =	ssyncset.done $0x0  }
0x248: {  	[sflag:s18] =	ssyncadd.s32 $0xFFFFC000  }
0x249: {  	v1 =	vld [tilespmem:$0x16B80];
	_ =	sdelay $0x4  }
0x24a: {  	(xrf1) =	vunique.msk.u32 $0xffff, v1;
	_ =	sdelay $0xd  }
0x24b: {  	_, v2, vm0 =	vpop (xrf1);
	_ =	sdelay $0x3  }
0x24c: {  	v2 =	vcvt.s32.f32 v2;
	_ =	sdelay $0x1  }
0x24d: {  	[tilespmem:v1+s11+$0x0] =	vst.idx.add.f32.msk vm0, v2  }
0x24e: {  	v1 =	vld [tilespmem:$0x16B90];
	_ =	sdelay $0x4  }
0x24f: {  	(xrf1) =	vunique.msk.u32 $0xffff, v1;
	_ =	sdelay $0xd  }
0x250: {  	_, v2, vm0 =	vpop (xrf1);
	_ =	sdelay $0x3  }
0x251: {  	v2 =	vcvt.s32.f32 v2;
	_ =	sdelay $0x1  }
0x252: {  	[tilespmem:v1+s11+$0x0] =	vst.idx.add.f32.msk vm0, v2  }
0x253: {  	v1 =	vld [tilespmem:$0x16BA0];
	_ =	sdelay $0x4  }
0x254: {  	(xrf1) =	vunique.msk.u32 $0xffff, v1;
	_ =	sdelay $0xd  }
0x255: {  	_, v2, vm0 =	vpop (xrf1);
	_ =	sdelay $0x3  }
0x256: {  	v2 =	vcvt.s32.f32 v2;
	_ =	sdelay $0x1  }
0x257: {  	[tilespmem:v1+s11+$0x0] =	vst.idx.add.f32.msk vm0, v2  }
0x258: {  	v1 =	vld [tilespmem:$0x16BB0];
	_ =	sdelay $0x4  }
0x259: {  	(xrf1) =	vunique.msk.u32 $0xffff, v1;
	_ =	sdelay $0xd  }
0x25a: {  	_, v2, vm0 =	vpop (xrf1);
	_ =	sdelay $0x3  }
0x25b: {  	v2 =	vcvt.s32.f32 v2;
	_ =	sdelay $0x1  }
0x25c: {  	[tilespmem:v1+s11+$0x0] =	vst.idx.add.f32.msk vm0, v2  }
0x25d: {  	v1 =	vld [tilespmem:$0x16BC0];
	_ =	sdelay $0x4  }
0x25e: {  	(xrf1) =	vunique.msk.u32 $0xffff, v1;
	_ =	sdelay $0xd  }
0x25f: {  	_, v2, vm0 =	vpop (xrf1);
	_ =	sdelay $0x3  }
0x260: {  	v2 =	vcvt.s32.f32 v2;
	_ =	sdelay $0x1  }
0x261: {  	[tilespmem:v1+s11+$0x0] =	vst.idx.add.f32.msk vm0, v2  }
0x262: {  	v1 =	vld [tilespmem:$0x16BD0];
	_ =	sdelay $0x4  }
0x263: {  	(xrf1) =	vunique.msk.u32 $0xffff, v1;
	_ =	sdelay $0xd  }
0x264: {  	_, v2, vm0 =	vpop (xrf1);
	_ =	sdelay $0x3  }
0x265: {  	v2 =	vcvt.s32.f32 v2;
	_ =	sdelay $0x1  }
0x266: {  	[tilespmem:v1+s11+$0x0] =	vst.idx.add.f32.msk vm0, v2  }
0x267: {  	v1 =	vld [tilespmem:$0x16BE0];
	_ =	sdelay $0x4  }
0x268: {  	(xrf1) =	vunique.msk.u32 $0xffff, v1;
	_ =	sdelay $0xd  }
0x269: {  	_, v2, vm0 =	vpop (xrf1);
	_ =	sdelay $0x3  }
0x26a: {  	v2 =	vcvt.s32.f32 v2;
	_ =	sdelay $0x1  }
0x26b: {  	[tilespmem:v1+s11+$0x0] =	vst.idx.add.f32.msk vm0, v2  }
0x26c: {  	v1 =	vld [tilespmem:$0x16BF0];
	_ =	sdelay $0x4  }
0x26d: {  	(xrf1) =	vunique.msk.u32 $0xffff, v1;
	_ =	sdelay $0xd  }
0x26e: {  	_, v2, vm0 =	vpop (xrf1)  }
0x26f: {  	s29 =	sadd.s32 $0x40, s29  }
0x270: {  	p1 =	seq.s32 s29, $0x940  }
.Ltmp7:
0x271: {  	_ = 	snop;
	(pc) =	sbr.rel @!p1 .LBB2_7-.Ltmp7, $3  }
0x272: {  	v2 =	vcvt.s32.f32 v2;
	_ =	sdelay $0x1  }
0x273: {  	s28 =	simm.s32 $0x16A00;
	[tilespmem:v1+s11+$0x0] =	vst.idx.add.f32.msk vm0, v2  }
0x274: {  	[spmem:s22] =	stream.indirect.scatter.add.f32 [tilespmem:s0], [sflag:$0x8], $0x80, s9, s17, $0xb8;
	[tilespmem:$0x1EC00] =	vst v63  }
.Ltmp8:
0x275: {  	_ = 	snop;
	(pc) =	sbr.rel .LBB2_10-.Ltmp8, $1  }
0x276: {  	_ =	sdelay $0x3  }
.LBB2_11:
0x277: {  	_ =	sfence.sel $0x180000  }
0x278: {  	[bflag:$0x0] =	sbarrier.arrive $0xFFFF  }
0x279: {  	_ =	strace $0x90000047  }
0x27a: {  	s0 =	stileid.u32;
	[bflag:$0x2] =	sbarrier.arrive $0xFFFF  }
0x27b: {  	p0 =	sne.s32 s0, $0x0;
	s0 =	rddreg [dreg:$0x2]  }
0x27c: {  	s0 =	sadd.s32 @!p0 $0x100000, s0  }
0x27d: {  	[sflag:s0] =	ssyncadd.tile.s32 @!p0 $0x1;
	_ =	shalt  }
.Lfunc_end2:
_tile_overlayer_lowered:
.L_overlay_start_2:
0x27e: {  	(tag) =	ssettag $0x2  }
0x27f: {  	s0 =	rddreg [dreg:$0x0];
	s2 =	stileid.u32  }
0x280: {  	s1 =	rddreg [dreg:$0x1];
	p0 =	sne.s32 s2, $0x0  }
0x281: {  	s3 =	rddreg [dreg:$0x2];
	[bflag:$0x3] =	sbarrier.arrive $0xFFFF;
	s2 =	simm.s32 @!p0 $0x1C09  }
0x282: {  	[timem:s3], [sflag:s2] =	dma.local @!p0 [hbm:s0], s1  }
0x283: {  	s0 =	simm.s32 @!p0 $0x9  }
0x284: {  	_ =	swait.ge @!p0 [sflag:s0], s1  }
0x285: {  	s1 =	ssub.s32 @!p0 $0x0, s1;
	[sflag:s0] =	ssyncset.done @!p0 $0x0  }
0x286: {  	[sflag:s0] =	ssyncadd.s32 @!p0 s1  }
0x287: {  	[bflag:$0x3] =	sbarrier.arrive $0xFFFF  }
0x288: {  	_ =	shalt  }

</sc_bundles>
